<compile_context>
chip_gen: v7x
topology: tpu7x:2x2x1
jax: 0.10.2.dev20260603
libtpu: 0.0.44.dev20260713+nightly
codegen_flags: <defaults>
</compile_context>

<pallas_src>
import dataclasses
import functools

import jax
import jax.numpy as jnp
from jax import lax
from jax.experimental import pallas as pl
from jax.experimental.pallas import tpu as pltpu
from jax.experimental.pallas import tpu_sc as plsc

N_NODES = 10000
D = 128
NC = 2
NS = 16
L = 16
NW = NC * NS
K = 128

NCH_FULL = N_NODES // K
LAST_ROWS = N_NODES - NCH_FULL * K
LAST_SID = NCH_FULL % NS


def _spmm_partials(pk3, val2, h):
    ch = pk3.shape[1]
    ch2 = ch // 2

    mesh = plsc.VectorSubcoreMesh(core_axis_name="c", subcore_axis_name="s")

    cp = pltpu.CompilerParams()
    if "needs_layout_passes" in pltpu.CompilerParams.__dataclass_fields__:
        cp = dataclasses.replace(cp, needs_layout_passes=False)

    @functools.partial(
        pl.kernel,
        compiler_params=cp,
        out_type=jax.ShapeDtypeStruct((NC, N_NODES, D), jnp.float32),
        mesh=mesh,
        scratch_types=[
            pltpu.VMEM((ch, K), jnp.int32),
            pltpu.VMEM((K,), jnp.int32),
            pltpu.VMEM((K,), jnp.int32),
            pltpu.VMEM((K,), jnp.int32),
            pltpu.VMEM((K,), jnp.int32),
            pltpu.VMEM((K,), jnp.float32),
            pltpu.VMEM((K,), jnp.float32),
            pltpu.VMEM((K, D), jnp.float32),
            pltpu.VMEM((K, D), jnp.float32),
            pltpu.VMEM_SHARED((N_NODES, D), jnp.float32),
            pltpu.SemaphoreType.DMA,
            pltpu.SemaphoreType.DMA,
            pltpu.SemaphoreType.DMA,
            pltpu.SemaphoreType.DMA,
            pltpu.SemaphoreType.DMA,
            pltpu.SemaphoreType.DMA,
        ],
    )
    def spmm_kernel(pk_hbm, val_hbm, h_hbm, out_hbm,
                    pk, sidx0, sidx1, didx0, didx1, vv0, vv1,
                    rows0, rows1, acc,
                    sg0, sg1, ss0, ss1, sv0, sv1):
        cid = lax.axis_index("c")
        sid = lax.axis_index("s")
        wid = cid * NS + sid

        pltpu.sync_copy(pk_hbm.at[wid], pk)

        @pl.loop(0, K)
        def _zr(r):
            for c in range(D // L):
                rows1[r, pl.ds(c * L, L)] = jnp.zeros((L,), jnp.float32)

        @pl.loop(sid, NCH_FULL, step=NS)
        def _za(i):
            pltpu.sync_copy(rows1, acc.at[pl.ds(i * K, K)])

        @pl.when(sid == LAST_SID)
        def _za_last():
            pltpu.sync_copy(rows1.at[pl.ds(0, LAST_ROWS)],
                            acc.at[pl.ds(NCH_FULL * K, LAST_ROWS)])

        plsc.subcore_barrier()

        bufs = (rows0, rows1)
        sidx = (sidx0, sidx1)
        didx = (didx0, didx1)
        vv = (vv0, vv1)
        sg = (sg0, sg1)
        ss = (ss0, ss1)
        sv = (sv0, sv1)

        def unpack(ci, b):
            for c in range(D // L):
                sl = pl.ds(c * L, L)
                p = pk[ci, sl]
                sidx[b][sl] = lax.bitwise_and(p, jnp.int32(0xFFFF))
                didx[b][sl] = lax.shift_right_logical(p, jnp.int32(16))

        def start_fetch(ci, b):
            unpack(ci, b)
            pltpu.async_copy(val_hbm.at[wid * ch + ci], vv[b], sv[b])
            pltpu.async_copy(h_hbm.at[sidx[b]], bufs[b], sg[b])

        def wait_fetch(ci, b):
            pltpu.make_async_copy(val_hbm.at[wid * ch + ci], vv[b], sv[b]).wait()
            pltpu.make_async_copy(h_hbm.at[sidx[b]], bufs[b], sg[b]).wait()

        def start_scatter(ci, b):
            pltpu.async_copy(bufs[b], acc.at[didx[b]], ss[b], add=True)

        def wait_scatter(ci, b):
            pltpu.make_async_copy(bufs[b], acc.at[didx[b]], ss[b]).wait()

        def scale(ci, b):
            buf = bufs[b]
            vref = vv[b]
            U = 4

            @pl.loop(0, K, step=U)
            def _edge(e):
                vs = [plsc.load_gather(
                    vref, [jnp.full((L,), e + u, jnp.int32)])
                    for u in range(U)]
                prods = {}
                for u in range(U):
                    for c in range(D // L):
                        sl = pl.ds(c * L, L)
                        prods[(u, c)] = buf[e + u, sl] * vs[u]
                for u in range(U):
                    for c in range(D // L):
                        sl = pl.ds(c * L, L)
                        buf[e + u, sl] = prods[(u, c)]

        start_fetch(0, 0)

        @pl.loop(0, ch2)
        def _g(g):
            ci = 2 * g

            @pl.when(g > 0)
            def _ws1():
                wait_scatter(ci - 1, 1)

            start_fetch(ci + 1, 1)
            wait_fetch(ci, 0)
            scale(ci, 0)
            start_scatter(ci, 0)

            wait_fetch(ci + 1, 1)
            scale(ci + 1, 1)
            start_scatter(ci + 1, 1)

            @pl.when(g < ch2 - 1)
            def _sg0():
                wait_scatter(ci, 0)
                start_fetch(ci + 2, 0)

        wait_scatter(ch - 2, 0)
        wait_scatter(ch - 1, 1)
        plsc.subcore_barrier()

        @pl.loop(sid, NCH_FULL, step=NS)
        def _co(i):
            pltpu.sync_copy(acc.at[pl.ds(i * K, K)],
                            out_hbm.at[cid].at[pl.ds(i * K, K)])

        @pl.when(sid == LAST_SID)
        def _co_last():
            pltpu.sync_copy(acc.at[pl.ds(NCH_FULL * K, LAST_ROWS)],
                            out_hbm.at[cid].at[pl.ds(NCH_FULL * K, LAST_ROWS)])

    return spmm_kernel(pk3, val2, h)


BM = 1000


def _mm_body(a_ref, w_ref, o_ref):
    o_ref[...] = jnp.dot(a_ref[...], w_ref[...],
                         preferred_element_type=jnp.float32)


def _matmul_tc(a, w):
    return pl.pallas_call(
        _mm_body,
        grid=(N_NODES // BM,),
        in_specs=[pl.BlockSpec((BM, D), lambda i: (i, 0)),
                  pl.BlockSpec((D, D), lambda i: (0, 0))],
        out_specs=pl.BlockSpec((BM, D), lambda i: (i, 0)),
        out_shape=jax.ShapeDtypeStruct((N_NODES, D), jnp.float32),
    )(a, w)


def _combine_mm_body(p_ref, w_ref, o_ref):
    h = jax.nn.relu(p_ref[0] + p_ref[1])
    o_ref[...] = jnp.dot(h, w_ref[...], preferred_element_type=jnp.float32)


def _combine_matmul_tc(p, w):
    return pl.pallas_call(
        _combine_mm_body,
        grid=(N_NODES // BM,),
        in_specs=[pl.BlockSpec((NC, BM, D), lambda i: (0, i, 0)),
                  pl.BlockSpec((D, D), lambda i: (0, 0))],
        out_specs=pl.BlockSpec((BM, D), lambda i: (i, 0)),
        out_shape=jax.ShapeDtypeStruct((N_NODES, D), jnp.float32),
    )(p, w)


def _combine_relu_body(p_ref, o_ref):
    o_ref[...] = jax.nn.relu(p_ref[0] + p_ref[1])


def _combine_relu_tc(p):
    return pl.pallas_call(
        _combine_relu_body,
        grid=(N_NODES // BM,),
        in_specs=[pl.BlockSpec((NC, BM, D), lambda i: (0, i, 0))],
        out_specs=pl.BlockSpec((BM, D), lambda i: (i, 0)),
        out_shape=jax.ShapeDtypeStruct((N_NODES, D), jnp.float32),
    )(p)


def kernel(x, edge_index, edge_vals, mask, W0, W1):
    del mask
    n_edges = edge_index.shape[1]
    ch = 2 * (-(-n_edges // (NW * K * 2)))
    e_pad = ch * K * NW
    packed = (edge_index[0].astype(jnp.int32)
              + edge_index[1].astype(jnp.int32) * 65536)
    pk3 = jnp.zeros((e_pad,), jnp.int32).at[:n_edges].set(
        packed).reshape(NW, ch, K)
    val2 = jnp.zeros((e_pad,), jnp.float32).at[:n_edges].set(
        edge_vals).reshape(NW * ch, K)

    mm0 = _matmul_tc(x, W0)
    p = _spmm_partials(pk3, val2, mm0)
    mm1 = _combine_matmul_tc(p, W1)
    q = _spmm_partials(pk3, val2, mm1)
    return _combine_relu_tc(q)

# --- scband reference (transcript-rebuilt; emitter-appended) ---
"""Pipeline reference for scband-sp-gcn-57019985821917 (READ-ONLY COPY).

The authoritative reference and input builder live on the scoring server;
editing this copy changes nothing except your own understanding.
"""

import jax, jax.numpy as jnp
import numpy as np

N_NODES = 10000
N_EDGES = 320000
D_FEAT = 128
HIDDEN = [128, 128]
NUM_LAYERS = 2


def _glorot(key, fan_in, fan_out):
    stdv = 1.0 / np.sqrt(fan_out)
    return jax.random.uniform(key, (fan_in, fan_out), dtype=jnp.float32, minval=-stdv, maxval=stdv)


def setup_inputs(seed: int = 0) -> dict:
    key = jax.random.key(seed)
    k_x, k_ei, k_ev, k_w0, k_w1 = jax.random.split(key, 5)
    x = jax.random.normal(k_x, (N_NODES, D_FEAT), dtype=jnp.float32)
    edge_index = jax.random.randint(k_ei, (2, N_EDGES), 0, N_NODES, dtype=jnp.int64)
    edge_vals = jax.random.uniform(k_ev, (N_EDGES,), dtype=jnp.float32)
    mask = jnp.ones((N_NODES,), dtype=bool)
    feats = [D_FEAT] + HIDDEN
    W0 = _glorot(k_w0, feats[0], feats[1])
    W1 = _glorot(k_w1, feats[1], feats[2])
    return {"x": x, "edge_index": edge_index, "edge_vals": edge_vals, "mask": mask, "W0": W0, "W1": W1}


def _spmm(edge_index, edge_vals, h):
    # Ahat.matmul(h): sparse (COO) adjacency times dense feature matrix
    src = edge_index[0]
    dst = edge_index[1]
    msg = jnp.take(h, src, axis=0) * edge_vals[:, None]
    return jax.ops.segment_sum(msg, dst, num_segments=N_NODES)


def reference(x, edge_index, edge_vals, mask, W0, W1):
    # layer 0: activation(Ahat @ (X @ W0))
    h = jax.nn.relu(_spmm(edge_index, edge_vals, x @ W0))
    # layer 1: activation(Ahat @ (h @ W1))
    h = jax.nn.relu(_spmm(edge_index, edge_vals, h @ W1))
    return h

if __name__ == "__main__":
    import jax
    _d = setup_inputs()
    print(jax.jit(kernel)(*tuple(_d.values())))

</pallas_src>

<mosaic_0001>
#map = affine_map<(d0, d1) -> (0, 0, 0)>
#map1 = affine_map<(d0, d1) -> (0, 0)>
module attributes {stable_mosaic.version = 14 : i64} {
  func.func @spmm_kernel(%arg0: i32, %arg1: i32, %arg2: memref<32x80x128xi32, #tpu.memory_space<hbm>>, %arg3: memref<2560x128xf32, #tpu.memory_space<hbm>>, %arg4: memref<10000x128xf32, #tpu.memory_space<hbm>>, %arg5: memref<2x10000x128xf32, #tpu.memory_space<hbm>>, %arg6: memref<80x128xi32, #tpu.memory_space<vmem>>, %arg7: memref<128xi32, #tpu.memory_space<vmem>>, %arg8: memref<128xi32, #tpu.memory_space<vmem>>, %arg9: memref<128xi32, #tpu.memory_space<vmem>>, %arg10: memref<128xi32, #tpu.memory_space<vmem>>, %arg11: memref<128xf32, #tpu.memory_space<vmem>>, %arg12: memref<128xf32, #tpu.memory_space<vmem>>, %arg13: memref<128x128xf32, #tpu.memory_space<vmem>>, %arg14: memref<128x128xf32, #tpu.memory_space<vmem>>, %arg15: memref<10000x128xf32, #tpu.memory_space<vmem_shared>>, %arg16: memref<!tpu.dma_semaphore, #tpu.memory_space<semaphore_mem>>, %arg17: memref<!tpu.dma_semaphore, #tpu.memory_space<semaphore_mem>>, %arg18: memref<!tpu.dma_semaphore, #tpu.memory_space<semaphore_mem>>, %arg19: memref<!tpu.dma_semaphore, #tpu.memory_space<semaphore_mem>>, %arg20: memref<!tpu.dma_semaphore, #tpu.memory_space<semaphore_mem>>, %arg21: memref<!tpu.dma_semaphore, #tpu.memory_space<semaphore_mem>>) attributes {dimension_semantics = [#tpu.dimension_semantics<core_parallel>, #tpu.dimension_semantics<subcore_parallel>], iteration_bounds = array<i64: 2, 16>, scalar_prefetch = 0 : i64, scratch_operands = 16 : i64, tpu.core_type = #tpu.core_type<sc_vector_subcore>, window_params = [{transform_indices = #map}, {transform_indices = #map1}, {transform_indices = #map1}, {transform_indices = #map}]} {
    %mul3A = arith.constant 16 : i32
    %mul3A_0 = arith.muli %arg0, %mul3A : i32
    %add3A = arith.addi %mul3A_0, %arg1 : i32
    "tpu.region"() ({
      %run_scoped3A = tpu.sem_alloc : memref<!tpu.dma_semaphore, #tpu.memory_space<semaphore_mem>>
      %dma_start3A_176 = arith.constant 0 : i32
      %dma_start3A_177 = arith.constant 0 : i32
      %dma_start3A_178 = tpu.memref_slice %arg2[%add3A, %dma_start3A_176, %dma_start3A_177] : memref<32x80x128xi32, #tpu.memory_space<hbm>> -> memref<1x80x128xi32, #tpu.memory_space<hbm>>
      %dma_start3A_179 = tpu.memref_squeeze %dma_start3A_178 : memref<1x80x128xi32, #tpu.memory_space<hbm>> -> memref<80x128xi32, #tpu.memory_space<hbm>>
      %dma_start3A_180 = arith.constant 0 : i32
      %dma_start3A_181 = arith.constant 0 : i32
      %dma_start3A_182 = tpu.memref_slice %arg2[%add3A, %dma_start3A_180, %dma_start3A_181] : memref<32x80x128xi32, #tpu.memory_space<hbm>> -> memref<1x80x128xi32, #tpu.memory_space<hbm>>
      %dma_start3A_183 = tpu.memref_squeeze %dma_start3A_182 : memref<1x80x128xi32, #tpu.memory_space<hbm>> -> memref<80x128xi32, #tpu.memory_space<hbm>>
      tpu.enqueue_dma source(%dma_start3A_183 : memref<80x128xi32, #tpu.memory_space<hbm>>) target(%arg6 : memref<80x128xi32, #tpu.memory_space<vmem>>) target_semaphore(%run_scoped3A : memref<!tpu.dma_semaphore, #tpu.memory_space<semaphore_mem>>)
      %dma_wait3A_184 = arith.constant 0 : i32
      %dma_wait3A_185 = arith.constant 0 : i32
      %dma_wait3A_186 = tpu.memref_slice %arg2[%add3A, %dma_wait3A_184, %dma_wait3A_185] : memref<32x80x128xi32, #tpu.memory_space<hbm>> -> memref<1x80x128xi32, #tpu.memory_space<hbm>>
      %dma_wait3A_187 = tpu.memref_squeeze %dma_wait3A_186 : memref<1x80x128xi32, #tpu.memory_space<hbm>> -> memref<80x128xi32, #tpu.memory_space<hbm>>
      %dma_wait3A_188 = arith.constant 0 : i32
      %dma_wait3A_189 = arith.constant 0 : i32
      %dma_wait3A_190 = tpu.memref_slice %arg2[%add3A, %dma_wait3A_188, %dma_wait3A_189] : memref<32x80x128xi32, #tpu.memory_space<hbm>> -> memref<1x80x128xi32, #tpu.memory_space<hbm>>
      %dma_wait3A_191 = tpu.memref_squeeze %dma_wait3A_190 : memref<1x80x128xi32, #tpu.memory_space<hbm>> -> memref<80x128xi32, #tpu.memory_space<hbm>>
      tpu.wait_dma2 semaphore(%run_scoped3A : memref<!tpu.dma_semaphore, #tpu.memory_space<semaphore_mem>>) src(%dma_wait3A_191 : memref<80x128xi32, #tpu.memory_space<hbm>>) dst(%arg6 : memref<80x128xi32, #tpu.memory_space<vmem>>)
      tpu.yield
    }) : () -> ()
    %scan3A = arith.constant 0 : i32
    %scan3A_1 = arith.constant 128 : i32
    %scan3A_2 = arith.addi %scan3A, %scan3A_1 : i32
    %scan3A_3 = arith.constant 1 : i32
    scf.for %scan3A_176 = %scan3A to %scan3A_2 step %scan3A_3  : i32 {
      %mul3A_177 = arith.constant 1 : i32
      %mul3A_178 = arith.muli %scan3A_176, %mul3A_177 : i32
      %add3A_179 = arith.constant 0 : i32
      %add3A_180 = arith.addi %add3A_179, %mul3A_178 : i32
      %broadcast_in_dim3A = arith.constant 0.000000e+00 : f32
      %broadcast_in_dim3A_181 = vector.broadcast %broadcast_in_dim3A : f32 to vector<16xf32>
      %swap3A_182 = arith.index_cast %add3A_180 : i32 to index
      %swap3A_183 = arith.constant 0 : index
      %swap3A_184 = tpu.vector_load %arg14[%swap3A_182, %swap3A_183] {strides = array<i32>} : memref<128x128xf32, #tpu.memory_space<vmem>>, vector<16xf32>,
      tpu.vector_store %arg14[%swap3A_182, %swap3A_183], %broadcast_in_dim3A_181 {strides = array<i32>} : memref<128x128xf32, #tpu.memory_space<vmem>>, vector<16xf32>,
      %broadcast_in_dim3A_185 = arith.constant 0.000000e+00 : f32
      %broadcast_in_dim3A_186 = vector.broadcast %broadcast_in_dim3A_185 : f32 to vector<16xf32>
      %swap3A_187 = arith.index_cast %add3A_180 : i32 to index
      %swap3A_188 = arith.constant 16 : index
      %swap3A_189 = tpu.vector_load %arg14[%swap3A_187, %swap3A_188] {strides = array<i32>} : memref<128x128xf32, #tpu.memory_space<vmem>>, vector<16xf32>,
      tpu.vector_store %arg14[%swap3A_187, %swap3A_188], %broadcast_in_dim3A_186 {strides = array<i32>} : memref<128x128xf32, #tpu.memory_space<vmem>>, vector<16xf32>,
      %broadcast_in_dim3A_190 = arith.constant 0.000000e+00 : f32
      %broadcast_in_dim3A_191 = vector.broadcast %broadcast_in_dim3A_190 : f32 to vector<16xf32>
      %swap3A_192 = arith.index_cast %add3A_180 : i32 to index
      %swap3A_193 = arith.constant 32 : index
      %swap3A_194 = tpu.vector_load %arg14[%swap3A_192, %swap3A_193] {strides = array<i32>} : memref<128x128xf32, #tpu.memory_space<vmem>>, vector<16xf32>,
      tpu.vector_store %arg14[%swap3A_192, %swap3A_193], %broadcast_in_dim3A_191 {strides = array<i32>} : memref<128x128xf32, #tpu.memory_space<vmem>>, vector<16xf32>,
      %broadcast_in_dim3A_195 = arith.constant 0.000000e+00 : f32
      %broadcast_in_dim3A_196 = vector.broadcast %broadcast_in_dim3A_195 : f32 to vector<16xf32>
      %swap3A_197 = arith.index_cast %add3A_180 : i32 to index
      %swap3A_198 = arith.constant 48 : index
      %swap3A_199 = tpu.vector_load %arg14[%swap3A_197, %swap3A_198] {strides = array<i32>} : memref<128x128xf32, #tpu.memory_space<vmem>>, vector<16xf32>,
      tpu.vector_store %arg14[%swap3A_197, %swap3A_198], %broadcast_in_dim3A_196 {strides = array<i32>} : memref<128x128xf32, #tpu.memory_space<vmem>>, vector<16xf32>,
      %broadcast_in_dim3A_200 = arith.constant 0.000000e+00 : f32
      %broadcast_in_dim3A_201 = vector.broadcast %broadcast_in_dim3A_200 : f32 to vector<16xf32>
      %swap3A_202 = arith.index_cast %add3A_180 : i32 to index
      %swap3A_203 = arith.constant 64 : index
      %swap3A_204 = tpu.vector_load %arg14[%swap3A_202, %swap3A_203] {strides = array<i32>} : memref<128x128xf32, #tpu.memory_space<vmem>>, vector<16xf32>,
      tpu.vector_store %arg14[%swap3A_202, %swap3A_203], %broadcast_in_dim3A_201 {strides = array<i32>} : memref<128x128xf32, #tpu.memory_space<vmem>>, vector<16xf32>,
      %broadcast_in_dim3A_205 = arith.constant 0.000000e+00 : f32
      %broadcast_in_dim3A_206 = vector.broadcast %broadcast_in_dim3A_205 : f32 to vector<16xf32>
      %swap3A_207 = arith.index_cast %add3A_180 : i32 to index
      %swap3A_208 = arith.constant 80 : index
      %swap3A_209 = tpu.vector_load %arg14[%swap3A_207, %swap3A_208] {strides = array<i32>} : memref<128x128xf32, #tpu.memory_space<vmem>>, vector<16xf32>,
      tpu.vector_store %arg14[%swap3A_207, %swap3A_208], %broadcast_in_dim3A_206 {strides = array<i32>} : memref<128x128xf32, #tpu.memory_space<vmem>>, vector<16xf32>,
      %broadcast_in_dim3A_210 = arith.constant 0.000000e+00 : f32
      %broadcast_in_dim3A_211 = vector.broadcast %broadcast_in_dim3A_210 : f32 to vector<16xf32>
      %swap3A_212 = arith.index_cast %add3A_180 : i32 to index
      %swap3A_213 = arith.constant 96 : index
      %swap3A_214 = tpu.vector_load %arg14[%swap3A_212, %swap3A_213] {strides = array<i32>} : memref<128x128xf32, #tpu.memory_space<vmem>>, vector<16xf32>,
      tpu.vector_store %arg14[%swap3A_212, %swap3A_213], %broadcast_in_dim3A_211 {strides = array<i32>} : memref<128x128xf32, #tpu.memory_space<vmem>>, vector<16xf32>,
      %broadcast_in_dim3A_215 = arith.constant 0.000000e+00 : f32
      %broadcast_in_dim3A_216 = vector.broadcast %broadcast_in_dim3A_215 : f32 to vector<16xf32>
      %swap3A_217 = arith.index_cast %add3A_180 : i32 to index
      %swap3A_218 = arith.constant 112 : index
      %swap3A_219 = tpu.vector_load %arg14[%swap3A_217, %swap3A_218] {strides = array<i32>} : memref<128x128xf32, #tpu.memory_space<vmem>>, vector<16xf32>,
      tpu.vector_store %arg14[%swap3A_217, %swap3A_218], %broadcast_in_dim3A_216 {strides = array<i32>} : memref<128x128xf32, #tpu.memory_space<vmem>>, vector<16xf32>,
    }
    %scan3A_4 = arith.constant 128 : i32
    %sub3A = arith.constant 78 : i32
    %sub3A_5 = arith.subi %sub3A, %arg1 : i32
    %sub3A_6 = arith.constant 16 : i32
    %sub3A_7 = arith.constant 1 : i32
    %sub3A_8 = arith.subi %sub3A_6, %sub3A_7 : i32
    %add3A_9 = arith.addi %sub3A_5, %sub3A_8 : i32
    %div3A = arith.constant 16 : i32
    %div3A_10 = arith.divsi %add3A_9, %div3A : i32
    %while3A = arith.constant 16 : i32
    %while3A_11 = arith.constant 0 : i32
    %while3A_12 = arith.subi %div3A_10, %while3A_11 : i32
    %while3A_13 = arith.addi %while3A_11, %while3A_12 : i32
    %while3A_14 = arith.constant 1 : i32
    %while3A_15 = arith.divsi %while3A_12, %while3A_14 : i32
    %while3A_16 = arith.muli %while3A_15, %while3A_14 : i32
    %while3A_17 = arith.addi %while3A_11, %while3A_16 : i32
    %while3A_18 = arith.constant 1 : i32
    scf.for %while3A_176 = %while3A_11 to %while3A_17 step %while3A_18  : i32 {
      %mul3A_177 = arith.muli %while3A_176, %while3A : i32
      %add3A_178 = arith.addi %arg1, %mul3A_177 : i32
      %mul3A_179 = arith.constant 128 : i32
      %mul3A_180 = arith.muli %add3A_178, %mul3A_179 : i32
      "tpu.region"() ({
        %run_scoped3A = tpu.sem_alloc : memref<!tpu.dma_semaphore, #tpu.memory_space<semaphore_mem>>
        %dma_start3A_181 = arith.constant 0 : i32
        %dma_start3A_182 = tpu.memref_slice %arg15[%mul3A_180, %dma_start3A_181] : memref<10000x128xf32, #tpu.memory_space<vmem_shared>> -> memref<128x128xf32, #tpu.memory_space<vmem_shared>>
        %dma_start3A_183 = arith.constant 0 : i32
        %dma_start3A_184 = tpu.memref_slice %arg15[%mul3A_180, %dma_start3A_183] : memref<10000x128xf32, #tpu.memory_space<vmem_shared>> -> memref<128x128xf32, #tpu.memory_space<vmem_shared>>
        tpu.enqueue_dma source(%arg14 : memref<128x128xf32, #tpu.memory_space<vmem>>) target(%dma_start3A_184 : memref<128x128xf32, #tpu.memory_space<vmem_shared>>) target_semaphore(%run_scoped3A : memref<!tpu.dma_semaphore, #tpu.memory_space<semaphore_mem>>)
        %dma_wait3A_185 = arith.constant 0 : i32
        %dma_wait3A_186 = tpu.memref_slice %arg15[%mul3A_180, %dma_wait3A_185] : memref<10000x128xf32, #tpu.memory_space<vmem_shared>> -> memref<128x128xf32, #tpu.memory_space<vmem_shared>>
        %dma_wait3A_187 = arith.constant 0 : i32
        %dma_wait3A_188 = tpu.memref_slice %arg15[%mul3A_180, %dma_wait3A_187] : memref<10000x128xf32, #tpu.memory_space<vmem_shared>> -> memref<128x128xf32, #tpu.memory_space<vmem_shared>>
        tpu.wait_dma2 semaphore(%run_scoped3A : memref<!tpu.dma_semaphore, #tpu.memory_space<semaphore_mem>>) src(%arg14 : memref<128x128xf32, #tpu.memory_space<vmem>>) dst(%dma_wait3A_188 : memref<128x128xf32, #tpu.memory_space<vmem_shared>>)
        tpu.yield
      }) : () -> ()
    }
    %while3A_19 = arith.constant 1 : i32
    scf.for %while3A_176 = %while3A_17 to %while3A_13 step %while3A_19  : i32 {
      %mul3A_177 = arith.muli %while3A_176, %while3A : i32
      %add3A_178 = arith.addi %arg1, %mul3A_177 : i32
      %mul3A_179 = arith.constant 128 : i32
      %mul3A_180 = arith.muli %add3A_178, %mul3A_179 : i32
      "tpu.region"() ({
        %run_scoped3A = tpu.sem_alloc : memref<!tpu.dma_semaphore, #tpu.memory_space<semaphore_mem>>
        %dma_start3A_181 = arith.constant 0 : i32
        %dma_start3A_182 = tpu.memref_slice %arg15[%mul3A_180, %dma_start3A_181] : memref<10000x128xf32, #tpu.memory_space<vmem_shared>> -> memref<128x128xf32, #tpu.memory_space<vmem_shared>>
        %dma_start3A_183 = arith.constant 0 : i32
        %dma_start3A_184 = tpu.memref_slice %arg15[%mul3A_180, %dma_start3A_183] : memref<10000x128xf32, #tpu.memory_space<vmem_shared>> -> memref<128x128xf32, #tpu.memory_space<vmem_shared>>
        tpu.enqueue_dma source(%arg14 : memref<128x128xf32, #tpu.memory_space<vmem>>) target(%dma_start3A_184 : memref<128x128xf32, #tpu.memory_space<vmem_shared>>) target_semaphore(%run_scoped3A : memref<!tpu.dma_semaphore, #tpu.memory_space<semaphore_mem>>)
        %dma_wait3A_185 = arith.constant 0 : i32
        %dma_wait3A_186 = tpu.memref_slice %arg15[%mul3A_180, %dma_wait3A_185] : memref<10000x128xf32, #tpu.memory_space<vmem_shared>> -> memref<128x128xf32, #tpu.memory_space<vmem_shared>>
        %dma_wait3A_187 = arith.constant 0 : i32
        %dma_wait3A_188 = tpu.memref_slice %arg15[%mul3A_180, %dma_wait3A_187] : memref<10000x128xf32, #tpu.memory_space<vmem_shared>> -> memref<128x128xf32, #tpu.memory_space<vmem_shared>>
        tpu.wait_dma2 semaphore(%run_scoped3A : memref<!tpu.dma_semaphore, #tpu.memory_space<semaphore_mem>>) src(%arg14 : memref<128x128xf32, #tpu.memory_space<vmem>>) dst(%dma_wait3A_188 : memref<128x128xf32, #tpu.memory_space<vmem_shared>>)
        tpu.yield
      }) : () -> ()
    }
    %eq3A = arith.constant 14 : i32
    %eq3A_20 = arith.cmpi eq, %arg1, %eq3A : i32
    %convert_element_type3A = arith.extui %eq3A_20 : i1 to i32
    %cond3A = arith.constant 0 : i32
    %cond3A_21 = arith.cmpi ne, %convert_element_type3A, %cond3A : i32
    scf.if %cond3A_21 {
      "tpu.region"() ({
        %run_scoped3A = tpu.sem_alloc : memref<!tpu.dma_semaphore, #tpu.memory_space<semaphore_mem>>
        %dma_start3A_176 = arith.constant 0 : i32
        %dma_start3A_177 = arith.constant 0 : i32
        %dma_start3A_178 = tpu.memref_slice %arg14[%dma_start3A_176, %dma_start3A_177] : memref<128x128xf32, #tpu.memory_space<vmem>> -> memref<16x128xf32, #tpu.memory_space<vmem>>
        %dma_start3A_179 = arith.constant 9984 : i32
        %dma_start3A_180 = arith.constant 0 : i32
        %dma_start3A_181 = tpu.memref_slice %arg15[%dma_start3A_179, %dma_start3A_180] : memref<10000x128xf32, #tpu.memory_space<vmem_shared>> -> memref<16x128xf32, #tpu.memory_space<vmem_shared>>
        %dma_start3A_182 = arith.constant 9984 : i32
        %dma_start3A_183 = arith.constant 0 : i32
        %dma_start3A_184 = tpu.memref_slice %arg15[%dma_start3A_182, %dma_start3A_183] : memref<10000x128xf32, #tpu.memory_space<vmem_shared>> -> memref<16x128xf32, #tpu.memory_space<vmem_shared>>
        %dma_start3A_185 = arith.constant 0 : i32
        %dma_start3A_186 = arith.constant 0 : i32
        %dma_start3A_187 = tpu.memref_slice %arg14[%dma_start3A_185, %dma_start3A_186] : memref<128x128xf32, #tpu.memory_space<vmem>> -> memref<16x128xf32, #tpu.memory_space<vmem>>
        tpu.enqueue_dma source(%dma_start3A_187 : memref<16x128xf32, #tpu.memory_space<vmem>>) target(%dma_start3A_184 : memref<16x128xf32, #tpu.memory_space<vmem_shared>>) target_semaphore(%run_scoped3A : memref<!tpu.dma_semaphore, #tpu.memory_space<semaphore_mem>>)
        %dma_wait3A_188 = arith.constant 0 : i32
        %dma_wait3A_189 = arith.constant 0 : i32
        %dma_wait3A_190 = tpu.memref_slice %arg14[%dma_wait3A_188, %dma_wait3A_189] : memref<128x128xf32, #tpu.memory_space<vmem>> -> memref<16x128xf32, #tpu.memory_space<vmem>>
        %dma_wait3A_191 = arith.constant 9984 : i32
        %dma_wait3A_192 = arith.constant 0 : i32
        %dma_wait3A_193 = tpu.memref_slice %arg15[%dma_wait3A_191, %dma_wait3A_192] : memref<10000x128xf32, #tpu.memory_space<vmem_shared>> -> memref<16x128xf32, #tpu.memory_space<vmem_shared>>
        %dma_wait3A_194 = arith.constant 9984 : i32
        %dma_wait3A_195 = arith.constant 0 : i32
        %dma_wait3A_196 = tpu.memref_slice %arg15[%dma_wait3A_194, %dma_wait3A_195] : memref<10000x128xf32, #tpu.memory_space<vmem_shared>> -> memref<16x128xf32, #tpu.memory_space<vmem_shared>>
        %dma_wait3A_197 = arith.constant 0 : i32
        %dma_wait3A_198 = arith.constant 0 : i32
        %dma_wait3A_199 = tpu.memref_slice %arg14[%dma_wait3A_197, %dma_wait3A_198] : memref<128x128xf32, #tpu.memory_space<vmem>> -> memref<16x128xf32, #tpu.memory_space<vmem>>
        tpu.wait_dma2 semaphore(%run_scoped3A : memref<!tpu.dma_semaphore, #tpu.memory_space<semaphore_mem>>) src(%dma_wait3A_199 : memref<16x128xf32, #tpu.memory_space<vmem>>) dst(%dma_wait3A_196 : memref<16x128xf32, #tpu.memory_space<vmem_shared>>)
        tpu.yield
      }) : () -> ()
    } else {
    }
    %barrier3A = arith.constant 0 : index
    tpu.barrier barrier_id(%barrier3A)
    %get3A = arith.constant 0 : i32
    %get3A_22 = arith.index_cast %get3A : i32 to index
    %get3A_23 = arith.constant 0 : index
    %get3A_24 = tpu.vector_load %arg6[%get3A_22, %get3A_23] {strides = array<i32>} : memref<80x128xi32, #tpu.memory_space<vmem>>, vector<16xi32>,
    %and3A = arith.constant 65535 : i32
    %and3A_25 = vector.broadcast %and3A : i32 to vector<16xi32>
    %and3A_26 = arith.andi %get3A_24, %and3A_25 : vector<16xi32>
    %swap3A = arith.constant 0 : index
    %swap3A_27 = tpu.vector_load %arg7[%swap3A] {strides = array<i32>} : memref<128xi32, #tpu.memory_space<vmem>>, vector<16xi32>,
    tpu.vector_store %arg7[%swap3A], %and3A_26 {strides = array<i32>} : memref<128xi32, #tpu.memory_space<vmem>>, vector<16xi32>,
    %shift_right_logical3A = arith.constant 16 : i32
    %shift_right_logical3A_28 = vector.broadcast %shift_right_logical3A : i32 to vector<16xi32>
    %shift_right_logical3A_29 = arith.shrui %get3A_24, %shift_right_logical3A_28 : vector<16xi32>
    %swap3A_30 = arith.constant 0 : index
    %swap3A_31 = tpu.vector_load %arg9[%swap3A_30] {strides = array<i32>} : memref<128xi32, #tpu.memory_space<vmem>>, vector<16xi32>,
    tpu.vector_store %arg9[%swap3A_30], %shift_right_logical3A_29 {strides = array<i32>} : memref<128xi32, #tpu.memory_space<vmem>>, vector<16xi32>,
    %get3A_32 = arith.constant 0 : i32
    %get3A_33 = arith.index_cast %get3A_32 : i32 to index
    %get3A_34 = arith.constant 16 : index
    %get3A_35 = tpu.vector_load %arg6[%get3A_33, %get3A_34] {strides = array<i32>} : memref<80x128xi32, #tpu.memory_space<vmem>>, vector<16xi32>,
    %and3A_36 = arith.constant 65535 : i32
    %and3A_37 = vector.broadcast %and3A_36 : i32 to vector<16xi32>
    %and3A_38 = arith.andi %get3A_35, %and3A_37 : vector<16xi32>
    %swap3A_39 = arith.constant 16 : index
    %swap3A_40 = tpu.vector_load %arg7[%swap3A_39] {strides = array<i32>} : memref<128xi32, #tpu.memory_space<vmem>>, vector<16xi32>,
    tpu.vector_store %arg7[%swap3A_39], %and3A_38 {strides = array<i32>} : memref<128xi32, #tpu.memory_space<vmem>>, vector<16xi32>,
    %shift_right_logical3A_41 = arith.constant 16 : i32
    %shift_right_logical3A_42 = vector.broadcast %shift_right_logical3A_41 : i32 to vector<16xi32>
    %shift_right_logical3A_43 = arith.shrui %get3A_35, %shift_right_logical3A_42 : vector<16xi32>
    %swap3A_44 = arith.constant 16 : index
    %swap3A_45 = tpu.vector_load %arg9[%swap3A_44] {strides = array<i32>} : memref<128xi32, #tpu.memory_space<vmem>>, vector<16xi32>,
    tpu.vector_store %arg9[%swap3A_44], %shift_right_logical3A_43 {strides = array<i32>} : memref<128xi32, #tpu.memory_space<vmem>>, vector<16xi32>,
    %get3A_46 = arith.constant 0 : i32
    %get3A_47 = arith.index_cast %get3A_46 : i32 to index
    %get3A_48 = arith.constant 32 : index
    %get3A_49 = tpu.vector_load %arg6[%get3A_47, %get3A_48] {strides = array<i32>} : memref<80x128xi32, #tpu.memory_space<vmem>>, vector<16xi32>,
    %and3A_50 = arith.constant 65535 : i32
    %and3A_51 = vector.broadcast %and3A_50 : i32 to vector<16xi32>
    %and3A_52 = arith.andi %get3A_49, %and3A_51 : vector<16xi32>
    %swap3A_53 = arith.constant 32 : index
    %swap3A_54 = tpu.vector_load %arg7[%swap3A_53] {strides = array<i32>} : memref<128xi32, #tpu.memory_space<vmem>>, vector<16xi32>,
    tpu.vector_store %arg7[%swap3A_53], %and3A_52 {strides = array<i32>} : memref<128xi32, #tpu.memory_space<vmem>>, vector<16xi32>,
    %shift_right_logical3A_55 = arith.constant 16 : i32
    %shift_right_logical3A_56 = vector.broadcast %shift_right_logical3A_55 : i32 to vector<16xi32>
    %shift_right_logical3A_57 = arith.shrui %get3A_49, %shift_right_logical3A_56 : vector<16xi32>
    %swap3A_58 = arith.constant 32 : index
    %swap3A_59 = tpu.vector_load %arg9[%swap3A_58] {strides = array<i32>} : memref<128xi32, #tpu.memory_space<vmem>>, vector<16xi32>,
    tpu.vector_store %arg9[%swap3A_58], %shift_right_logical3A_57 {strides = array<i32>} : memref<128xi32, #tpu.memory_space<vmem>>, vector<16xi32>,
    %get3A_60 = arith.constant 0 : i32
    %get3A_61 = arith.index_cast %get3A_60 : i32 to index
    %get3A_62 = arith.constant 48 : index
    %get3A_63 = tpu.vector_load %arg6[%get3A_61, %get3A_62] {strides = array<i32>} : memref<80x128xi32, #tpu.memory_space<vmem>>, vector<16xi32>,
    %and3A_64 = arith.constant 65535 : i32
    %and3A_65 = vector.broadcast %and3A_64 : i32 to vector<16xi32>
    %and3A_66 = arith.andi %get3A_63, %and3A_65 : vector<16xi32>
    %swap3A_67 = arith.constant 48 : index
    %swap3A_68 = tpu.vector_load %arg7[%swap3A_67] {strides = array<i32>} : memref<128xi32, #tpu.memory_space<vmem>>, vector<16xi32>,
    tpu.vector_store %arg7[%swap3A_67], %and3A_66 {strides = array<i32>} : memref<128xi32, #tpu.memory_space<vmem>>, vector<16xi32>,
    %shift_right_logical3A_69 = arith.constant 16 : i32
    %shift_right_logical3A_70 = vector.broadcast %shift_right_logical3A_69 : i32 to vector<16xi32>
    %shift_right_logical3A_71 = arith.shrui %get3A_63, %shift_right_logical3A_70 : vector<16xi32>
    %swap3A_72 = arith.constant 48 : index
    %swap3A_73 = tpu.vector_load %arg9[%swap3A_72] {strides = array<i32>} : memref<128xi32, #tpu.memory_space<vmem>>, vector<16xi32>,
    tpu.vector_store %arg9[%swap3A_72], %shift_right_logical3A_71 {strides = array<i32>} : memref<128xi32, #tpu.memory_space<vmem>>, vector<16xi32>,
    %get3A_74 = arith.constant 0 : i32
    %get3A_75 = arith.index_cast %get3A_74 : i32 to index
    %get3A_76 = arith.constant 64 : index
    %get3A_77 = tpu.vector_load %arg6[%get3A_75, %get3A_76] {strides = array<i32>} : memref<80x128xi32, #tpu.memory_space<vmem>>, vector<16xi32>,
    %and3A_78 = arith.constant 65535 : i32
    %and3A_79 = vector.broadcast %and3A_78 : i32 to vector<16xi32>
    %and3A_80 = arith.andi %get3A_77, %and3A_79 : vector<16xi32>
    %swap3A_81 = arith.constant 64 : index
    %swap3A_82 = tpu.vector_load %arg7[%swap3A_81] {strides = array<i32>} : memref<128xi32, #tpu.memory_space<vmem>>, vector<16xi32>,
    tpu.vector_store %arg7[%swap3A_81], %and3A_80 {strides = array<i32>} : memref<128xi32, #tpu.memory_space<vmem>>, vector<16xi32>,
    %shift_right_logical3A_83 = arith.constant 16 : i32
    %shift_right_logical3A_84 = vector.broadcast %shift_right_logical3A_83 : i32 to vector<16xi32>
    %shift_right_logical3A_85 = arith.shrui %get3A_77, %shift_right_logical3A_84 : vector<16xi32>
    %swap3A_86 = arith.constant 64 : index
    %swap3A_87 = tpu.vector_load %arg9[%swap3A_86] {strides = array<i32>} : memref<128xi32, #tpu.memory_space<vmem>>, vector<16xi32>,
    tpu.vector_store %arg9[%swap3A_86], %shift_right_logical3A_85 {strides = array<i32>} : memref<128xi32, #tpu.memory_space<vmem>>, vector<16xi32>,
    %get3A_88 = arith.constant 0 : i32
    %get3A_89 = arith.index_cast %get3A_88 : i32 to index
    %get3A_90 = arith.constant 80 : index
    %get3A_91 = tpu.vector_load %arg6[%get3A_89, %get3A_90] {strides = array<i32>} : memref<80x128xi32, #tpu.memory_space<vmem>>, vector<16xi32>,
    %and3A_92 = arith.constant 65535 : i32
    %and3A_93 = vector.broadcast %and3A_92 : i32 to vector<16xi32>
    %and3A_94 = arith.andi %get3A_91, %and3A_93 : vector<16xi32>
    %swap3A_95 = arith.constant 80 : index
    %swap3A_96 = tpu.vector_load %arg7[%swap3A_95] {strides = array<i32>} : memref<128xi32, #tpu.memory_space<vmem>>, vector<16xi32>,
    tpu.vector_store %arg7[%swap3A_95], %and3A_94 {strides = array<i32>} : memref<128xi32, #tpu.memory_space<vmem>>, vector<16xi32>,
    %shift_right_logical3A_97 = arith.constant 16 : i32
    %shift_right_logical3A_98 = vector.broadcast %shift_right_logical3A_97 : i32 to vector<16xi32>
    %shift_right_logical3A_99 = arith.shrui %get3A_91, %shift_right_logical3A_98 : vector<16xi32>
    %swap3A_100 = arith.constant 80 : index
    %swap3A_101 = tpu.vector_load %arg9[%swap3A_100] {strides = array<i32>} : memref<128xi32, #tpu.memory_space<vmem>>, vector<16xi32>,
    tpu.vector_store %arg9[%swap3A_100], %shift_right_logical3A_99 {strides = array<i32>} : memref<128xi32, #tpu.memory_space<vmem>>, vector<16xi32>,
    %get3A_102 = arith.constant 0 : i32
    %get3A_103 = arith.index_cast %get3A_102 : i32 to index
    %get3A_104 = arith.constant 96 : index
    %get3A_105 = tpu.vector_load %arg6[%get3A_103, %get3A_104] {strides = array<i32>} : memref<80x128xi32, #tpu.memory_space<vmem>>, vector<16xi32>,
    %and3A_106 = arith.constant 65535 : i32
    %and3A_107 = vector.broadcast %and3A_106 : i32 to vector<16xi32>
    %and3A_108 = arith.andi %get3A_105, %and3A_107 : vector<16xi32>
    %swap3A_109 = arith.constant 96 : index
    %swap3A_110 = tpu.vector_load %arg7[%swap3A_109] {strides = array<i32>} : memref<128xi32, #tpu.memory_space<vmem>>, vector<16xi32>,
    tpu.vector_store %arg7[%swap3A_109], %and3A_108 {strides = array<i32>} : memref<128xi32, #tpu.memory_space<vmem>>, vector<16xi32>,
    %shift_right_logical3A_111 = arith.constant 16 : i32
    %shift_right_logical3A_112 = vector.broadcast %shift_right_logical3A_111 : i32 to vector<16xi32>
    %shift_right_logical3A_113 = arith.shrui %get3A_105, %shift_right_logical3A_112 : vector<16xi32>
    %swap3A_114 = arith.constant 96 : index
    %swap3A_115 = tpu.vector_load %arg9[%swap3A_114] {strides = array<i32>} : memref<128xi32, #tpu.memory_space<vmem>>, vector<16xi32>,
    tpu.vector_store %arg9[%swap3A_114], %shift_right_logical3A_113 {strides = array<i32>} : memref<128xi32, #tpu.memory_space<vmem>>, vector<16xi32>,
    %get3A_116 = arith.constant 0 : i32
    %get3A_117 = arith.index_cast %get3A_116 : i32 to index
    %get3A_118 = arith.constant 112 : index
    %get3A_119 = tpu.vector_load %arg6[%get3A_117, %get3A_118] {strides = array<i32>} : memref<80x128xi32, #tpu.memory_space<vmem>>, vector<16xi32>,
    %and3A_120 = arith.constant 65535 : i32
    %and3A_121 = vector.broadcast %and3A_120 : i32 to vector<16xi32>
    %and3A_122 = arith.andi %get3A_119, %and3A_121 : vector<16xi32>
    %swap3A_123 = arith.constant 112 : index
    %swap3A_124 = tpu.vector_load %arg7[%swap3A_123] {strides = array<i32>} : memref<128xi32, #tpu.memory_space<vmem>>, vector<16xi32>,
    tpu.vector_store %arg7[%swap3A_123], %and3A_122 {strides = array<i32>} : memref<128xi32, #tpu.memory_space<vmem>>, vector<16xi32>,
    %shift_right_logical3A_125 = arith.constant 16 : i32
    %shift_right_logical3A_126 = vector.broadcast %shift_right_logical3A_125 : i32 to vector<16xi32>
    %shift_right_logical3A_127 = arith.shrui %get3A_119, %shift_right_logical3A_126 : vector<16xi32>
    %swap3A_128 = arith.constant 112 : index
    %swap3A_129 = tpu.vector_load %arg9[%swap3A_128] {strides = array<i32>} : memref<128xi32, #tpu.memory_space<vmem>>, vector<16xi32>,
    tpu.vector_store %arg9[%swap3A_128], %shift_right_logical3A_127 {strides = array<i32>} : memref<128xi32, #tpu.memory_space<vmem>>, vector<16xi32>,
    %mul3A_130 = arith.constant 80 : i32
    %mul3A_131 = arith.muli %add3A, %mul3A_130 : i32
    %add3A_132 = arith.constant 0 : i32
    %add3A_133 = arith.addi %mul3A_131, %add3A_132 : i32
    %dma_start3A = arith.constant 0 : i32
    %dma_start3A_134 = tpu.memref_slice %arg3[%add3A_133, %dma_start3A] : memref<2560x128xf32, #tpu.memory_space<hbm>> -> memref<1x128xf32, #tpu.memory_space<hbm>>
    %dma_start3A_135 = tpu.memref_squeeze %dma_start3A_134 : memref<1x128xf32, #tpu.memory_space<hbm>> -> memref<128xf32, #tpu.memory_space<hbm>>
    %dma_start3A_136 = arith.constant 0 : i32
    %dma_start3A_137 = tpu.memref_slice %arg3[%add3A_133, %dma_start3A_136] : memref<2560x128xf32, #tpu.memory_space<hbm>> -> memref<1x128xf32, #tpu.memory_space<hbm>>
    %dma_start3A_138 = tpu.memref_squeeze %dma_start3A_137 : memref<1x128xf32, #tpu.memory_space<hbm>> -> memref<128xf32, #tpu.memory_space<hbm>>
    tpu.enqueue_dma source(%dma_start3A_138 : memref<128xf32, #tpu.memory_space<hbm>>) target(%arg11 : memref<128xf32, #tpu.memory_space<vmem>>) target_semaphore(%arg20 : memref<!tpu.dma_semaphore, #tpu.memory_space<semaphore_mem>>)
    %dma_start3A_139 = arith.constant 0 : i32
    %dma_start3A_140 = arith.constant 0 : i32
    %dma_start3A_141 = tpu.memref_slice %arg4[%dma_start3A_139, %dma_start3A_140] : memref<10000x128xf32, #tpu.memory_space<hbm>> -> memref<10000x128xf32, #tpu.memory_space<hbm>>
    tpu.enqueue_indirect_dma source(%dma_start3A_141 : memref<10000x128xf32, #tpu.memory_space<hbm>>) target(%arg13 : memref<128x128xf32, #tpu.memory_space<vmem>>) offsets(%arg7 : memref<128xi32, #tpu.memory_space<vmem>>) semaphore(%arg16 : memref<!tpu.dma_semaphore, #tpu.memory_space<semaphore_mem>>)
    %scan3A_142 = arith.constant 0 : i32
    %scan3A_143 = arith.constant 40 : i32
    %scan3A_144 = arith.addi %scan3A_142, %scan3A_143 : i32
    %scan3A_145 = arith.constant 1 : i32
    scf.for %scan3A_176 = %scan3A_142 to %scan3A_144 step %scan3A_145  : i32 {
      %mul3A_177 = arith.constant 1 : i32
      %mul3A_178 = arith.muli %scan3A_176, %mul3A_177 : i32
      %add3A_179 = arith.constant 0 : i32
      %add3A_180 = arith.addi %add3A_179, %mul3A_178 : i32
      %mul3A_181 = arith.constant 2 : i32
      %mul3A_182 = arith.muli %mul3A_181, %add3A_180 : i32
      %gt3A = arith.constant 0 : i32
      %gt3A_183 = arith.cmpi sgt, %add3A_180, %gt3A : i32
      %convert_element_type3A_184 = arith.extui %gt3A_183 : i1 to i32
      %cond3A_185 = arith.constant 0 : i32
      %cond3A_186 = arith.cmpi ne, %convert_element_type3A_184, %cond3A_185 : i32
      scf.if %cond3A_186 {
        %sub3A_355 = arith.constant 1 : i32
        %sub3A_356 = arith.subi %mul3A_182, %sub3A_355 : i32
        %dma_wait3A_357 = arith.constant 0 : i32
        %dma_wait3A_358 = arith.constant 0 : i32
        %dma_wait3A_359 = tpu.memref_slice %arg15[%dma_wait3A_357, %dma_wait3A_358] : memref<10000x128xf32, #tpu.memory_space<vmem_shared>> -> memref<10000x128xf32, #tpu.memory_space<vmem_shared>>
        tpu.wait_indirect_dma semaphore(%arg19 : memref<!tpu.dma_semaphore, #tpu.memory_space<semaphore_mem>>) src(%arg14 : memref<128x128xf32, #tpu.memory_space<vmem>>) dst(%dma_wait3A_359 : memref<10000x128xf32, #tpu.memory_space<vmem_shared>>)
      } else {
      }
      %add3A_187 = arith.constant 1 : i32
      %add3A_188 = arith.addi %mul3A_182, %add3A_187 : i32
      %get3A_189 = arith.index_cast %add3A_188 : i32 to index
      %get3A_190 = arith.constant 0 : index
      %get3A_191 = tpu.vector_load %arg6[%get3A_189, %get3A_190] {strides = array<i32>} : memref<80x128xi32, #tpu.memory_space<vmem>>, vector<16xi32>,
      %and3A_192 = arith.constant 65535 : i32
      %and3A_193 = vector.broadcast %and3A_192 : i32 to vector<16xi32>
      %and3A_194 = arith.andi %get3A_191, %and3A_193 : vector<16xi32>
      %swap3A_195 = arith.constant 0 : index
      %swap3A_196 = tpu.vector_load %arg8[%swap3A_195] {strides = array<i32>} : memref<128xi32, #tpu.memory_space<vmem>>, vector<16xi32>,
      tpu.vector_store %arg8[%swap3A_195], %and3A_194 {strides = array<i32>} : memref<128xi32, #tpu.memory_space<vmem>>, vector<16xi32>,
      %shift_right_logical3A_197 = arith.constant 16 : i32
      %shift_right_logical3A_198 = vector.broadcast %shift_right_logical3A_197 : i32 to vector<16xi32>
      %shift_right_logical3A_199 = arith.shrui %get3A_191, %shift_right_logical3A_198 : vector<16xi32>
      %swap3A_200 = arith.constant 0 : index
      %swap3A_201 = tpu.vector_load %arg10[%swap3A_200] {strides = array<i32>} : memref<128xi32, #tpu.memory_space<vmem>>, vector<16xi32>,
      tpu.vector_store %arg10[%swap3A_200], %shift_right_logical3A_199 {strides = array<i32>} : memref<128xi32, #tpu.memory_space<vmem>>, vector<16xi32>,
      %get3A_202 = arith.index_cast %add3A_188 : i32 to index
      %get3A_203 = arith.constant 16 : index
      %get3A_204 = tpu.vector_load %arg6[%get3A_202, %get3A_203] {strides = array<i32>} : memref<80x128xi32, #tpu.memory_space<vmem>>, vector<16xi32>,
      %and3A_205 = arith.constant 65535 : i32
      %and3A_206 = vector.broadcast %and3A_205 : i32 to vector<16xi32>
      %and3A_207 = arith.andi %get3A_204, %and3A_206 : vector<16xi32>
      %swap3A_208 = arith.constant 16 : index
      %swap3A_209 = tpu.vector_load %arg8[%swap3A_208] {strides = array<i32>} : memref<128xi32, #tpu.memory_space<vmem>>, vector<16xi32>,
      tpu.vector_store %arg8[%swap3A_208], %and3A_207 {strides = array<i32>} : memref<128xi32, #tpu.memory_space<vmem>>, vector<16xi32>,
      %shift_right_logical3A_210 = arith.constant 16 : i32
      %shift_right_logical3A_211 = vector.broadcast %shift_right_logical3A_210 : i32 to vector<16xi32>
      %shift_right_logical3A_212 = arith.shrui %get3A_204, %shift_right_logical3A_211 : vector<16xi32>
      %swap3A_213 = arith.constant 16 : index
      %swap3A_214 = tpu.vector_load %arg10[%swap3A_213] {strides = array<i32>} : memref<128xi32, #tpu.memory_space<vmem>>, vector<16xi32>,
      tpu.vector_store %arg10[%swap3A_213], %shift_right_logical3A_212 {strides = array<i32>} : memref<128xi32, #tpu.memory_space<vmem>>, vector<16xi32>,
      %get3A_215 = arith.index_cast %add3A_188 : i32 to index
      %get3A_216 = arith.constant 32 : index
      %get3A_217 = tpu.vector_load %arg6[%get3A_215, %get3A_216] {strides = array<i32>} : memref<80x128xi32, #tpu.memory_space<vmem>>, vector<16xi32>,
      %and3A_218 = arith.constant 65535 : i32
      %and3A_219 = vector.broadcast %and3A_218 : i32 to vector<16xi32>
      %and3A_220 = arith.andi %get3A_217, %and3A_219 : vector<16xi32>
      %swap3A_221 = arith.constant 32 : index
      %swap3A_222 = tpu.vector_load %arg8[%swap3A_221] {strides = array<i32>} : memref<128xi32, #tpu.memory_space<vmem>>, vector<16xi32>,
      tpu.vector_store %arg8[%swap3A_221], %and3A_220 {strides = array<i32>} : memref<128xi32, #tpu.memory_space<vmem>>, vector<16xi32>,
      %shift_right_logical3A_223 = arith.constant 16 : i32
      %shift_right_logical3A_224 = vector.broadcast %shift_right_logical3A_223 : i32 to vector<16xi32>
      %shift_right_logical3A_225 = arith.shrui %get3A_217, %shift_right_logical3A_224 : vector<16xi32>
      %swap3A_226 = arith.constant 32 : index
      %swap3A_227 = tpu.vector_load %arg10[%swap3A_226] {strides = array<i32>} : memref<128xi32, #tpu.memory_space<vmem>>, vector<16xi32>,
      tpu.vector_store %arg10[%swap3A_226], %shift_right_logical3A_225 {strides = array<i32>} : memref<128xi32, #tpu.memory_space<vmem>>, vector<16xi32>,
      %get3A_228 = arith.index_cast %add3A_188 : i32 to index
      %get3A_229 = arith.constant 48 : index
      %get3A_230 = tpu.vector_load %arg6[%get3A_228, %get3A_229] {strides = array<i32>} : memref<80x128xi32, #tpu.memory_space<vmem>>, vector<16xi32>,
      %and3A_231 = arith.constant 65535 : i32
      %and3A_232 = vector.broadcast %and3A_231 : i32 to vector<16xi32>
      %and3A_233 = arith.andi %get3A_230, %and3A_232 : vector<16xi32>
      %swap3A_234 = arith.constant 48 : index
      %swap3A_235 = tpu.vector_load %arg8[%swap3A_234] {strides = array<i32>} : memref<128xi32, #tpu.memory_space<vmem>>, vector<16xi32>,
      tpu.vector_store %arg8[%swap3A_234], %and3A_233 {strides = array<i32>} : memref<128xi32, #tpu.memory_space<vmem>>, vector<16xi32>,
      %shift_right_logical3A_236 = arith.constant 16 : i32
      %shift_right_logical3A_237 = vector.broadcast %shift_right_logical3A_236 : i32 to vector<16xi32>
      %shift_right_logical3A_238 = arith.shrui %get3A_230, %shift_right_logical3A_237 : vector<16xi32>
      %swap3A_239 = arith.constant 48 : index
      %swap3A_240 = tpu.vector_load %arg10[%swap3A_239] {strides = array<i32>} : memref<128xi32, #tpu.memory_space<vmem>>, vector<16xi32>,
      tpu.vector_store %arg10[%swap3A_239], %shift_right_logical3A_238 {strides = array<i32>} : memref<128xi32, #tpu.memory_space<vmem>>, vector<16xi32>,
      %get3A_241 = arith.index_cast %add3A_188 : i32 to index
      %get3A_242 = arith.constant 64 : index
      %get3A_243 = tpu.vector_load %arg6[%get3A_241, %get3A_242] {strides = array<i32>} : memref<80x128xi32, #tpu.memory_space<vmem>>, vector<16xi32>,
      %and3A_244 = arith.constant 65535 : i32
      %and3A_245 = vector.broadcast %and3A_244 : i32 to vector<16xi32>
      %and3A_246 = arith.andi %get3A_243, %and3A_245 : vector<16xi32>
      %swap3A_247 = arith.constant 64 : index
      %swap3A_248 = tpu.vector_load %arg8[%swap3A_247] {strides = array<i32>} : memref<128xi32, #tpu.memory_space<vmem>>, vector<16xi32>,
      tpu.vector_store %arg8[%swap3A_247], %and3A_246 {strides = array<i32>} : memref<128xi32, #tpu.memory_space<vmem>>, vector<16xi32>,
      %shift_right_logical3A_249 = arith.constant 16 : i32
      %shift_right_logical3A_250 = vector.broadcast %shift_right_logical3A_249 : i32 to vector<16xi32>
      %shift_right_logical3A_251 = arith.shrui %get3A_243, %shift_right_logical3A_250 : vector<16xi32>
      %swap3A_252 = arith.constant 64 : index
      %swap3A_253 = tpu.vector_load %arg10[%swap3A_252] {strides = array<i32>} : memref<128xi32, #tpu.memory_space<vmem>>, vector<16xi32>,
      tpu.vector_store %arg10[%swap3A_252], %shift_right_logical3A_251 {strides = array<i32>} : memref<128xi32, #tpu.memory_space<vmem>>, vector<16xi32>,
      %get3A_254 = arith.index_cast %add3A_188 : i32 to index
      %get3A_255 = arith.constant 80 : index
      %get3A_256 = tpu.vector_load %arg6[%get3A_254, %get3A_255] {strides = array<i32>} : memref<80x128xi32, #tpu.memory_space<vmem>>, vector<16xi32>,
      %and3A_257 = arith.constant 65535 : i32
      %and3A_258 = vector.broadcast %and3A_257 : i32 to vector<16xi32>
      %and3A_259 = arith.andi %get3A_256, %and3A_258 : vector<16xi32>
      %swap3A_260 = arith.constant 80 : index
      %swap3A_261 = tpu.vector_load %arg8[%swap3A_260] {strides = array<i32>} : memref<128xi32, #tpu.memory_space<vmem>>, vector<16xi32>,
      tpu.vector_store %arg8[%swap3A_260], %and3A_259 {strides = array<i32>} : memref<128xi32, #tpu.memory_space<vmem>>, vector<16xi32>,
      %shift_right_logical3A_262 = arith.constant 16 : i32
      %shift_right_logical3A_263 = vector.broadcast %shift_right_logical3A_262 : i32 to vector<16xi32>
      %shift_right_logical3A_264 = arith.shrui %get3A_256, %shift_right_logical3A_263 : vector<16xi32>
      %swap3A_265 = arith.constant 80 : index
      %swap3A_266 = tpu.vector_load %arg10[%swap3A_265] {strides = array<i32>} : memref<128xi32, #tpu.memory_space<vmem>>, vector<16xi32>,
      tpu.vector_store %arg10[%swap3A_265], %shift_right_logical3A_264 {strides = array<i32>} : memref<128xi32, #tpu.memory_space<vmem>>, vector<16xi32>,
      %get3A_267 = arith.index_cast %add3A_188 : i32 to index
      %get3A_268 = arith.constant 96 : index
      %get3A_269 = tpu.vector_load %arg6[%get3A_267, %get3A_268] {strides = array<i32>} : memref<80x128xi32, #tpu.memory_space<vmem>>, vector<16xi32>,
      %and3A_270 = arith.constant 65535 : i32
      %and3A_271 = vector.broadcast %and3A_270 : i32 to vector<16xi32>
      %and3A_272 = arith.andi %get3A_269, %and3A_271 : vector<16xi32>
      %swap3A_273 = arith.constant 96 : index
      %swap3A_274 = tpu.vector_load %arg8[%swap3A_273] {strides = array<i32>} : memref<128xi32, #tpu.memory_space<vmem>>, vector<16xi32>,
      tpu.vector_store %arg8[%swap3A_273], %and3A_272 {strides = array<i32>} : memref<128xi32, #tpu.memory_space<vmem>>, vector<16xi32>,
      %shift_right_logical3A_275 = arith.constant 16 : i32
      %shift_right_logical3A_276 = vector.broadcast %shift_right_logical3A_275 : i32 to vector<16xi32>
      %shift_right_logical3A_277 = arith.shrui %get3A_269, %shift_right_logical3A_276 : vector<16xi32>
      %swap3A_278 = arith.constant 96 : index
      %swap3A_279 = tpu.vector_load %arg10[%swap3A_278] {strides = array<i32>} : memref<128xi32, #tpu.memory_space<vmem>>, vector<16xi32>,
      tpu.vector_store %arg10[%swap3A_278], %shift_right_logical3A_277 {strides = array<i32>} : memref<128xi32, #tpu.memory_space<vmem>>, vector<16xi32>,
      %get3A_280 = arith.index_cast %add3A_188 : i32 to index
      %get3A_281 = arith.constant 112 : index
      %get3A_282 = tpu.vector_load %arg6[%get3A_280, %get3A_281] {strides = array<i32>} : memref<80x128xi32, #tpu.memory_space<vmem>>, vector<16xi32>,
      %and3A_283 = arith.constant 65535 : i32
      %and3A_284 = vector.broadcast %and3A_283 : i32 to vector<16xi32>
      %and3A_285 = arith.andi %get3A_282, %and3A_284 : vector<16xi32>
      %swap3A_286 = arith.constant 112 : index
      %swap3A_287 = tpu.vector_load %arg8[%swap3A_286] {strides = array<i32>} : memref<128xi32, #tpu.memory_space<vmem>>, vector<16xi32>,
      tpu.vector_store %arg8[%swap3A_286], %and3A_285 {strides = array<i32>} : memref<128xi32, #tpu.memory_space<vmem>>, vector<16xi32>,
      %shift_right_logical3A_288 = arith.constant 16 : i32
      %shift_right_logical3A_289 = vector.broadcast %shift_right_logical3A_288 : i32 to vector<16xi32>
      %shift_right_logical3A_290 = arith.shrui %get3A_282, %shift_right_logical3A_289 : vector<16xi32>
      %swap3A_291 = arith.constant 112 : index
      %swap3A_292 = tpu.vector_load %arg10[%swap3A_291] {strides = array<i32>} : memref<128xi32, #tpu.memory_space<vmem>>, vector<16xi32>,
      tpu.vector_store %arg10[%swap3A_291], %shift_right_logical3A_290 {strides = array<i32>} : memref<128xi32, #tpu.memory_space<vmem>>, vector<16xi32>,
      %mul3A_293 = arith.constant 80 : i32
      %mul3A_294 = arith.muli %add3A, %mul3A_293 : i32
      %add3A_295 = arith.addi %mul3A_294, %add3A_188 : i32
      %dma_start3A_296 = arith.constant 0 : i32
      %dma_start3A_297 = tpu.memref_slice %arg3[%add3A_295, %dma_start3A_296] : memref<2560x128xf32, #tpu.memory_space<hbm>> -> memref<1x128xf32, #tpu.memory_space<hbm>>
      %dma_start3A_298 = tpu.memref_squeeze %dma_start3A_297 : memref<1x128xf32, #tpu.memory_space<hbm>> -> memref<128xf32, #tpu.memory_space<hbm>>
      %dma_start3A_299 = arith.constant 0 : i32
      %dma_start3A_300 = tpu.memref_slice %arg3[%add3A_295, %dma_start3A_299] : memref<2560x128xf32, #tpu.memory_space<hbm>> -> memref<1x128xf32, #tpu.memory_space<hbm>>
      %dma_start3A_301 = tpu.memref_squeeze %dma_start3A_300 : memref<1x128xf32, #tpu.memory_space<hbm>> -> memref<128xf32, #tpu.memory_space<hbm>>
      tpu.enqueue_dma source(%dma_start3A_301 : memref<128xf32, #tpu.memory_space<hbm>>) target(%arg12 : memref<128xf32, #tpu.memory_space<vmem>>) target_semaphore(%arg21 : memref<!tpu.dma_semaphore, #tpu.memory_space<semaphore_mem>>)
      %dma_start3A_302 = arith.constant 0 : i32
      %dma_start3A_303 = arith.constant 0 : i32
      %dma_start3A_304 = tpu.memref_slice %arg4[%dma_start3A_302, %dma_start3A_303] : memref<10000x128xf32, #tpu.memory_space<hbm>> -> memref<10000x128xf32, #tpu.memory_space<hbm>>
      tpu.enqueue_indirect_dma source(%dma_start3A_304 : memref<10000x128xf32, #tpu.memory_space<hbm>>) target(%arg14 : memref<128x128xf32, #tpu.memory_space<vmem>>) offsets(%arg8 : memref<128xi32, #tpu.memory_space<vmem>>) semaphore(%arg17 : memref<!tpu.dma_semaphore, #tpu.memory_space<semaphore_mem>>)
      %mul3A_305 = arith.constant 80 : i32
      %mul3A_306 = arith.muli %add3A, %mul3A_305 : i32
      %add3A_307 = arith.addi %mul3A_306, %mul3A_182 : i32
      %dma_wait3A_308 = arith.constant 0 : i32
      %dma_wait3A_309 = tpu.memref_slice %arg3[%add3A_307, %dma_wait3A_308] : memref<2560x128xf32, #tpu.memory_space<hbm>> -> memref<1x128xf32, #tpu.memory_space<hbm>>
      %dma_wait3A_310 = tpu.memref_squeeze %dma_wait3A_309 : memref<1x128xf32, #tpu.memory_space<hbm>> -> memref<128xf32, #tpu.memory_space<hbm>>
      %dma_wait3A_311 = arith.constant 0 : i32
      %dma_wait3A_312 = tpu.memref_slice %arg3[%add3A_307, %dma_wait3A_311] : memref<2560x128xf32, #tpu.memory_space<hbm>> -> memref<1x128xf32, #tpu.memory_space<hbm>>
      %dma_wait3A_313 = tpu.memref_squeeze %dma_wait3A_312 : memref<1x128xf32, #tpu.memory_space<hbm>> -> memref<128xf32, #tpu.memory_space<hbm>>
      tpu.wait_dma2 semaphore(%arg20 : memref<!tpu.dma_semaphore, #tpu.memory_space<semaphore_mem>>) src(%dma_wait3A_313 : memref<128xf32, #tpu.memory_space<hbm>>) dst(%arg11 : memref<128xf32, #tpu.memory_space<vmem>>)
      %dma_wait3A_314 = arith.constant 0 : i32
      %dma_wait3A_315 = arith.constant 0 : i32
      %dma_wait3A_316 = tpu.memref_slice %arg4[%dma_wait3A_314, %dma_wait3A_315] : memref<10000x128xf32, #tpu.memory_space<hbm>> -> memref<10000x128xf32, #tpu.memory_space<hbm>>
      tpu.wait_indirect_dma semaphore(%arg16 : memref<!tpu.dma_semaphore, #tpu.memory_space<semaphore_mem>>) src(%dma_wait3A_316 : memref<10000x128xf32, #tpu.memory_space<hbm>>) dst(%arg13 : memref<128x128xf32, #tpu.memory_space<vmem>>)
      %scan3A_317 = arith.constant 0 : i32
      %scan3A_318 = arith.constant 32 : i32
      %scan3A_319 = arith.addi %scan3A_317, %scan3A_318 : i32
      %scan3A_320 = arith.constant 1 : i32
      scf.for %scan3A_355 = %scan3A_317 to %scan3A_319 step %scan3A_320  : i32 {
        %mul3A_356 = arith.constant 4 : i32
        %mul3A_357 = arith.muli %scan3A_355, %mul3A_356 : i32
        %add3A_358 = arith.constant 0 : i32
        %add3A_359 = arith.addi %add3A_358, %mul3A_357 : i32
        %add3A_360 = arith.constant 0 : i32
        %add3A_361 = arith.addi %add3A_359, %add3A_360 : i32
        %broadcast_in_dim3A = vector.broadcast %add3A_361 : i32 to vector<16xi32>
        %gather3A = tpu.vector_load_idx %arg11[%broadcast_in_dim3A] : memref<128xf32, #tpu.memory_space<vmem>>[vector<16xi32>], vector<16xf32>,
        %add3A_362 = arith.constant 1 : i32
        %add3A_363 = arith.addi %add3A_359, %add3A_362 : i32
        %broadcast_in_dim3A_364 = vector.broadcast %add3A_363 : i32 to vector<16xi32>
        %gather3A_365 = tpu.vector_load_idx %arg11[%broadcast_in_dim3A_364] : memref<128xf32, #tpu.memory_space<vmem>>[vector<16xi32>], vector<16xf32>,
        %add3A_366 = arith.constant 2 : i32
        %add3A_367 = arith.addi %add3A_359, %add3A_366 : i32
        %broadcast_in_dim3A_368 = vector.broadcast %add3A_367 : i32 to vector<16xi32>
        %gather3A_369 = tpu.vector_load_idx %arg11[%broadcast_in_dim3A_368] : memref<128xf32, #tpu.memory_space<vmem>>[vector<16xi32>], vector<16xf32>,
        %add3A_370 = arith.constant 3 : i32
        %add3A_371 = arith.addi %add3A_359, %add3A_370 : i32
        %broadcast_in_dim3A_372 = vector.broadcast %add3A_371 : i32 to vector<16xi32>
        %gather3A_373 = tpu.vector_load_idx %arg11[%broadcast_in_dim3A_372] : memref<128xf32, #tpu.memory_space<vmem>>[vector<16xi32>], vector<16xf32>,
        %add3A_374 = arith.constant 0 : i32
        %add3A_375 = arith.addi %add3A_359, %add3A_374 : i32
        %get3A_376 = arith.index_cast %add3A_375 : i32 to index
        %get3A_377 = arith.constant 0 : index
        %get3A_378 = tpu.vector_load %arg13[%get3A_376, %get3A_377] {strides = array<i32>} : memref<128x128xf32, #tpu.memory_space<vmem>>, vector<16xf32>,
        %mul3A_379 = arith.mulf %get3A_378, %gather3A : vector<16xf32>
        %add3A_380 = arith.constant 0 : i32
        %add3A_381 = arith.addi %add3A_359, %add3A_380 : i32
        %get3A_382 = arith.index_cast %add3A_381 : i32 to index
        %get3A_383 = arith.constant 16 : index
        %get3A_384 = tpu.vector_load %arg13[%get3A_382, %get3A_383] {strides = array<i32>} : memref<128x128xf32, #tpu.memory_space<vmem>>, vector<16xf32>,
        %mul3A_385 = arith.mulf %get3A_384, %gather3A : vector<16xf32>
        %add3A_386 = arith.constant 0 : i32
        %add3A_387 = arith.addi %add3A_359, %add3A_386 : i32
        %get3A_388 = arith.index_cast %add3A_387 : i32 to index
        %get3A_389 = arith.constant 32 : index
        %get3A_390 = tpu.vector_load %arg13[%get3A_388, %get3A_389] {strides = array<i32>} : memref<128x128xf32, #tpu.memory_space<vmem>>, vector<16xf32>,
        %mul3A_391 = arith.mulf %get3A_390, %gather3A : vector<16xf32>
        %add3A_392 = arith.constant 0 : i32
        %add3A_393 = arith.addi %add3A_359, %add3A_392 : i32
        %get3A_394 = arith.index_cast %add3A_393 : i32 to index
        %get3A_395 = arith.constant 48 : index
        %get3A_396 = tpu.vector_load %arg13[%get3A_394, %get3A_395] {strides = array<i32>} : memref<128x128xf32, #tpu.memory_space<vmem>>, vector<16xf32>,
        %mul3A_397 = arith.mulf %get3A_396, %gather3A : vector<16xf32>
        %add3A_398 = arith.constant 0 : i32
        %add3A_399 = arith.addi %add3A_359, %add3A_398 : i32
        %get3A_400 = arith.index_cast %add3A_399 : i32 to index
        %get3A_401 = arith.constant 64 : index
        %get3A_402 = tpu.vector_load %arg13[%get3A_400, %get3A_401] {strides = array<i32>} : memref<128x128xf32, #tpu.memory_space<vmem>>, vector<16xf32>,
        %mul3A_403 = arith.mulf %get3A_402, %gather3A : vector<16xf32>
        %add3A_404 = arith.constant 0 : i32
        %add3A_405 = arith.addi %add3A_359, %add3A_404 : i32
        %get3A_406 = arith.index_cast %add3A_405 : i32 to index
        %get3A_407 = arith.constant 80 : index
        %get3A_408 = tpu.vector_load %arg13[%get3A_406, %get3A_407] {strides = array<i32>} : memref<128x128xf32, #tpu.memory_space<vmem>>, vector<16xf32>,
        %mul3A_409 = arith.mulf %get3A_408, %gather3A : vector<16xf32>
        %add3A_410 = arith.constant 0 : i32
        %add3A_411 = arith.addi %add3A_359, %add3A_410 : i32
        %get3A_412 = arith.index_cast %add3A_411 : i32 to index
        %get3A_413 = arith.constant 96 : index
        %get3A_414 = tpu.vector_load %arg13[%get3A_412, %get3A_413] {strides = array<i32>} : memref<128x128xf32, #tpu.memory_space<vmem>>, vector<16xf32>,
        %mul3A_415 = arith.mulf %get3A_414, %gather3A : vector<16xf32>
        %add3A_416 = arith.constant 0 : i32
        %add3A_417 = arith.addi %add3A_359, %add3A_416 : i32
        %get3A_418 = arith.index_cast %add3A_417 : i32 to index
        %get3A_419 = arith.constant 112 : index
        %get3A_420 = tpu.vector_load %arg13[%get3A_418, %get3A_419] {strides = array<i32>} : memref<128x128xf32, #tpu.memory_space<vmem>>, vector<16xf32>,
        %mul3A_421 = arith.mulf %get3A_420, %gather3A : vector<16xf32>
        %add3A_422 = arith.constant 1 : i32
        %add3A_423 = arith.addi %add3A_359, %add3A_422 : i32
        %get3A_424 = arith.index_cast %add3A_423 : i32 to index
        %get3A_425 = arith.constant 0 : index
        %get3A_426 = tpu.vector_load %arg13[%get3A_424, %get3A_425] {strides = array<i32>} : memref<128x128xf32, #tpu.memory_space<vmem>>, vector<16xf32>,
        %mul3A_427 = arith.mulf %get3A_426, %gather3A_365 : vector<16xf32>
        %add3A_428 = arith.constant 1 : i32
        %add3A_429 = arith.addi %add3A_359, %add3A_428 : i32
        %get3A_430 = arith.index_cast %add3A_429 : i32 to index
        %get3A_431 = arith.constant 16 : index
        %get3A_432 = tpu.vector_load %arg13[%get3A_430, %get3A_431] {strides = array<i32>} : memref<128x128xf32, #tpu.memory_space<vmem>>, vector<16xf32>,
        %mul3A_433 = arith.mulf %get3A_432, %gather3A_365 : vector<16xf32>
        %add3A_434 = arith.constant 1 : i32
        %add3A_435 = arith.addi %add3A_359, %add3A_434 : i32
        %get3A_436 = arith.index_cast %add3A_435 : i32 to index
        %get3A_437 = arith.constant 32 : index
        %get3A_438 = tpu.vector_load %arg13[%get3A_436, %get3A_437] {strides = array<i32>} : memref<128x128xf32, #tpu.memory_space<vmem>>, vector<16xf32>,
        %mul3A_439 = arith.mulf %get3A_438, %gather3A_365 : vector<16xf32>
        %add3A_440 = arith.constant 1 : i32
        %add3A_441 = arith.addi %add3A_359, %add3A_440 : i32
        %get3A_442 = arith.index_cast %add3A_441 : i32 to index
        %get3A_443 = arith.constant 48 : index
        %get3A_444 = tpu.vector_load %arg13[%get3A_442, %get3A_443] {strides = array<i32>} : memref<128x128xf32, #tpu.memory_space<vmem>>, vector<16xf32>,
        %mul3A_445 = arith.mulf %get3A_444, %gather3A_365 : vector<16xf32>
        %add3A_446 = arith.constant 1 : i32
        %add3A_447 = arith.addi %add3A_359, %add3A_446 : i32
        %get3A_448 = arith.index_cast %add3A_447 : i32 to index
        %get3A_449 = arith.constant 64 : index
        %get3A_450 = tpu.vector_load %arg13[%get3A_448, %get3A_449] {strides = array<i32>} : memref<128x128xf32, #tpu.memory_space<vmem>>, vector<16xf32>,
        %mul3A_451 = arith.mulf %get3A_450, %gather3A_365 : vector<16xf32>
        %add3A_452 = arith.constant 1 : i32
        %add3A_453 = arith.addi %add3A_359, %add3A_452 : i32
        %get3A_454 = arith.index_cast %add3A_453 : i32 to index
        %get3A_455 = arith.constant 80 : index
        %get3A_456 = tpu.vector_load %arg13[%get3A_454, %get3A_455] {strides = array<i32>} : memref<128x128xf32, #tpu.memory_space<vmem>>, vector<16xf32>,
        %mul3A_457 = arith.mulf %get3A_456, %gather3A_365 : vector<16xf32>
        %add3A_458 = arith.constant 1 : i32
        %add3A_459 = arith.addi %add3A_359, %add3A_458 : i32
        %get3A_460 = arith.index_cast %add3A_459 : i32 to index
        %get3A_461 = arith.constant 96 : index
        %get3A_462 = tpu.vector_load %arg13[%get3A_460, %get3A_461] {strides = array<i32>} : memref<128x128xf32, #tpu.memory_space<vmem>>, vector<16xf32>,
        %mul3A_463 = arith.mulf %get3A_462, %gather3A_365 : vector<16xf32>
        %add3A_464 = arith.constant 1 : i32
        %add3A_465 = arith.addi %add3A_359, %add3A_464 : i32
        %get3A_466 = arith.index_cast %add3A_465 : i32 to index
        %get3A_467 = arith.constant 112 : index
        %get3A_468 = tpu.vector_load %arg13[%get3A_466, %get3A_467] {strides = array<i32>} : memref<128x128xf32, #tpu.memory_space<vmem>>, vector<16xf32>,
        %mul3A_469 = arith.mulf %get3A_468, %gather3A_365 : vector<16xf32>
        %add3A_470 = arith.constant 2 : i32
        %add3A_471 = arith.addi %add3A_359, %add3A_470 : i32
        %get3A_472 = arith.index_cast %add3A_471 : i32 to index
        %get3A_473 = arith.constant 0 : index
        %get3A_474 = tpu.vector_load %arg13[%get3A_472, %get3A_473] {strides = array<i32>} : memref<128x128xf32, #tpu.memory_space<vmem>>, vector<16xf32>,
        %mul3A_475 = arith.mulf %get3A_474, %gather3A_369 : vector<16xf32>
        %add3A_476 = arith.constant 2 : i32
        %add3A_477 = arith.addi %add3A_359, %add3A_476 : i32
        %get3A_478 = arith.index_cast %add3A_477 : i32 to index
        %get3A_479 = arith.constant 16 : index
        %get3A_480 = tpu.vector_load %arg13[%get3A_478, %get3A_479] {strides = array<i32>} : memref<128x128xf32, #tpu.memory_space<vmem>>, vector<16xf32>,
        %mul3A_481 = arith.mulf %get3A_480, %gather3A_369 : vector<16xf32>
        %add3A_482 = arith.constant 2 : i32
        %add3A_483 = arith.addi %add3A_359, %add3A_482 : i32
        %get3A_484 = arith.index_cast %add3A_483 : i32 to index
        %get3A_485 = arith.constant 32 : index
        %get3A_486 = tpu.vector_load %arg13[%get3A_484, %get3A_485] {strides = array<i32>} : memref<128x128xf32, #tpu.memory_space<vmem>>, vector<16xf32>,
        %mul3A_487 = arith.mulf %get3A_486, %gather3A_369 : vector<16xf32>
        %add3A_488 = arith.constant 2 : i32
        %add3A_489 = arith.addi %add3A_359, %add3A_488 : i32
        %get3A_490 = arith.index_cast %add3A_489 : i32 to index
        %get3A_491 = arith.constant 48 : index
        %get3A_492 = tpu.vector_load %arg13[%get3A_490, %get3A_491] {strides = array<i32>} : memref<128x128xf32, #tpu.memory_space<vmem>>, vector<16xf32>,
        %mul3A_493 = arith.mulf %get3A_492, %gather3A_369 : vector<16xf32>
        %add3A_494 = arith.constant 2 : i32
        %add3A_495 = arith.addi %add3A_359, %add3A_494 : i32
        %get3A_496 = arith.index_cast %add3A_495 : i32 to index
        %get3A_497 = arith.constant 64 : index
        %get3A_498 = tpu.vector_load %arg13[%get3A_496, %get3A_497] {strides = array<i32>} : memref<128x128xf32, #tpu.memory_space<vmem>>, vector<16xf32>,
        %mul3A_499 = arith.mulf %get3A_498, %gather3A_369 : vector<16xf32>
        %add3A_500 = arith.constant 2 : i32
        %add3A_501 = arith.addi %add3A_359, %add3A_500 : i32
        %get3A_502 = arith.index_cast %add3A_501 : i32 to index
        %get3A_503 = arith.constant 80 : index
        %get3A_504 = tpu.vector_load %arg13[%get3A_502, %get3A_503] {strides = array<i32>} : memref<128x128xf32, #tpu.memory_space<vmem>>, vector<16xf32>,
        %mul3A_505 = arith.mulf %get3A_504, %gather3A_369 : vector<16xf32>
        %add3A_506 = arith.constant 2 : i32
        %add3A_507 = arith.addi %add3A_359, %add3A_506 : i32
        %get3A_508 = arith.index_cast %add3A_507 : i32 to index
        %get3A_509 = arith.constant 96 : index
        %get3A_510 = tpu.vector_load %arg13[%get3A_508, %get3A_509] {strides = array<i32>} : memref<128x128xf32, #tpu.memory_space<vmem>>, vector<16xf32>,
        %mul3A_511 = arith.mulf %get3A_510, %gather3A_369 : vector<16xf32>
        %add3A_512 = arith.constant 2 : i32
        %add3A_513 = arith.addi %add3A_359, %add3A_512 : i32
        %get3A_514 = arith.index_cast %add3A_513 : i32 to index
        %get3A_515 = arith.constant 112 : index
        %get3A_516 = tpu.vector_load %arg13[%get3A_514, %get3A_515] {strides = array<i32>} : memref<128x128xf32, #tpu.memory_space<vmem>>, vector<16xf32>,
        %mul3A_517 = arith.mulf %get3A_516, %gather3A_369 : vector<16xf32>
        %add3A_518 = arith.constant 3 : i32
        %add3A_519 = arith.addi %add3A_359, %add3A_518 : i32
        %get3A_520 = arith.index_cast %add3A_519 : i32 to index
        %get3A_521 = arith.constant 0 : index
        %get3A_522 = tpu.vector_load %arg13[%get3A_520, %get3A_521] {strides = array<i32>} : memref<128x128xf32, #tpu.memory_space<vmem>>, vector<16xf32>,
        %mul3A_523 = arith.mulf %get3A_522, %gather3A_373 : vector<16xf32>
        %add3A_524 = arith.constant 3 : i32
        %add3A_525 = arith.addi %add3A_359, %add3A_524 : i32
        %get3A_526 = arith.index_cast %add3A_525 : i32 to index
        %get3A_527 = arith.constant 16 : index
        %get3A_528 = tpu.vector_load %arg13[%get3A_526, %get3A_527] {strides = array<i32>} : memref<128x128xf32, #tpu.memory_space<vmem>>, vector<16xf32>,
        %mul3A_529 = arith.mulf %get3A_528, %gather3A_373 : vector<16xf32>
        %add3A_530 = arith.constant 3 : i32
        %add3A_531 = arith.addi %add3A_359, %add3A_530 : i32
        %get3A_532 = arith.index_cast %add3A_531 : i32 to index
        %get3A_533 = arith.constant 32 : index
        %get3A_534 = tpu.vector_load %arg13[%get3A_532, %get3A_533] {strides = array<i32>} : memref<128x128xf32, #tpu.memory_space<vmem>>, vector<16xf32>,
        %mul3A_535 = arith.mulf %get3A_534, %gather3A_373 : vector<16xf32>
        %add3A_536 = arith.constant 3 : i32
        %add3A_537 = arith.addi %add3A_359, %add3A_536 : i32
        %get3A_538 = arith.index_cast %add3A_537 : i32 to index
        %get3A_539 = arith.constant 48 : index
        %get3A_540 = tpu.vector_load %arg13[%get3A_538, %get3A_539] {strides = array<i32>} : memref<128x128xf32, #tpu.memory_space<vmem>>, vector<16xf32>,
        %mul3A_541 = arith.mulf %get3A_540, %gather3A_373 : vector<16xf32>
        %add3A_542 = arith.constant 3 : i32
        %add3A_543 = arith.addi %add3A_359, %add3A_542 : i32
        %get3A_544 = arith.index_cast %add3A_543 : i32 to index
        %get3A_545 = arith.constant 64 : index
        %get3A_546 = tpu.vector_load %arg13[%get3A_544, %get3A_545] {strides = array<i32>} : memref<128x128xf32, #tpu.memory_space<vmem>>, vector<16xf32>,
        %mul3A_547 = arith.mulf %get3A_546, %gather3A_373 : vector<16xf32>
        %add3A_548 = arith.constant 3 : i32
        %add3A_549 = arith.addi %add3A_359, %add3A_548 : i32
        %get3A_550 = arith.index_cast %add3A_549 : i32 to index
        %get3A_551 = arith.constant 80 : index
        %get3A_552 = tpu.vector_load %arg13[%get3A_550, %get3A_551] {strides = array<i32>} : memref<128x128xf32, #tpu.memory_space<vmem>>, vector<16xf32>,
        %mul3A_553 = arith.mulf %get3A_552, %gather3A_373 : vector<16xf32>
        %add3A_554 = arith.constant 3 : i32
        %add3A_555 = arith.addi %add3A_359, %add3A_554 : i32
        %get3A_556 = arith.index_cast %add3A_555 : i32 to index
        %get3A_557 = arith.constant 96 : index
        %get3A_558 = tpu.vector_load %arg13[%get3A_556, %get3A_557] {strides = array<i32>} : memref<128x128xf32, #tpu.memory_space<vmem>>, vector<16xf32>,
        %mul3A_559 = arith.mulf %get3A_558, %gather3A_373 : vector<16xf32>
        %add3A_560 = arith.constant 3 : i32
        %add3A_561 = arith.addi %add3A_359, %add3A_560 : i32
        %get3A_562 = arith.index_cast %add3A_561 : i32 to index
        %get3A_563 = arith.constant 112 : index
        %get3A_564 = tpu.vector_load %arg13[%get3A_562, %get3A_563] {strides = array<i32>} : memref<128x128xf32, #tpu.memory_space<vmem>>, vector<16xf32>,
        %mul3A_565 = arith.mulf %get3A_564, %gather3A_373 : vector<16xf32>
        %add3A_566 = arith.constant 0 : i32
        %add3A_567 = arith.addi %add3A_359, %add3A_566 : i32
        %swap3A_568 = arith.index_cast %add3A_567 : i32 to index
        %swap3A_569 = arith.constant 0 : index
        %swap3A_570 = tpu.vector_load %arg13[%swap3A_568, %swap3A_569] {strides = array<i32>} : memref<128x128xf32, #tpu.memory_space<vmem>>, vector<16xf32>,
        tpu.vector_store %arg13[%swap3A_568, %swap3A_569], %mul3A_379 {strides = array<i32>} : memref<128x128xf32, #tpu.memory_space<vmem>>, vector<16xf32>,
        %add3A_571 = arith.constant 0 : i32
        %add3A_572 = arith.addi %add3A_359, %add3A_571 : i32
        %swap3A_573 = arith.index_cast %add3A_572 : i32 to index
        %swap3A_574 = arith.constant 16 : index
        %swap3A_575 = tpu.vector_load %arg13[%swap3A_573, %swap3A_574] {strides = array<i32>} : memref<128x128xf32, #tpu.memory_space<vmem>>, vector<16xf32>,
        tpu.vector_store %arg13[%swap3A_573, %swap3A_574], %mul3A_385 {strides = array<i32>} : memref<128x128xf32, #tpu.memory_space<vmem>>, vector<16xf32>,
        %add3A_576 = arith.constant 0 : i32
        %add3A_577 = arith.addi %add3A_359, %add3A_576 : i32
        %swap3A_578 = arith.index_cast %add3A_577 : i32 to index
        %swap3A_579 = arith.constant 32 : index
        %swap3A_580 = tpu.vector_load %arg13[%swap3A_578, %swap3A_579] {strides = array<i32>} : memref<128x128xf32, #tpu.memory_space<vmem>>, vector<16xf32>,
        tpu.vector_store %arg13[%swap3A_578, %swap3A_579], %mul3A_391 {strides = array<i32>} : memref<128x128xf32, #tpu.memory_space<vmem>>, vector<16xf32>,
        %add3A_581 = arith.constant 0 : i32
        %add3A_582 = arith.addi %add3A_359, %add3A_581 : i32
        %swap3A_583 = arith.index_cast %add3A_582 : i32 to index
        %swap3A_584 = arith.constant 48 : index
        %swap3A_585 = tpu.vector_load %arg13[%swap3A_583, %swap3A_584] {strides = array<i32>} : memref<128x128xf32, #tpu.memory_space<vmem>>, vector<16xf32>,
        tpu.vector_store %arg13[%swap3A_583, %swap3A_584], %mul3A_397 {strides = array<i32>} : memref<128x128xf32, #tpu.memory_space<vmem>>, vector<16xf32>,
        %add3A_586 = arith.constant 0 : i32
        %add3A_587 = arith.addi %add3A_359, %add3A_586 : i32
        %swap3A_588 = arith.index_cast %add3A_587 : i32 to index
        %swap3A_589 = arith.constant 64 : index
        %swap3A_590 = tpu.vector_load %arg13[%swap3A_588, %swap3A_589] {strides = array<i32>} : memref<128x128xf32, #tpu.memory_space<vmem>>, vector<16xf32>,
        tpu.vector_store %arg13[%swap3A_588, %swap3A_589], %mul3A_403 {strides = array<i32>} : memref<128x128xf32, #tpu.memory_space<vmem>>, vector<16xf32>,
        %add3A_591 = arith.constant 0 : i32
        %add3A_592 = arith.addi %add3A_359, %add3A_591 : i32
        %swap3A_593 = arith.index_cast %add3A_592 : i32 to index
        %swap3A_594 = arith.constant 80 : index
        %swap3A_595 = tpu.vector_load %arg13[%swap3A_593, %swap3A_594] {strides = array<i32>} : memref<128x128xf32, #tpu.memory_space<vmem>>, vector<16xf32>,
        tpu.vector_store %arg13[%swap3A_593, %swap3A_594], %mul3A_409 {strides = array<i32>} : memref<128x128xf32, #tpu.memory_space<vmem>>, vector<16xf32>,
        %add3A_596 = arith.constant 0 : i32
        %add3A_597 = arith.addi %add3A_359, %add3A_596 : i32
        %swap3A_598 = arith.index_cast %add3A_597 : i32 to index
        %swap3A_599 = arith.constant 96 : index
        %swap3A_600 = tpu.vector_load %arg13[%swap3A_598, %swap3A_599] {strides = array<i32>} : memref<128x128xf32, #tpu.memory_space<vmem>>, vector<16xf32>,
        tpu.vector_store %arg13[%swap3A_598, %swap3A_599], %mul3A_415 {strides = array<i32>} : memref<128x128xf32, #tpu.memory_space<vmem>>, vector<16xf32>,
        %add3A_601 = arith.constant 0 : i32
        %add3A_602 = arith.addi %add3A_359, %add3A_601 : i32
        %swap3A_603 = arith.index_cast %add3A_602 : i32 to index
        %swap3A_604 = arith.constant 112 : index
        %swap3A_605 = tpu.vector_load %arg13[%swap3A_603, %swap3A_604] {strides = array<i32>} : memref<128x128xf32, #tpu.memory_space<vmem>>, vector<16xf32>,
        tpu.vector_store %arg13[%swap3A_603, %swap3A_604], %mul3A_421 {strides = array<i32>} : memref<128x128xf32, #tpu.memory_space<vmem>>, vector<16xf32>,
        %add3A_606 = arith.constant 1 : i32
        %add3A_607 = arith.addi %add3A_359, %add3A_606 : i32
        %swap3A_608 = arith.index_cast %add3A_607 : i32 to index
        %swap3A_609 = arith.constant 0 : index
        %swap3A_610 = tpu.vector_load %arg13[%swap3A_608, %swap3A_609] {strides = array<i32>} : memref<128x128xf32, #tpu.memory_space<vmem>>, vector<16xf32>,
        tpu.vector_store %arg13[%swap3A_608, %swap3A_609], %mul3A_427 {strides = array<i32>} : memref<128x128xf32, #tpu.memory_space<vmem>>, vector<16xf32>,
        %add3A_611 = arith.constant 1 : i32
        %add3A_612 = arith.addi %add3A_359, %add3A_611 : i32
        %swap3A_613 = arith.index_cast %add3A_612 : i32 to index
        %swap3A_614 = arith.constant 16 : index
        %swap3A_615 = tpu.vector_load %arg13[%swap3A_613, %swap3A_614] {strides = array<i32>} : memref<128x128xf32, #tpu.memory_space<vmem>>, vector<16xf32>,
        tpu.vector_store %arg13[%swap3A_613, %swap3A_614], %mul3A_433 {strides = array<i32>} : memref<128x128xf32, #tpu.memory_space<vmem>>, vector<16xf32>,
        %add3A_616 = arith.constant 1 : i32
        %add3A_617 = arith.addi %add3A_359, %add3A_616 : i32
        %swap3A_618 = arith.index_cast %add3A_617 : i32 to index
        %swap3A_619 = arith.constant 32 : index
        %swap3A_620 = tpu.vector_load %arg13[%swap3A_618, %swap3A_619] {strides = array<i32>} : memref<128x128xf32, #tpu.memory_space<vmem>>, vector<16xf32>,
        tpu.vector_store %arg13[%swap3A_618, %swap3A_619], %mul3A_439 {strides = array<i32>} : memref<128x128xf32, #tpu.memory_space<vmem>>, vector<16xf32>,
        %add3A_621 = arith.constant 1 : i32
        %add3A_622 = arith.addi %add3A_359, %add3A_621 : i32
        %swap3A_623 = arith.index_cast %add3A_622 : i32 to index
        %swap3A_624 = arith.constant 48 : index
        %swap3A_625 = tpu.vector_load %arg13[%swap3A_623, %swap3A_624] {strides = array<i32>} : memref<128x128xf32, #tpu.memory_space<vmem>>, vector<16xf32>,
        tpu.vector_store %arg13[%swap3A_623, %swap3A_624], %mul3A_445 {strides = array<i32>} : memref<128x128xf32, #tpu.memory_space<vmem>>, vector<16xf32>,
        %add3A_626 = arith.constant 1 : i32
        %add3A_627 = arith.addi %add3A_359, %add3A_626 : i32
        %swap3A_628 = arith.index_cast %add3A_627 : i32 to index
        %swap3A_629 = arith.constant 64 : index
        %swap3A_630 = tpu.vector_load %arg13[%swap3A_628, %swap3A_629] {strides = array<i32>} : memref<128x128xf32, #tpu.memory_space<vmem>>, vector<16xf32>,
        tpu.vector_store %arg13[%swap3A_628, %swap3A_629], %mul3A_451 {strides = array<i32>} : memref<128x128xf32, #tpu.memory_space<vmem>>, vector<16xf32>,
        %add3A_631 = arith.constant 1 : i32
        %add3A_632 = arith.addi %add3A_359, %add3A_631 : i32
        %swap3A_633 = arith.index_cast %add3A_632 : i32 to index
        %swap3A_634 = arith.constant 80 : index
        %swap3A_635 = tpu.vector_load %arg13[%swap3A_633, %swap3A_634] {strides = array<i32>} : memref<128x128xf32, #tpu.memory_space<vmem>>, vector<16xf32>,
        tpu.vector_store %arg13[%swap3A_633, %swap3A_634], %mul3A_457 {strides = array<i32>} : memref<128x128xf32, #tpu.memory_space<vmem>>, vector<16xf32>,
        %add3A_636 = arith.constant 1 : i32
        %add3A_637 = arith.addi %add3A_359, %add3A_636 : i32
        %swap3A_638 = arith.index_cast %add3A_637 : i32 to index
        %swap3A_639 = arith.constant 96 : index
        %swap3A_640 = tpu.vector_load %arg13[%swap3A_638, %swap3A_639] {strides = array<i32>} : memref<128x128xf32, #tpu.memory_space<vmem>>, vector<16xf32>,
        tpu.vector_store %arg13[%swap3A_638, %swap3A_639], %mul3A_463 {strides = array<i32>} : memref<128x128xf32, #tpu.memory_space<vmem>>, vector<16xf32>,
        %add3A_641 = arith.constant 1 : i32
        %add3A_642 = arith.addi %add3A_359, %add3A_641 : i32
        %swap3A_643 = arith.index_cast %add3A_642 : i32 to index
        %swap3A_644 = arith.constant 112 : index
        %swap3A_645 = tpu.vector_load %arg13[%swap3A_643, %swap3A_644] {strides = array<i32>} : memref<128x128xf32, #tpu.memory_space<vmem>>, vector<16xf32>,
        tpu.vector_store %arg13[%swap3A_643, %swap3A_644], %mul3A_469 {strides = array<i32>} : memref<128x128xf32, #tpu.memory_space<vmem>>, vector<16xf32>,
        %add3A_646 = arith.constant 2 : i32
        %add3A_647 = arith.addi %add3A_359, %add3A_646 : i32
        %swap3A_648 = arith.index_cast %add3A_647 : i32 to index
        %swap3A_649 = arith.constant 0 : index
        %swap3A_650 = tpu.vector_load %arg13[%swap3A_648, %swap3A_649] {strides = array<i32>} : memref<128x128xf32, #tpu.memory_space<vmem>>, vector<16xf32>,
        tpu.vector_store %arg13[%swap3A_648, %swap3A_649], %mul3A_475 {strides = array<i32>} : memref<128x128xf32, #tpu.memory_space<vmem>>, vector<16xf32>,
        %add3A_651 = arith.constant 2 : i32
        %add3A_652 = arith.addi %add3A_359, %add3A_651 : i32
        %swap3A_653 = arith.index_cast %add3A_652 : i32 to index
        %swap3A_654 = arith.constant 16 : index
        %swap3A_655 = tpu.vector_load %arg13[%swap3A_653, %swap3A_654] {strides = array<i32>} : memref<128x128xf32, #tpu.memory_space<vmem>>, vector<16xf32>,
        tpu.vector_store %arg13[%swap3A_653, %swap3A_654], %mul3A_481 {strides = array<i32>} : memref<128x128xf32, #tpu.memory_space<vmem>>, vector<16xf32>,
        %add3A_656 = arith.constant 2 : i32
        %add3A_657 = arith.addi %add3A_359, %add3A_656 : i32
        %swap3A_658 = arith.index_cast %add3A_657 : i32 to index
        %swap3A_659 = arith.constant 32 : index
        %swap3A_660 = tpu.vector_load %arg13[%swap3A_658, %swap3A_659] {strides = array<i32>} : memref<128x128xf32, #tpu.memory_space<vmem>>, vector<16xf32>,
        tpu.vector_store %arg13[%swap3A_658, %swap3A_659], %mul3A_487 {strides = array<i32>} : memref<128x128xf32, #tpu.memory_space<vmem>>, vector<16xf32>,
        %add3A_661 = arith.constant 2 : i32
        %add3A_662 = arith.addi %add3A_359, %add3A_661 : i32
        %swap3A_663 = arith.index_cast %add3A_662 : i32 to index
        %swap3A_664 = arith.constant 48 : index
        %swap3A_665 = tpu.vector_load %arg13[%swap3A_663, %swap3A_664] {strides = array<i32>} : memref<128x128xf32, #tpu.memory_space<vmem>>, vector<16xf32>,
        tpu.vector_store %arg13[%swap3A_663, %swap3A_664], %mul3A_493 {strides = array<i32>} : memref<128x128xf32, #tpu.memory_space<vmem>>, vector<16xf32>,
        %add3A_666 = arith.constant 2 : i32
        %add3A_667 = arith.addi %add3A_359, %add3A_666 : i32
        %swap3A_668 = arith.index_cast %add3A_667 : i32 to index
        %swap3A_669 = arith.constant 64 : index
        %swap3A_670 = tpu.vector_load %arg13[%swap3A_668, %swap3A_669] {strides = array<i32>} : memref<128x128xf32, #tpu.memory_space<vmem>>, vector<16xf32>,
        tpu.vector_store %arg13[%swap3A_668, %swap3A_669], %mul3A_499 {strides = array<i32>} : memref<128x128xf32, #tpu.memory_space<vmem>>, vector<16xf32>,
        %add3A_671 = arith.constant 2 : i32
        %add3A_672 = arith.addi %add3A_359, %add3A_671 : i32
        %swap3A_673 = arith.index_cast %add3A_672 : i32 to index
        %swap3A_674 = arith.constant 80 : index
        %swap3A_675 = tpu.vector_load %arg13[%swap3A_673, %swap3A_674] {strides = array<i32>} : memref<128x128xf32, #tpu.memory_space<vmem>>, vector<16xf32>,
        tpu.vector_store %arg13[%swap3A_673, %swap3A_674], %mul3A_505 {strides = array<i32>} : memref<128x128xf32, #tpu.memory_space<vmem>>, vector<16xf32>,
        %add3A_676 = arith.constant 2 : i32
        %add3A_677 = arith.addi %add3A_359, %add3A_676 : i32
        %swap3A_678 = arith.index_cast %add3A_677 : i32 to index
        %swap3A_679 = arith.constant 96 : index
        %swap3A_680 = tpu.vector_load %arg13[%swap3A_678, %swap3A_679] {strides = array<i32>} : memref<128x128xf32, #tpu.memory_space<vmem>>, vector<16xf32>,
        tpu.vector_store %arg13[%swap3A_678, %swap3A_679], %mul3A_511 {strides = array<i32>} : memref<128x128xf32, #tpu.memory_space<vmem>>, vector<16xf32>,
        %add3A_681 = arith.constant 2 : i32
        %add3A_682 = arith.addi %add3A_359, %add3A_681 : i32
        %swap3A_683 = arith.index_cast %add3A_682 : i32 to index
        %swap3A_684 = arith.constant 112 : index
        %swap3A_685 = tpu.vector_load %arg13[%swap3A_683, %swap3A_684] {strides = array<i32>} : memref<128x128xf32, #tpu.memory_space<vmem>>, vector<16xf32>,
        tpu.vector_store %arg13[%swap3A_683, %swap3A_684], %mul3A_517 {strides = array<i32>} : memref<128x128xf32, #tpu.memory_space<vmem>>, vector<16xf32>,
        %add3A_686 = arith.constant 3 : i32
        %add3A_687 = arith.addi %add3A_359, %add3A_686 : i32
        %swap3A_688 = arith.index_cast %add3A_687 : i32 to index
        %swap3A_689 = arith.constant 0 : index
        %swap3A_690 = tpu.vector_load %arg13[%swap3A_688, %swap3A_689] {strides = array<i32>} : memref<128x128xf32, #tpu.memory_space<vmem>>, vector<16xf32>,
        tpu.vector_store %arg13[%swap3A_688, %swap3A_689], %mul3A_523 {strides = array<i32>} : memref<128x128xf32, #tpu.memory_space<vmem>>, vector<16xf32>,
        %add3A_691 = arith.constant 3 : i32
        %add3A_692 = arith.addi %add3A_359, %add3A_691 : i32
        %swap3A_693 = arith.index_cast %add3A_692 : i32 to index
        %swap3A_694 = arith.constant 16 : index
        %swap3A_695 = tpu.vector_load %arg13[%swap3A_693, %swap3A_694] {strides = array<i32>} : memref<128x128xf32, #tpu.memory_space<vmem>>, vector<16xf32>,
        tpu.vector_store %arg13[%swap3A_693, %swap3A_694], %mul3A_529 {strides = array<i32>} : memref<128x128xf32, #tpu.memory_space<vmem>>, vector<16xf32>,
        %add3A_696 = arith.constant 3 : i32
        %add3A_697 = arith.addi %add3A_359, %add3A_696 : i32
        %swap3A_698 = arith.index_cast %add3A_697 : i32 to index
        %swap3A_699 = arith.constant 32 : index
        %swap3A_700 = tpu.vector_load %arg13[%swap3A_698, %swap3A_699] {strides = array<i32>} : memref<128x128xf32, #tpu.memory_space<vmem>>, vector<16xf32>,
        tpu.vector_store %arg13[%swap3A_698, %swap3A_699], %mul3A_535 {strides = array<i32>} : memref<128x128xf32, #tpu.memory_space<vmem>>, vector<16xf32>,
        %add3A_701 = arith.constant 3 : i32
        %add3A_702 = arith.addi %add3A_359, %add3A_701 : i32
        %swap3A_703 = arith.index_cast %add3A_702 : i32 to index
        %swap3A_704 = arith.constant 48 : index
        %swap3A_705 = tpu.vector_load %arg13[%swap3A_703, %swap3A_704] {strides = array<i32>} : memref<128x128xf32, #tpu.memory_space<vmem>>, vector<16xf32>,
        tpu.vector_store %arg13[%swap3A_703, %swap3A_704], %mul3A_541 {strides = array<i32>} : memref<128x128xf32, #tpu.memory_space<vmem>>, vector<16xf32>,
        %add3A_706 = arith.constant 3 : i32
        %add3A_707 = arith.addi %add3A_359, %add3A_706 : i32
        %swap3A_708 = arith.index_cast %add3A_707 : i32 to index
        %swap3A_709 = arith.constant 64 : index
        %swap3A_710 = tpu.vector_load %arg13[%swap3A_708, %swap3A_709] {strides = array<i32>} : memref<128x128xf32, #tpu.memory_space<vmem>>, vector<16xf32>,
        tpu.vector_store %arg13[%swap3A_708, %swap3A_709], %mul3A_547 {strides = array<i32>} : memref<128x128xf32, #tpu.memory_space<vmem>>, vector<16xf32>,
        %add3A_711 = arith.constant 3 : i32
        %add3A_712 = arith.addi %add3A_359, %add3A_711 : i32
        %swap3A_713 = arith.index_cast %add3A_712 : i32 to index
        %swap3A_714 = arith.constant 80 : index
        %swap3A_715 = tpu.vector_load %arg13[%swap3A_713, %swap3A_714] {strides = array<i32>} : memref<128x128xf32, #tpu.memory_space<vmem>>, vector<16xf32>,
        tpu.vector_store %arg13[%swap3A_713, %swap3A_714], %mul3A_553 {strides = array<i32>} : memref<128x128xf32, #tpu.memory_space<vmem>>, vector<16xf32>,
        %add3A_716 = arith.constant 3 : i32
        %add3A_717 = arith.addi %add3A_359, %add3A_716 : i32
        %swap3A_718 = arith.index_cast %add3A_717 : i32 to index
        %swap3A_719 = arith.constant 96 : index
        %swap3A_720 = tpu.vector_load %arg13[%swap3A_718, %swap3A_719] {strides = array<i32>} : memref<128x128xf32, #tpu.memory_space<vmem>>, vector<16xf32>,
        tpu.vector_store %arg13[%swap3A_718, %swap3A_719], %mul3A_559 {strides = array<i32>} : memref<128x128xf32, #tpu.memory_space<vmem>>, vector<16xf32>,
        %add3A_721 = arith.constant 3 : i32
        %add3A_722 = arith.addi %add3A_359, %add3A_721 : i32
        %swap3A_723 = arith.index_cast %add3A_722 : i32 to index
        %swap3A_724 = arith.constant 112 : index
        %swap3A_725 = tpu.vector_load %arg13[%swap3A_723, %swap3A_724] {strides = array<i32>} : memref<128x128xf32, #tpu.memory_space<vmem>>, vector<16xf32>,
        tpu.vector_store %arg13[%swap3A_723, %swap3A_724], %mul3A_565 {strides = array<i32>} : memref<128x128xf32, #tpu.memory_space<vmem>>, vector<16xf32>,
      }
      %scan3A_321 = arith.constant 32 : i32
      %dma_start3A_322 = arith.constant 0 : i32
      %dma_start3A_323 = arith.constant 0 : i32
      %dma_start3A_324 = tpu.memref_slice %arg15[%dma_start3A_322, %dma_start3A_323] : memref<10000x128xf32, #tpu.memory_space<vmem_shared>> -> memref<10000x128xf32, #tpu.memory_space<vmem_shared>>
      tpu.enqueue_indirect_dma source(%arg13 : memref<128x128xf32, #tpu.memory_space<vmem>>) target(%dma_start3A_324 : memref<10000x128xf32, #tpu.memory_space<vmem_shared>>) offsets(%arg9 : memref<128xi32, #tpu.memory_space<vmem>>) semaphore(%arg18 : memref<!tpu.dma_semaphore, #tpu.memory_space<semaphore_mem>>) {add = true}
      %add3A_325 = arith.constant 1 : i32
      %add3A_326 = arith.addi %mul3A_182, %add3A_325 : i32
      %mul3A_327 = arith.constant 80 : i32
      %mul3A_328 = arith.muli %add3A, %mul3A_327 : i32
      %add3A_329 = arith.addi %mul3A_328, %add3A_326 : i32
      %dma_wait3A_330 = arith.constant 0 : i32
      %dma_wait3A_331 = tpu.memref_slice %arg3[%add3A_329, %dma_wait3A_330] : memref<2560x128xf32, #tpu.memory_space<hbm>> -> memref<1x128xf32, #tpu.memory_space<hbm>>
      %dma_wait3A_332 = tpu.memref_squeeze %dma_wait3A_331 : memref<1x128xf32, #tpu.memory_space<hbm>> -> memref<128xf32, #tpu.memory_space<hbm>>
      %dma_wait3A_333 = arith.constant 0 : i32
      %dma_wait3A_334 = tpu.memref_slice %arg3[%add3A_329, %dma_wait3A_333] : memref<2560x128xf32, #tpu.memory_space<hbm>> -> memref<1x128xf32, #tpu.memory_space<hbm>>
      %dma_wait3A_335 = tpu.memref_squeeze %dma_wait3A_334 : memref<1x128xf32, #tpu.memory_space<hbm>> -> memref<128xf32, #tpu.memory_space<hbm>>
      tpu.wait_dma2 semaphore(%arg21 : memref<!tpu.dma_semaphore, #tpu.memory_space<semaphore_mem>>) src(%dma_wait3A_335 : memref<128xf32, #tpu.memory_space<hbm>>) dst(%arg12 : memref<128xf32, #tpu.memory_space<vmem>>)
      %dma_wait3A_336 = arith.constant 0 : i32
      %dma_wait3A_337 = arith.constant 0 : i32
      %dma_wait3A_338 = tpu.memref_slice %arg4[%dma_wait3A_336, %dma_wait3A_337] : memref<10000x128xf32, #tpu.memory_space<hbm>> -> memref<10000x128xf32, #tpu.memory_space<hbm>>
      tpu.wait_indirect_dma semaphore(%arg17 : memref<!tpu.dma_semaphore, #tpu.memory_space<semaphore_mem>>) src(%dma_wait3A_338 : memref<10000x128xf32, #tpu.memory_space<hbm>>) dst(%arg14 : memref<128x128xf32, #tpu.memory_space<vmem>>)
      %add3A_339 = arith.constant 1 : i32
      %add3A_340 = arith.addi %mul3A_182, %add3A_339 : i32
      %scan3A_341 = arith.constant 0 : i32
      %scan3A_342 = arith.constant 32 : i32
      %scan3A_343 = arith.addi %scan3A_341, %scan3A_342 : i32
      %scan3A_344 = arith.constant 1 : i32
      scf.for %scan3A_355 = %scan3A_341 to %scan3A_343 step %scan3A_344  : i32 {
        %mul3A_356 = arith.constant 4 : i32
        %mul3A_357 = arith.muli %scan3A_355, %mul3A_356 : i32
        %add3A_358 = arith.constant 0 : i32
        %add3A_359 = arith.addi %add3A_358, %mul3A_357 : i32
        %add3A_360 = arith.constant 0 : i32
        %add3A_361 = arith.addi %add3A_359, %add3A_360 : i32
        %broadcast_in_dim3A = vector.broadcast %add3A_361 : i32 to vector<16xi32>
        %gather3A = tpu.vector_load_idx %arg12[%broadcast_in_dim3A] : memref<128xf32, #tpu.memory_space<vmem>>[vector<16xi32>], vector<16xf32>,
        %add3A_362 = arith.constant 1 : i32
        %add3A_363 = arith.addi %add3A_359, %add3A_362 : i32
        %broadcast_in_dim3A_364 = vector.broadcast %add3A_363 : i32 to vector<16xi32>
        %gather3A_365 = tpu.vector_load_idx %arg12[%broadcast_in_dim3A_364] : memref<128xf32, #tpu.memory_space<vmem>>[vector<16xi32>], vector<16xf32>,
        %add3A_366 = arith.constant 2 : i32
        %add3A_367 = arith.addi %add3A_359, %add3A_366 : i32
        %broadcast_in_dim3A_368 = vector.broadcast %add3A_367 : i32 to vector<16xi32>
        %gather3A_369 = tpu.vector_load_idx %arg12[%broadcast_in_dim3A_368] : memref<128xf32, #tpu.memory_space<vmem>>[vector<16xi32>], vector<16xf32>,
        %add3A_370 = arith.constant 3 : i32
        %add3A_371 = arith.addi %add3A_359, %add3A_370 : i32
        %broadcast_in_dim3A_372 = vector.broadcast %add3A_371 : i32 to vector<16xi32>
        %gather3A_373 = tpu.vector_load_idx %arg12[%broadcast_in_dim3A_372] : memref<128xf32, #tpu.memory_space<vmem>>[vector<16xi32>], vector<16xf32>,
        %add3A_374 = arith.constant 0 : i32
        %add3A_375 = arith.addi %add3A_359, %add3A_374 : i32
        %get3A_376 = arith.index_cast %add3A_375 : i32 to index
        %get3A_377 = arith.constant 0 : index
        %get3A_378 = tpu.vector_load %arg14[%get3A_376, %get3A_377] {strides = array<i32>} : memref<128x128xf32, #tpu.memory_space<vmem>>, vector<16xf32>,
        %mul3A_379 = arith.mulf %get3A_378, %gather3A : vector<16xf32>
        %add3A_380 = arith.constant 0 : i32
        %add3A_381 = arith.addi %add3A_359, %add3A_380 : i32
        %get3A_382 = arith.index_cast %add3A_381 : i32 to index
        %get3A_383 = arith.constant 16 : index
        %get3A_384 = tpu.vector_load %arg14[%get3A_382, %get3A_383] {strides = array<i32>} : memref<128x128xf32, #tpu.memory_space<vmem>>, vector<16xf32>,
        %mul3A_385 = arith.mulf %get3A_384, %gather3A : vector<16xf32>
        %add3A_386 = arith.constant 0 : i32
        %add3A_387 = arith.addi %add3A_359, %add3A_386 : i32
        %get3A_388 = arith.index_cast %add3A_387 : i32 to index
        %get3A_389 = arith.constant 32 : index
        %get3A_390 = tpu.vector_load %arg14[%get3A_388, %get3A_389] {strides = array<i32>} : memref<128x128xf32, #tpu.memory_space<vmem>>, vector<16xf32>,
        %mul3A_391 = arith.mulf %get3A_390, %gather3A : vector<16xf32>
        %add3A_392 = arith.constant 0 : i32
        %add3A_393 = arith.addi %add3A_359, %add3A_392 : i32
        %get3A_394 = arith.index_cast %add3A_393 : i32 to index
        %get3A_395 = arith.constant 48 : index
        %get3A_396 = tpu.vector_load %arg14[%get3A_394, %get3A_395] {strides = array<i32>} : memref<128x128xf32, #tpu.memory_space<vmem>>, vector<16xf32>,
        %mul3A_397 = arith.mulf %get3A_396, %gather3A : vector<16xf32>
        %add3A_398 = arith.constant 0 : i32
        %add3A_399 = arith.addi %add3A_359, %add3A_398 : i32
        %get3A_400 = arith.index_cast %add3A_399 : i32 to index
        %get3A_401 = arith.constant 64 : index
        %get3A_402 = tpu.vector_load %arg14[%get3A_400, %get3A_401] {strides = array<i32>} : memref<128x128xf32, #tpu.memory_space<vmem>>, vector<16xf32>,
        %mul3A_403 = arith.mulf %get3A_402, %gather3A : vector<16xf32>
        %add3A_404 = arith.constant 0 : i32
        %add3A_405 = arith.addi %add3A_359, %add3A_404 : i32
        %get3A_406 = arith.index_cast %add3A_405 : i32 to index
        %get3A_407 = arith.constant 80 : index
        %get3A_408 = tpu.vector_load %arg14[%get3A_406, %get3A_407] {strides = array<i32>} : memref<128x128xf32, #tpu.memory_space<vmem>>, vector<16xf32>,
        %mul3A_409 = arith.mulf %get3A_408, %gather3A : vector<16xf32>
        %add3A_410 = arith.constant 0 : i32
        %add3A_411 = arith.addi %add3A_359, %add3A_410 : i32
        %get3A_412 = arith.index_cast %add3A_411 : i32 to index
        %get3A_413 = arith.constant 96 : index
        %get3A_414 = tpu.vector_load %arg14[%get3A_412, %get3A_413] {strides = array<i32>} : memref<128x128xf32, #tpu.memory_space<vmem>>, vector<16xf32>,
        %mul3A_415 = arith.mulf %get3A_414, %gather3A : vector<16xf32>
        %add3A_416 = arith.constant 0 : i32
        %add3A_417 = arith.addi %add3A_359, %add3A_416 : i32
        %get3A_418 = arith.index_cast %add3A_417 : i32 to index
        %get3A_419 = arith.constant 112 : index
        %get3A_420 = tpu.vector_load %arg14[%get3A_418, %get3A_419] {strides = array<i32>} : memref<128x128xf32, #tpu.memory_space<vmem>>, vector<16xf32>,
        %mul3A_421 = arith.mulf %get3A_420, %gather3A : vector<16xf32>
        %add3A_422 = arith.constant 1 : i32
        %add3A_423 = arith.addi %add3A_359, %add3A_422 : i32
        %get3A_424 = arith.index_cast %add3A_423 : i32 to index
        %get3A_425 = arith.constant 0 : index
        %get3A_426 = tpu.vector_load %arg14[%get3A_424, %get3A_425] {strides = array<i32>} : memref<128x128xf32, #tpu.memory_space<vmem>>, vector<16xf32>,
        %mul3A_427 = arith.mulf %get3A_426, %gather3A_365 : vector<16xf32>
        %add3A_428 = arith.constant 1 : i32
        %add3A_429 = arith.addi %add3A_359, %add3A_428 : i32
        %get3A_430 = arith.index_cast %add3A_429 : i32 to index
        %get3A_431 = arith.constant 16 : index
        %get3A_432 = tpu.vector_load %arg14[%get3A_430, %get3A_431] {strides = array<i32>} : memref<128x128xf32, #tpu.memory_space<vmem>>, vector<16xf32>,
        %mul3A_433 = arith.mulf %get3A_432, %gather3A_365 : vector<16xf32>
        %add3A_434 = arith.constant 1 : i32
        %add3A_435 = arith.addi %add3A_359, %add3A_434 : i32
        %get3A_436 = arith.index_cast %add3A_435 : i32 to index
        %get3A_437 = arith.constant 32 : index
        %get3A_438 = tpu.vector_load %arg14[%get3A_436, %get3A_437] {strides = array<i32>} : memref<128x128xf32, #tpu.memory_space<vmem>>, vector<16xf32>,
        %mul3A_439 = arith.mulf %get3A_438, %gather3A_365 : vector<16xf32>
        %add3A_440 = arith.constant 1 : i32
        %add3A_441 = arith.addi %add3A_359, %add3A_440 : i32
        %get3A_442 = arith.index_cast %add3A_441 : i32 to index
        %get3A_443 = arith.constant 48 : index
        %get3A_444 = tpu.vector_load %arg14[%get3A_442, %get3A_443] {strides = array<i32>} : memref<128x128xf32, #tpu.memory_space<vmem>>, vector<16xf32>,
        %mul3A_445 = arith.mulf %get3A_444, %gather3A_365 : vector<16xf32>
        %add3A_446 = arith.constant 1 : i32
        %add3A_447 = arith.addi %add3A_359, %add3A_446 : i32
        %get3A_448 = arith.index_cast %add3A_447 : i32 to index
        %get3A_449 = arith.constant 64 : index
        %get3A_450 = tpu.vector_load %arg14[%get3A_448, %get3A_449] {strides = array<i32>} : memref<128x128xf32, #tpu.memory_space<vmem>>, vector<16xf32>,
        %mul3A_451 = arith.mulf %get3A_450, %gather3A_365 : vector<16xf32>
        %add3A_452 = arith.constant 1 : i32
        %add3A_453 = arith.addi %add3A_359, %add3A_452 : i32
        %get3A_454 = arith.index_cast %add3A_453 : i32 to index
        %get3A_455 = arith.constant 80 : index
        %get3A_456 = tpu.vector_load %arg14[%get3A_454, %get3A_455] {strides = array<i32>} : memref<128x128xf32, #tpu.memory_space<vmem>>, vector<16xf32>,
        %mul3A_457 = arith.mulf %get3A_456, %gather3A_365 : vector<16xf32>
        %add3A_458 = arith.constant 1 : i32
        %add3A_459 = arith.addi %add3A_359, %add3A_458 : i32
        %get3A_460 = arith.index_cast %add3A_459 : i32 to index
        %get3A_461 = arith.constant 96 : index
        %get3A_462 = tpu.vector_load %arg14[%get3A_460, %get3A_461] {strides = array<i32>} : memref<128x128xf32, #tpu.memory_space<vmem>>, vector<16xf32>,
        %mul3A_463 = arith.mulf %get3A_462, %gather3A_365 : vector<16xf32>
        %add3A_464 = arith.constant 1 : i32
        %add3A_465 = arith.addi %add3A_359, %add3A_464 : i32
        %get3A_466 = arith.index_cast %add3A_465 : i32 to index
        %get3A_467 = arith.constant 112 : index
        %get3A_468 = tpu.vector_load %arg14[%get3A_466, %get3A_467] {strides = array<i32>} : memref<128x128xf32, #tpu.memory_space<vmem>>, vector<16xf32>,
        %mul3A_469 = arith.mulf %get3A_468, %gather3A_365 : vector<16xf32>
        %add3A_470 = arith.constant 2 : i32
        %add3A_471 = arith.addi %add3A_359, %add3A_470 : i32
        %get3A_472 = arith.index_cast %add3A_471 : i32 to index
        %get3A_473 = arith.constant 0 : index
        %get3A_474 = tpu.vector_load %arg14[%get3A_472, %get3A_473] {strides = array<i32>} : memref<128x128xf32, #tpu.memory_space<vmem>>, vector<16xf32>,
        %mul3A_475 = arith.mulf %get3A_474, %gather3A_369 : vector<16xf32>
        %add3A_476 = arith.constant 2 : i32
        %add3A_477 = arith.addi %add3A_359, %add3A_476 : i32
        %get3A_478 = arith.index_cast %add3A_477 : i32 to index
        %get3A_479 = arith.constant 16 : index
        %get3A_480 = tpu.vector_load %arg14[%get3A_478, %get3A_479] {strides = array<i32>} : memref<128x128xf32, #tpu.memory_space<vmem>>, vector<16xf32>,
        %mul3A_481 = arith.mulf %get3A_480, %gather3A_369 : vector<16xf32>
        %add3A_482 = arith.constant 2 : i32
        %add3A_483 = arith.addi %add3A_359, %add3A_482 : i32
        %get3A_484 = arith.index_cast %add3A_483 : i32 to index
        %get3A_485 = arith.constant 32 : index
        %get3A_486 = tpu.vector_load %arg14[%get3A_484, %get3A_485] {strides = array<i32>} : memref<128x128xf32, #tpu.memory_space<vmem>>, vector<16xf32>,
        %mul3A_487 = arith.mulf %get3A_486, %gather3A_369 : vector<16xf32>
        %add3A_488 = arith.constant 2 : i32
        %add3A_489 = arith.addi %add3A_359, %add3A_488 : i32
        %get3A_490 = arith.index_cast %add3A_489 : i32 to index
        %get3A_491 = arith.constant 48 : index
        %get3A_492 = tpu.vector_load %arg14[%get3A_490, %get3A_491] {strides = array<i32>} : memref<128x128xf32, #tpu.memory_space<vmem>>, vector<16xf32>,
        %mul3A_493 = arith.mulf %get3A_492, %gather3A_369 : vector<16xf32>
        %add3A_494 = arith.constant 2 : i32
        %add3A_495 = arith.addi %add3A_359, %add3A_494 : i32
        %get3A_496 = arith.index_cast %add3A_495 : i32 to index
        %get3A_497 = arith.constant 64 : index
        %get3A_498 = tpu.vector_load %arg14[%get3A_496, %get3A_497] {strides = array<i32>} : memref<128x128xf32, #tpu.memory_space<vmem>>, vector<16xf32>,
        %mul3A_499 = arith.mulf %get3A_498, %gather3A_369 : vector<16xf32>
        %add3A_500 = arith.constant 2 : i32
        %add3A_501 = arith.addi %add3A_359, %add3A_500 : i32
        %get3A_502 = arith.index_cast %add3A_501 : i32 to index
        %get3A_503 = arith.constant 80 : index
        %get3A_504 = tpu.vector_load %arg14[%get3A_502, %get3A_503] {strides = array<i32>} : memref<128x128xf32, #tpu.memory_space<vmem>>, vector<16xf32>,
        %mul3A_505 = arith.mulf %get3A_504, %gather3A_369 : vector<16xf32>
        %add3A_506 = arith.constant 2 : i32
        %add3A_507 = arith.addi %add3A_359, %add3A_506 : i32
        %get3A_508 = arith.index_cast %add3A_507 : i32 to index
        %get3A_509 = arith.constant 96 : index
        %get3A_510 = tpu.vector_load %arg14[%get3A_508, %get3A_509] {strides = array<i32>} : memref<128x128xf32, #tpu.memory_space<vmem>>, vector<16xf32>,
        %mul3A_511 = arith.mulf %get3A_510, %gather3A_369 : vector<16xf32>
        %add3A_512 = arith.constant 2 : i32
        %add3A_513 = arith.addi %add3A_359, %add3A_512 : i32
        %get3A_514 = arith.index_cast %add3A_513 : i32 to index
        %get3A_515 = arith.constant 112 : index
        %get3A_516 = tpu.vector_load %arg14[%get3A_514, %get3A_515] {strides = array<i32>} : memref<128x128xf32, #tpu.memory_space<vmem>>, vector<16xf32>,
        %mul3A_517 = arith.mulf %get3A_516, %gather3A_369 : vector<16xf32>
        %add3A_518 = arith.constant 3 : i32
        %add3A_519 = arith.addi %add3A_359, %add3A_518 : i32
        %get3A_520 = arith.index_cast %add3A_519 : i32 to index
        %get3A_521 = arith.constant 0 : index
        %get3A_522 = tpu.vector_load %arg14[%get3A_520, %get3A_521] {strides = array<i32>} : memref<128x128xf32, #tpu.memory_space<vmem>>, vector<16xf32>,
        %mul3A_523 = arith.mulf %get3A_522, %gather3A_373 : vector<16xf32>
        %add3A_524 = arith.constant 3 : i32
        %add3A_525 = arith.addi %add3A_359, %add3A_524 : i32
        %get3A_526 = arith.index_cast %add3A_525 : i32 to index
        %get3A_527 = arith.constant 16 : index
        %get3A_528 = tpu.vector_load %arg14[%get3A_526, %get3A_527] {strides = array<i32>} : memref<128x128xf32, #tpu.memory_space<vmem>>, vector<16xf32>,
        %mul3A_529 = arith.mulf %get3A_528, %gather3A_373 : vector<16xf32>
        %add3A_530 = arith.constant 3 : i32
        %add3A_531 = arith.addi %add3A_359, %add3A_530 : i32
        %get3A_532 = arith.index_cast %add3A_531 : i32 to index
        %get3A_533 = arith.constant 32 : index
        %get3A_534 = tpu.vector_load %arg14[%get3A_532, %get3A_533] {strides = array<i32>} : memref<128x128xf32, #tpu.memory_space<vmem>>, vector<16xf32>,
        %mul3A_535 = arith.mulf %get3A_534, %gather3A_373 : vector<16xf32>
        %add3A_536 = arith.constant 3 : i32
        %add3A_537 = arith.addi %add3A_359, %add3A_536 : i32
        %get3A_538 = arith.index_cast %add3A_537 : i32 to index
        %get3A_539 = arith.constant 48 : index
        %get3A_540 = tpu.vector_load %arg14[%get3A_538, %get3A_539] {strides = array<i32>} : memref<128x128xf32, #tpu.memory_space<vmem>>, vector<16xf32>,
        %mul3A_541 = arith.mulf %get3A_540, %gather3A_373 : vector<16xf32>
        %add3A_542 = arith.constant 3 : i32
        %add3A_543 = arith.addi %add3A_359, %add3A_542 : i32
        %get3A_544 = arith.index_cast %add3A_543 : i32 to index
        %get3A_545 = arith.constant 64 : index
        %get3A_546 = tpu.vector_load %arg14[%get3A_544, %get3A_545] {strides = array<i32>} : memref<128x128xf32, #tpu.memory_space<vmem>>, vector<16xf32>,
        %mul3A_547 = arith.mulf %get3A_546, %gather3A_373 : vector<16xf32>
        %add3A_548 = arith.constant 3 : i32
        %add3A_549 = arith.addi %add3A_359, %add3A_548 : i32
        %get3A_550 = arith.index_cast %add3A_549 : i32 to index
        %get3A_551 = arith.constant 80 : index
        %get3A_552 = tpu.vector_load %arg14[%get3A_550, %get3A_551] {strides = array<i32>} : memref<128x128xf32, #tpu.memory_space<vmem>>, vector<16xf32>,
        %mul3A_553 = arith.mulf %get3A_552, %gather3A_373 : vector<16xf32>
        %add3A_554 = arith.constant 3 : i32
        %add3A_555 = arith.addi %add3A_359, %add3A_554 : i32
        %get3A_556 = arith.index_cast %add3A_555 : i32 to index
        %get3A_557 = arith.constant 96 : index
        %get3A_558 = tpu.vector_load %arg14[%get3A_556, %get3A_557] {strides = array<i32>} : memref<128x128xf32, #tpu.memory_space<vmem>>, vector<16xf32>,
        %mul3A_559 = arith.mulf %get3A_558, %gather3A_373 : vector<16xf32>
        %add3A_560 = arith.constant 3 : i32
        %add3A_561 = arith.addi %add3A_359, %add3A_560 : i32
        %get3A_562 = arith.index_cast %add3A_561 : i32 to index
        %get3A_563 = arith.constant 112 : index
        %get3A_564 = tpu.vector_load %arg14[%get3A_562, %get3A_563] {strides = array<i32>} : memref<128x128xf32, #tpu.memory_space<vmem>>, vector<16xf32>,
        %mul3A_565 = arith.mulf %get3A_564, %gather3A_373 : vector<16xf32>
        %add3A_566 = arith.constant 0 : i32
        %add3A_567 = arith.addi %add3A_359, %add3A_566 : i32
        %swap3A_568 = arith.index_cast %add3A_567 : i32 to index
        %swap3A_569 = arith.constant 0 : index
        %swap3A_570 = tpu.vector_load %arg14[%swap3A_568, %swap3A_569] {strides = array<i32>} : memref<128x128xf32, #tpu.memory_space<vmem>>, vector<16xf32>,
        tpu.vector_store %arg14[%swap3A_568, %swap3A_569], %mul3A_379 {strides = array<i32>} : memref<128x128xf32, #tpu.memory_space<vmem>>, vector<16xf32>,
        %add3A_571 = arith.constant 0 : i32
        %add3A_572 = arith.addi %add3A_359, %add3A_571 : i32
        %swap3A_573 = arith.index_cast %add3A_572 : i32 to index
        %swap3A_574 = arith.constant 16 : index
        %swap3A_575 = tpu.vector_load %arg14[%swap3A_573, %swap3A_574] {strides = array<i32>} : memref<128x128xf32, #tpu.memory_space<vmem>>, vector<16xf32>,
        tpu.vector_store %arg14[%swap3A_573, %swap3A_574], %mul3A_385 {strides = array<i32>} : memref<128x128xf32, #tpu.memory_space<vmem>>, vector<16xf32>,
        %add3A_576 = arith.constant 0 : i32
        %add3A_577 = arith.addi %add3A_359, %add3A_576 : i32
        %swap3A_578 = arith.index_cast %add3A_577 : i32 to index
        %swap3A_579 = arith.constant 32 : index
        %swap3A_580 = tpu.vector_load %arg14[%swap3A_578, %swap3A_579] {strides = array<i32>} : memref<128x128xf32, #tpu.memory_space<vmem>>, vector<16xf32>,
        tpu.vector_store %arg14[%swap3A_578, %swap3A_579], %mul3A_391 {strides = array<i32>} : memref<128x128xf32, #tpu.memory_space<vmem>>, vector<16xf32>,
        %add3A_581 = arith.constant 0 : i32
        %add3A_582 = arith.addi %add3A_359, %add3A_581 : i32
        %swap3A_583 = arith.index_cast %add3A_582 : i32 to index
        %swap3A_584 = arith.constant 48 : index
        %swap3A_585 = tpu.vector_load %arg14[%swap3A_583, %swap3A_584] {strides = array<i32>} : memref<128x128xf32, #tpu.memory_space<vmem>>, vector<16xf32>,
        tpu.vector_store %arg14[%swap3A_583, %swap3A_584], %mul3A_397 {strides = array<i32>} : memref<128x128xf32, #tpu.memory_space<vmem>>, vector<16xf32>,
        %add3A_586 = arith.constant 0 : i32
        %add3A_587 = arith.addi %add3A_359, %add3A_586 : i32
        %swap3A_588 = arith.index_cast %add3A_587 : i32 to index
        %swap3A_589 = arith.constant 64 : index
        %swap3A_590 = tpu.vector_load %arg14[%swap3A_588, %swap3A_589] {strides = array<i32>} : memref<128x128xf32, #tpu.memory_space<vmem>>, vector<16xf32>,
        tpu.vector_store %arg14[%swap3A_588, %swap3A_589], %mul3A_403 {strides = array<i32>} : memref<128x128xf32, #tpu.memory_space<vmem>>, vector<16xf32>,
        %add3A_591 = arith.constant 0 : i32
        %add3A_592 = arith.addi %add3A_359, %add3A_591 : i32
        %swap3A_593 = arith.index_cast %add3A_592 : i32 to index
        %swap3A_594 = arith.constant 80 : index
        %swap3A_595 = tpu.vector_load %arg14[%swap3A_593, %swap3A_594] {strides = array<i32>} : memref<128x128xf32, #tpu.memory_space<vmem>>, vector<16xf32>,
        tpu.vector_store %arg14[%swap3A_593, %swap3A_594], %mul3A_409 {strides = array<i32>} : memref<128x128xf32, #tpu.memory_space<vmem>>, vector<16xf32>,
        %add3A_596 = arith.constant 0 : i32
        %add3A_597 = arith.addi %add3A_359, %add3A_596 : i32
        %swap3A_598 = arith.index_cast %add3A_597 : i32 to index
        %swap3A_599 = arith.constant 96 : index
        %swap3A_600 = tpu.vector_load %arg14[%swap3A_598, %swap3A_599] {strides = array<i32>} : memref<128x128xf32, #tpu.memory_space<vmem>>, vector<16xf32>,
        tpu.vector_store %arg14[%swap3A_598, %swap3A_599], %mul3A_415 {strides = array<i32>} : memref<128x128xf32, #tpu.memory_space<vmem>>, vector<16xf32>,
        %add3A_601 = arith.constant 0 : i32
        %add3A_602 = arith.addi %add3A_359, %add3A_601 : i32
        %swap3A_603 = arith.index_cast %add3A_602 : i32 to index
        %swap3A_604 = arith.constant 112 : index
        %swap3A_605 = tpu.vector_load %arg14[%swap3A_603, %swap3A_604] {strides = array<i32>} : memref<128x128xf32, #tpu.memory_space<vmem>>, vector<16xf32>,
        tpu.vector_store %arg14[%swap3A_603, %swap3A_604], %mul3A_421 {strides = array<i32>} : memref<128x128xf32, #tpu.memory_space<vmem>>, vector<16xf32>,
        %add3A_606 = arith.constant 1 : i32
        %add3A_607 = arith.addi %add3A_359, %add3A_606 : i32
        %swap3A_608 = arith.index_cast %add3A_607 : i32 to index
        %swap3A_609 = arith.constant 0 : index
        %swap3A_610 = tpu.vector_load %arg14[%swap3A_608, %swap3A_609] {strides = array<i32>} : memref<128x128xf32, #tpu.memory_space<vmem>>, vector<16xf32>,
        tpu.vector_store %arg14[%swap3A_608, %swap3A_609], %mul3A_427 {strides = array<i32>} : memref<128x128xf32, #tpu.memory_space<vmem>>, vector<16xf32>,
        %add3A_611 = arith.constant 1 : i32
        %add3A_612 = arith.addi %add3A_359, %add3A_611 : i32
        %swap3A_613 = arith.index_cast %add3A_612 : i32 to index
        %swap3A_614 = arith.constant 16 : index
        %swap3A_615 = tpu.vector_load %arg14[%swap3A_613, %swap3A_614] {strides = array<i32>} : memref<128x128xf32, #tpu.memory_space<vmem>>, vector<16xf32>,
        tpu.vector_store %arg14[%swap3A_613, %swap3A_614], %mul3A_433 {strides = array<i32>} : memref<128x128xf32, #tpu.memory_space<vmem>>, vector<16xf32>,
        %add3A_616 = arith.constant 1 : i32
        %add3A_617 = arith.addi %add3A_359, %add3A_616 : i32
        %swap3A_618 = arith.index_cast %add3A_617 : i32 to index
        %swap3A_619 = arith.constant 32 : index
        %swap3A_620 = tpu.vector_load %arg14[%swap3A_618, %swap3A_619] {strides = array<i32>} : memref<128x128xf32, #tpu.memory_space<vmem>>, vector<16xf32>,
        tpu.vector_store %arg14[%swap3A_618, %swap3A_619], %mul3A_439 {strides = array<i32>} : memref<128x128xf32, #tpu.memory_space<vmem>>, vector<16xf32>,
        %add3A_621 = arith.constant 1 : i32
        %add3A_622 = arith.addi %add3A_359, %add3A_621 : i32
        %swap3A_623 = arith.index_cast %add3A_622 : i32 to index
        %swap3A_624 = arith.constant 48 : index
        %swap3A_625 = tpu.vector_load %arg14[%swap3A_623, %swap3A_624] {strides = array<i32>} : memref<128x128xf32, #tpu.memory_space<vmem>>, vector<16xf32>,
        tpu.vector_store %arg14[%swap3A_623, %swap3A_624], %mul3A_445 {strides = array<i32>} : memref<128x128xf32, #tpu.memory_space<vmem>>, vector<16xf32>,
        %add3A_626 = arith.constant 1 : i32
        %add3A_627 = arith.addi %add3A_359, %add3A_626 : i32
        %swap3A_628 = arith.index_cast %add3A_627 : i32 to index
        %swap3A_629 = arith.constant 64 : index
        %swap3A_630 = tpu.vector_load %arg14[%swap3A_628, %swap3A_629] {strides = array<i32>} : memref<128x128xf32, #tpu.memory_space<vmem>>, vector<16xf32>,
        tpu.vector_store %arg14[%swap3A_628, %swap3A_629], %mul3A_451 {strides = array<i32>} : memref<128x128xf32, #tpu.memory_space<vmem>>, vector<16xf32>,
        %add3A_631 = arith.constant 1 : i32
        %add3A_632 = arith.addi %add3A_359, %add3A_631 : i32
        %swap3A_633 = arith.index_cast %add3A_632 : i32 to index
        %swap3A_634 = arith.constant 80 : index
        %swap3A_635 = tpu.vector_load %arg14[%swap3A_633, %swap3A_634] {strides = array<i32>} : memref<128x128xf32, #tpu.memory_space<vmem>>, vector<16xf32>,
        tpu.vector_store %arg14[%swap3A_633, %swap3A_634], %mul3A_457 {strides = array<i32>} : memref<128x128xf32, #tpu.memory_space<vmem>>, vector<16xf32>,
        %add3A_636 = arith.constant 1 : i32
        %add3A_637 = arith.addi %add3A_359, %add3A_636 : i32
        %swap3A_638 = arith.index_cast %add3A_637 : i32 to index
        %swap3A_639 = arith.constant 96 : index
        %swap3A_640 = tpu.vector_load %arg14[%swap3A_638, %swap3A_639] {strides = array<i32>} : memref<128x128xf32, #tpu.memory_space<vmem>>, vector<16xf32>,
        tpu.vector_store %arg14[%swap3A_638, %swap3A_639], %mul3A_463 {strides = array<i32>} : memref<128x128xf32, #tpu.memory_space<vmem>>, vector<16xf32>,
        %add3A_641 = arith.constant 1 : i32
        %add3A_642 = arith.addi %add3A_359, %add3A_641 : i32
        %swap3A_643 = arith.index_cast %add3A_642 : i32 to index
        %swap3A_644 = arith.constant 112 : index
        %swap3A_645 = tpu.vector_load %arg14[%swap3A_643, %swap3A_644] {strides = array<i32>} : memref<128x128xf32, #tpu.memory_space<vmem>>, vector<16xf32>,
        tpu.vector_store %arg14[%swap3A_643, %swap3A_644], %mul3A_469 {strides = array<i32>} : memref<128x128xf32, #tpu.memory_space<vmem>>, vector<16xf32>,
        %add3A_646 = arith.constant 2 : i32
        %add3A_647 = arith.addi %add3A_359, %add3A_646 : i32
        %swap3A_648 = arith.index_cast %add3A_647 : i32 to index
        %swap3A_649 = arith.constant 0 : index
        %swap3A_650 = tpu.vector_load %arg14[%swap3A_648, %swap3A_649] {strides = array<i32>} : memref<128x128xf32, #tpu.memory_space<vmem>>, vector<16xf32>,
        tpu.vector_store %arg14[%swap3A_648, %swap3A_649], %mul3A_475 {strides = array<i32>} : memref<128x128xf32, #tpu.memory_space<vmem>>, vector<16xf32>,
        %add3A_651 = arith.constant 2 : i32
        %add3A_652 = arith.addi %add3A_359, %add3A_651 : i32
        %swap3A_653 = arith.index_cast %add3A_652 : i32 to index
        %swap3A_654 = arith.constant 16 : index
        %swap3A_655 = tpu.vector_load %arg14[%swap3A_653, %swap3A_654] {strides = array<i32>} : memref<128x128xf32, #tpu.memory_space<vmem>>, vector<16xf32>,
        tpu.vector_store %arg14[%swap3A_653, %swap3A_654], %mul3A_481 {strides = array<i32>} : memref<128x128xf32, #tpu.memory_space<vmem>>, vector<16xf32>,
        %add3A_656 = arith.constant 2 : i32
        %add3A_657 = arith.addi %add3A_359, %add3A_656 : i32
        %swap3A_658 = arith.index_cast %add3A_657 : i32 to index
        %swap3A_659 = arith.constant 32 : index
        %swap3A_660 = tpu.vector_load %arg14[%swap3A_658, %swap3A_659] {strides = array<i32>} : memref<128x128xf32, #tpu.memory_space<vmem>>, vector<16xf32>,
        tpu.vector_store %arg14[%swap3A_658, %swap3A_659], %mul3A_487 {strides = array<i32>} : memref<128x128xf32, #tpu.memory_space<vmem>>, vector<16xf32>,
        %add3A_661 = arith.constant 2 : i32
        %add3A_662 = arith.addi %add3A_359, %add3A_661 : i32
        %swap3A_663 = arith.index_cast %add3A_662 : i32 to index
        %swap3A_664 = arith.constant 48 : index
        %swap3A_665 = tpu.vector_load %arg14[%swap3A_663, %swap3A_664] {strides = array<i32>} : memref<128x128xf32, #tpu.memory_space<vmem>>, vector<16xf32>,
        tpu.vector_store %arg14[%swap3A_663, %swap3A_664], %mul3A_493 {strides = array<i32>} : memref<128x128xf32, #tpu.memory_space<vmem>>, vector<16xf32>,
        %add3A_666 = arith.constant 2 : i32
        %add3A_667 = arith.addi %add3A_359, %add3A_666 : i32
        %swap3A_668 = arith.index_cast %add3A_667 : i32 to index
        %swap3A_669 = arith.constant 64 : index
        %swap3A_670 = tpu.vector_load %arg14[%swap3A_668, %swap3A_669] {strides = array<i32>} : memref<128x128xf32, #tpu.memory_space<vmem>>, vector<16xf32>,
        tpu.vector_store %arg14[%swap3A_668, %swap3A_669], %mul3A_499 {strides = array<i32>} : memref<128x128xf32, #tpu.memory_space<vmem>>, vector<16xf32>,
        %add3A_671 = arith.constant 2 : i32
        %add3A_672 = arith.addi %add3A_359, %add3A_671 : i32
        %swap3A_673 = arith.index_cast %add3A_672 : i32 to index
        %swap3A_674 = arith.constant 80 : index
        %swap3A_675 = tpu.vector_load %arg14[%swap3A_673, %swap3A_674] {strides = array<i32>} : memref<128x128xf32, #tpu.memory_space<vmem>>, vector<16xf32>,
        tpu.vector_store %arg14[%swap3A_673, %swap3A_674], %mul3A_505 {strides = array<i32>} : memref<128x128xf32, #tpu.memory_space<vmem>>, vector<16xf32>,
        %add3A_676 = arith.constant 2 : i32
        %add3A_677 = arith.addi %add3A_359, %add3A_676 : i32
        %swap3A_678 = arith.index_cast %add3A_677 : i32 to index
        %swap3A_679 = arith.constant 96 : index
        %swap3A_680 = tpu.vector_load %arg14[%swap3A_678, %swap3A_679] {strides = array<i32>} : memref<128x128xf32, #tpu.memory_space<vmem>>, vector<16xf32>,
        tpu.vector_store %arg14[%swap3A_678, %swap3A_679], %mul3A_511 {strides = array<i32>} : memref<128x128xf32, #tpu.memory_space<vmem>>, vector<16xf32>,
        %add3A_681 = arith.constant 2 : i32
        %add3A_682 = arith.addi %add3A_359, %add3A_681 : i32
        %swap3A_683 = arith.index_cast %add3A_682 : i32 to index
        %swap3A_684 = arith.constant 112 : index
        %swap3A_685 = tpu.vector_load %arg14[%swap3A_683, %swap3A_684] {strides = array<i32>} : memref<128x128xf32, #tpu.memory_space<vmem>>, vector<16xf32>,
        tpu.vector_store %arg14[%swap3A_683, %swap3A_684], %mul3A_517 {strides = array<i32>} : memref<128x128xf32, #tpu.memory_space<vmem>>, vector<16xf32>,
        %add3A_686 = arith.constant 3 : i32
        %add3A_687 = arith.addi %add3A_359, %add3A_686 : i32
        %swap3A_688 = arith.index_cast %add3A_687 : i32 to index
        %swap3A_689 = arith.constant 0 : index
        %swap3A_690 = tpu.vector_load %arg14[%swap3A_688, %swap3A_689] {strides = array<i32>} : memref<128x128xf32, #tpu.memory_space<vmem>>, vector<16xf32>,
        tpu.vector_store %arg14[%swap3A_688, %swap3A_689], %mul3A_523 {strides = array<i32>} : memref<128x128xf32, #tpu.memory_space<vmem>>, vector<16xf32>,
        %add3A_691 = arith.constant 3 : i32
        %add3A_692 = arith.addi %add3A_359, %add3A_691 : i32
        %swap3A_693 = arith.index_cast %add3A_692 : i32 to index
        %swap3A_694 = arith.constant 16 : index
        %swap3A_695 = tpu.vector_load %arg14[%swap3A_693, %swap3A_694] {strides = array<i32>} : memref<128x128xf32, #tpu.memory_space<vmem>>, vector<16xf32>,
        tpu.vector_store %arg14[%swap3A_693, %swap3A_694], %mul3A_529 {strides = array<i32>} : memref<128x128xf32, #tpu.memory_space<vmem>>, vector<16xf32>,
        %add3A_696 = arith.constant 3 : i32
        %add3A_697 = arith.addi %add3A_359, %add3A_696 : i32
        %swap3A_698 = arith.index_cast %add3A_697 : i32 to index
        %swap3A_699 = arith.constant 32 : index
        %swap3A_700 = tpu.vector_load %arg14[%swap3A_698, %swap3A_699] {strides = array<i32>} : memref<128x128xf32, #tpu.memory_space<vmem>>, vector<16xf32>,
        tpu.vector_store %arg14[%swap3A_698, %swap3A_699], %mul3A_535 {strides = array<i32>} : memref<128x128xf32, #tpu.memory_space<vmem>>, vector<16xf32>,
        %add3A_701 = arith.constant 3 : i32
        %add3A_702 = arith.addi %add3A_359, %add3A_701 : i32
        %swap3A_703 = arith.index_cast %add3A_702 : i32 to index
        %swap3A_704 = arith.constant 48 : index
        %swap3A_705 = tpu.vector_load %arg14[%swap3A_703, %swap3A_704] {strides = array<i32>} : memref<128x128xf32, #tpu.memory_space<vmem>>, vector<16xf32>,
        tpu.vector_store %arg14[%swap3A_703, %swap3A_704], %mul3A_541 {strides = array<i32>} : memref<128x128xf32, #tpu.memory_space<vmem>>, vector<16xf32>,
        %add3A_706 = arith.constant 3 : i32
        %add3A_707 = arith.addi %add3A_359, %add3A_706 : i32
        %swap3A_708 = arith.index_cast %add3A_707 : i32 to index
        %swap3A_709 = arith.constant 64 : index
        %swap3A_710 = tpu.vector_load %arg14[%swap3A_708, %swap3A_709] {strides = array<i32>} : memref<128x128xf32, #tpu.memory_space<vmem>>, vector<16xf32>,
        tpu.vector_store %arg14[%swap3A_708, %swap3A_709], %mul3A_547 {strides = array<i32>} : memref<128x128xf32, #tpu.memory_space<vmem>>, vector<16xf32>,
        %add3A_711 = arith.constant 3 : i32
        %add3A_712 = arith.addi %add3A_359, %add3A_711 : i32
        %swap3A_713 = arith.index_cast %add3A_712 : i32 to index
        %swap3A_714 = arith.constant 80 : index
        %swap3A_715 = tpu.vector_load %arg14[%swap3A_713, %swap3A_714] {strides = array<i32>} : memref<128x128xf32, #tpu.memory_space<vmem>>, vector<16xf32>,
        tpu.vector_store %arg14[%swap3A_713, %swap3A_714], %mul3A_553 {strides = array<i32>} : memref<128x128xf32, #tpu.memory_space<vmem>>, vector<16xf32>,
        %add3A_716 = arith.constant 3 : i32
        %add3A_717 = arith.addi %add3A_359, %add3A_716 : i32
        %swap3A_718 = arith.index_cast %add3A_717 : i32 to index
        %swap3A_719 = arith.constant 96 : index
        %swap3A_720 = tpu.vector_load %arg14[%swap3A_718, %swap3A_719] {strides = array<i32>} : memref<128x128xf32, #tpu.memory_space<vmem>>, vector<16xf32>,
        tpu.vector_store %arg14[%swap3A_718, %swap3A_719], %mul3A_559 {strides = array<i32>} : memref<128x128xf32, #tpu.memory_space<vmem>>, vector<16xf32>,
        %add3A_721 = arith.constant 3 : i32
        %add3A_722 = arith.addi %add3A_359, %add3A_721 : i32
        %swap3A_723 = arith.index_cast %add3A_722 : i32 to index
        %swap3A_724 = arith.constant 112 : index
        %swap3A_725 = tpu.vector_load %arg14[%swap3A_723, %swap3A_724] {strides = array<i32>} : memref<128x128xf32, #tpu.memory_space<vmem>>, vector<16xf32>,
        tpu.vector_store %arg14[%swap3A_723, %swap3A_724], %mul3A_565 {strides = array<i32>} : memref<128x128xf32, #tpu.memory_space<vmem>>, vector<16xf32>,
      }
      %scan3A_345 = arith.constant 32 : i32
      %add3A_346 = arith.constant 1 : i32
      %add3A_347 = arith.addi %mul3A_182, %add3A_346 : i32
      %dma_start3A_348 = arith.constant 0 : i32
      %dma_start3A_349 = arith.constant 0 : i32
      %dma_start3A_350 = tpu.memref_slice %arg15[%dma_start3A_348, %dma_start3A_349] : memref<10000x128xf32, #tpu.memory_space<vmem_shared>> -> memref<10000x128xf32, #tpu.memory_space<vmem_shared>>
      tpu.enqueue_indirect_dma source(%arg14 : memref<128x128xf32, #tpu.memory_space<vmem>>) target(%dma_start3A_350 : memref<10000x128xf32, #tpu.memory_space<vmem_shared>>) offsets(%arg10 : memref<128xi32, #tpu.memory_space<vmem>>) semaphore(%arg19 : memref<!tpu.dma_semaphore, #tpu.memory_space<semaphore_mem>>) {add = true}
      %lt3A = arith.constant 39 : i32
      %lt3A_351 = arith.cmpi slt, %add3A_180, %lt3A : i32
      %convert_element_type3A_352 = arith.extui %lt3A_351 : i1 to i32
      %cond3A_353 = arith.constant 0 : i32
      %cond3A_354 = arith.cmpi ne, %convert_element_type3A_352, %cond3A_353 : i32
      scf.if %cond3A_354 {
        %dma_wait3A_355 = arith.constant 0 : i32
        %dma_wait3A_356 = arith.constant 0 : i32
        %dma_wait3A_357 = tpu.memref_slice %arg15[%dma_wait3A_355, %dma_wait3A_356] : memref<10000x128xf32, #tpu.memory_space<vmem_shared>> -> memref<10000x128xf32, #tpu.memory_space<vmem_shared>>
        tpu.wait_indirect_dma semaphore(%arg18 : memref<!tpu.dma_semaphore, #tpu.memory_space<semaphore_mem>>) src(%arg13 : memref<128x128xf32, #tpu.memory_space<vmem>>) dst(%dma_wait3A_357 : memref<10000x128xf32, #tpu.memory_space<vmem_shared>>)
        %add3A_358 = arith.constant 2 : i32
        %add3A_359 = arith.addi %mul3A_182, %add3A_358 : i32
        %get3A_360 = arith.index_cast %add3A_359 : i32 to index
        %get3A_361 = arith.constant 0 : index
        %get3A_362 = tpu.vector_load %arg6[%get3A_360, %get3A_361] {strides = array<i32>} : memref<80x128xi32, #tpu.memory_space<vmem>>, vector<16xi32>,
        %and3A_363 = arith.constant 65535 : i32
        %and3A_364 = vector.broadcast %and3A_363 : i32 to vector<16xi32>
        %and3A_365 = arith.andi %get3A_362, %and3A_364 : vector<16xi32>
        %swap3A_366 = arith.constant 0 : index
        %swap3A_367 = tpu.vector_load %arg7[%swap3A_366] {strides = array<i32>} : memref<128xi32, #tpu.memory_space<vmem>>, vector<16xi32>,
        tpu.vector_store %arg7[%swap3A_366], %and3A_365 {strides = array<i32>} : memref<128xi32, #tpu.memory_space<vmem>>, vector<16xi32>,
        %shift_right_logical3A_368 = arith.constant 16 : i32
        %shift_right_logical3A_369 = vector.broadcast %shift_right_logical3A_368 : i32 to vector<16xi32>
        %shift_right_logical3A_370 = arith.shrui %get3A_362, %shift_right_logical3A_369 : vector<16xi32>
        %swap3A_371 = arith.constant 0 : index
        %swap3A_372 = tpu.vector_load %arg9[%swap3A_371] {strides = array<i32>} : memref<128xi32, #tpu.memory_space<vmem>>, vector<16xi32>,
        tpu.vector_store %arg9[%swap3A_371], %shift_right_logical3A_370 {strides = array<i32>} : memref<128xi32, #tpu.memory_space<vmem>>, vector<16xi32>,
        %get3A_373 = arith.index_cast %add3A_359 : i32 to index
        %get3A_374 = arith.constant 16 : index
        %get3A_375 = tpu.vector_load %arg6[%get3A_373, %get3A_374] {strides = array<i32>} : memref<80x128xi32, #tpu.memory_space<vmem>>, vector<16xi32>,
        %and3A_376 = arith.constant 65535 : i32
        %and3A_377 = vector.broadcast %and3A_376 : i32 to vector<16xi32>
        %and3A_378 = arith.andi %get3A_375, %and3A_377 : vector<16xi32>
        %swap3A_379 = arith.constant 16 : index
        %swap3A_380 = tpu.vector_load %arg7[%swap3A_379] {strides = array<i32>} : memref<128xi32, #tpu.memory_space<vmem>>, vector<16xi32>,
        tpu.vector_store %arg7[%swap3A_379], %and3A_378 {strides = array<i32>} : memref<128xi32, #tpu.memory_space<vmem>>, vector<16xi32>,
        %shift_right_logical3A_381 = arith.constant 16 : i32
        %shift_right_logical3A_382 = vector.broadcast %shift_right_logical3A_381 : i32 to vector<16xi32>
        %shift_right_logical3A_383 = arith.shrui %get3A_375, %shift_right_logical3A_382 : vector<16xi32>
        %swap3A_384 = arith.constant 16 : index
        %swap3A_385 = tpu.vector_load %arg9[%swap3A_384] {strides = array<i32>} : memref<128xi32, #tpu.memory_space<vmem>>, vector<16xi32>,
        tpu.vector_store %arg9[%swap3A_384], %shift_right_logical3A_383 {strides = array<i32>} : memref<128xi32, #tpu.memory_space<vmem>>, vector<16xi32>,
        %get3A_386 = arith.index_cast %add3A_359 : i32 to index
        %get3A_387 = arith.constant 32 : index
        %get3A_388 = tpu.vector_load %arg6[%get3A_386, %get3A_387] {strides = array<i32>} : memref<80x128xi32, #tpu.memory_space<vmem>>, vector<16xi32>,
        %and3A_389 = arith.constant 65535 : i32
        %and3A_390 = vector.broadcast %and3A_389 : i32 to vector<16xi32>
        %and3A_391 = arith.andi %get3A_388, %and3A_390 : vector<16xi32>
        %swap3A_392 = arith.constant 32 : index
        %swap3A_393 = tpu.vector_load %arg7[%swap3A_392] {strides = array<i32>} : memref<128xi32, #tpu.memory_space<vmem>>, vector<16xi32>,
        tpu.vector_store %arg7[%swap3A_392], %and3A_391 {strides = array<i32>} : memref<128xi32, #tpu.memory_space<vmem>>, vector<16xi32>,
        %shift_right_logical3A_394 = arith.constant 16 : i32
        %shift_right_logical3A_395 = vector.broadcast %shift_right_logical3A_394 : i32 to vector<16xi32>
        %shift_right_logical3A_396 = arith.shrui %get3A_388, %shift_right_logical3A_395 : vector<16xi32>
        %swap3A_397 = arith.constant 32 : index
        %swap3A_398 = tpu.vector_load %arg9[%swap3A_397] {strides = array<i32>} : memref<128xi32, #tpu.memory_space<vmem>>, vector<16xi32>,
        tpu.vector_store %arg9[%swap3A_397], %shift_right_logical3A_396 {strides = array<i32>} : memref<128xi32, #tpu.memory_space<vmem>>, vector<16xi32>,
        %get3A_399 = arith.index_cast %add3A_359 : i32 to index
        %get3A_400 = arith.constant 48 : index
        %get3A_401 = tpu.vector_load %arg6[%get3A_399, %get3A_400] {strides = array<i32>} : memref<80x128xi32, #tpu.memory_space<vmem>>, vector<16xi32>,
        %and3A_402 = arith.constant 65535 : i32
        %and3A_403 = vector.broadcast %and3A_402 : i32 to vector<16xi32>
        %and3A_404 = arith.andi %get3A_401, %and3A_403 : vector<16xi32>
        %swap3A_405 = arith.constant 48 : index
        %swap3A_406 = tpu.vector_load %arg7[%swap3A_405] {strides = array<i32>} : memref<128xi32, #tpu.memory_space<vmem>>, vector<16xi32>,
        tpu.vector_store %arg7[%swap3A_405], %and3A_404 {strides = array<i32>} : memref<128xi32, #tpu.memory_space<vmem>>, vector<16xi32>,
        %shift_right_logical3A_407 = arith.constant 16 : i32
        %shift_right_logical3A_408 = vector.broadcast %shift_right_logical3A_407 : i32 to vector<16xi32>
        %shift_right_logical3A_409 = arith.shrui %get3A_401, %shift_right_logical3A_408 : vector<16xi32>
        %swap3A_410 = arith.constant 48 : index
        %swap3A_411 = tpu.vector_load %arg9[%swap3A_410] {strides = array<i32>} : memref<128xi32, #tpu.memory_space<vmem>>, vector<16xi32>,
        tpu.vector_store %arg9[%swap3A_410], %shift_right_logical3A_409 {strides = array<i32>} : memref<128xi32, #tpu.memory_space<vmem>>, vector<16xi32>,
        %get3A_412 = arith.index_cast %add3A_359 : i32 to index
        %get3A_413 = arith.constant 64 : index
        %get3A_414 = tpu.vector_load %arg6[%get3A_412, %get3A_413] {strides = array<i32>} : memref<80x128xi32, #tpu.memory_space<vmem>>, vector<16xi32>,
        %and3A_415 = arith.constant 65535 : i32
        %and3A_416 = vector.broadcast %and3A_415 : i32 to vector<16xi32>
        %and3A_417 = arith.andi %get3A_414, %and3A_416 : vector<16xi32>
        %swap3A_418 = arith.constant 64 : index
        %swap3A_419 = tpu.vector_load %arg7[%swap3A_418] {strides = array<i32>} : memref<128xi32, #tpu.memory_space<vmem>>, vector<16xi32>,
        tpu.vector_store %arg7[%swap3A_418], %and3A_417 {strides = array<i32>} : memref<128xi32, #tpu.memory_space<vmem>>, vector<16xi32>,
        %shift_right_logical3A_420 = arith.constant 16 : i32
        %shift_right_logical3A_421 = vector.broadcast %shift_right_logical3A_420 : i32 to vector<16xi32>
        %shift_right_logical3A_422 = arith.shrui %get3A_414, %shift_right_logical3A_421 : vector<16xi32>
        %swap3A_423 = arith.constant 64 : index
        %swap3A_424 = tpu.vector_load %arg9[%swap3A_423] {strides = array<i32>} : memref<128xi32, #tpu.memory_space<vmem>>, vector<16xi32>,
        tpu.vector_store %arg9[%swap3A_423], %shift_right_logical3A_422 {strides = array<i32>} : memref<128xi32, #tpu.memory_space<vmem>>, vector<16xi32>,
        %get3A_425 = arith.index_cast %add3A_359 : i32 to index
        %get3A_426 = arith.constant 80 : index
        %get3A_427 = tpu.vector_load %arg6[%get3A_425, %get3A_426] {strides = array<i32>} : memref<80x128xi32, #tpu.memory_space<vmem>>, vector<16xi32>,
        %and3A_428 = arith.constant 65535 : i32
        %and3A_429 = vector.broadcast %and3A_428 : i32 to vector<16xi32>
        %and3A_430 = arith.andi %get3A_427, %and3A_429 : vector<16xi32>
        %swap3A_431 = arith.constant 80 : index
        %swap3A_432 = tpu.vector_load %arg7[%swap3A_431] {strides = array<i32>} : memref<128xi32, #tpu.memory_space<vmem>>, vector<16xi32>,
        tpu.vector_store %arg7[%swap3A_431], %and3A_430 {strides = array<i32>} : memref<128xi32, #tpu.memory_space<vmem>>, vector<16xi32>,
        %shift_right_logical3A_433 = arith.constant 16 : i32
        %shift_right_logical3A_434 = vector.broadcast %shift_right_logical3A_433 : i32 to vector<16xi32>
        %shift_right_logical3A_435 = arith.shrui %get3A_427, %shift_right_logical3A_434 : vector<16xi32>
        %swap3A_436 = arith.constant 80 : index
        %swap3A_437 = tpu.vector_load %arg9[%swap3A_436] {strides = array<i32>} : memref<128xi32, #tpu.memory_space<vmem>>, vector<16xi32>,
        tpu.vector_store %arg9[%swap3A_436], %shift_right_logical3A_435 {strides = array<i32>} : memref<128xi32, #tpu.memory_space<vmem>>, vector<16xi32>,
        %get3A_438 = arith.index_cast %add3A_359 : i32 to index
        %get3A_439 = arith.constant 96 : index
        %get3A_440 = tpu.vector_load %arg6[%get3A_438, %get3A_439] {strides = array<i32>} : memref<80x128xi32, #tpu.memory_space<vmem>>, vector<16xi32>,
        %and3A_441 = arith.constant 65535 : i32
        %and3A_442 = vector.broadcast %and3A_441 : i32 to vector<16xi32>
        %and3A_443 = arith.andi %get3A_440, %and3A_442 : vector<16xi32>
        %swap3A_444 = arith.constant 96 : index
        %swap3A_445 = tpu.vector_load %arg7[%swap3A_444] {strides = array<i32>} : memref<128xi32, #tpu.memory_space<vmem>>, vector<16xi32>,
        tpu.vector_store %arg7[%swap3A_444], %and3A_443 {strides = array<i32>} : memref<128xi32, #tpu.memory_space<vmem>>, vector<16xi32>,
        %shift_right_logical3A_446 = arith.constant 16 : i32
        %shift_right_logical3A_447 = vector.broadcast %shift_right_logical3A_446 : i32 to vector<16xi32>
        %shift_right_logical3A_448 = arith.shrui %get3A_440, %shift_right_logical3A_447 : vector<16xi32>
        %swap3A_449 = arith.constant 96 : index
        %swap3A_450 = tpu.vector_load %arg9[%swap3A_449] {strides = array<i32>} : memref<128xi32, #tpu.memory_space<vmem>>, vector<16xi32>,
        tpu.vector_store %arg9[%swap3A_449], %shift_right_logical3A_448 {strides = array<i32>} : memref<128xi32, #tpu.memory_space<vmem>>, vector<16xi32>,
        %get3A_451 = arith.index_cast %add3A_359 : i32 to index
        %get3A_452 = arith.constant 112 : index
        %get3A_453 = tpu.vector_load %arg6[%get3A_451, %get3A_452] {strides = array<i32>} : memref<80x128xi32, #tpu.memory_space<vmem>>, vector<16xi32>,
        %and3A_454 = arith.constant 65535 : i32
        %and3A_455 = vector.broadcast %and3A_454 : i32 to vector<16xi32>
        %and3A_456 = arith.andi %get3A_453, %and3A_455 : vector<16xi32>
        %swap3A_457 = arith.constant 112 : index
        %swap3A_458 = tpu.vector_load %arg7[%swap3A_457] {strides = array<i32>} : memref<128xi32, #tpu.memory_space<vmem>>, vector<16xi32>,
        tpu.vector_store %arg7[%swap3A_457], %and3A_456 {strides = array<i32>} : memref<128xi32, #tpu.memory_space<vmem>>, vector<16xi32>,
        %shift_right_logical3A_459 = arith.constant 16 : i32
        %shift_right_logical3A_460 = vector.broadcast %shift_right_logical3A_459 : i32 to vector<16xi32>
        %shift_right_logical3A_461 = arith.shrui %get3A_453, %shift_right_logical3A_460 : vector<16xi32>
        %swap3A_462 = arith.constant 112 : index
        %swap3A_463 = tpu.vector_load %arg9[%swap3A_462] {strides = array<i32>} : memref<128xi32, #tpu.memory_space<vmem>>, vector<16xi32>,
        tpu.vector_store %arg9[%swap3A_462], %shift_right_logical3A_461 {strides = array<i32>} : memref<128xi32, #tpu.memory_space<vmem>>, vector<16xi32>,
        %mul3A_464 = arith.constant 80 : i32
        %mul3A_465 = arith.muli %add3A, %mul3A_464 : i32
        %add3A_466 = arith.addi %mul3A_465, %add3A_359 : i32
        %dma_start3A_467 = arith.constant 0 : i32
        %dma_start3A_468 = tpu.memref_slice %arg3[%add3A_466, %dma_start3A_467] : memref<2560x128xf32, #tpu.memory_space<hbm>> -> memref<1x128xf32, #tpu.memory_space<hbm>>
        %dma_start3A_469 = tpu.memref_squeeze %dma_start3A_468 : memref<1x128xf32, #tpu.memory_space<hbm>> -> memref<128xf32, #tpu.memory_space<hbm>>
        %dma_start3A_470 = arith.constant 0 : i32
        %dma_start3A_471 = tpu.memref_slice %arg3[%add3A_466, %dma_start3A_470] : memref<2560x128xf32, #tpu.memory_space<hbm>> -> memref<1x128xf32, #tpu.memory_space<hbm>>
        %dma_start3A_472 = tpu.memref_squeeze %dma_start3A_471 : memref<1x128xf32, #tpu.memory_space<hbm>> -> memref<128xf32, #tpu.memory_space<hbm>>
        tpu.enqueue_dma source(%dma_start3A_472 : memref<128xf32, #tpu.memory_space<hbm>>) target(%arg11 : memref<128xf32, #tpu.memory_space<vmem>>) target_semaphore(%arg20 : memref<!tpu.dma_semaphore, #tpu.memory_space<semaphore_mem>>)
        %dma_start3A_473 = arith.constant 0 : i32
        %dma_start3A_474 = arith.constant 0 : i32
        %dma_start3A_475 = tpu.memref_slice %arg4[%dma_start3A_473, %dma_start3A_474] : memref<10000x128xf32, #tpu.memory_space<hbm>> -> memref<10000x128xf32, #tpu.memory_space<hbm>>
        tpu.enqueue_indirect_dma source(%dma_start3A_475 : memref<10000x128xf32, #tpu.memory_space<hbm>>) target(%arg13 : memref<128x128xf32, #tpu.memory_space<vmem>>) offsets(%arg7 : memref<128xi32, #tpu.memory_space<vmem>>) semaphore(%arg16 : memref<!tpu.dma_semaphore, #tpu.memory_space<semaphore_mem>>)
      } else {
      }
    }
    %scan3A_146 = arith.constant 40 : i32
    %dma_wait3A = arith.constant 0 : i32
    %dma_wait3A_147 = arith.constant 0 : i32
    %dma_wait3A_148 = tpu.memref_slice %arg15[%dma_wait3A, %dma_wait3A_147] : memref<10000x128xf32, #tpu.memory_space<vmem_shared>> -> memref<10000x128xf32, #tpu.memory_space<vmem_shared>>
    tpu.wait_indirect_dma semaphore(%arg18 : memref<!tpu.dma_semaphore, #tpu.memory_space<semaphore_mem>>) src(%arg13 : memref<128x128xf32, #tpu.memory_space<vmem>>) dst(%dma_wait3A_148 : memref<10000x128xf32, #tpu.memory_space<vmem_shared>>)
    %dma_wait3A_149 = arith.constant 0 : i32
    %dma_wait3A_150 = arith.constant 0 : i32
    %dma_wait3A_151 = tpu.memref_slice %arg15[%dma_wait3A_149, %dma_wait3A_150] : memref<10000x128xf32, #tpu.memory_space<vmem_shared>> -> memref<10000x128xf32, #tpu.memory_space<vmem_shared>>
    tpu.wait_indirect_dma semaphore(%arg19 : memref<!tpu.dma_semaphore, #tpu.memory_space<semaphore_mem>>) src(%arg14 : memref<128x128xf32, #tpu.memory_space<vmem>>) dst(%dma_wait3A_151 : memref<10000x128xf32, #tpu.memory_space<vmem_shared>>)
    %barrier3A_152 = arith.constant 0 : index
    tpu.barrier barrier_id(%barrier3A_152)
    %sub3A_153 = arith.constant 78 : i32
    %sub3A_154 = arith.subi %sub3A_153, %arg1 : i32
    %sub3A_155 = arith.constant 16 : i32
    %sub3A_156 = arith.constant 1 : i32
    %sub3A_157 = arith.subi %sub3A_155, %sub3A_156 : i32
    %add3A_158 = arith.addi %sub3A_154, %sub3A_157 : i32
    %div3A_159 = arith.constant 16 : i32
    %div3A_160 = arith.divsi %add3A_158, %div3A_159 : i32
    %while3A_161 = arith.constant 16 : i32
    %while3A_162 = arith.constant 0 : i32
    %while3A_163 = arith.subi %div3A_160, %while3A_162 : i32
    %while3A_164 = arith.addi %while3A_162, %while3A_163 : i32
    %while3A_165 = arith.constant 1 : i32
    %while3A_166 = arith.divsi %while3A_163, %while3A_165 : i32
    %while3A_167 = arith.muli %while3A_166, %while3A_165 : i32
    %while3A_168 = arith.addi %while3A_162, %while3A_167 : i32
    %while3A_169 = arith.constant 1 : i32
    scf.for %while3A_176 = %while3A_162 to %while3A_168 step %while3A_169  : i32 {
      %mul3A_177 = arith.muli %while3A_176, %while3A_161 : i32
      %add3A_178 = arith.addi %arg1, %mul3A_177 : i32
      %mul3A_179 = arith.constant 128 : i32
      %mul3A_180 = arith.muli %add3A_178, %mul3A_179 : i32
      %mul3A_181 = arith.constant 128 : i32
      %mul3A_182 = arith.muli %add3A_178, %mul3A_181 : i32
      "tpu.region"() ({
        %run_scoped3A = tpu.sem_alloc : memref<!tpu.dma_semaphore, #tpu.memory_space<semaphore_mem>>
        %dma_start3A_183 = arith.constant 0 : i32
        %dma_start3A_184 = arith.constant 0 : i32
        %dma_start3A_185 = tpu.memref_slice %arg5[%arg0, %dma_start3A_183, %dma_start3A_184] : memref<2x10000x128xf32, #tpu.memory_space<hbm>> -> memref<1x10000x128xf32, #tpu.memory_space<hbm>>
        %dma_start3A_186 = tpu.memref_squeeze %dma_start3A_185 : memref<1x10000x128xf32, #tpu.memory_space<hbm>> -> memref<10000x128xf32, #tpu.memory_space<hbm>>
        %dma_start3A_187 = arith.constant 0 : i32
        %dma_start3A_188 = tpu.memref_slice %dma_start3A_186[%mul3A_182, %dma_start3A_187] : memref<10000x128xf32, #tpu.memory_space<hbm>> -> memref<128x128xf32, #tpu.memory_space<hbm>>
        %dma_start3A_189 = arith.constant 0 : i32
        %dma_start3A_190 = tpu.memref_slice %arg15[%mul3A_180, %dma_start3A_189] : memref<10000x128xf32, #tpu.memory_space<vmem_shared>> -> memref<128x128xf32, #tpu.memory_space<vmem_shared>>
        tpu.enqueue_dma source(%dma_start3A_190 : memref<128x128xf32, #tpu.memory_space<vmem_shared>>) target(%dma_start3A_188 : memref<128x128xf32, #tpu.memory_space<hbm>>) target_semaphore(%run_scoped3A : memref<!tpu.dma_semaphore, #tpu.memory_space<semaphore_mem>>)
        %dma_wait3A_191 = arith.constant 0 : i32
        %dma_wait3A_192 = arith.constant 0 : i32
        %dma_wait3A_193 = tpu.memref_slice %arg5[%arg0, %dma_wait3A_191, %dma_wait3A_192] : memref<2x10000x128xf32, #tpu.memory_space<hbm>> -> memref<1x10000x128xf32, #tpu.memory_space<hbm>>
        %dma_wait3A_194 = tpu.memref_squeeze %dma_wait3A_193 : memref<1x10000x128xf32, #tpu.memory_space<hbm>> -> memref<10000x128xf32, #tpu.memory_space<hbm>>
        %dma_wait3A_195 = arith.constant 0 : i32
        %dma_wait3A_196 = tpu.memref_slice %dma_wait3A_194[%mul3A_182, %dma_wait3A_195] : memref<10000x128xf32, #tpu.memory_space<hbm>> -> memref<128x128xf32, #tpu.memory_space<hbm>>
        %dma_wait3A_197 = arith.constant 0 : i32
        %dma_wait3A_198 = tpu.memref_slice %arg15[%mul3A_180, %dma_wait3A_197] : memref<10000x128xf32, #tpu.memory_space<vmem_shared>> -> memref<128x128xf32, #tpu.memory_space<vmem_shared>>
        tpu.wait_dma2 semaphore(%run_scoped3A : memref<!tpu.dma_semaphore, #tpu.memory_space<semaphore_mem>>) src(%dma_wait3A_198 : memref<128x128xf32, #tpu.memory_space<vmem_shared>>) dst(%dma_wait3A_196 : memref<128x128xf32, #tpu.memory_space<hbm>>)
        tpu.yield
      }) : () -> ()
    }
    %while3A_170 = arith.constant 1 : i32
    scf.for %while3A_176 = %while3A_168 to %while3A_164 step %while3A_170  : i32 {
      %mul3A_177 = arith.muli %while3A_176, %while3A_161 : i32
      %add3A_178 = arith.addi %arg1, %mul3A_177 : i32
      %mul3A_179 = arith.constant 128 : i32
      %mul3A_180 = arith.muli %add3A_178, %mul3A_179 : i32
      %mul3A_181 = arith.constant 128 : i32
      %mul3A_182 = arith.muli %add3A_178, %mul3A_181 : i32
      "tpu.region"() ({
        %run_scoped3A = tpu.sem_alloc : memref<!tpu.dma_semaphore, #tpu.memory_space<semaphore_mem>>
        %dma_start3A_183 = arith.constant 0 : i32
        %dma_start3A_184 = arith.constant 0 : i32
        %dma_start3A_185 = tpu.memref_slice %arg5[%arg0, %dma_start3A_183, %dma_start3A_184] : memref<2x10000x128xf32, #tpu.memory_space<hbm>> -> memref<1x10000x128xf32, #tpu.memory_space<hbm>>
        %dma_start3A_186 = tpu.memref_squeeze %dma_start3A_185 : memref<1x10000x128xf32, #tpu.memory_space<hbm>> -> memref<10000x128xf32, #tpu.memory_space<hbm>>
        %dma_start3A_187 = arith.constant 0 : i32
        %dma_start3A_188 = tpu.memref_slice %dma_start3A_186[%mul3A_182, %dma_start3A_187] : memref<10000x128xf32, #tpu.memory_space<hbm>> -> memref<128x128xf32, #tpu.memory_space<hbm>>
        %dma_start3A_189 = arith.constant 0 : i32
        %dma_start3A_190 = tpu.memref_slice %arg15[%mul3A_180, %dma_start3A_189] : memref<10000x128xf32, #tpu.memory_space<vmem_shared>> -> memref<128x128xf32, #tpu.memory_space<vmem_shared>>
        tpu.enqueue_dma source(%dma_start3A_190 : memref<128x128xf32, #tpu.memory_space<vmem_shared>>) target(%dma_start3A_188 : memref<128x128xf32, #tpu.memory_space<hbm>>) target_semaphore(%run_scoped3A : memref<!tpu.dma_semaphore, #tpu.memory_space<semaphore_mem>>)
        %dma_wait3A_191 = arith.constant 0 : i32
        %dma_wait3A_192 = arith.constant 0 : i32
        %dma_wait3A_193 = tpu.memref_slice %arg5[%arg0, %dma_wait3A_191, %dma_wait3A_192] : memref<2x10000x128xf32, #tpu.memory_space<hbm>> -> memref<1x10000x128xf32, #tpu.memory_space<hbm>>
        %dma_wait3A_194 = tpu.memref_squeeze %dma_wait3A_193 : memref<1x10000x128xf32, #tpu.memory_space<hbm>> -> memref<10000x128xf32, #tpu.memory_space<hbm>>
        %dma_wait3A_195 = arith.constant 0 : i32
        %dma_wait3A_196 = tpu.memref_slice %dma_wait3A_194[%mul3A_182, %dma_wait3A_195] : memref<10000x128xf32, #tpu.memory_space<hbm>> -> memref<128x128xf32, #tpu.memory_space<hbm>>
        %dma_wait3A_197 = arith.constant 0 : i32
        %dma_wait3A_198 = tpu.memref_slice %arg15[%mul3A_180, %dma_wait3A_197] : memref<10000x128xf32, #tpu.memory_space<vmem_shared>> -> memref<128x128xf32, #tpu.memory_space<vmem_shared>>
        tpu.wait_dma2 semaphore(%run_scoped3A : memref<!tpu.dma_semaphore, #tpu.memory_space<semaphore_mem>>) src(%dma_wait3A_198 : memref<128x128xf32, #tpu.memory_space<vmem_shared>>) dst(%dma_wait3A_196 : memref<128x128xf32, #tpu.memory_space<hbm>>)
        tpu.yield
      }) : () -> ()
    }
    %eq3A_171 = arith.constant 14 : i32
    %eq3A_172 = arith.cmpi eq, %arg1, %eq3A_171 : i32
    %convert_element_type3A_173 = arith.extui %eq3A_172 : i1 to i32
    %cond3A_174 = arith.constant 0 : i32
    %cond3A_175 = arith.cmpi ne, %convert_element_type3A_173, %cond3A_174 : i32
    scf.if %cond3A_175 {
      "tpu.region"() ({
        %run_scoped3A = tpu.sem_alloc : memref<!tpu.dma_semaphore, #tpu.memory_space<semaphore_mem>>
        %dma_start3A_176 = arith.constant 0 : i32
        %dma_start3A_177 = arith.constant 0 : i32
        %dma_start3A_178 = tpu.memref_slice %arg5[%arg0, %dma_start3A_176, %dma_start3A_177] : memref<2x10000x128xf32, #tpu.memory_space<hbm>> -> memref<1x10000x128xf32, #tpu.memory_space<hbm>>
        %dma_start3A_179 = tpu.memref_squeeze %dma_start3A_178 : memref<1x10000x128xf32, #tpu.memory_space<hbm>> -> memref<10000x128xf32, #tpu.memory_space<hbm>>
        %dma_start3A_180 = arith.constant 9984 : i32
        %dma_start3A_181 = arith.constant 0 : i32
        %dma_start3A_182 = tpu.memref_slice %dma_start3A_179[%dma_start3A_180, %dma_start3A_181] : memref<10000x128xf32, #tpu.memory_space<hbm>> -> memref<16x128xf32, #tpu.memory_space<hbm>>
        %dma_start3A_183 = arith.constant 9984 : i32
        %dma_start3A_184 = arith.constant 0 : i32
        %dma_start3A_185 = tpu.memref_slice %arg15[%dma_start3A_183, %dma_start3A_184] : memref<10000x128xf32, #tpu.memory_space<vmem_shared>> -> memref<16x128xf32, #tpu.memory_space<vmem_shared>>
        tpu.enqueue_dma source(%dma_start3A_185 : memref<16x128xf32, #tpu.memory_space<vmem_shared>>) target(%dma_start3A_182 : memref<16x128xf32, #tpu.memory_space<hbm>>) target_semaphore(%run_scoped3A : memref<!tpu.dma_semaphore, #tpu.memory_space<semaphore_mem>>)
        %dma_wait3A_186 = arith.constant 0 : i32
        %dma_wait3A_187 = arith.constant 0 : i32
        %dma_wait3A_188 = tpu.memref_slice %arg5[%arg0, %dma_wait3A_186, %dma_wait3A_187] : memref<2x10000x128xf32, #tpu.memory_space<hbm>> -> memref<1x10000x128xf32, #tpu.memory_space<hbm>>
        %dma_wait3A_189 = tpu.memref_squeeze %dma_wait3A_188 : memref<1x10000x128xf32, #tpu.memory_space<hbm>> -> memref<10000x128xf32, #tpu.memory_space<hbm>>
        %dma_wait3A_190 = arith.constant 9984 : i32
        %dma_wait3A_191 = arith.constant 0 : i32
        %dma_wait3A_192 = tpu.memref_slice %dma_wait3A_189[%dma_wait3A_190, %dma_wait3A_191] : memref<10000x128xf32, #tpu.memory_space<hbm>> -> memref<16x128xf32, #tpu.memory_space<hbm>>
        %dma_wait3A_193 = arith.constant 9984 : i32
        %dma_wait3A_194 = arith.constant 0 : i32
        %dma_wait3A_195 = tpu.memref_slice %arg15[%dma_wait3A_193, %dma_wait3A_194] : memref<10000x128xf32, #tpu.memory_space<vmem_shared>> -> memref<16x128xf32, #tpu.memory_space<vmem_shared>>
        tpu.wait_dma2 semaphore(%run_scoped3A : memref<!tpu.dma_semaphore, #tpu.memory_space<semaphore_mem>>) src(%dma_wait3A_195 : memref<16x128xf32, #tpu.memory_space<vmem_shared>>) dst(%dma_wait3A_192 : memref<16x128xf32, #tpu.memory_space<hbm>>)
        tpu.yield
      }) : () -> ()
    } else {
    }
    return
  }
}

#map = affine_map<(d0, d1) -> (0, 0, 0)>
#map1 = affine_map<(d0, d1) -> (0, 0)>
module attributes {stable_mosaic.version = 14 : i64} {
  func.func @spmm_kernel(%arg0: i32, %arg1: i32, %arg2: memref<32x80x128xi32, #tpu.memory_space<hbm>>, %arg3: memref<2560x128xf32, #tpu.memory_space<hbm>>, %arg4: memref<10000x128xf32, #tpu.memory_space<hbm>>, %arg5: memref<2x10000x128xf32, #tpu.memory_space<hbm>>, %arg6: memref<80x128xi32, #tpu.memory_space<vmem>>, %arg7: memref<128xi32, #tpu.memory_space<vmem>>, %arg8: memref<128xi32, #tpu.memory_space<vmem>>, %arg9: memref<128xi32, #tpu.memory_space<vmem>>, %arg10: memref<128xi32, #tpu.memory_space<vmem>>, %arg11: memref<128xf32, #tpu.memory_space<vmem>>, %arg12: memref<128xf32, #tpu.memory_space<vmem>>, %arg13: memref<128x128xf32, #tpu.memory_space<vmem>>, %arg14: memref<128x128xf32, #tpu.memory_space<vmem>>, %arg15: memref<10000x128xf32, #tpu.memory_space<vmem_shared>>, %arg16: memref<!tpu.dma_semaphore, #tpu.memory_space<semaphore_mem>>, %arg17: memref<!tpu.dma_semaphore, #tpu.memory_space<semaphore_mem>>, %arg18: memref<!tpu.dma_semaphore, #tpu.memory_space<semaphore_mem>>, %arg19: memref<!tpu.dma_semaphore, #tpu.memory_space<semaphore_mem>>, %arg20: memref<!tpu.dma_semaphore, #tpu.memory_space<semaphore_mem>>, %arg21: memref<!tpu.dma_semaphore, #tpu.memory_space<semaphore_mem>>) attributes {dimension_semantics = [#tpu.dimension_semantics<core_parallel>, #tpu.dimension_semantics<subcore_parallel>], iteration_bounds = array<i64: 2, 16>, scalar_prefetch = 0 : i64, scratch_operands = 16 : i64, tpu.core_type = #tpu.core_type<sc_vector_subcore>, window_params = [{transform_indices = #map}, {transform_indices = #map1}, {transform_indices = #map1}, {transform_indices = #map}]} {
    %mul3A = arith.constant 16 : i32
    %mul3A_0 = arith.muli %arg0, %mul3A : i32
    %add3A = arith.addi %mul3A_0, %arg1 : i32
    "tpu.region"() ({
      %run_scoped3A = tpu.sem_alloc : memref<!tpu.dma_semaphore, #tpu.memory_space<semaphore_mem>>
      %dma_start3A_176 = arith.constant 0 : i32
      %dma_start3A_177 = arith.constant 0 : i32
      %dma_start3A_178 = tpu.memref_slice %arg2[%add3A, %dma_start3A_176, %dma_start3A_177] : memref<32x80x128xi32, #tpu.memory_space<hbm>> -> memref<1x80x128xi32, #tpu.memory_space<hbm>>
      %dma_start3A_179 = tpu.memref_squeeze %dma_start3A_178 : memref<1x80x128xi32, #tpu.memory_space<hbm>> -> memref<80x128xi32, #tpu.memory_space<hbm>>
      %dma_start3A_180 = arith.constant 0 : i32
      %dma_start3A_181 = arith.constant 0 : i32
      %dma_start3A_182 = tpu.memref_slice %arg2[%add3A, %dma_start3A_180, %dma_start3A_181] : memref<32x80x128xi32, #tpu.memory_space<hbm>> -> memref<1x80x128xi32, #tpu.memory_space<hbm>>
      %dma_start3A_183 = tpu.memref_squeeze %dma_start3A_182 : memref<1x80x128xi32, #tpu.memory_space<hbm>> -> memref<80x128xi32, #tpu.memory_space<hbm>>
      tpu.enqueue_dma source(%dma_start3A_183 : memref<80x128xi32, #tpu.memory_space<hbm>>) target(%arg6 : memref<80x128xi32, #tpu.memory_space<vmem>>) target_semaphore(%run_scoped3A : memref<!tpu.dma_semaphore, #tpu.memory_space<semaphore_mem>>)
      %dma_wait3A_184 = arith.constant 0 : i32
      %dma_wait3A_185 = arith.constant 0 : i32
      %dma_wait3A_186 = tpu.memref_slice %arg2[%add3A, %dma_wait3A_184, %dma_wait3A_185] : memref<32x80x128xi32, #tpu.memory_space<hbm>> -> memref<1x80x128xi32, #tpu.memory_space<hbm>>
      %dma_wait3A_187 = tpu.memref_squeeze %dma_wait3A_186 : memref<1x80x128xi32, #tpu.memory_space<hbm>> -> memref<80x128xi32, #tpu.memory_space<hbm>>
      %dma_wait3A_188 = arith.constant 0 : i32
      %dma_wait3A_189 = arith.constant 0 : i32
      %dma_wait3A_190 = tpu.memref_slice %arg2[%add3A, %dma_wait3A_188, %dma_wait3A_189] : memref<32x80x128xi32, #tpu.memory_space<hbm>> -> memref<1x80x128xi32, #tpu.memory_space<hbm>>
      %dma_wait3A_191 = tpu.memref_squeeze %dma_wait3A_190 : memref<1x80x128xi32, #tpu.memory_space<hbm>> -> memref<80x128xi32, #tpu.memory_space<hbm>>
      tpu.wait_dma2 semaphore(%run_scoped3A : memref<!tpu.dma_semaphore, #tpu.memory_space<semaphore_mem>>) src(%dma_wait3A_191 : memref<80x128xi32, #tpu.memory_space<hbm>>) dst(%arg6 : memref<80x128xi32, #tpu.memory_space<vmem>>)
      tpu.yield
    }) : () -> ()
    %scan3A = arith.constant 0 : i32
    %scan3A_1 = arith.constant 128 : i32
    %scan3A_2 = arith.addi %scan3A, %scan3A_1 : i32
    %scan3A_3 = arith.constant 1 : i32
    scf.for %scan3A_176 = %scan3A to %scan3A_2 step %scan3A_3  : i32 {
      %mul3A_177 = arith.constant 1 : i32
      %mul3A_178 = arith.muli %scan3A_176, %mul3A_177 : i32
      %add3A_179 = arith.constant 0 : i32
      %add3A_180 = arith.addi %add3A_179, %mul3A_178 : i32
      %broadcast_in_dim3A = arith.constant 0.000000e+00 : f32
      %broadcast_in_dim3A_181 = vector.broadcast %broadcast_in_dim3A : f32 to vector<16xf32>
      %swap3A_182 = arith.index_cast %add3A_180 : i32 to index
      %swap3A_183 = arith.constant 0 : index
      %swap3A_184 = tpu.vector_load %arg14[%swap3A_182, %swap3A_183] {strides = array<i32>} : memref<128x128xf32, #tpu.memory_space<vmem>>, vector<16xf32>,
      tpu.vector_store %arg14[%swap3A_182, %swap3A_183], %broadcast_in_dim3A_181 {strides = array<i32>} : memref<128x128xf32, #tpu.memory_space<vmem>>, vector<16xf32>,
      %broadcast_in_dim3A_185 = arith.constant 0.000000e+00 : f32
      %broadcast_in_dim3A_186 = vector.broadcast %broadcast_in_dim3A_185 : f32 to vector<16xf32>
      %swap3A_187 = arith.index_cast %add3A_180 : i32 to index
      %swap3A_188 = arith.constant 16 : index
      %swap3A_189 = tpu.vector_load %arg14[%swap3A_187, %swap3A_188] {strides = array<i32>} : memref<128x128xf32, #tpu.memory_space<vmem>>, vector<16xf32>,
      tpu.vector_store %arg14[%swap3A_187, %swap3A_188], %broadcast_in_dim3A_186 {strides = array<i32>} : memref<128x128xf32, #tpu.memory_space<vmem>>, vector<16xf32>,
      %broadcast_in_dim3A_190 = arith.constant 0.000000e+00 : f32
      %broadcast_in_dim3A_191 = vector.broadcast %broadcast_in_dim3A_190 : f32 to vector<16xf32>
      %swap3A_192 = arith.index_cast %add3A_180 : i32 to index
      %swap3A_193 = arith.constant 32 : index
      %swap3A_194 = tpu.vector_load %arg14[%swap3A_192, %swap3A_193] {strides = array<i32>} : memref<128x128xf32, #tpu.memory_space<vmem>>, vector<16xf32>,
      tpu.vector_store %arg14[%swap3A_192, %swap3A_193], %broadcast_in_dim3A_191 {strides = array<i32>} : memref<128x128xf32, #tpu.memory_space<vmem>>, vector<16xf32>,
      %broadcast_in_dim3A_195 = arith.constant 0.000000e+00 : f32
      %broadcast_in_dim3A_196 = vector.broadcast %broadcast_in_dim3A_195 : f32 to vector<16xf32>
      %swap3A_197 = arith.index_cast %add3A_180 : i32 to index
      %swap3A_198 = arith.constant 48 : index
      %swap3A_199 = tpu.vector_load %arg14[%swap3A_197, %swap3A_198] {strides = array<i32>} : memref<128x128xf32, #tpu.memory_space<vmem>>, vector<16xf32>,
      tpu.vector_store %arg14[%swap3A_197, %swap3A_198], %broadcast_in_dim3A_196 {strides = array<i32>} : memref<128x128xf32, #tpu.memory_space<vmem>>, vector<16xf32>,
      %broadcast_in_dim3A_200 = arith.constant 0.000000e+00 : f32
      %broadcast_in_dim3A_201 = vector.broadcast %broadcast_in_dim3A_200 : f32 to vector<16xf32>
      %swap3A_202 = arith.index_cast %add3A_180 : i32 to index
      %swap3A_203 = arith.constant 64 : index
      %swap3A_204 = tpu.vector_load %arg14[%swap3A_202, %swap3A_203] {strides = array<i32>} : memref<128x128xf32, #tpu.memory_space<vmem>>, vector<16xf32>,
      tpu.vector_store %arg14[%swap3A_202, %swap3A_203], %broadcast_in_dim3A_201 {strides = array<i32>} : memref<128x128xf32, #tpu.memory_space<vmem>>, vector<16xf32>,
      %broadcast_in_dim3A_205 = arith.constant 0.000000e+00 : f32
      %broadcast_in_dim3A_206 = vector.broadcast %broadcast_in_dim3A_205 : f32 to vector<16xf32>
      %swap3A_207 = arith.index_cast %add3A_180 : i32 to index
      %swap3A_208 = arith.constant 80 : index
      %swap3A_209 = tpu.vector_load %arg14[%swap3A_207, %swap3A_208] {strides = array<i32>} : memref<128x128xf32, #tpu.memory_space<vmem>>, vector<16xf32>,
      tpu.vector_store %arg14[%swap3A_207, %swap3A_208], %broadcast_in_dim3A_206 {strides = array<i32>} : memref<128x128xf32, #tpu.memory_space<vmem>>, vector<16xf32>,
      %broadcast_in_dim3A_210 = arith.constant 0.000000e+00 : f32
      %broadcast_in_dim3A_211 = vector.broadcast %broadcast_in_dim3A_210 : f32 to vector<16xf32>
      %swap3A_212 = arith.index_cast %add3A_180 : i32 to index
      %swap3A_213 = arith.constant 96 : index
      %swap3A_214 = tpu.vector_load %arg14[%swap3A_212, %swap3A_213] {strides = array<i32>} : memref<128x128xf32, #tpu.memory_space<vmem>>, vector<16xf32>,
      tpu.vector_store %arg14[%swap3A_212, %swap3A_213], %broadcast_in_dim3A_211 {strides = array<i32>} : memref<128x128xf32, #tpu.memory_space<vmem>>, vector<16xf32>,
      %broadcast_in_dim3A_215 = arith.constant 0.000000e+00 : f32
      %broadcast_in_dim3A_216 = vector.broadcast %broadcast_in_dim3A_215 : f32 to vector<16xf32>
      %swap3A_217 = arith.index_cast %add3A_180 : i32 to index
      %swap3A_218 = arith.constant 112 : index
      %swap3A_219 = tpu.vector_load %arg14[%swap3A_217, %swap3A_218] {strides = array<i32>} : memref<128x128xf32, #tpu.memory_space<vmem>>, vector<16xf32>,
      tpu.vector_store %arg14[%swap3A_217, %swap3A_218], %broadcast_in_dim3A_216 {strides = array<i32>} : memref<128x128xf32, #tpu.memory_space<vmem>>, vector<16xf32>,
    }
    %scan3A_4 = arith.constant 128 : i32
    %sub3A = arith.constant 78 : i32
    %sub3A_5 = arith.subi %sub3A, %arg1 : i32
    %sub3A_6 = arith.constant 16 : i32
    %sub3A_7 = arith.constant 1 : i32
    %sub3A_8 = arith.subi %sub3A_6, %sub3A_7 : i32
    %add3A_9 = arith.addi %sub3A_5, %sub3A_8 : i32
    %div3A = arith.constant 16 : i32
    %div3A_10 = arith.divsi %add3A_9, %div3A : i32
    %while3A = arith.constant 16 : i32
    %while3A_11 = arith.constant 0 : i32
    %while3A_12 = arith.subi %div3A_10, %while3A_11 : i32
    %while3A_13 = arith.addi %while3A_11, %while3A_12 : i32
    %while3A_14 = arith.constant 1 : i32
    %while3A_15 = arith.divsi %while3A_12, %while3A_14 : i32
    %while3A_16 = arith.muli %while3A_15, %while3A_14 : i32
    %while3A_17 = arith.addi %while3A_11, %while3A_16 : i32
    %while3A_18 = arith.constant 1 : i32
    scf.for %while3A_176 = %while3A_11 to %while3A_17 step %while3A_18  : i32 {
      %mul3A_177 = arith.muli %while3A_176, %while3A : i32
      %add3A_178 = arith.addi %arg1, %mul3A_177 : i32
      %mul3A_179 = arith.constant 128 : i32
      %mul3A_180 = arith.muli %add3A_178, %mul3A_179 : i32
      "tpu.region"() ({
        %run_scoped3A = tpu.sem_alloc : memref<!tpu.dma_semaphore, #tpu.memory_space<semaphore_mem>>
        %dma_start3A_181 = arith.constant 0 : i32
        %dma_start3A_182 = tpu.memref_slice %arg15[%mul3A_180, %dma_start3A_181] : memref<10000x128xf32, #tpu.memory_space<vmem_shared>> -> memref<128x128xf32, #tpu.memory_space<vmem_shared>>
        %dma_start3A_183 = arith.constant 0 : i32
        %dma_start3A_184 = tpu.memref_slice %arg15[%mul3A_180, %dma_start3A_183] : memref<10000x128xf32, #tpu.memory_space<vmem_shared>> -> memref<128x128xf32, #tpu.memory_space<vmem_shared>>
        tpu.enqueue_dma source(%arg14 : memref<128x128xf32, #tpu.memory_space<vmem>>) target(%dma_start3A_184 : memref<128x128xf32, #tpu.memory_space<vmem_shared>>) target_semaphore(%run_scoped3A : memref<!tpu.dma_semaphore, #tpu.memory_space<semaphore_mem>>)
        %dma_wait3A_185 = arith.constant 0 : i32
        %dma_wait3A_186 = tpu.memref_slice %arg15[%mul3A_180, %dma_wait3A_185] : memref<10000x128xf32, #tpu.memory_space<vmem_shared>> -> memref<128x128xf32, #tpu.memory_space<vmem_shared>>
        %dma_wait3A_187 = arith.constant 0 : i32
        %dma_wait3A_188 = tpu.memref_slice %arg15[%mul3A_180, %dma_wait3A_187] : memref<10000x128xf32, #tpu.memory_space<vmem_shared>> -> memref<128x128xf32, #tpu.memory_space<vmem_shared>>
        tpu.wait_dma2 semaphore(%run_scoped3A : memref<!tpu.dma_semaphore, #tpu.memory_space<semaphore_mem>>) src(%arg14 : memref<128x128xf32, #tpu.memory_space<vmem>>) dst(%dma_wait3A_188 : memref<128x128xf32, #tpu.memory_space<vmem_shared>>)
        tpu.yield
      }) : () -> ()
    }
    %while3A_19 = arith.constant 1 : i32
    scf.for %while3A_176 = %while3A_17 to %while3A_13 step %while3A_19  : i32 {
      %mul3A_177 = arith.muli %while3A_176, %while3A : i32
      %add3A_178 = arith.addi %arg1, %mul3A_177 : i32
      %mul3A_179 = arith.constant 128 : i32
      %mul3A_180 = arith.muli %add3A_178, %mul3A_179 : i32
      "tpu.region"() ({
        %run_scoped3A = tpu.sem_alloc : memref<!tpu.dma_semaphore, #tpu.memory_space<semaphore_mem>>
        %dma_start3A_181 = arith.constant 0 : i32
        %dma_start3A_182 = tpu.memref_slice %arg15[%mul3A_180, %dma_start3A_181] : memref<10000x128xf32, #tpu.memory_space<vmem_shared>> -> memref<128x128xf32, #tpu.memory_space<vmem_shared>>
        %dma_start3A_183 = arith.constant 0 : i32
        %dma_start3A_184 = tpu.memref_slice %arg15[%mul3A_180, %dma_start3A_183] : memref<10000x128xf32, #tpu.memory_space<vmem_shared>> -> memref<128x128xf32, #tpu.memory_space<vmem_shared>>
        tpu.enqueue_dma source(%arg14 : memref<128x128xf32, #tpu.memory_space<vmem>>) target(%dma_start3A_184 : memref<128x128xf32, #tpu.memory_space<vmem_shared>>) target_semaphore(%run_scoped3A : memref<!tpu.dma_semaphore, #tpu.memory_space<semaphore_mem>>)
        %dma_wait3A_185 = arith.constant 0 : i32
        %dma_wait3A_186 = tpu.memref_slice %arg15[%mul3A_180, %dma_wait3A_185] : memref<10000x128xf32, #tpu.memory_space<vmem_shared>> -> memref<128x128xf32, #tpu.memory_space<vmem_shared>>
        %dma_wait3A_187 = arith.constant 0 : i32
        %dma_wait3A_188 = tpu.memref_slice %arg15[%mul3A_180, %dma_wait3A_187] : memref<10000x128xf32, #tpu.memory_space<vmem_shared>> -> memref<128x128xf32, #tpu.memory_space<vmem_shared>>
        tpu.wait_dma2 semaphore(%run_scoped3A : memref<!tpu.dma_semaphore, #tpu.memory_space<semaphore_mem>>) src(%arg14 : memref<128x128xf32, #tpu.memory_space<vmem>>) dst(%dma_wait3A_188 : memref<128x128xf32, #tpu.memory_space<vmem_shared>>)
        tpu.yield
      }) : () -> ()
    }
    %eq3A = arith.constant 14 : i32
    %eq3A_20 = arith.cmpi eq, %arg1, %eq3A : i32
    %convert_element_type3A = arith.extui %eq3A_20 : i1 to i32
    %cond3A = arith.constant 0 : i32
    %cond3A_21 = arith.cmpi ne, %convert_element_type3A, %cond3A : i32
    scf.if %cond3A_21 {
      "tpu.region"() ({
        %run_scoped3A = tpu.sem_alloc : memref<!tpu.dma_semaphore, #tpu.memory_space<semaphore_mem>>
        %dma_start3A_176 = arith.constant 0 : i32
        %dma_start3A_177 = arith.constant 0 : i32
        %dma_start3A_178 = tpu.memref_slice %arg14[%dma_start3A_176, %dma_start3A_177] : memref<128x128xf32, #tpu.memory_space<vmem>> -> memref<16x128xf32, #tpu.memory_space<vmem>>
        %dma_start3A_179 = arith.constant 9984 : i32
        %dma_start3A_180 = arith.constant 0 : i32
        %dma_start3A_181 = tpu.memref_slice %arg15[%dma_start3A_179, %dma_start3A_180] : memref<10000x128xf32, #tpu.memory_space<vmem_shared>> -> memref<16x128xf32, #tpu.memory_space<vmem_shared>>
        %dma_start3A_182 = arith.constant 9984 : i32
        %dma_start3A_183 = arith.constant 0 : i32
        %dma_start3A_184 = tpu.memref_slice %arg15[%dma_start3A_182, %dma_start3A_183] : memref<10000x128xf32, #tpu.memory_space<vmem_shared>> -> memref<16x128xf32, #tpu.memory_space<vmem_shared>>
        %dma_start3A_185 = arith.constant 0 : i32
        %dma_start3A_186 = arith.constant 0 : i32
        %dma_start3A_187 = tpu.memref_slice %arg14[%dma_start3A_185, %dma_start3A_186] : memref<128x128xf32, #tpu.memory_space<vmem>> -> memref<16x128xf32, #tpu.memory_space<vmem>>
        tpu.enqueue_dma source(%dma_start3A_187 : memref<16x128xf32, #tpu.memory_space<vmem>>) target(%dma_start3A_184 : memref<16x128xf32, #tpu.memory_space<vmem_shared>>) target_semaphore(%run_scoped3A : memref<!tpu.dma_semaphore, #tpu.memory_space<semaphore_mem>>)
        %dma_wait3A_188 = arith.constant 0 : i32
        %dma_wait3A_189 = arith.constant 0 : i32
        %dma_wait3A_190 = tpu.memref_slice %arg14[%dma_wait3A_188, %dma_wait3A_189] : memref<128x128xf32, #tpu.memory_space<vmem>> -> memref<16x128xf32, #tpu.memory_space<vmem>>
        %dma_wait3A_191 = arith.constant 9984 : i32
        %dma_wait3A_192 = arith.constant 0 : i32
        %dma_wait3A_193 = tpu.memref_slice %arg15[%dma_wait3A_191, %dma_wait3A_192] : memref<10000x128xf32, #tpu.memory_space<vmem_shared>> -> memref<16x128xf32, #tpu.memory_space<vmem_shared>>
        %dma_wait3A_194 = arith.constant 9984 : i32
        %dma_wait3A_195 = arith.constant 0 : i32
        %dma_wait3A_196 = tpu.memref_slice %arg15[%dma_wait3A_194, %dma_wait3A_195] : memref<10000x128xf32, #tpu.memory_space<vmem_shared>> -> memref<16x128xf32, #tpu.memory_space<vmem_shared>>
        %dma_wait3A_197 = arith.constant 0 : i32
        %dma_wait3A_198 = arith.constant 0 : i32
        %dma_wait3A_199 = tpu.memref_slice %arg14[%dma_wait3A_197, %dma_wait3A_198] : memref<128x128xf32, #tpu.memory_space<vmem>> -> memref<16x128xf32, #tpu.memory_space<vmem>>
        tpu.wait_dma2 semaphore(%run_scoped3A : memref<!tpu.dma_semaphore, #tpu.memory_space<semaphore_mem>>) src(%dma_wait3A_199 : memref<16x128xf32, #tpu.memory_space<vmem>>) dst(%dma_wait3A_196 : memref<16x128xf32, #tpu.memory_space<vmem_shared>>)
        tpu.yield
      }) : () -> ()
    } else {
    }
    %barrier3A = arith.constant 0 : index
    tpu.barrier barrier_id(%barrier3A)
    %get3A = arith.constant 0 : i32
    %get3A_22 = arith.index_cast %get3A : i32 to index
    %get3A_23 = arith.constant 0 : index
    %get3A_24 = tpu.vector_load %arg6[%get3A_22, %get3A_23] {strides = array<i32>} : memref<80x128xi32, #tpu.memory_space<vmem>>, vector<16xi32>,
    %and3A = arith.constant 65535 : i32
    %and3A_25 = vector.broadcast %and3A : i32 to vector<16xi32>
    %and3A_26 = arith.andi %get3A_24, %and3A_25 : vector<16xi32>
    %swap3A = arith.constant 0 : index
    %swap3A_27 = tpu.vector_load %arg7[%swap3A] {strides = array<i32>} : memref<128xi32, #tpu.memory_space<vmem>>, vector<16xi32>,
    tpu.vector_store %arg7[%swap3A], %and3A_26 {strides = array<i32>} : memref<128xi32, #tpu.memory_space<vmem>>, vector<16xi32>,
    %shift_right_logical3A = arith.constant 16 : i32
    %shift_right_logical3A_28 = vector.broadcast %shift_right_logical3A : i32 to vector<16xi32>
    %shift_right_logical3A_29 = arith.shrui %get3A_24, %shift_right_logical3A_28 : vector<16xi32>
    %swap3A_30 = arith.constant 0 : index
    %swap3A_31 = tpu.vector_load %arg9[%swap3A_30] {strides = array<i32>} : memref<128xi32, #tpu.memory_space<vmem>>, vector<16xi32>,
    tpu.vector_store %arg9[%swap3A_30], %shift_right_logical3A_29 {strides = array<i32>} : memref<128xi32, #tpu.memory_space<vmem>>, vector<16xi32>,
    %get3A_32 = arith.constant 0 : i32
    %get3A_33 = arith.index_cast %get3A_32 : i32 to index
    %get3A_34 = arith.constant 16 : index
    %get3A_35 = tpu.vector_load %arg6[%get3A_33, %get3A_34] {strides = array<i32>} : memref<80x128xi32, #tpu.memory_space<vmem>>, vector<16xi32>,
    %and3A_36 = arith.constant 65535 : i32
    %and3A_37 = vector.broadcast %and3A_36 : i32 to vector<16xi32>
    %and3A_38 = arith.andi %get3A_35, %and3A_37 : vector<16xi32>
    %swap3A_39 = arith.constant 16 : index
    %swap3A_40 = tpu.vector_load %arg7[%swap3A_39] {strides = array<i32>} : memref<128xi32, #tpu.memory_space<vmem>>, vector<16xi32>,
    tpu.vector_store %arg7[%swap3A_39], %and3A_38 {strides = array<i32>} : memref<128xi32, #tpu.memory_space<vmem>>, vector<16xi32>,
    %shift_right_logical3A_41 = arith.constant 16 : i32
    %shift_right_logical3A_42 = vector.broadcast %shift_right_logical3A_41 : i32 to vector<16xi32>
    %shift_right_logical3A_43 = arith.shrui %get3A_35, %shift_right_logical3A_42 : vector<16xi32>
    %swap3A_44 = arith.constant 16 : index
    %swap3A_45 = tpu.vector_load %arg9[%swap3A_44] {strides = array<i32>} : memref<128xi32, #tpu.memory_space<vmem>>, vector<16xi32>,
    tpu.vector_store %arg9[%swap3A_44], %shift_right_logical3A_43 {strides = array<i32>} : memref<128xi32, #tpu.memory_space<vmem>>, vector<16xi32>,
    %get3A_46 = arith.constant 0 : i32
    %get3A_47 = arith.index_cast %get3A_46 : i32 to index
    %get3A_48 = arith.constant 32 : index
    %get3A_49 = tpu.vector_load %arg6[%get3A_47, %get3A_48] {strides = array<i32>} : memref<80x128xi32, #tpu.memory_space<vmem>>, vector<16xi32>,
    %and3A_50 = arith.constant 65535 : i32
    %and3A_51 = vector.broadcast %and3A_50 : i32 to vector<16xi32>
    %and3A_52 = arith.andi %get3A_49, %and3A_51 : vector<16xi32>
    %swap3A_53 = arith.constant 32 : index
    %swap3A_54 = tpu.vector_load %arg7[%swap3A_53] {strides = array<i32>} : memref<128xi32, #tpu.memory_space<vmem>>, vector<16xi32>,
    tpu.vector_store %arg7[%swap3A_53], %and3A_52 {strides = array<i32>} : memref<128xi32, #tpu.memory_space<vmem>>, vector<16xi32>,
    %shift_right_logical3A_55 = arith.constant 16 : i32
    %shift_right_logical3A_56 = vector.broadcast %shift_right_logical3A_55 : i32 to vector<16xi32>
    %shift_right_logical3A_57 = arith.shrui %get3A_49, %shift_right_logical3A_56 : vector<16xi32>
    %swap3A_58 = arith.constant 32 : index
    %swap3A_59 = tpu.vector_load %arg9[%swap3A_58] {strides = array<i32>} : memref<128xi32, #tpu.memory_space<vmem>>, vector<16xi32>,
    tpu.vector_store %arg9[%swap3A_58], %shift_right_logical3A_57 {strides = array<i32>} : memref<128xi32, #tpu.memory_space<vmem>>, vector<16xi32>,
    %get3A_60 = arith.constant 0 : i32
    %get3A_61 = arith.index_cast %get3A_60 : i32 to index
    %get3A_62 = arith.constant 48 : index
    %get3A_63 = tpu.vector_load %arg6[%get3A_61, %get3A_62] {strides = array<i32>} : memref<80x128xi32, #tpu.memory_space<vmem>>, vector<16xi32>,
    %and3A_64 = arith.constant 65535 : i32
    %and3A_65 = vector.broadcast %and3A_64 : i32 to vector<16xi32>
    %and3A_66 = arith.andi %get3A_63, %and3A_65 : vector<16xi32>
    %swap3A_67 = arith.constant 48 : index
    %swap3A_68 = tpu.vector_load %arg7[%swap3A_67] {strides = array<i32>} : memref<128xi32, #tpu.memory_space<vmem>>, vector<16xi32>,
    tpu.vector_store %arg7[%swap3A_67], %and3A_66 {strides = array<i32>} : memref<128xi32, #tpu.memory_space<vmem>>, vector<16xi32>,
    %shift_right_logical3A_69 = arith.constant 16 : i32
    %shift_right_logical3A_70 = vector.broadcast %shift_right_logical3A_69 : i32 to vector<16xi32>
    %shift_right_logical3A_71 = arith.shrui %get3A_63, %shift_right_logical3A_70 : vector<16xi32>
    %swap3A_72 = arith.constant 48 : index
    %swap3A_73 = tpu.vector_load %arg9[%swap3A_72] {strides = array<i32>} : memref<128xi32, #tpu.memory_space<vmem>>, vector<16xi32>,
    tpu.vector_store %arg9[%swap3A_72], %shift_right_logical3A_71 {strides = array<i32>} : memref<128xi32, #tpu.memory_space<vmem>>, vector<16xi32>,
    %get3A_74 = arith.constant 0 : i32
    %get3A_75 = arith.index_cast %get3A_74 : i32 to index
    %get3A_76 = arith.constant 64 : index
    %get3A_77 = tpu.vector_load %arg6[%get3A_75, %get3A_76] {strides = array<i32>} : memref<80x128xi32, #tpu.memory_space<vmem>>, vector<16xi32>,
    %and3A_78 = arith.constant 65535 : i32
    %and3A_79 = vector.broadcast %and3A_78 : i32 to vector<16xi32>
    %and3A_80 = arith.andi %get3A_77, %and3A_79 : vector<16xi32>
    %swap3A_81 = arith.constant 64 : index
    %swap3A_82 = tpu.vector_load %arg7[%swap3A_81] {strides = array<i32>} : memref<128xi32, #tpu.memory_space<vmem>>, vector<16xi32>,
    tpu.vector_store %arg7[%swap3A_81], %and3A_80 {strides = array<i32>} : memref<128xi32, #tpu.memory_space<vmem>>, vector<16xi32>,
    %shift_right_logical3A_83 = arith.constant 16 : i32
    %shift_right_logical3A_84 = vector.broadcast %shift_right_logical3A_83 : i32 to vector<16xi32>
    %shift_right_logical3A_85 = arith.shrui %get3A_77, %shift_right_logical3A_84 : vector<16xi32>
    %swap3A_86 = arith.constant 64 : index
    %swap3A_87 = tpu.vector_load %arg9[%swap3A_86] {strides = array<i32>} : memref<128xi32, #tpu.memory_space<vmem>>, vector<16xi32>,
    tpu.vector_store %arg9[%swap3A_86], %shift_right_logical3A_85 {strides = array<i32>} : memref<128xi32, #tpu.memory_space<vmem>>, vector<16xi32>,
    %get3A_88 = arith.constant 0 : i32
    %get3A_89 = arith.index_cast %get3A_88 : i32 to index
    %get3A_90 = arith.constant 80 : index
    %get3A_91 = tpu.vector_load %arg6[%get3A_89, %get3A_90] {strides = array<i32>} : memref<80x128xi32, #tpu.memory_space<vmem>>, vector<16xi32>,
    %and3A_92 = arith.constant 65535 : i32
    %and3A_93 = vector.broadcast %and3A_92 : i32 to vector<16xi32>
    %and3A_94 = arith.andi %get3A_91, %and3A_93 : vector<16xi32>
    %swap3A_95 = arith.constant 80 : index
    %swap3A_96 = tpu.vector_load %arg7[%swap3A_95] {strides = array<i32>} : memref<128xi32, #tpu.memory_space<vmem>>, vector<16xi32>,
    tpu.vector_store %arg7[%swap3A_95], %and3A_94 {strides = array<i32>} : memref<128xi32, #tpu.memory_space<vmem>>, vector<16xi32>,
    %shift_right_logical3A_97 = arith.constant 16 : i32
    %shift_right_logical3A_98 = vector.broadcast %shift_right_logical3A_97 : i32 to vector<16xi32>
    %shift_right_logical3A_99 = arith.shrui %get3A_91, %shift_right_logical3A_98 : vector<16xi32>
    %swap3A_100 = arith.constant 80 : index
    %swap3A_101 = tpu.vector_load %arg9[%swap3A_100] {strides = array<i32>} : memref<128xi32, #tpu.memory_space<vmem>>, vector<16xi32>,
    tpu.vector_store %arg9[%swap3A_100], %shift_right_logical3A_99 {strides = array<i32>} : memref<128xi32, #tpu.memory_space<vmem>>, vector<16xi32>,
    %get3A_102 = arith.constant 0 : i32
    %get3A_103 = arith.index_cast %get3A_102 : i32 to index
    %get3A_104 = arith.constant 96 : index
    %get3A_105 = tpu.vector_load %arg6[%get3A_103, %get3A_104] {strides = array<i32>} : memref<80x128xi32, #tpu.memory_space<vmem>>, vector<16xi32>,
    %and3A_106 = arith.constant 65535 : i32
    %and3A_107 = vector.broadcast %and3A_106 : i32 to vector<16xi32>
    %and3A_108 = arith.andi %get3A_105, %and3A_107 : vector<16xi32>
    %swap3A_109 = arith.constant 96 : index
    %swap3A_110 = tpu.vector_load %arg7[%swap3A_109] {strides = array<i32>} : memref<128xi32, #tpu.memory_space<vmem>>, vector<16xi32>,
    tpu.vector_store %arg7[%swap3A_109], %and3A_108 {strides = array<i32>} : memref<128xi32, #tpu.memory_space<vmem>>, vector<16xi32>,
    %shift_right_logical3A_111 = arith.constant 16 : i32
    %shift_right_logical3A_112 = vector.broadcast %shift_right_logical3A_111 : i32 to vector<16xi32>
    %shift_right_logical3A_113 = arith.shrui %get3A_105, %shift_right_logical3A_112 : vector<16xi32>
    %swap3A_114 = arith.constant 96 : index
    %swap3A_115 = tpu.vector_load %arg9[%swap3A_114] {strides = array<i32>} : memref<128xi32, #tpu.memory_space<vmem>>, vector<16xi32>,
    tpu.vector_store %arg9[%swap3A_114], %shift_right_logical3A_113 {strides = array<i32>} : memref<128xi32, #tpu.memory_space<vmem>>, vector<16xi32>,
    %get3A_116 = arith.constant 0 : i32
    %get3A_117 = arith.index_cast %get3A_116 : i32 to index
    %get3A_118 = arith.constant 112 : index
    %get3A_119 = tpu.vector_load %arg6[%get3A_117, %get3A_118] {strides = array<i32>} : memref<80x128xi32, #tpu.memory_space<vmem>>, vector<16xi32>,
    %and3A_120 = arith.constant 65535 : i32
    %and3A_121 = vector.broadcast %and3A_120 : i32 to vector<16xi32>
    %and3A_122 = arith.andi %get3A_119, %and3A_121 : vector<16xi32>
    %swap3A_123 = arith.constant 112 : index
    %swap3A_124 = tpu.vector_load %arg7[%swap3A_123] {strides = array<i32>} : memref<128xi32, #tpu.memory_space<vmem>>, vector<16xi32>,
    tpu.vector_store %arg7[%swap3A_123], %and3A_122 {strides = array<i32>} : memref<128xi32, #tpu.memory_space<vmem>>, vector<16xi32>,
    %shift_right_logical3A_125 = arith.constant 16 : i32
    %shift_right_logical3A_126 = vector.broadcast %shift_right_logical3A_125 : i32 to vector<16xi32>
    %shift_right_logical3A_127 = arith.shrui %get3A_119, %shift_right_logical3A_126 : vector<16xi32>
    %swap3A_128 = arith.constant 112 : index
    %swap3A_129 = tpu.vector_load %arg9[%swap3A_128] {strides = array<i32>} : memref<128xi32, #tpu.memory_space<vmem>>, vector<16xi32>,
    tpu.vector_store %arg9[%swap3A_128], %shift_right_logical3A_127 {strides = array<i32>} : memref<128xi32, #tpu.memory_space<vmem>>, vector<16xi32>,
    %mul3A_130 = arith.constant 80 : i32
    %mul3A_131 = arith.muli %add3A, %mul3A_130 : i32
    %add3A_132 = arith.constant 0 : i32
    %add3A_133 = arith.addi %mul3A_131, %add3A_132 : i32
    %dma_start3A = arith.constant 0 : i32
    %dma_start3A_134 = tpu.memref_slice %arg3[%add3A_133, %dma_start3A] : memref<2560x128xf32, #tpu.memory_space<hbm>> -> memref<1x128xf32, #tpu.memory_space<hbm>>
    %dma_start3A_135 = tpu.memref_squeeze %dma_start3A_134 : memref<1x128xf32, #tpu.memory_space<hbm>> -> memref<128xf32, #tpu.memory_space<hbm>>
    %dma_start3A_136 = arith.constant 0 : i32
    %dma_start3A_137 = tpu.memref_slice %arg3[%add3A_133, %dma_start3A_136] : memref<2560x128xf32, #tpu.memory_space<hbm>> -> memref<1x128xf32, #tpu.memory_space<hbm>>
    %dma_start3A_138 = tpu.memref_squeeze %dma_start3A_137 : memref<1x128xf32, #tpu.memory_space<hbm>> -> memref<128xf32, #tpu.memory_space<hbm>>
    tpu.enqueue_dma source(%dma_start3A_138 : memref<128xf32, #tpu.memory_space<hbm>>) target(%arg11 : memref<128xf32, #tpu.memory_space<vmem>>) target_semaphore(%arg20 : memref<!tpu.dma_semaphore, #tpu.memory_space<semaphore_mem>>)
    %dma_start3A_139 = arith.constant 0 : i32
    %dma_start3A_140 = arith.constant 0 : i32
    %dma_start3A_141 = tpu.memref_slice %arg4[%dma_start3A_139, %dma_start3A_140] : memref<10000x128xf32, #tpu.memory_space<hbm>> -> memref<10000x128xf32, #tpu.memory_space<hbm>>
    tpu.enqueue_indirect_dma source(%dma_start3A_141 : memref<10000x128xf32, #tpu.memory_space<hbm>>) target(%arg13 : memref<128x128xf32, #tpu.memory_space<vmem>>) offsets(%arg7 : memref<128xi32, #tpu.memory_space<vmem>>) semaphore(%arg16 : memref<!tpu.dma_semaphore, #tpu.memory_space<semaphore_mem>>)
    %scan3A_142 = arith.constant 0 : i32
    %scan3A_143 = arith.constant 40 : i32
    %scan3A_144 = arith.addi %scan3A_142, %scan3A_143 : i32
    %scan3A_145 = arith.constant 1 : i32
    scf.for %scan3A_176 = %scan3A_142 to %scan3A_144 step %scan3A_145  : i32 {
      %mul3A_177 = arith.constant 1 : i32
      %mul3A_178 = arith.muli %scan3A_176, %mul3A_177 : i32
      %add3A_179 = arith.constant 0 : i32
      %add3A_180 = arith.addi %add3A_179, %mul3A_178 : i32
      %mul3A_181 = arith.constant 2 : i32
      %mul3A_182 = arith.muli %mul3A_181, %add3A_180 : i32
      %gt3A = arith.constant 0 : i32
      %gt3A_183 = arith.cmpi sgt, %add3A_180, %gt3A : i32
      %convert_element_type3A_184 = arith.extui %gt3A_183 : i1 to i32
      %cond3A_185 = arith.constant 0 : i32
      %cond3A_186 = arith.cmpi ne, %convert_element_type3A_184, %cond3A_185 : i32
      scf.if %cond3A_186 {
        %sub3A_355 = arith.constant 1 : i32
        %sub3A_356 = arith.subi %mul3A_182, %sub3A_355 : i32
        %dma_wait3A_357 = arith.constant 0 : i32
        %dma_wait3A_358 = arith.constant 0 : i32
        %dma_wait3A_359 = tpu.memref_slice %arg15[%dma_wait3A_357, %dma_wait3A_358] : memref<10000x128xf32, #tpu.memory_space<vmem_shared>> -> memref<10000x128xf32, #tpu.memory_space<vmem_shared>>
        tpu.wait_indirect_dma semaphore(%arg19 : memref<!tpu.dma_semaphore, #tpu.memory_space<semaphore_mem>>) src(%arg14 : memref<128x128xf32, #tpu.memory_space<vmem>>) dst(%dma_wait3A_359 : memref<10000x128xf32, #tpu.memory_space<vmem_shared>>)
      } else {
      }
      %add3A_187 = arith.constant 1 : i32
      %add3A_188 = arith.addi %mul3A_182, %add3A_187 : i32
      %get3A_189 = arith.index_cast %add3A_188 : i32 to index
      %get3A_190 = arith.constant 0 : index
      %get3A_191 = tpu.vector_load %arg6[%get3A_189, %get3A_190] {strides = array<i32>} : memref<80x128xi32, #tpu.memory_space<vmem>>, vector<16xi32>,
      %and3A_192 = arith.constant 65535 : i32
      %and3A_193 = vector.broadcast %and3A_192 : i32 to vector<16xi32>
      %and3A_194 = arith.andi %get3A_191, %and3A_193 : vector<16xi32>
      %swap3A_195 = arith.constant 0 : index
      %swap3A_196 = tpu.vector_load %arg8[%swap3A_195] {strides = array<i32>} : memref<128xi32, #tpu.memory_space<vmem>>, vector<16xi32>,
      tpu.vector_store %arg8[%swap3A_195], %and3A_194 {strides = array<i32>} : memref<128xi32, #tpu.memory_space<vmem>>, vector<16xi32>,
      %shift_right_logical3A_197 = arith.constant 16 : i32
      %shift_right_logical3A_198 = vector.broadcast %shift_right_logical3A_197 : i32 to vector<16xi32>
      %shift_right_logical3A_199 = arith.shrui %get3A_191, %shift_right_logical3A_198 : vector<16xi32>
      %swap3A_200 = arith.constant 0 : index
      %swap3A_201 = tpu.vector_load %arg10[%swap3A_200] {strides = array<i32>} : memref<128xi32, #tpu.memory_space<vmem>>, vector<16xi32>,
      tpu.vector_store %arg10[%swap3A_200], %shift_right_logical3A_199 {strides = array<i32>} : memref<128xi32, #tpu.memory_space<vmem>>, vector<16xi32>,
      %get3A_202 = arith.index_cast %add3A_188 : i32 to index
      %get3A_203 = arith.constant 16 : index
      %get3A_204 = tpu.vector_load %arg6[%get3A_202, %get3A_203] {strides = array<i32>} : memref<80x128xi32, #tpu.memory_space<vmem>>, vector<16xi32>,
      %and3A_205 = arith.constant 65535 : i32
      %and3A_206 = vector.broadcast %and3A_205 : i32 to vector<16xi32>
      %and3A_207 = arith.andi %get3A_204, %and3A_206 : vector<16xi32>
      %swap3A_208 = arith.constant 16 : index
      %swap3A_209 = tpu.vector_load %arg8[%swap3A_208] {strides = array<i32>} : memref<128xi32, #tpu.memory_space<vmem>>, vector<16xi32>,
      tpu.vector_store %arg8[%swap3A_208], %and3A_207 {strides = array<i32>} : memref<128xi32, #tpu.memory_space<vmem>>, vector<16xi32>,
      %shift_right_logical3A_210 = arith.constant 16 : i32
      %shift_right_logical3A_211 = vector.broadcast %shift_right_logical3A_210 : i32 to vector<16xi32>
      %shift_right_logical3A_212 = arith.shrui %get3A_204, %shift_right_logical3A_211 : vector<16xi32>
      %swap3A_213 = arith.constant 16 : index
      %swap3A_214 = tpu.vector_load %arg10[%swap3A_213] {strides = array<i32>} : memref<128xi32, #tpu.memory_space<vmem>>, vector<16xi32>,
      tpu.vector_store %arg10[%swap3A_213], %shift_right_logical3A_212 {strides = array<i32>} : memref<128xi32, #tpu.memory_space<vmem>>, vector<16xi32>,
      %get3A_215 = arith.index_cast %add3A_188 : i32 to index
      %get3A_216 = arith.constant 32 : index
      %get3A_217 = tpu.vector_load %arg6[%get3A_215, %get3A_216] {strides = array<i32>} : memref<80x128xi32, #tpu.memory_space<vmem>>, vector<16xi32>,
      %and3A_218 = arith.constant 65535 : i32
      %and3A_219 = vector.broadcast %and3A_218 : i32 to vector<16xi32>
      %and3A_220 = arith.andi %get3A_217, %and3A_219 : vector<16xi32>
      %swap3A_221 = arith.constant 32 : index
      %swap3A_222 = tpu.vector_load %arg8[%swap3A_221] {strides = array<i32>} : memref<128xi32, #tpu.memory_space<vmem>>, vector<16xi32>,
      tpu.vector_store %arg8[%swap3A_221], %and3A_220 {strides = array<i32>} : memref<128xi32, #tpu.memory_space<vmem>>, vector<16xi32>,
      %shift_right_logical3A_223 = arith.constant 16 : i32
      %shift_right_logical3A_224 = vector.broadcast %shift_right_logical3A_223 : i32 to vector<16xi32>
      %shift_right_logical3A_225 = arith.shrui %get3A_217, %shift_right_logical3A_224 : vector<16xi32>
      %swap3A_226 = arith.constant 32 : index
      %swap3A_227 = tpu.vector_load %arg10[%swap3A_226] {strides = array<i32>} : memref<128xi32, #tpu.memory_space<vmem>>, vector<16xi32>,
      tpu.vector_store %arg10[%swap3A_226], %shift_right_logical3A_225 {strides = array<i32>} : memref<128xi32, #tpu.memory_space<vmem>>, vector<16xi32>,
      %get3A_228 = arith.index_cast %add3A_188 : i32 to index
      %get3A_229 = arith.constant 48 : index
      %get3A_230 = tpu.vector_load %arg6[%get3A_228, %get3A_229] {strides = array<i32>} : memref<80x128xi32, #tpu.memory_space<vmem>>, vector<16xi32>,
      %and3A_231 = arith.constant 65535 : i32
      %and3A_232 = vector.broadcast %and3A_231 : i32 to vector<16xi32>
      %and3A_233 = arith.andi %get3A_230, %and3A_232 : vector<16xi32>
      %swap3A_234 = arith.constant 48 : index
      %swap3A_235 = tpu.vector_load %arg8[%swap3A_234] {strides = array<i32>} : memref<128xi32, #tpu.memory_space<vmem>>, vector<16xi32>,
      tpu.vector_store %arg8[%swap3A_234], %and3A_233 {strides = array<i32>} : memref<128xi32, #tpu.memory_space<vmem>>, vector<16xi32>,
      %shift_right_logical3A_236 = arith.constant 16 : i32
      %shift_right_logical3A_237 = vector.broadcast %shift_right_logical3A_236 : i32 to vector<16xi32>
      %shift_right_logical3A_238 = arith.shrui %get3A_230, %shift_right_logical3A_237 : vector<16xi32>
      %swap3A_239 = arith.constant 48 : index
      %swap3A_240 = tpu.vector_load %arg10[%swap3A_239] {strides = array<i32>} : memref<128xi32, #tpu.memory_space<vmem>>, vector<16xi32>,
      tpu.vector_store %arg10[%swap3A_239], %shift_right_logical3A_238 {strides = array<i32>} : memref<128xi32, #tpu.memory_space<vmem>>, vector<16xi32>,
      %get3A_241 = arith.index_cast %add3A_188 : i32 to index
      %get3A_242 = arith.constant 64 : index
      %get3A_243 = tpu.vector_load %arg6[%get3A_241, %get3A_242] {strides = array<i32>} : memref<80x128xi32, #tpu.memory_space<vmem>>, vector<16xi32>,
      %and3A_244 = arith.constant 65535 : i32
      %and3A_245 = vector.broadcast %and3A_244 : i32 to vector<16xi32>
      %and3A_246 = arith.andi %get3A_243, %and3A_245 : vector<16xi32>
      %swap3A_247 = arith.constant 64 : index
      %swap3A_248 = tpu.vector_load %arg8[%swap3A_247] {strides = array<i32>} : memref<128xi32, #tpu.memory_space<vmem>>, vector<16xi32>,
      tpu.vector_store %arg8[%swap3A_247], %and3A_246 {strides = array<i32>} : memref<128xi32, #tpu.memory_space<vmem>>, vector<16xi32>,
      %shift_right_logical3A_249 = arith.constant 16 : i32
      %shift_right_logical3A_250 = vector.broadcast %shift_right_logical3A_249 : i32 to vector<16xi32>
      %shift_right_logical3A_251 = arith.shrui %get3A_243, %shift_right_logical3A_250 : vector<16xi32>
      %swap3A_252 = arith.constant 64 : index
      %swap3A_253 = tpu.vector_load %arg10[%swap3A_252] {strides = array<i32>} : memref<128xi32, #tpu.memory_space<vmem>>, vector<16xi32>,
      tpu.vector_store %arg10[%swap3A_252], %shift_right_logical3A_251 {strides = array<i32>} : memref<128xi32, #tpu.memory_space<vmem>>, vector<16xi32>,
      %get3A_254 = arith.index_cast %add3A_188 : i32 to index
      %get3A_255 = arith.constant 80 : index
      %get3A_256 = tpu.vector_load %arg6[%get3A_254, %get3A_255] {strides = array<i32>} : memref<80x128xi32, #tpu.memory_space<vmem>>, vector<16xi32>,
      %and3A_257 = arith.constant 65535 : i32
      %and3A_258 = vector.broadcast %and3A_257 : i32 to vector<16xi32>
      %and3A_259 = arith.andi %get3A_256, %and3A_258 : vector<16xi32>
      %swap3A_260 = arith.constant 80 : index
      %swap3A_261 = tpu.vector_load %arg8[%swap3A_260] {strides = array<i32>} : memref<128xi32, #tpu.memory_space<vmem>>, vector<16xi32>,
      tpu.vector_store %arg8[%swap3A_260], %and3A_259 {strides = array<i32>} : memref<128xi32, #tpu.memory_space<vmem>>, vector<16xi32>,
      %shift_right_logical3A_262 = arith.constant 16 : i32
      %shift_right_logical3A_263 = vector.broadcast %shift_right_logical3A_262 : i32 to vector<16xi32>
      %shift_right_logical3A_264 = arith.shrui %get3A_256, %shift_right_logical3A_263 : vector<16xi32>
      %swap3A_265 = arith.constant 80 : index
      %swap3A_266 = tpu.vector_load %arg10[%swap3A_265] {strides = array<i32>} : memref<128xi32, #tpu.memory_space<vmem>>, vector<16xi32>,
      tpu.vector_store %arg10[%swap3A_265], %shift_right_logical3A_264 {strides = array<i32>} : memref<128xi32, #tpu.memory_space<vmem>>, vector<16xi32>,
      %get3A_267 = arith.index_cast %add3A_188 : i32 to index
      %get3A_268 = arith.constant 96 : index
      %get3A_269 = tpu.vector_load %arg6[%get3A_267, %get3A_268] {strides = array<i32>} : memref<80x128xi32, #tpu.memory_space<vmem>>, vector<16xi32>,
      %and3A_270 = arith.constant 65535 : i32
      %and3A_271 = vector.broadcast %and3A_270 : i32 to vector<16xi32>
      %and3A_272 = arith.andi %get3A_269, %and3A_271 : vector<16xi32>
      %swap3A_273 = arith.constant 96 : index
      %swap3A_274 = tpu.vector_load %arg8[%swap3A_273] {strides = array<i32>} : memref<128xi32, #tpu.memory_space<vmem>>, vector<16xi32>,
      tpu.vector_store %arg8[%swap3A_273], %and3A_272 {strides = array<i32>} : memref<128xi32, #tpu.memory_space<vmem>>, vector<16xi32>,
      %shift_right_logical3A_275 = arith.constant 16 : i32
      %shift_right_logical3A_276 = vector.broadcast %shift_right_logical3A_275 : i32 to vector<16xi32>
      %shift_right_logical3A_277 = arith.shrui %get3A_269, %shift_right_logical3A_276 : vector<16xi32>
      %swap3A_278 = arith.constant 96 : index
      %swap3A_279 = tpu.vector_load %arg10[%swap3A_278] {strides = array<i32>} : memref<128xi32, #tpu.memory_space<vmem>>, vector<16xi32>,
      tpu.vector_store %arg10[%swap3A_278], %shift_right_logical3A_277 {strides = array<i32>} : memref<128xi32, #tpu.memory_space<vmem>>, vector<16xi32>,
      %get3A_280 = arith.index_cast %add3A_188 : i32 to index
      %get3A_281 = arith.constant 112 : index
      %get3A_282 = tpu.vector_load %arg6[%get3A_280, %get3A_281] {strides = array<i32>} : memref<80x128xi32, #tpu.memory_space<vmem>>, vector<16xi32>,
      %and3A_283 = arith.constant 65535 : i32
      %and3A_284 = vector.broadcast %and3A_283 : i32 to vector<16xi32>
      %and3A_285 = arith.andi %get3A_282, %and3A_284 : vector<16xi32>
      %swap3A_286 = arith.constant 112 : index
      %swap3A_287 = tpu.vector_load %arg8[%swap3A_286] {strides = array<i32>} : memref<128xi32, #tpu.memory_space<vmem>>, vector<16xi32>,
      tpu.vector_store %arg8[%swap3A_286], %and3A_285 {strides = array<i32>} : memref<128xi32, #tpu.memory_space<vmem>>, vector<16xi32>,
      %shift_right_logical3A_288 = arith.constant 16 : i32
      %shift_right_logical3A_289 = vector.broadcast %shift_right_logical3A_288 : i32 to vector<16xi32>
      %shift_right_logical3A_290 = arith.shrui %get3A_282, %shift_right_logical3A_289 : vector<16xi32>
      %swap3A_291 = arith.constant 112 : index
      %swap3A_292 = tpu.vector_load %arg10[%swap3A_291] {strides = array<i32>} : memref<128xi32, #tpu.memory_space<vmem>>, vector<16xi32>,
      tpu.vector_store %arg10[%swap3A_291], %shift_right_logical3A_290 {strides = array<i32>} : memref<128xi32, #tpu.memory_space<vmem>>, vector<16xi32>,
      %mul3A_293 = arith.constant 80 : i32
      %mul3A_294 = arith.muli %add3A, %mul3A_293 : i32
      %add3A_295 = arith.addi %mul3A_294, %add3A_188 : i32
      %dma_start3A_296 = arith.constant 0 : i32
      %dma_start3A_297 = tpu.memref_slice %arg3[%add3A_295, %dma_start3A_296] : memref<2560x128xf32, #tpu.memory_space<hbm>> -> memref<1x128xf32, #tpu.memory_space<hbm>>
      %dma_start3A_298 = tpu.memref_squeeze %dma_start3A_297 : memref<1x128xf32, #tpu.memory_space<hbm>> -> memref<128xf32, #tpu.memory_space<hbm>>
      %dma_start3A_299 = arith.constant 0 : i32
      %dma_start3A_300 = tpu.memref_slice %arg3[%add3A_295, %dma_start3A_299] : memref<2560x128xf32, #tpu.memory_space<hbm>> -> memref<1x128xf32, #tpu.memory_space<hbm>>
      %dma_start3A_301 = tpu.memref_squeeze %dma_start3A_300 : memref<1x128xf32, #tpu.memory_space<hbm>> -> memref<128xf32, #tpu.memory_space<hbm>>
      tpu.enqueue_dma source(%dma_start3A_301 : memref<128xf32, #tpu.memory_space<hbm>>) target(%arg12 : memref<128xf32, #tpu.memory_space<vmem>>) target_semaphore(%arg21 : memref<!tpu.dma_semaphore, #tpu.memory_space<semaphore_mem>>)
      %dma_start3A_302 = arith.constant 0 : i32
      %dma_start3A_303 = arith.constant 0 : i32
      %dma_start3A_304 = tpu.memref_slice %arg4[%dma_start3A_302, %dma_start3A_303] : memref<10000x128xf32, #tpu.memory_space<hbm>> -> memref<10000x128xf32, #tpu.memory_space<hbm>>
      tpu.enqueue_indirect_dma source(%dma_start3A_304 : memref<10000x128xf32, #tpu.memory_space<hbm>>) target(%arg14 : memref<128x128xf32, #tpu.memory_space<vmem>>) offsets(%arg8 : memref<128xi32, #tpu.memory_space<vmem>>) semaphore(%arg17 : memref<!tpu.dma_semaphore, #tpu.memory_space<semaphore_mem>>)
      %mul3A_305 = arith.constant 80 : i32
      %mul3A_306 = arith.muli %add3A, %mul3A_305 : i32
      %add3A_307 = arith.addi %mul3A_306, %mul3A_182 : i32
      %dma_wait3A_308 = arith.constant 0 : i32
      %dma_wait3A_309 = tpu.memref_slice %arg3[%add3A_307, %dma_wait3A_308] : memref<2560x128xf32, #tpu.memory_space<hbm>> -> memref<1x128xf32, #tpu.memory_space<hbm>>
      %dma_wait3A_310 = tpu.memref_squeeze %dma_wait3A_309 : memref<1x128xf32, #tpu.memory_space<hbm>> -> memref<128xf32, #tpu.memory_space<hbm>>
      %dma_wait3A_311 = arith.constant 0 : i32
      %dma_wait3A_312 = tpu.memref_slice %arg3[%add3A_307, %dma_wait3A_311] : memref<2560x128xf32, #tpu.memory_space<hbm>> -> memref<1x128xf32, #tpu.memory_space<hbm>>
      %dma_wait3A_313 = tpu.memref_squeeze %dma_wait3A_312 : memref<1x128xf32, #tpu.memory_space<hbm>> -> memref<128xf32, #tpu.memory_space<hbm>>
      tpu.wait_dma2 semaphore(%arg20 : memref<!tpu.dma_semaphore, #tpu.memory_space<semaphore_mem>>) src(%dma_wait3A_313 : memref<128xf32, #tpu.memory_space<hbm>>) dst(%arg11 : memref<128xf32, #tpu.memory_space<vmem>>)
      %dma_wait3A_314 = arith.constant 0 : i32
      %dma_wait3A_315 = arith.constant 0 : i32
      %dma_wait3A_316 = tpu.memref_slice %arg4[%dma_wait3A_314, %dma_wait3A_315] : memref<10000x128xf32, #tpu.memory_space<hbm>> -> memref<10000x128xf32, #tpu.memory_space<hbm>>
      tpu.wait_indirect_dma semaphore(%arg16 : memref<!tpu.dma_semaphore, #tpu.memory_space<semaphore_mem>>) src(%dma_wait3A_316 : memref<10000x128xf32, #tpu.memory_space<hbm>>) dst(%arg13 : memref<128x128xf32, #tpu.memory_space<vmem>>)
      %scan3A_317 = arith.constant 0 : i32
      %scan3A_318 = arith.constant 32 : i32
      %scan3A_319 = arith.addi %scan3A_317, %scan3A_318 : i32
      %scan3A_320 = arith.constant 1 : i32
      scf.for %scan3A_355 = %scan3A_317 to %scan3A_319 step %scan3A_320  : i32 {
        %mul3A_356 = arith.constant 4 : i32
        %mul3A_357 = arith.muli %scan3A_355, %mul3A_356 : i32
        %add3A_358 = arith.constant 0 : i32
        %add3A_359 = arith.addi %add3A_358, %mul3A_357 : i32
        %add3A_360 = arith.constant 0 : i32
        %add3A_361 = arith.addi %add3A_359, %add3A_360 : i32
        %broadcast_in_dim3A = vector.broadcast %add3A_361 : i32 to vector<16xi32>
        %gather3A = tpu.vector_load_idx %arg11[%broadcast_in_dim3A] : memref<128xf32, #tpu.memory_space<vmem>>[vector<16xi32>], vector<16xf32>,
        %add3A_362 = arith.constant 1 : i32
        %add3A_363 = arith.addi %add3A_359, %add3A_362 : i32
        %broadcast_in_dim3A_364 = vector.broadcast %add3A_363 : i32 to vector<16xi32>
        %gather3A_365 = tpu.vector_load_idx %arg11[%broadcast_in_dim3A_364] : memref<128xf32, #tpu.memory_space<vmem>>[vector<16xi32>], vector<16xf32>,
        %add3A_366 = arith.constant 2 : i32
        %add3A_367 = arith.addi %add3A_359, %add3A_366 : i32
        %broadcast_in_dim3A_368 = vector.broadcast %add3A_367 : i32 to vector<16xi32>
        %gather3A_369 = tpu.vector_load_idx %arg11[%broadcast_in_dim3A_368] : memref<128xf32, #tpu.memory_space<vmem>>[vector<16xi32>], vector<16xf32>,
        %add3A_370 = arith.constant 3 : i32
        %add3A_371 = arith.addi %add3A_359, %add3A_370 : i32
        %broadcast_in_dim3A_372 = vector.broadcast %add3A_371 : i32 to vector<16xi32>
        %gather3A_373 = tpu.vector_load_idx %arg11[%broadcast_in_dim3A_372] : memref<128xf32, #tpu.memory_space<vmem>>[vector<16xi32>], vector<16xf32>,
        %add3A_374 = arith.constant 0 : i32
        %add3A_375 = arith.addi %add3A_359, %add3A_374 : i32
        %get3A_376 = arith.index_cast %add3A_375 : i32 to index
        %get3A_377 = arith.constant 0 : index
        %get3A_378 = tpu.vector_load %arg13[%get3A_376, %get3A_377] {strides = array<i32>} : memref<128x128xf32, #tpu.memory_space<vmem>>, vector<16xf32>,
        %mul3A_379 = arith.mulf %get3A_378, %gather3A : vector<16xf32>
        %add3A_380 = arith.constant 0 : i32
        %add3A_381 = arith.addi %add3A_359, %add3A_380 : i32
        %get3A_382 = arith.index_cast %add3A_381 : i32 to index
        %get3A_383 = arith.constant 16 : index
        %get3A_384 = tpu.vector_load %arg13[%get3A_382, %get3A_383] {strides = array<i32>} : memref<128x128xf32, #tpu.memory_space<vmem>>, vector<16xf32>,
        %mul3A_385 = arith.mulf %get3A_384, %gather3A : vector<16xf32>
        %add3A_386 = arith.constant 0 : i32
        %add3A_387 = arith.addi %add3A_359, %add3A_386 : i32
        %get3A_388 = arith.index_cast %add3A_387 : i32 to index
        %get3A_389 = arith.constant 32 : index
        %get3A_390 = tpu.vector_load %arg13[%get3A_388, %get3A_389] {strides = array<i32>} : memref<128x128xf32, #tpu.memory_space<vmem>>, vector<16xf32>,
        %mul3A_391 = arith.mulf %get3A_390, %gather3A : vector<16xf32>
        %add3A_392 = arith.constant 0 : i32
        %add3A_393 = arith.addi %add3A_359, %add3A_392 : i32
        %get3A_394 = arith.index_cast %add3A_393 : i32 to index
        %get3A_395 = arith.constant 48 : index
        %get3A_396 = tpu.vector_load %arg13[%get3A_394, %get3A_395] {strides = array<i32>} : memref<128x128xf32, #tpu.memory_space<vmem>>, vector<16xf32>,
        %mul3A_397 = arith.mulf %get3A_396, %gather3A : vector<16xf32>
        %add3A_398 = arith.constant 0 : i32
        %add3A_399 = arith.addi %add3A_359, %add3A_398 : i32
        %get3A_400 = arith.index_cast %add3A_399 : i32 to index
        %get3A_401 = arith.constant 64 : index
        %get3A_402 = tpu.vector_load %arg13[%get3A_400, %get3A_401] {strides = array<i32>} : memref<128x128xf32, #tpu.memory_space<vmem>>, vector<16xf32>,
        %mul3A_403 = arith.mulf %get3A_402, %gather3A : vector<16xf32>
        %add3A_404 = arith.constant 0 : i32
        %add3A_405 = arith.addi %add3A_359, %add3A_404 : i32
        %get3A_406 = arith.index_cast %add3A_405 : i32 to index
        %get3A_407 = arith.constant 80 : index
        %get3A_408 = tpu.vector_load %arg13[%get3A_406, %get3A_407] {strides = array<i32>} : memref<128x128xf32, #tpu.memory_space<vmem>>, vector<16xf32>,
        %mul3A_409 = arith.mulf %get3A_408, %gather3A : vector<16xf32>
        %add3A_410 = arith.constant 0 : i32
        %add3A_411 = arith.addi %add3A_359, %add3A_410 : i32
        %get3A_412 = arith.index_cast %add3A_411 : i32 to index
        %get3A_413 = arith.constant 96 : index
        %get3A_414 = tpu.vector_load %arg13[%get3A_412, %get3A_413] {strides = array<i32>} : memref<128x128xf32, #tpu.memory_space<vmem>>, vector<16xf32>,
        %mul3A_415 = arith.mulf %get3A_414, %gather3A : vector<16xf32>
        %add3A_416 = arith.constant 0 : i32
        %add3A_417 = arith.addi %add3A_359, %add3A_416 : i32
        %get3A_418 = arith.index_cast %add3A_417 : i32 to index
        %get3A_419 = arith.constant 112 : index
        %get3A_420 = tpu.vector_load %arg13[%get3A_418, %get3A_419] {strides = array<i32>} : memref<128x128xf32, #tpu.memory_space<vmem>>, vector<16xf32>,
        %mul3A_421 = arith.mulf %get3A_420, %gather3A : vector<16xf32>
        %add3A_422 = arith.constant 1 : i32
        %add3A_423 = arith.addi %add3A_359, %add3A_422 : i32
        %get3A_424 = arith.index_cast %add3A_423 : i32 to index
        %get3A_425 = arith.constant 0 : index
        %get3A_426 = tpu.vector_load %arg13[%get3A_424, %get3A_425] {strides = array<i32>} : memref<128x128xf32, #tpu.memory_space<vmem>>, vector<16xf32>,
        %mul3A_427 = arith.mulf %get3A_426, %gather3A_365 : vector<16xf32>
        %add3A_428 = arith.constant 1 : i32
        %add3A_429 = arith.addi %add3A_359, %add3A_428 : i32
        %get3A_430 = arith.index_cast %add3A_429 : i32 to index
        %get3A_431 = arith.constant 16 : index
        %get3A_432 = tpu.vector_load %arg13[%get3A_430, %get3A_431] {strides = array<i32>} : memref<128x128xf32, #tpu.memory_space<vmem>>, vector<16xf32>,
        %mul3A_433 = arith.mulf %get3A_432, %gather3A_365 : vector<16xf32>
        %add3A_434 = arith.constant 1 : i32
        %add3A_435 = arith.addi %add3A_359, %add3A_434 : i32
        %get3A_436 = arith.index_cast %add3A_435 : i32 to index
        %get3A_437 = arith.constant 32 : index
        %get3A_438 = tpu.vector_load %arg13[%get3A_436, %get3A_437] {strides = array<i32>} : memref<128x128xf32, #tpu.memory_space<vmem>>, vector<16xf32>,
        %mul3A_439 = arith.mulf %get3A_438, %gather3A_365 : vector<16xf32>
        %add3A_440 = arith.constant 1 : i32
        %add3A_441 = arith.addi %add3A_359, %add3A_440 : i32
        %get3A_442 = arith.index_cast %add3A_441 : i32 to index
        %get3A_443 = arith.constant 48 : index
        %get3A_444 = tpu.vector_load %arg13[%get3A_442, %get3A_443] {strides = array<i32>} : memref<128x128xf32, #tpu.memory_space<vmem>>, vector<16xf32>,
        %mul3A_445 = arith.mulf %get3A_444, %gather3A_365 : vector<16xf32>
        %add3A_446 = arith.constant 1 : i32
        %add3A_447 = arith.addi %add3A_359, %add3A_446 : i32
        %get3A_448 = arith.index_cast %add3A_447 : i32 to index
        %get3A_449 = arith.constant 64 : index
        %get3A_450 = tpu.vector_load %arg13[%get3A_448, %get3A_449] {strides = array<i32>} : memref<128x128xf32, #tpu.memory_space<vmem>>, vector<16xf32>,
        %mul3A_451 = arith.mulf %get3A_450, %gather3A_365 : vector<16xf32>
        %add3A_452 = arith.constant 1 : i32
        %add3A_453 = arith.addi %add3A_359, %add3A_452 : i32
        %get3A_454 = arith.index_cast %add3A_453 : i32 to index
        %get3A_455 = arith.constant 80 : index
        %get3A_456 = tpu.vector_load %arg13[%get3A_454, %get3A_455] {strides = array<i32>} : memref<128x128xf32, #tpu.memory_space<vmem>>, vector<16xf32>,
        %mul3A_457 = arith.mulf %get3A_456, %gather3A_365 : vector<16xf32>
        %add3A_458 = arith.constant 1 : i32
        %add3A_459 = arith.addi %add3A_359, %add3A_458 : i32
        %get3A_460 = arith.index_cast %add3A_459 : i32 to index
        %get3A_461 = arith.constant 96 : index
        %get3A_462 = tpu.vector_load %arg13[%get3A_460, %get3A_461] {strides = array<i32>} : memref<128x128xf32, #tpu.memory_space<vmem>>, vector<16xf32>,
        %mul3A_463 = arith.mulf %get3A_462, %gather3A_365 : vector<16xf32>
        %add3A_464 = arith.constant 1 : i32
        %add3A_465 = arith.addi %add3A_359, %add3A_464 : i32
        %get3A_466 = arith.index_cast %add3A_465 : i32 to index
        %get3A_467 = arith.constant 112 : index
        %get3A_468 = tpu.vector_load %arg13[%get3A_466, %get3A_467] {strides = array<i32>} : memref<128x128xf32, #tpu.memory_space<vmem>>, vector<16xf32>,
        %mul3A_469 = arith.mulf %get3A_468, %gather3A_365 : vector<16xf32>
        %add3A_470 = arith.constant 2 : i32
        %add3A_471 = arith.addi %add3A_359, %add3A_470 : i32
        %get3A_472 = arith.index_cast %add3A_471 : i32 to index
        %get3A_473 = arith.constant 0 : index
        %get3A_474 = tpu.vector_load %arg13[%get3A_472, %get3A_473] {strides = array<i32>} : memref<128x128xf32, #tpu.memory_space<vmem>>, vector<16xf32>,
        %mul3A_475 = arith.mulf %get3A_474, %gather3A_369 : vector<16xf32>
        %add3A_476 = arith.constant 2 : i32
        %add3A_477 = arith.addi %add3A_359, %add3A_476 : i32
        %get3A_478 = arith.index_cast %add3A_477 : i32 to index
        %get3A_479 = arith.constant 16 : index
        %get3A_480 = tpu.vector_load %arg13[%get3A_478, %get3A_479] {strides = array<i32>} : memref<128x128xf32, #tpu.memory_space<vmem>>, vector<16xf32>,
        %mul3A_481 = arith.mulf %get3A_480, %gather3A_369 : vector<16xf32>
        %add3A_482 = arith.constant 2 : i32
        %add3A_483 = arith.addi %add3A_359, %add3A_482 : i32
        %get3A_484 = arith.index_cast %add3A_483 : i32 to index
        %get3A_485 = arith.constant 32 : index
        %get3A_486 = tpu.vector_load %arg13[%get3A_484, %get3A_485] {strides = array<i32>} : memref<128x128xf32, #tpu.memory_space<vmem>>, vector<16xf32>,
        %mul3A_487 = arith.mulf %get3A_486, %gather3A_369 : vector<16xf32>
        %add3A_488 = arith.constant 2 : i32
        %add3A_489 = arith.addi %add3A_359, %add3A_488 : i32
        %get3A_490 = arith.index_cast %add3A_489 : i32 to index
        %get3A_491 = arith.constant 48 : index
        %get3A_492 = tpu.vector_load %arg13[%get3A_490, %get3A_491] {strides = array<i32>} : memref<128x128xf32, #tpu.memory_space<vmem>>, vector<16xf32>,
        %mul3A_493 = arith.mulf %get3A_492, %gather3A_369 : vector<16xf32>
        %add3A_494 = arith.constant 2 : i32
        %add3A_495 = arith.addi %add3A_359, %add3A_494 : i32
        %get3A_496 = arith.index_cast %add3A_495 : i32 to index
        %get3A_497 = arith.constant 64 : index
        %get3A_498 = tpu.vector_load %arg13[%get3A_496, %get3A_497] {strides = array<i32>} : memref<128x128xf32, #tpu.memory_space<vmem>>, vector<16xf32>,
        %mul3A_499 = arith.mulf %get3A_498, %gather3A_369 : vector<16xf32>
        %add3A_500 = arith.constant 2 : i32
        %add3A_501 = arith.addi %add3A_359, %add3A_500 : i32
        %get3A_502 = arith.index_cast %add3A_501 : i32 to index
        %get3A_503 = arith.constant 80 : index
        %get3A_504 = tpu.vector_load %arg13[%get3A_502, %get3A_503] {strides = array<i32>} : memref<128x128xf32, #tpu.memory_space<vmem>>, vector<16xf32>,
        %mul3A_505 = arith.mulf %get3A_504, %gather3A_369 : vector<16xf32>
        %add3A_506 = arith.constant 2 : i32
        %add3A_507 = arith.addi %add3A_359, %add3A_506 : i32
        %get3A_508 = arith.index_cast %add3A_507 : i32 to index
        %get3A_509 = arith.constant 96 : index
        %get3A_510 = tpu.vector_load %arg13[%get3A_508, %get3A_509] {strides = array<i32>} : memref<128x128xf32, #tpu.memory_space<vmem>>, vector<16xf32>,
        %mul3A_511 = arith.mulf %get3A_510, %gather3A_369 : vector<16xf32>
        %add3A_512 = arith.constant 2 : i32
        %add3A_513 = arith.addi %add3A_359, %add3A_512 : i32
        %get3A_514 = arith.index_cast %add3A_513 : i32 to index
        %get3A_515 = arith.constant 112 : index
        %get3A_516 = tpu.vector_load %arg13[%get3A_514, %get3A_515] {strides = array<i32>} : memref<128x128xf32, #tpu.memory_space<vmem>>, vector<16xf32>,
        %mul3A_517 = arith.mulf %get3A_516, %gather3A_369 : vector<16xf32>
        %add3A_518 = arith.constant 3 : i32
        %add3A_519 = arith.addi %add3A_359, %add3A_518 : i32
        %get3A_520 = arith.index_cast %add3A_519 : i32 to index
        %get3A_521 = arith.constant 0 : index
        %get3A_522 = tpu.vector_load %arg13[%get3A_520, %get3A_521] {strides = array<i32>} : memref<128x128xf32, #tpu.memory_space<vmem>>, vector<16xf32>,
        %mul3A_523 = arith.mulf %get3A_522, %gather3A_373 : vector<16xf32>
        %add3A_524 = arith.constant 3 : i32
        %add3A_525 = arith.addi %add3A_359, %add3A_524 : i32
        %get3A_526 = arith.index_cast %add3A_525 : i32 to index
        %get3A_527 = arith.constant 16 : index
        %get3A_528 = tpu.vector_load %arg13[%get3A_526, %get3A_527] {strides = array<i32>} : memref<128x128xf32, #tpu.memory_space<vmem>>, vector<16xf32>,
        %mul3A_529 = arith.mulf %get3A_528, %gather3A_373 : vector<16xf32>
        %add3A_530 = arith.constant 3 : i32
        %add3A_531 = arith.addi %add3A_359, %add3A_530 : i32
        %get3A_532 = arith.index_cast %add3A_531 : i32 to index
        %get3A_533 = arith.constant 32 : index
        %get3A_534 = tpu.vector_load %arg13[%get3A_532, %get3A_533] {strides = array<i32>} : memref<128x128xf32, #tpu.memory_space<vmem>>, vector<16xf32>,
        %mul3A_535 = arith.mulf %get3A_534, %gather3A_373 : vector<16xf32>
        %add3A_536 = arith.constant 3 : i32
        %add3A_537 = arith.addi %add3A_359, %add3A_536 : i32
        %get3A_538 = arith.index_cast %add3A_537 : i32 to index
        %get3A_539 = arith.constant 48 : index
        %get3A_540 = tpu.vector_load %arg13[%get3A_538, %get3A_539] {strides = array<i32>} : memref<128x128xf32, #tpu.memory_space<vmem>>, vector<16xf32>,
        %mul3A_541 = arith.mulf %get3A_540, %gather3A_373 : vector<16xf32>
        %add3A_542 = arith.constant 3 : i32
        %add3A_543 = arith.addi %add3A_359, %add3A_542 : i32
        %get3A_544 = arith.index_cast %add3A_543 : i32 to index
        %get3A_545 = arith.constant 64 : index
        %get3A_546 = tpu.vector_load %arg13[%get3A_544, %get3A_545] {strides = array<i32>} : memref<128x128xf32, #tpu.memory_space<vmem>>, vector<16xf32>,
        %mul3A_547 = arith.mulf %get3A_546, %gather3A_373 : vector<16xf32>
        %add3A_548 = arith.constant 3 : i32
        %add3A_549 = arith.addi %add3A_359, %add3A_548 : i32
        %get3A_550 = arith.index_cast %add3A_549 : i32 to index
        %get3A_551 = arith.constant 80 : index
        %get3A_552 = tpu.vector_load %arg13[%get3A_550, %get3A_551] {strides = array<i32>} : memref<128x128xf32, #tpu.memory_space<vmem>>, vector<16xf32>,
        %mul3A_553 = arith.mulf %get3A_552, %gather3A_373 : vector<16xf32>
        %add3A_554 = arith.constant 3 : i32
        %add3A_555 = arith.addi %add3A_359, %add3A_554 : i32
        %get3A_556 = arith.index_cast %add3A_555 : i32 to index
        %get3A_557 = arith.constant 96 : index
        %get3A_558 = tpu.vector_load %arg13[%get3A_556, %get3A_557] {strides = array<i32>} : memref<128x128xf32, #tpu.memory_space<vmem>>, vector<16xf32>,
        %mul3A_559 = arith.mulf %get3A_558, %gather3A_373 : vector<16xf32>
        %add3A_560 = arith.constant 3 : i32
        %add3A_561 = arith.addi %add3A_359, %add3A_560 : i32
        %get3A_562 = arith.index_cast %add3A_561 : i32 to index
        %get3A_563 = arith.constant 112 : index
        %get3A_564 = tpu.vector_load %arg13[%get3A_562, %get3A_563] {strides = array<i32>} : memref<128x128xf32, #tpu.memory_space<vmem>>, vector<16xf32>,
        %mul3A_565 = arith.mulf %get3A_564, %gather3A_373 : vector<16xf32>
        %add3A_566 = arith.constant 0 : i32
        %add3A_567 = arith.addi %add3A_359, %add3A_566 : i32
        %swap3A_568 = arith.index_cast %add3A_567 : i32 to index
        %swap3A_569 = arith.constant 0 : index
        %swap3A_570 = tpu.vector_load %arg13[%swap3A_568, %swap3A_569] {strides = array<i32>} : memref<128x128xf32, #tpu.memory_space<vmem>>, vector<16xf32>,
        tpu.vector_store %arg13[%swap3A_568, %swap3A_569], %mul3A_379 {strides = array<i32>} : memref<128x128xf32, #tpu.memory_space<vmem>>, vector<16xf32>,
        %add3A_571 = arith.constant 0 : i32
        %add3A_572 = arith.addi %add3A_359, %add3A_571 : i32
        %swap3A_573 = arith.index_cast %add3A_572 : i32 to index
        %swap3A_574 = arith.constant 16 : index
        %swap3A_575 = tpu.vector_load %arg13[%swap3A_573, %swap3A_574] {strides = array<i32>} : memref<128x128xf32, #tpu.memory_space<vmem>>, vector<16xf32>,
        tpu.vector_store %arg13[%swap3A_573, %swap3A_574], %mul3A_385 {strides = array<i32>} : memref<128x128xf32, #tpu.memory_space<vmem>>, vector<16xf32>,
        %add3A_576 = arith.constant 0 : i32
        %add3A_577 = arith.addi %add3A_359, %add3A_576 : i32
        %swap3A_578 = arith.index_cast %add3A_577 : i32 to index
        %swap3A_579 = arith.constant 32 : index
        %swap3A_580 = tpu.vector_load %arg13[%swap3A_578, %swap3A_579] {strides = array<i32>} : memref<128x128xf32, #tpu.memory_space<vmem>>, vector<16xf32>,
        tpu.vector_store %arg13[%swap3A_578, %swap3A_579], %mul3A_391 {strides = array<i32>} : memref<128x128xf32, #tpu.memory_space<vmem>>, vector<16xf32>,
        %add3A_581 = arith.constant 0 : i32
        %add3A_582 = arith.addi %add3A_359, %add3A_581 : i32
        %swap3A_583 = arith.index_cast %add3A_582 : i32 to index
        %swap3A_584 = arith.constant 48 : index
        %swap3A_585 = tpu.vector_load %arg13[%swap3A_583, %swap3A_584] {strides = array<i32>} : memref<128x128xf32, #tpu.memory_space<vmem>>, vector<16xf32>,
        tpu.vector_store %arg13[%swap3A_583, %swap3A_584], %mul3A_397 {strides = array<i32>} : memref<128x128xf32, #tpu.memory_space<vmem>>, vector<16xf32>,
        %add3A_586 = arith.constant 0 : i32
        %add3A_587 = arith.addi %add3A_359, %add3A_586 : i32
        %swap3A_588 = arith.index_cast %add3A_587 : i32 to index
        %swap3A_589 = arith.constant 64 : index
        %swap3A_590 = tpu.vector_load %arg13[%swap3A_588, %swap3A_589] {strides = array<i32>} : memref<128x128xf32, #tpu.memory_space<vmem>>, vector<16xf32>,
        tpu.vector_store %arg13[%swap3A_588, %swap3A_589], %mul3A_403 {strides = array<i32>} : memref<128x128xf32, #tpu.memory_space<vmem>>, vector<16xf32>,
        %add3A_591 = arith.constant 0 : i32
        %add3A_592 = arith.addi %add3A_359, %add3A_591 : i32
        %swap3A_593 = arith.index_cast %add3A_592 : i32 to index
        %swap3A_594 = arith.constant 80 : index
        %swap3A_595 = tpu.vector_load %arg13[%swap3A_593, %swap3A_594] {strides = array<i32>} : memref<128x128xf32, #tpu.memory_space<vmem>>, vector<16xf32>,
        tpu.vector_store %arg13[%swap3A_593, %swap3A_594], %mul3A_409 {strides = array<i32>} : memref<128x128xf32, #tpu.memory_space<vmem>>, vector<16xf32>,
        %add3A_596 = arith.constant 0 : i32
        %add3A_597 = arith.addi %add3A_359, %add3A_596 : i32
        %swap3A_598 = arith.index_cast %add3A_597 : i32 to index
        %swap3A_599 = arith.constant 96 : index
        %swap3A_600 = tpu.vector_load %arg13[%swap3A_598, %swap3A_599] {strides = array<i32>} : memref<128x128xf32, #tpu.memory_space<vmem>>, vector<16xf32>,
        tpu.vector_store %arg13[%swap3A_598, %swap3A_599], %mul3A_415 {strides = array<i32>} : memref<128x128xf32, #tpu.memory_space<vmem>>, vector<16xf32>,
        %add3A_601 = arith.constant 0 : i32
        %add3A_602 = arith.addi %add3A_359, %add3A_601 : i32
        %swap3A_603 = arith.index_cast %add3A_602 : i32 to index
        %swap3A_604 = arith.constant 112 : index
        %swap3A_605 = tpu.vector_load %arg13[%swap3A_603, %swap3A_604] {strides = array<i32>} : memref<128x128xf32, #tpu.memory_space<vmem>>, vector<16xf32>,
        tpu.vector_store %arg13[%swap3A_603, %swap3A_604], %mul3A_421 {strides = array<i32>} : memref<128x128xf32, #tpu.memory_space<vmem>>, vector<16xf32>,
        %add3A_606 = arith.constant 1 : i32
        %add3A_607 = arith.addi %add3A_359, %add3A_606 : i32
        %swap3A_608 = arith.index_cast %add3A_607 : i32 to index
        %swap3A_609 = arith.constant 0 : index
        %swap3A_610 = tpu.vector_load %arg13[%swap3A_608, %swap3A_609] {strides = array<i32>} : memref<128x128xf32, #tpu.memory_space<vmem>>, vector<16xf32>,
        tpu.vector_store %arg13[%swap3A_608, %swap3A_609], %mul3A_427 {strides = array<i32>} : memref<128x128xf32, #tpu.memory_space<vmem>>, vector<16xf32>,
        %add3A_611 = arith.constant 1 : i32
        %add3A_612 = arith.addi %add3A_359, %add3A_611 : i32
        %swap3A_613 = arith.index_cast %add3A_612 : i32 to index
        %swap3A_614 = arith.constant 16 : index
        %swap3A_615 = tpu.vector_load %arg13[%swap3A_613, %swap3A_614] {strides = array<i32>} : memref<128x128xf32, #tpu.memory_space<vmem>>, vector<16xf32>,
        tpu.vector_store %arg13[%swap3A_613, %swap3A_614], %mul3A_433 {strides = array<i32>} : memref<128x128xf32, #tpu.memory_space<vmem>>, vector<16xf32>,
        %add3A_616 = arith.constant 1 : i32
        %add3A_617 = arith.addi %add3A_359, %add3A_616 : i32
        %swap3A_618 = arith.index_cast %add3A_617 : i32 to index
        %swap3A_619 = arith.constant 32 : index
        %swap3A_620 = tpu.vector_load %arg13[%swap3A_618, %swap3A_619] {strides = array<i32>} : memref<128x128xf32, #tpu.memory_space<vmem>>, vector<16xf32>,
        tpu.vector_store %arg13[%swap3A_618, %swap3A_619], %mul3A_439 {strides = array<i32>} : memref<128x128xf32, #tpu.memory_space<vmem>>, vector<16xf32>,
        %add3A_621 = arith.constant 1 : i32
        %add3A_622 = arith.addi %add3A_359, %add3A_621 : i32
        %swap3A_623 = arith.index_cast %add3A_622 : i32 to index
        %swap3A_624 = arith.constant 48 : index
        %swap3A_625 = tpu.vector_load %arg13[%swap3A_623, %swap3A_624] {strides = array<i32>} : memref<128x128xf32, #tpu.memory_space<vmem>>, vector<16xf32>,
        tpu.vector_store %arg13[%swap3A_623, %swap3A_624], %mul3A_445 {strides = array<i32>} : memref<128x128xf32, #tpu.memory_space<vmem>>, vector<16xf32>,
        %add3A_626 = arith.constant 1 : i32
        %add3A_627 = arith.addi %add3A_359, %add3A_626 : i32
        %swap3A_628 = arith.index_cast %add3A_627 : i32 to index
        %swap3A_629 = arith.constant 64 : index
        %swap3A_630 = tpu.vector_load %arg13[%swap3A_628, %swap3A_629] {strides = array<i32>} : memref<128x128xf32, #tpu.memory_space<vmem>>, vector<16xf32>,
        tpu.vector_store %arg13[%swap3A_628, %swap3A_629], %mul3A_451 {strides = array<i32>} : memref<128x128xf32, #tpu.memory_space<vmem>>, vector<16xf32>,
        %add3A_631 = arith.constant 1 : i32
        %add3A_632 = arith.addi %add3A_359, %add3A_631 : i32
        %swap3A_633 = arith.index_cast %add3A_632 : i32 to index
        %swap3A_634 = arith.constant 80 : index
        %swap3A_635 = tpu.vector_load %arg13[%swap3A_633, %swap3A_634] {strides = array<i32>} : memref<128x128xf32, #tpu.memory_space<vmem>>, vector<16xf32>,
        tpu.vector_store %arg13[%swap3A_633, %swap3A_634], %mul3A_457 {strides = array<i32>} : memref<128x128xf32, #tpu.memory_space<vmem>>, vector<16xf32>,
        %add3A_636 = arith.constant 1 : i32
        %add3A_637 = arith.addi %add3A_359, %add3A_636 : i32
        %swap3A_638 = arith.index_cast %add3A_637 : i32 to index
        %swap3A_639 = arith.constant 96 : index
        %swap3A_640 = tpu.vector_load %arg13[%swap3A_638, %swap3A_639] {strides = array<i32>} : memref<128x128xf32, #tpu.memory_space<vmem>>, vector<16xf32>,
        tpu.vector_store %arg13[%swap3A_638, %swap3A_639], %mul3A_463 {strides = array<i32>} : memref<128x128xf32, #tpu.memory_space<vmem>>, vector<16xf32>,
        %add3A_641 = arith.constant 1 : i32
        %add3A_642 = arith.addi %add3A_359, %add3A_641 : i32
        %swap3A_643 = arith.index_cast %add3A_642 : i32 to index
        %swap3A_644 = arith.constant 112 : index
        %swap3A_645 = tpu.vector_load %arg13[%swap3A_643, %swap3A_644] {strides = array<i32>} : memref<128x128xf32, #tpu.memory_space<vmem>>, vector<16xf32>,
        tpu.vector_store %arg13[%swap3A_643, %swap3A_644], %mul3A_469 {strides = array<i32>} : memref<128x128xf32, #tpu.memory_space<vmem>>, vector<16xf32>,
        %add3A_646 = arith.constant 2 : i32
        %add3A_647 = arith.addi %add3A_359, %add3A_646 : i32
        %swap3A_648 = arith.index_cast %add3A_647 : i32 to index
        %swap3A_649 = arith.constant 0 : index
        %swap3A_650 = tpu.vector_load %arg13[%swap3A_648, %swap3A_649] {strides = array<i32>} : memref<128x128xf32, #tpu.memory_space<vmem>>, vector<16xf32>,
        tpu.vector_store %arg13[%swap3A_648, %swap3A_649], %mul3A_475 {strides = array<i32>} : memref<128x128xf32, #tpu.memory_space<vmem>>, vector<16xf32>,
        %add3A_651 = arith.constant 2 : i32
        %add3A_652 = arith.addi %add3A_359, %add3A_651 : i32
        %swap3A_653 = arith.index_cast %add3A_652 : i32 to index
        %swap3A_654 = arith.constant 16 : index
        %swap3A_655 = tpu.vector_load %arg13[%swap3A_653, %swap3A_654] {strides = array<i32>} : memref<128x128xf32, #tpu.memory_space<vmem>>, vector<16xf32>,
        tpu.vector_store %arg13[%swap3A_653, %swap3A_654], %mul3A_481 {strides = array<i32>} : memref<128x128xf32, #tpu.memory_space<vmem>>, vector<16xf32>,
        %add3A_656 = arith.constant 2 : i32
        %add3A_657 = arith.addi %add3A_359, %add3A_656 : i32
        %swap3A_658 = arith.index_cast %add3A_657 : i32 to index
        %swap3A_659 = arith.constant 32 : index
        %swap3A_660 = tpu.vector_load %arg13[%swap3A_658, %swap3A_659] {strides = array<i32>} : memref<128x128xf32, #tpu.memory_space<vmem>>, vector<16xf32>,
        tpu.vector_store %arg13[%swap3A_658, %swap3A_659], %mul3A_487 {strides = array<i32>} : memref<128x128xf32, #tpu.memory_space<vmem>>, vector<16xf32>,
        %add3A_661 = arith.constant 2 : i32
        %add3A_662 = arith.addi %add3A_359, %add3A_661 : i32
        %swap3A_663 = arith.index_cast %add3A_662 : i32 to index
        %swap3A_664 = arith.constant 48 : index
        %swap3A_665 = tpu.vector_load %arg13[%swap3A_663, %swap3A_664] {strides = array<i32>} : memref<128x128xf32, #tpu.memory_space<vmem>>, vector<16xf32>,
        tpu.vector_store %arg13[%swap3A_663, %swap3A_664], %mul3A_493 {strides = array<i32>} : memref<128x128xf32, #tpu.memory_space<vmem>>, vector<16xf32>,
        %add3A_666 = arith.constant 2 : i32
        %add3A_667 = arith.addi %add3A_359, %add3A_666 : i32
        %swap3A_668 = arith.index_cast %add3A_667 : i32 to index
        %swap3A_669 = arith.constant 64 : index
        %swap3A_670 = tpu.vector_load %arg13[%swap3A_668, %swap3A_669] {strides = array<i32>} : memref<128x128xf32, #tpu.memory_space<vmem>>, vector<16xf32>,
        tpu.vector_store %arg13[%swap3A_668, %swap3A_669], %mul3A_499 {strides = array<i32>} : memref<128x128xf32, #tpu.memory_space<vmem>>, vector<16xf32>,
        %add3A_671 = arith.constant 2 : i32
        %add3A_672 = arith.addi %add3A_359, %add3A_671 : i32
        %swap3A_673 = arith.index_cast %add3A_672 : i32 to index
        %swap3A_674 = arith.constant 80 : index
        %swap3A_675 = tpu.vector_load %arg13[%swap3A_673, %swap3A_674] {strides = array<i32>} : memref<128x128xf32, #tpu.memory_space<vmem>>, vector<16xf32>,
        tpu.vector_store %arg13[%swap3A_673, %swap3A_674], %mul3A_505 {strides = array<i32>} : memref<128x128xf32, #tpu.memory_space<vmem>>, vector<16xf32>,
        %add3A_676 = arith.constant 2 : i32
        %add3A_677 = arith.addi %add3A_359, %add3A_676 : i32
        %swap3A_678 = arith.index_cast %add3A_677 : i32 to index
        %swap3A_679 = arith.constant 96 : index
        %swap3A_680 = tpu.vector_load %arg13[%swap3A_678, %swap3A_679] {strides = array<i32>} : memref<128x128xf32, #tpu.memory_space<vmem>>, vector<16xf32>,
        tpu.vector_store %arg13[%swap3A_678, %swap3A_679], %mul3A_511 {strides = array<i32>} : memref<128x128xf32, #tpu.memory_space<vmem>>, vector<16xf32>,
        %add3A_681 = arith.constant 2 : i32
        %add3A_682 = arith.addi %add3A_359, %add3A_681 : i32
        %swap3A_683 = arith.index_cast %add3A_682 : i32 to index
        %swap3A_684 = arith.constant 112 : index
        %swap3A_685 = tpu.vector_load %arg13[%swap3A_683, %swap3A_684] {strides = array<i32>} : memref<128x128xf32, #tpu.memory_space<vmem>>, vector<16xf32>,
        tpu.vector_store %arg13[%swap3A_683, %swap3A_684], %mul3A_517 {strides = array<i32>} : memref<128x128xf32, #tpu.memory_space<vmem>>, vector<16xf32>,
        %add3A_686 = arith.constant 3 : i32
        %add3A_687 = arith.addi %add3A_359, %add3A_686 : i32
        %swap3A_688 = arith.index_cast %add3A_687 : i32 to index
        %swap3A_689 = arith.constant 0 : index
        %swap3A_690 = tpu.vector_load %arg13[%swap3A_688, %swap3A_689] {strides = array<i32>} : memref<128x128xf32, #tpu.memory_space<vmem>>, vector<16xf32>,
        tpu.vector_store %arg13[%swap3A_688, %swap3A_689], %mul3A_523 {strides = array<i32>} : memref<128x128xf32, #tpu.memory_space<vmem>>, vector<16xf32>,
        %add3A_691 = arith.constant 3 : i32
        %add3A_692 = arith.addi %add3A_359, %add3A_691 : i32
        %swap3A_693 = arith.index_cast %add3A_692 : i32 to index
        %swap3A_694 = arith.constant 16 : index
        %swap3A_695 = tpu.vector_load %arg13[%swap3A_693, %swap3A_694] {strides = array<i32>} : memref<128x128xf32, #tpu.memory_space<vmem>>, vector<16xf32>,
        tpu.vector_store %arg13[%swap3A_693, %swap3A_694], %mul3A_529 {strides = array<i32>} : memref<128x128xf32, #tpu.memory_space<vmem>>, vector<16xf32>,
        %add3A_696 = arith.constant 3 : i32
        %add3A_697 = arith.addi %add3A_359, %add3A_696 : i32
        %swap3A_698 = arith.index_cast %add3A_697 : i32 to index
        %swap3A_699 = arith.constant 32 : index
        %swap3A_700 = tpu.vector_load %arg13[%swap3A_698, %swap3A_699] {strides = array<i32>} : memref<128x128xf32, #tpu.memory_space<vmem>>, vector<16xf32>,
        tpu.vector_store %arg13[%swap3A_698, %swap3A_699], %mul3A_535 {strides = array<i32>} : memref<128x128xf32, #tpu.memory_space<vmem>>, vector<16xf32>,
        %add3A_701 = arith.constant 3 : i32
        %add3A_702 = arith.addi %add3A_359, %add3A_701 : i32
        %swap3A_703 = arith.index_cast %add3A_702 : i32 to index
        %swap3A_704 = arith.constant 48 : index
        %swap3A_705 = tpu.vector_load %arg13[%swap3A_703, %swap3A_704] {strides = array<i32>} : memref<128x128xf32, #tpu.memory_space<vmem>>, vector<16xf32>,
        tpu.vector_store %arg13[%swap3A_703, %swap3A_704], %mul3A_541 {strides = array<i32>} : memref<128x128xf32, #tpu.memory_space<vmem>>, vector<16xf32>,
        %add3A_706 = arith.constant 3 : i32
        %add3A_707 = arith.addi %add3A_359, %add3A_706 : i32
        %swap3A_708 = arith.index_cast %add3A_707 : i32 to index
        %swap3A_709 = arith.constant 64 : index
        %swap3A_710 = tpu.vector_load %arg13[%swap3A_708, %swap3A_709] {strides = array<i32>} : memref<128x128xf32, #tpu.memory_space<vmem>>, vector<16xf32>,
        tpu.vector_store %arg13[%swap3A_708, %swap3A_709], %mul3A_547 {strides = array<i32>} : memref<128x128xf32, #tpu.memory_space<vmem>>, vector<16xf32>,
        %add3A_711 = arith.constant 3 : i32
        %add3A_712 = arith.addi %add3A_359, %add3A_711 : i32
        %swap3A_713 = arith.index_cast %add3A_712 : i32 to index
        %swap3A_714 = arith.constant 80 : index
        %swap3A_715 = tpu.vector_load %arg13[%swap3A_713, %swap3A_714] {strides = array<i32>} : memref<128x128xf32, #tpu.memory_space<vmem>>, vector<16xf32>,
        tpu.vector_store %arg13[%swap3A_713, %swap3A_714], %mul3A_553 {strides = array<i32>} : memref<128x128xf32, #tpu.memory_space<vmem>>, vector<16xf32>,
        %add3A_716 = arith.constant 3 : i32
        %add3A_717 = arith.addi %add3A_359, %add3A_716 : i32
        %swap3A_718 = arith.index_cast %add3A_717 : i32 to index
        %swap3A_719 = arith.constant 96 : index
        %swap3A_720 = tpu.vector_load %arg13[%swap3A_718, %swap3A_719] {strides = array<i32>} : memref<128x128xf32, #tpu.memory_space<vmem>>, vector<16xf32>,
        tpu.vector_store %arg13[%swap3A_718, %swap3A_719], %mul3A_559 {strides = array<i32>} : memref<128x128xf32, #tpu.memory_space<vmem>>, vector<16xf32>,
        %add3A_721 = arith.constant 3 : i32
        %add3A_722 = arith.addi %add3A_359, %add3A_721 : i32
        %swap3A_723 = arith.index_cast %add3A_722 : i32 to index
        %swap3A_724 = arith.constant 112 : index
        %swap3A_725 = tpu.vector_load %arg13[%swap3A_723, %swap3A_724] {strides = array<i32>} : memref<128x128xf32, #tpu.memory_space<vmem>>, vector<16xf32>,
        tpu.vector_store %arg13[%swap3A_723, %swap3A_724], %mul3A_565 {strides = array<i32>} : memref<128x128xf32, #tpu.memory_space<vmem>>, vector<16xf32>,
      }
      %scan3A_321 = arith.constant 32 : i32
      %dma_start3A_322 = arith.constant 0 : i32
      %dma_start3A_323 = arith.constant 0 : i32
      %dma_start3A_324 = tpu.memref_slice %arg15[%dma_start3A_322, %dma_start3A_323] : memref<10000x128xf32, #tpu.memory_space<vmem_shared>> -> memref<10000x128xf32, #tpu.memory_space<vmem_shared>>
      tpu.enqueue_indirect_dma source(%arg13 : memref<128x128xf32, #tpu.memory_space<vmem>>) target(%dma_start3A_324 : memref<10000x128xf32, #tpu.memory_space<vmem_shared>>) offsets(%arg9 : memref<128xi32, #tpu.memory_space<vmem>>) semaphore(%arg18 : memref<!tpu.dma_semaphore, #tpu.memory_space<semaphore_mem>>) {add = true}
      %add3A_325 = arith.constant 1 : i32
      %add3A_326 = arith.addi %mul3A_182, %add3A_325 : i32
      %mul3A_327 = arith.constant 80 : i32
      %mul3A_328 = arith.muli %add3A, %mul3A_327 : i32
      %add3A_329 = arith.addi %mul3A_328, %add3A_326 : i32
      %dma_wait3A_330 = arith.constant 0 : i32
      %dma_wait3A_331 = tpu.memref_slice %arg3[%add3A_329, %dma_wait3A_330] : memref<2560x128xf32, #tpu.memory_space<hbm>> -> memref<1x128xf32, #tpu.memory_space<hbm>>
      %dma_wait3A_332 = tpu.memref_squeeze %dma_wait3A_331 : memref<1x128xf32, #tpu.memory_space<hbm>> -> memref<128xf32, #tpu.memory_space<hbm>>
      %dma_wait3A_333 = arith.constant 0 : i32
      %dma_wait3A_334 = tpu.memref_slice %arg3[%add3A_329, %dma_wait3A_333] : memref<2560x128xf32, #tpu.memory_space<hbm>> -> memref<1x128xf32, #tpu.memory_space<hbm>>
      %dma_wait3A_335 = tpu.memref_squeeze %dma_wait3A_334 : memref<1x128xf32, #tpu.memory_space<hbm>> -> memref<128xf32, #tpu.memory_space<hbm>>
      tpu.wait_dma2 semaphore(%arg21 : memref<!tpu.dma_semaphore, #tpu.memory_space<semaphore_mem>>) src(%dma_wait3A_335 : memref<128xf32, #tpu.memory_space<hbm>>) dst(%arg12 : memref<128xf32, #tpu.memory_space<vmem>>)
      %dma_wait3A_336 = arith.constant 0 : i32
      %dma_wait3A_337 = arith.constant 0 : i32
      %dma_wait3A_338 = tpu.memref_slice %arg4[%dma_wait3A_336, %dma_wait3A_337] : memref<10000x128xf32, #tpu.memory_space<hbm>> -> memref<10000x128xf32, #tpu.memory_space<hbm>>
      tpu.wait_indirect_dma semaphore(%arg17 : memref<!tpu.dma_semaphore, #tpu.memory_space<semaphore_mem>>) src(%dma_wait3A_338 : memref<10000x128xf32, #tpu.memory_space<hbm>>) dst(%arg14 : memref<128x128xf32, #tpu.memory_space<vmem>>)
      %add3A_339 = arith.constant 1 : i32
      %add3A_340 = arith.addi %mul3A_182, %add3A_339 : i32
      %scan3A_341 = arith.constant 0 : i32
      %scan3A_342 = arith.constant 32 : i32
      %scan3A_343 = arith.addi %scan3A_341, %scan3A_342 : i32
      %scan3A_344 = arith.constant 1 : i32
      scf.for %scan3A_355 = %scan3A_341 to %scan3A_343 step %scan3A_344  : i32 {
        %mul3A_356 = arith.constant 4 : i32
        %mul3A_357 = arith.muli %scan3A_355, %mul3A_356 : i32
        %add3A_358 = arith.constant 0 : i32
        %add3A_359 = arith.addi %add3A_358, %mul3A_357 : i32
        %add3A_360 = arith.constant 0 : i32
        %add3A_361 = arith.addi %add3A_359, %add3A_360 : i32
        %broadcast_in_dim3A = vector.broadcast %add3A_361 : i32 to vector<16xi32>
        %gather3A = tpu.vector_load_idx %arg12[%broadcast_in_dim3A] : memref<128xf32, #tpu.memory_space<vmem>>[vector<16xi32>], vector<16xf32>,
        %add3A_362 = arith.constant 1 : i32
        %add3A_363 = arith.addi %add3A_359, %add3A_362 : i32
        %broadcast_in_dim3A_364 = vector.broadcast %add3A_363 : i32 to vector<16xi32>
        %gather3A_365 = tpu.vector_load_idx %arg12[%broadcast_in_dim3A_364] : memref<128xf32, #tpu.memory_space<vmem>>[vector<16xi32>], vector<16xf32>,
        %add3A_366 = arith.constant 2 : i32
        %add3A_367 = arith.addi %add3A_359, %add3A_366 : i32
        %broadcast_in_dim3A_368 = vector.broadcast %add3A_367 : i32 to vector<16xi32>
        %gather3A_369 = tpu.vector_load_idx %arg12[%broadcast_in_dim3A_368] : memref<128xf32, #tpu.memory_space<vmem>>[vector<16xi32>], vector<16xf32>,
        %add3A_370 = arith.constant 3 : i32
        %add3A_371 = arith.addi %add3A_359, %add3A_370 : i32
        %broadcast_in_dim3A_372 = vector.broadcast %add3A_371 : i32 to vector<16xi32>
        %gather3A_373 = tpu.vector_load_idx %arg12[%broadcast_in_dim3A_372] : memref<128xf32, #tpu.memory_space<vmem>>[vector<16xi32>], vector<16xf32>,
        %add3A_374 = arith.constant 0 : i32
        %add3A_375 = arith.addi %add3A_359, %add3A_374 : i32
        %get3A_376 = arith.index_cast %add3A_375 : i32 to index
        %get3A_377 = arith.constant 0 : index
        %get3A_378 = tpu.vector_load %arg14[%get3A_376, %get3A_377] {strides = array<i32>} : memref<128x128xf32, #tpu.memory_space<vmem>>, vector<16xf32>,
        %mul3A_379 = arith.mulf %get3A_378, %gather3A : vector<16xf32>
        %add3A_380 = arith.constant 0 : i32
        %add3A_381 = arith.addi %add3A_359, %add3A_380 : i32
        %get3A_382 = arith.index_cast %add3A_381 : i32 to index
        %get3A_383 = arith.constant 16 : index
        %get3A_384 = tpu.vector_load %arg14[%get3A_382, %get3A_383] {strides = array<i32>} : memref<128x128xf32, #tpu.memory_space<vmem>>, vector<16xf32>,
        %mul3A_385 = arith.mulf %get3A_384, %gather3A : vector<16xf32>
        %add3A_386 = arith.constant 0 : i32
        %add3A_387 = arith.addi %add3A_359, %add3A_386 : i32
        %get3A_388 = arith.index_cast %add3A_387 : i32 to index
        %get3A_389 = arith.constant 32 : index
        %get3A_390 = tpu.vector_load %arg14[%get3A_388, %get3A_389] {strides = array<i32>} : memref<128x128xf32, #tpu.memory_space<vmem>>, vector<16xf32>,
        %mul3A_391 = arith.mulf %get3A_390, %gather3A : vector<16xf32>
        %add3A_392 = arith.constant 0 : i32
        %add3A_393 = arith.addi %add3A_359, %add3A_392 : i32
        %get3A_394 = arith.index_cast %add3A_393 : i32 to index
        %get3A_395 = arith.constant 48 : index
        %get3A_396 = tpu.vector_load %arg14[%get3A_394, %get3A_395] {strides = array<i32>} : memref<128x128xf32, #tpu.memory_space<vmem>>, vector<16xf32>,
        %mul3A_397 = arith.mulf %get3A_396, %gather3A : vector<16xf32>
        %add3A_398 = arith.constant 0 : i32
        %add3A_399 = arith.addi %add3A_359, %add3A_398 : i32
        %get3A_400 = arith.index_cast %add3A_399 : i32 to index
        %get3A_401 = arith.constant 64 : index
        %get3A_402 = tpu.vector_load %arg14[%get3A_400, %get3A_401] {strides = array<i32>} : memref<128x128xf32, #tpu.memory_space<vmem>>, vector<16xf32>,
        %mul3A_403 = arith.mulf %get3A_402, %gather3A : vector<16xf32>
        %add3A_404 = arith.constant 0 : i32
        %add3A_405 = arith.addi %add3A_359, %add3A_404 : i32
        %get3A_406 = arith.index_cast %add3A_405 : i32 to index
        %get3A_407 = arith.constant 80 : index
        %get3A_408 = tpu.vector_load %arg14[%get3A_406, %get3A_407] {strides = array<i32>} : memref<128x128xf32, #tpu.memory_space<vmem>>, vector<16xf32>,
        %mul3A_409 = arith.mulf %get3A_408, %gather3A : vector<16xf32>
        %add3A_410 = arith.constant 0 : i32
        %add3A_411 = arith.addi %add3A_359, %add3A_410 : i32
        %get3A_412 = arith.index_cast %add3A_411 : i32 to index
        %get3A_413 = arith.constant 96 : index
        %get3A_414 = tpu.vector_load %arg14[%get3A_412, %get3A_413] {strides = array<i32>} : memref<128x128xf32, #tpu.memory_space<vmem>>, vector<16xf32>,
        %mul3A_415 = arith.mulf %get3A_414, %gather3A : vector<16xf32>
        %add3A_416 = arith.constant 0 : i32
        %add3A_417 = arith.addi %add3A_359, %add3A_416 : i32
        %get3A_418 = arith.index_cast %add3A_417 : i32 to index
        %get3A_419 = arith.constant 112 : index
        %get3A_420 = tpu.vector_load %arg14[%get3A_418, %get3A_419] {strides = array<i32>} : memref<128x128xf32, #tpu.memory_space<vmem>>, vector<16xf32>,
        %mul3A_421 = arith.mulf %get3A_420, %gather3A : vector<16xf32>
        %add3A_422 = arith.constant 1 : i32
        %add3A_423 = arith.addi %add3A_359, %add3A_422 : i32
        %get3A_424 = arith.index_cast %add3A_423 : i32 to index
        %get3A_425 = arith.constant 0 : index
        %get3A_426 = tpu.vector_load %arg14[%get3A_424, %get3A_425] {strides = array<i32>} : memref<128x128xf32, #tpu.memory_space<vmem>>, vector<16xf32>,
        %mul3A_427 = arith.mulf %get3A_426, %gather3A_365 : vector<16xf32>
        %add3A_428 = arith.constant 1 : i32
        %add3A_429 = arith.addi %add3A_359, %add3A_428 : i32
        %get3A_430 = arith.index_cast %add3A_429 : i32 to index
        %get3A_431 = arith.constant 16 : index
        %get3A_432 = tpu.vector_load %arg14[%get3A_430, %get3A_431] {strides = array<i32>} : memref<128x128xf32, #tpu.memory_space<vmem>>, vector<16xf32>,
        %mul3A_433 = arith.mulf %get3A_432, %gather3A_365 : vector<16xf32>
        %add3A_434 = arith.constant 1 : i32
        %add3A_435 = arith.addi %add3A_359, %add3A_434 : i32
        %get3A_436 = arith.index_cast %add3A_435 : i32 to index
        %get3A_437 = arith.constant 32 : index
        %get3A_438 = tpu.vector_load %arg14[%get3A_436, %get3A_437] {strides = array<i32>} : memref<128x128xf32, #tpu.memory_space<vmem>>, vector<16xf32>,
        %mul3A_439 = arith.mulf %get3A_438, %gather3A_365 : vector<16xf32>
        %add3A_440 = arith.constant 1 : i32
        %add3A_441 = arith.addi %add3A_359, %add3A_440 : i32
        %get3A_442 = arith.index_cast %add3A_441 : i32 to index
        %get3A_443 = arith.constant 48 : index
        %get3A_444 = tpu.vector_load %arg14[%get3A_442, %get3A_443] {strides = array<i32>} : memref<128x128xf32, #tpu.memory_space<vmem>>, vector<16xf32>,
        %mul3A_445 = arith.mulf %get3A_444, %gather3A_365 : vector<16xf32>
        %add3A_446 = arith.constant 1 : i32
        %add3A_447 = arith.addi %add3A_359, %add3A_446 : i32
        %get3A_448 = arith.index_cast %add3A_447 : i32 to index
        %get3A_449 = arith.constant 64 : index
        %get3A_450 = tpu.vector_load %arg14[%get3A_448, %get3A_449] {strides = array<i32>} : memref<128x128xf32, #tpu.memory_space<vmem>>, vector<16xf32>,
        %mul3A_451 = arith.mulf %get3A_450, %gather3A_365 : vector<16xf32>
        %add3A_452 = arith.constant 1 : i32
        %add3A_453 = arith.addi %add3A_359, %add3A_452 : i32
        %get3A_454 = arith.index_cast %add3A_453 : i32 to index
        %get3A_455 = arith.constant 80 : index
        %get3A_456 = tpu.vector_load %arg14[%get3A_454, %get3A_455] {strides = array<i32>} : memref<128x128xf32, #tpu.memory_space<vmem>>, vector<16xf32>,
        %mul3A_457 = arith.mulf %get3A_456, %gather3A_365 : vector<16xf32>
        %add3A_458 = arith.constant 1 : i32
        %add3A_459 = arith.addi %add3A_359, %add3A_458 : i32
        %get3A_460 = arith.index_cast %add3A_459 : i32 to index
        %get3A_461 = arith.constant 96 : index
        %get3A_462 = tpu.vector_load %arg14[%get3A_460, %get3A_461] {strides = array<i32>} : memref<128x128xf32, #tpu.memory_space<vmem>>, vector<16xf32>,
        %mul3A_463 = arith.mulf %get3A_462, %gather3A_365 : vector<16xf32>
        %add3A_464 = arith.constant 1 : i32
        %add3A_465 = arith.addi %add3A_359, %add3A_464 : i32
        %get3A_466 = arith.index_cast %add3A_465 : i32 to index
        %get3A_467 = arith.constant 112 : index
        %get3A_468 = tpu.vector_load %arg14[%get3A_466, %get3A_467] {strides = array<i32>} : memref<128x128xf32, #tpu.memory_space<vmem>>, vector<16xf32>,
        %mul3A_469 = arith.mulf %get3A_468, %gather3A_365 : vector<16xf32>
        %add3A_470 = arith.constant 2 : i32
        %add3A_471 = arith.addi %add3A_359, %add3A_470 : i32
        %get3A_472 = arith.index_cast %add3A_471 : i32 to index
        %get3A_473 = arith.constant 0 : index
        %get3A_474 = tpu.vector_load %arg14[%get3A_472, %get3A_473] {strides = array<i32>} : memref<128x128xf32, #tpu.memory_space<vmem>>, vector<16xf32>,
        %mul3A_475 = arith.mulf %get3A_474, %gather3A_369 : vector<16xf32>
        %add3A_476 = arith.constant 2 : i32
        %add3A_477 = arith.addi %add3A_359, %add3A_476 : i32
        %get3A_478 = arith.index_cast %add3A_477 : i32 to index
        %get3A_479 = arith.constant 16 : index
        %get3A_480 = tpu.vector_load %arg14[%get3A_478, %get3A_479] {strides = array<i32>} : memref<128x128xf32, #tpu.memory_space<vmem>>, vector<16xf32>,
        %mul3A_481 = arith.mulf %get3A_480, %gather3A_369 : vector<16xf32>
        %add3A_482 = arith.constant 2 : i32
        %add3A_483 = arith.addi %add3A_359, %add3A_482 : i32
        %get3A_484 = arith.index_cast %add3A_483 : i32 to index
        %get3A_485 = arith.constant 32 : index
        %get3A_486 = tpu.vector_load %arg14[%get3A_484, %get3A_485] {strides = array<i32>} : memref<128x128xf32, #tpu.memory_space<vmem>>, vector<16xf32>,
        %mul3A_487 = arith.mulf %get3A_486, %gather3A_369 : vector<16xf32>
        %add3A_488 = arith.constant 2 : i32
        %add3A_489 = arith.addi %add3A_359, %add3A_488 : i32
        %get3A_490 = arith.index_cast %add3A_489 : i32 to index
        %get3A_491 = arith.constant 48 : index
        %get3A_492 = tpu.vector_load %arg14[%get3A_490, %get3A_491] {strides = array<i32>} : memref<128x128xf32, #tpu.memory_space<vmem>>, vector<16xf32>,
        %mul3A_493 = arith.mulf %get3A_492, %gather3A_369 : vector<16xf32>
        %add3A_494 = arith.constant 2 : i32
        %add3A_495 = arith.addi %add3A_359, %add3A_494 : i32
        %get3A_496 = arith.index_cast %add3A_495 : i32 to index
        %get3A_497 = arith.constant 64 : index
        %get3A_498 = tpu.vector_load %arg14[%get3A_496, %get3A_497] {strides = array<i32>} : memref<128x128xf32, #tpu.memory_space<vmem>>, vector<16xf32>,
        %mul3A_499 = arith.mulf %get3A_498, %gather3A_369 : vector<16xf32>
        %add3A_500 = arith.constant 2 : i32
        %add3A_501 = arith.addi %add3A_359, %add3A_500 : i32
        %get3A_502 = arith.index_cast %add3A_501 : i32 to index
        %get3A_503 = arith.constant 80 : index
        %get3A_504 = tpu.vector_load %arg14[%get3A_502, %get3A_503] {strides = array<i32>} : memref<128x128xf32, #tpu.memory_space<vmem>>, vector<16xf32>,
        %mul3A_505 = arith.mulf %get3A_504, %gather3A_369 : vector<16xf32>
        %add3A_506 = arith.constant 2 : i32
        %add3A_507 = arith.addi %add3A_359, %add3A_506 : i32
        %get3A_508 = arith.index_cast %add3A_507 : i32 to index
        %get3A_509 = arith.constant 96 : index
        %get3A_510 = tpu.vector_load %arg14[%get3A_508, %get3A_509] {strides = array<i32>} : memref<128x128xf32, #tpu.memory_space<vmem>>, vector<16xf32>,
        %mul3A_511 = arith.mulf %get3A_510, %gather3A_369 : vector<16xf32>
        %add3A_512 = arith.constant 2 : i32
        %add3A_513 = arith.addi %add3A_359, %add3A_512 : i32
        %get3A_514 = arith.index_cast %add3A_513 : i32 to index
        %get3A_515 = arith.constant 112 : index
        %get3A_516 = tpu.vector_load %arg14[%get3A_514, %get3A_515] {strides = array<i32>} : memref<128x128xf32, #tpu.memory_space<vmem>>, vector<16xf32>,
        %mul3A_517 = arith.mulf %get3A_516, %gather3A_369 : vector<16xf32>
        %add3A_518 = arith.constant 3 : i32
        %add3A_519 = arith.addi %add3A_359, %add3A_518 : i32
        %get3A_520 = arith.index_cast %add3A_519 : i32 to index
        %get3A_521 = arith.constant 0 : index
        %get3A_522 = tpu.vector_load %arg14[%get3A_520, %get3A_521] {strides = array<i32>} : memref<128x128xf32, #tpu.memory_space<vmem>>, vector<16xf32>,
        %mul3A_523 = arith.mulf %get3A_522, %gather3A_373 : vector<16xf32>
        %add3A_524 = arith.constant 3 : i32
        %add3A_525 = arith.addi %add3A_359, %add3A_524 : i32
        %get3A_526 = arith.index_cast %add3A_525 : i32 to index
        %get3A_527 = arith.constant 16 : index
        %get3A_528 = tpu.vector_load %arg14[%get3A_526, %get3A_527] {strides = array<i32>} : memref<128x128xf32, #tpu.memory_space<vmem>>, vector<16xf32>,
        %mul3A_529 = arith.mulf %get3A_528, %gather3A_373 : vector<16xf32>
        %add3A_530 = arith.constant 3 : i32
        %add3A_531 = arith.addi %add3A_359, %add3A_530 : i32
        %get3A_532 = arith.index_cast %add3A_531 : i32 to index
        %get3A_533 = arith.constant 32 : index
        %get3A_534 = tpu.vector_load %arg14[%get3A_532, %get3A_533] {strides = array<i32>} : memref<128x128xf32, #tpu.memory_space<vmem>>, vector<16xf32>,
        %mul3A_535 = arith.mulf %get3A_534, %gather3A_373 : vector<16xf32>
        %add3A_536 = arith.constant 3 : i32
        %add3A_537 = arith.addi %add3A_359, %add3A_536 : i32
        %get3A_538 = arith.index_cast %add3A_537 : i32 to index
        %get3A_539 = arith.constant 48 : index
        %get3A_540 = tpu.vector_load %arg14[%get3A_538, %get3A_539] {strides = array<i32>} : memref<128x128xf32, #tpu.memory_space<vmem>>, vector<16xf32>,
        %mul3A_541 = arith.mulf %get3A_540, %gather3A_373 : vector<16xf32>
        %add3A_542 = arith.constant 3 : i32
        %add3A_543 = arith.addi %add3A_359, %add3A_542 : i32
        %get3A_544 = arith.index_cast %add3A_543 : i32 to index
        %get3A_545 = arith.constant 64 : index
        %get3A_546 = tpu.vector_load %arg14[%get3A_544, %get3A_545] {strides = array<i32>} : memref<128x128xf32, #tpu.memory_space<vmem>>, vector<16xf32>,
        %mul3A_547 = arith.mulf %get3A_546, %gather3A_373 : vector<16xf32>
        %add3A_548 = arith.constant 3 : i32
        %add3A_549 = arith.addi %add3A_359, %add3A_548 : i32
        %get3A_550 = arith.index_cast %add3A_549 : i32 to index
        %get3A_551 = arith.constant 80 : index
        %get3A_552 = tpu.vector_load %arg14[%get3A_550, %get3A_551] {strides = array<i32>} : memref<128x128xf32, #tpu.memory_space<vmem>>, vector<16xf32>,
        %mul3A_553 = arith.mulf %get3A_552, %gather3A_373 : vector<16xf32>
        %add3A_554 = arith.constant 3 : i32
        %add3A_555 = arith.addi %add3A_359, %add3A_554 : i32
        %get3A_556 = arith.index_cast %add3A_555 : i32 to index
        %get3A_557 = arith.constant 96 : index
        %get3A_558 = tpu.vector_load %arg14[%get3A_556, %get3A_557] {strides = array<i32>} : memref<128x128xf32, #tpu.memory_space<vmem>>, vector<16xf32>,
        %mul3A_559 = arith.mulf %get3A_558, %gather3A_373 : vector<16xf32>
        %add3A_560 = arith.constant 3 : i32
        %add3A_561 = arith.addi %add3A_359, %add3A_560 : i32
        %get3A_562 = arith.index_cast %add3A_561 : i32 to index
        %get3A_563 = arith.constant 112 : index
        %get3A_564 = tpu.vector_load %arg14[%get3A_562, %get3A_563] {strides = array<i32>} : memref<128x128xf32, #tpu.memory_space<vmem>>, vector<16xf32>,
        %mul3A_565 = arith.mulf %get3A_564, %gather3A_373 : vector<16xf32>
        %add3A_566 = arith.constant 0 : i32
        %add3A_567 = arith.addi %add3A_359, %add3A_566 : i32
        %swap3A_568 = arith.index_cast %add3A_567 : i32 to index
        %swap3A_569 = arith.constant 0 : index
        %swap3A_570 = tpu.vector_load %arg14[%swap3A_568, %swap3A_569] {strides = array<i32>} : memref<128x128xf32, #tpu.memory_space<vmem>>, vector<16xf32>,
        tpu.vector_store %arg14[%swap3A_568, %swap3A_569], %mul3A_379 {strides = array<i32>} : memref<128x128xf32, #tpu.memory_space<vmem>>, vector<16xf32>,
        %add3A_571 = arith.constant 0 : i32
        %add3A_572 = arith.addi %add3A_359, %add3A_571 : i32
        %swap3A_573 = arith.index_cast %add3A_572 : i32 to index
        %swap3A_574 = arith.constant 16 : index
        %swap3A_575 = tpu.vector_load %arg14[%swap3A_573, %swap3A_574] {strides = array<i32>} : memref<128x128xf32, #tpu.memory_space<vmem>>, vector<16xf32>,
        tpu.vector_store %arg14[%swap3A_573, %swap3A_574], %mul3A_385 {strides = array<i32>} : memref<128x128xf32, #tpu.memory_space<vmem>>, vector<16xf32>,
        %add3A_576 = arith.constant 0 : i32
        %add3A_577 = arith.addi %add3A_359, %add3A_576 : i32
        %swap3A_578 = arith.index_cast %add3A_577 : i32 to index
        %swap3A_579 = arith.constant 32 : index
        %swap3A_580 = tpu.vector_load %arg14[%swap3A_578, %swap3A_579] {strides = array<i32>} : memref<128x128xf32, #tpu.memory_space<vmem>>, vector<16xf32>,
        tpu.vector_store %arg14[%swap3A_578, %swap3A_579], %mul3A_391 {strides = array<i32>} : memref<128x128xf32, #tpu.memory_space<vmem>>, vector<16xf32>,
        %add3A_581 = arith.constant 0 : i32
        %add3A_582 = arith.addi %add3A_359, %add3A_581 : i32
        %swap3A_583 = arith.index_cast %add3A_582 : i32 to index
        %swap3A_584 = arith.constant 48 : index
        %swap3A_585 = tpu.vector_load %arg14[%swap3A_583, %swap3A_584] {strides = array<i32>} : memref<128x128xf32, #tpu.memory_space<vmem>>, vector<16xf32>,
        tpu.vector_store %arg14[%swap3A_583, %swap3A_584], %mul3A_397 {strides = array<i32>} : memref<128x128xf32, #tpu.memory_space<vmem>>, vector<16xf32>,
        %add3A_586 = arith.constant 0 : i32
        %add3A_587 = arith.addi %add3A_359, %add3A_586 : i32
        %swap3A_588 = arith.index_cast %add3A_587 : i32 to index
        %swap3A_589 = arith.constant 64 : index
        %swap3A_590 = tpu.vector_load %arg14[%swap3A_588, %swap3A_589] {strides = array<i32>} : memref<128x128xf32, #tpu.memory_space<vmem>>, vector<16xf32>,
        tpu.vector_store %arg14[%swap3A_588, %swap3A_589], %mul3A_403 {strides = array<i32>} : memref<128x128xf32, #tpu.memory_space<vmem>>, vector<16xf32>,
        %add3A_591 = arith.constant 0 : i32
        %add3A_592 = arith.addi %add3A_359, %add3A_591 : i32
        %swap3A_593 = arith.index_cast %add3A_592 : i32 to index
        %swap3A_594 = arith.constant 80 : index
        %swap3A_595 = tpu.vector_load %arg14[%swap3A_593, %swap3A_594] {strides = array<i32>} : memref<128x128xf32, #tpu.memory_space<vmem>>, vector<16xf32>,
        tpu.vector_store %arg14[%swap3A_593, %swap3A_594], %mul3A_409 {strides = array<i32>} : memref<128x128xf32, #tpu.memory_space<vmem>>, vector<16xf32>,
        %add3A_596 = arith.constant 0 : i32
        %add3A_597 = arith.addi %add3A_359, %add3A_596 : i32
        %swap3A_598 = arith.index_cast %add3A_597 : i32 to index
        %swap3A_599 = arith.constant 96 : index
        %swap3A_600 = tpu.vector_load %arg14[%swap3A_598, %swap3A_599] {strides = array<i32>} : memref<128x128xf32, #tpu.memory_space<vmem>>, vector<16xf32>,
        tpu.vector_store %arg14[%swap3A_598, %swap3A_599], %mul3A_415 {strides = array<i32>} : memref<128x128xf32, #tpu.memory_space<vmem>>, vector<16xf32>,
        %add3A_601 = arith.constant 0 : i32
        %add3A_602 = arith.addi %add3A_359, %add3A_601 : i32
        %swap3A_603 = arith.index_cast %add3A_602 : i32 to index
        %swap3A_604 = arith.constant 112 : index
        %swap3A_605 = tpu.vector_load %arg14[%swap3A_603, %swap3A_604] {strides = array<i32>} : memref<128x128xf32, #tpu.memory_space<vmem>>, vector<16xf32>,
        tpu.vector_store %arg14[%swap3A_603, %swap3A_604], %mul3A_421 {strides = array<i32>} : memref<128x128xf32, #tpu.memory_space<vmem>>, vector<16xf32>,
        %add3A_606 = arith.constant 1 : i32
        %add3A_607 = arith.addi %add3A_359, %add3A_606 : i32
        %swap3A_608 = arith.index_cast %add3A_607 : i32 to index
        %swap3A_609 = arith.constant 0 : index
        %swap3A_610 = tpu.vector_load %arg14[%swap3A_608, %swap3A_609] {strides = array<i32>} : memref<128x128xf32, #tpu.memory_space<vmem>>, vector<16xf32>,
        tpu.vector_store %arg14[%swap3A_608, %swap3A_609], %mul3A_427 {strides = array<i32>} : memref<128x128xf32, #tpu.memory_space<vmem>>, vector<16xf32>,
        %add3A_611 = arith.constant 1 : i32
        %add3A_612 = arith.addi %add3A_359, %add3A_611 : i32
        %swap3A_613 = arith.index_cast %add3A_612 : i32 to index
        %swap3A_614 = arith.constant 16 : index
        %swap3A_615 = tpu.vector_load %arg14[%swap3A_613, %swap3A_614] {strides = array<i32>} : memref<128x128xf32, #tpu.memory_space<vmem>>, vector<16xf32>,
        tpu.vector_store %arg14[%swap3A_613, %swap3A_614], %mul3A_433 {strides = array<i32>} : memref<128x128xf32, #tpu.memory_space<vmem>>, vector<16xf32>,
        %add3A_616 = arith.constant 1 : i32
        %add3A_617 = arith.addi %add3A_359, %add3A_616 : i32
        %swap3A_618 = arith.index_cast %add3A_617 : i32 to index
        %swap3A_619 = arith.constant 32 : index
        %swap3A_620 = tpu.vector_load %arg14[%swap3A_618, %swap3A_619] {strides = array<i32>} : memref<128x128xf32, #tpu.memory_space<vmem>>, vector<16xf32>,
        tpu.vector_store %arg14[%swap3A_618, %swap3A_619], %mul3A_439 {strides = array<i32>} : memref<128x128xf32, #tpu.memory_space<vmem>>, vector<16xf32>,
        %add3A_621 = arith.constant 1 : i32
        %add3A_622 = arith.addi %add3A_359, %add3A_621 : i32
        %swap3A_623 = arith.index_cast %add3A_622 : i32 to index
        %swap3A_624 = arith.constant 48 : index
        %swap3A_625 = tpu.vector_load %arg14[%swap3A_623, %swap3A_624] {strides = array<i32>} : memref<128x128xf32, #tpu.memory_space<vmem>>, vector<16xf32>,
        tpu.vector_store %arg14[%swap3A_623, %swap3A_624], %mul3A_445 {strides = array<i32>} : memref<128x128xf32, #tpu.memory_space<vmem>>, vector<16xf32>,
        %add3A_626 = arith.constant 1 : i32
        %add3A_627 = arith.addi %add3A_359, %add3A_626 : i32
        %swap3A_628 = arith.index_cast %add3A_627 : i32 to index
        %swap3A_629 = arith.constant 64 : index
        %swap3A_630 = tpu.vector_load %arg14[%swap3A_628, %swap3A_629] {strides = array<i32>} : memref<128x128xf32, #tpu.memory_space<vmem>>, vector<16xf32>,
        tpu.vector_store %arg14[%swap3A_628, %swap3A_629], %mul3A_451 {strides = array<i32>} : memref<128x128xf32, #tpu.memory_space<vmem>>, vector<16xf32>,
        %add3A_631 = arith.constant 1 : i32
        %add3A_632 = arith.addi %add3A_359, %add3A_631 : i32
        %swap3A_633 = arith.index_cast %add3A_632 : i32 to index
        %swap3A_634 = arith.constant 80 : index
        %swap3A_635 = tpu.vector_load %arg14[%swap3A_633, %swap3A_634] {strides = array<i32>} : memref<128x128xf32, #tpu.memory_space<vmem>>, vector<16xf32>,
        tpu.vector_store %arg14[%swap3A_633, %swap3A_634], %mul3A_457 {strides = array<i32>} : memref<128x128xf32, #tpu.memory_space<vmem>>, vector<16xf32>,
        %add3A_636 = arith.constant 1 : i32
        %add3A_637 = arith.addi %add3A_359, %add3A_636 : i32
        %swap3A_638 = arith.index_cast %add3A_637 : i32 to index
        %swap3A_639 = arith.constant 96 : index
        %swap3A_640 = tpu.vector_load %arg14[%swap3A_638, %swap3A_639] {strides = array<i32>} : memref<128x128xf32, #tpu.memory_space<vmem>>, vector<16xf32>,
        tpu.vector_store %arg14[%swap3A_638, %swap3A_639], %mul3A_463 {strides = array<i32>} : memref<128x128xf32, #tpu.memory_space<vmem>>, vector<16xf32>,
        %add3A_641 = arith.constant 1 : i32
        %add3A_642 = arith.addi %add3A_359, %add3A_641 : i32
        %swap3A_643 = arith.index_cast %add3A_642 : i32 to index
        %swap3A_644 = arith.constant 112 : index
        %swap3A_645 = tpu.vector_load %arg14[%swap3A_643, %swap3A_644] {strides = array<i32>} : memref<128x128xf32, #tpu.memory_space<vmem>>, vector<16xf32>,
        tpu.vector_store %arg14[%swap3A_643, %swap3A_644], %mul3A_469 {strides = array<i32>} : memref<128x128xf32, #tpu.memory_space<vmem>>, vector<16xf32>,
        %add3A_646 = arith.constant 2 : i32
        %add3A_647 = arith.addi %add3A_359, %add3A_646 : i32
        %swap3A_648 = arith.index_cast %add3A_647 : i32 to index
        %swap3A_649 = arith.constant 0 : index
        %swap3A_650 = tpu.vector_load %arg14[%swap3A_648, %swap3A_649] {strides = array<i32>} : memref<128x128xf32, #tpu.memory_space<vmem>>, vector<16xf32>,
        tpu.vector_store %arg14[%swap3A_648, %swap3A_649], %mul3A_475 {strides = array<i32>} : memref<128x128xf32, #tpu.memory_space<vmem>>, vector<16xf32>,
        %add3A_651 = arith.constant 2 : i32
        %add3A_652 = arith.addi %add3A_359, %add3A_651 : i32
        %swap3A_653 = arith.index_cast %add3A_652 : i32 to index
        %swap3A_654 = arith.constant 16 : index
        %swap3A_655 = tpu.vector_load %arg14[%swap3A_653, %swap3A_654] {strides = array<i32>} : memref<128x128xf32, #tpu.memory_space<vmem>>, vector<16xf32>,
        tpu.vector_store %arg14[%swap3A_653, %swap3A_654], %mul3A_481 {strides = array<i32>} : memref<128x128xf32, #tpu.memory_space<vmem>>, vector<16xf32>,
        %add3A_656 = arith.constant 2 : i32
        %add3A_657 = arith.addi %add3A_359, %add3A_656 : i32
        %swap3A_658 = arith.index_cast %add3A_657 : i32 to index
        %swap3A_659 = arith.constant 32 : index
        %swap3A_660 = tpu.vector_load %arg14[%swap3A_658, %swap3A_659] {strides = array<i32>} : memref<128x128xf32, #tpu.memory_space<vmem>>, vector<16xf32>,
        tpu.vector_store %arg14[%swap3A_658, %swap3A_659], %mul3A_487 {strides = array<i32>} : memref<128x128xf32, #tpu.memory_space<vmem>>, vector<16xf32>,
        %add3A_661 = arith.constant 2 : i32
        %add3A_662 = arith.addi %add3A_359, %add3A_661 : i32
        %swap3A_663 = arith.index_cast %add3A_662 : i32 to index
        %swap3A_664 = arith.constant 48 : index
        %swap3A_665 = tpu.vector_load %arg14[%swap3A_663, %swap3A_664] {strides = array<i32>} : memref<128x128xf32, #tpu.memory_space<vmem>>, vector<16xf32>,
        tpu.vector_store %arg14[%swap3A_663, %swap3A_664], %mul3A_493 {strides = array<i32>} : memref<128x128xf32, #tpu.memory_space<vmem>>, vector<16xf32>,
        %add3A_666 = arith.constant 2 : i32
        %add3A_667 = arith.addi %add3A_359, %add3A_666 : i32
        %swap3A_668 = arith.index_cast %add3A_667 : i32 to index
        %swap3A_669 = arith.constant 64 : index
        %swap3A_670 = tpu.vector_load %arg14[%swap3A_668, %swap3A_669] {strides = array<i32>} : memref<128x128xf32, #tpu.memory_space<vmem>>, vector<16xf32>,
        tpu.vector_store %arg14[%swap3A_668, %swap3A_669], %mul3A_499 {strides = array<i32>} : memref<128x128xf32, #tpu.memory_space<vmem>>, vector<16xf32>,
        %add3A_671 = arith.constant 2 : i32
        %add3A_672 = arith.addi %add3A_359, %add3A_671 : i32
        %swap3A_673 = arith.index_cast %add3A_672 : i32 to index
        %swap3A_674 = arith.constant 80 : index
        %swap3A_675 = tpu.vector_load %arg14[%swap3A_673, %swap3A_674] {strides = array<i32>} : memref<128x128xf32, #tpu.memory_space<vmem>>, vector<16xf32>,
        tpu.vector_store %arg14[%swap3A_673, %swap3A_674], %mul3A_505 {strides = array<i32>} : memref<128x128xf32, #tpu.memory_space<vmem>>, vector<16xf32>,
        %add3A_676 = arith.constant 2 : i32
        %add3A_677 = arith.addi %add3A_359, %add3A_676 : i32
        %swap3A_678 = arith.index_cast %add3A_677 : i32 to index
        %swap3A_679 = arith.constant 96 : index
        %swap3A_680 = tpu.vector_load %arg14[%swap3A_678, %swap3A_679] {strides = array<i32>} : memref<128x128xf32, #tpu.memory_space<vmem>>, vector<16xf32>,
        tpu.vector_store %arg14[%swap3A_678, %swap3A_679], %mul3A_511 {strides = array<i32>} : memref<128x128xf32, #tpu.memory_space<vmem>>, vector<16xf32>,
        %add3A_681 = arith.constant 2 : i32
        %add3A_682 = arith.addi %add3A_359, %add3A_681 : i32
        %swap3A_683 = arith.index_cast %add3A_682 : i32 to index
        %swap3A_684 = arith.constant 112 : index
        %swap3A_685 = tpu.vector_load %arg14[%swap3A_683, %swap3A_684] {strides = array<i32>} : memref<128x128xf32, #tpu.memory_space<vmem>>, vector<16xf32>,
        tpu.vector_store %arg14[%swap3A_683, %swap3A_684], %mul3A_517 {strides = array<i32>} : memref<128x128xf32, #tpu.memory_space<vmem>>, vector<16xf32>,
        %add3A_686 = arith.constant 3 : i32
        %add3A_687 = arith.addi %add3A_359, %add3A_686 : i32
        %swap3A_688 = arith.index_cast %add3A_687 : i32 to index
        %swap3A_689 = arith.constant 0 : index
        %swap3A_690 = tpu.vector_load %arg14[%swap3A_688, %swap3A_689] {strides = array<i32>} : memref<128x128xf32, #tpu.memory_space<vmem>>, vector<16xf32>,
        tpu.vector_store %arg14[%swap3A_688, %swap3A_689], %mul3A_523 {strides = array<i32>} : memref<128x128xf32, #tpu.memory_space<vmem>>, vector<16xf32>,
        %add3A_691 = arith.constant 3 : i32
        %add3A_692 = arith.addi %add3A_359, %add3A_691 : i32
        %swap3A_693 = arith.index_cast %add3A_692 : i32 to index
        %swap3A_694 = arith.constant 16 : index
        %swap3A_695 = tpu.vector_load %arg14[%swap3A_693, %swap3A_694] {strides = array<i32>} : memref<128x128xf32, #tpu.memory_space<vmem>>, vector<16xf32>,
        tpu.vector_store %arg14[%swap3A_693, %swap3A_694], %mul3A_529 {strides = array<i32>} : memref<128x128xf32, #tpu.memory_space<vmem>>, vector<16xf32>,
        %add3A_696 = arith.constant 3 : i32
        %add3A_697 = arith.addi %add3A_359, %add3A_696 : i32
        %swap3A_698 = arith.index_cast %add3A_697 : i32 to index
        %swap3A_699 = arith.constant 32 : index
        %swap3A_700 = tpu.vector_load %arg14[%swap3A_698, %swap3A_699] {strides = array<i32>} : memref<128x128xf32, #tpu.memory_space<vmem>>, vector<16xf32>,
        tpu.vector_store %arg14[%swap3A_698, %swap3A_699], %mul3A_535 {strides = array<i32>} : memref<128x128xf32, #tpu.memory_space<vmem>>, vector<16xf32>,
        %add3A_701 = arith.constant 3 : i32
        %add3A_702 = arith.addi %add3A_359, %add3A_701 : i32
        %swap3A_703 = arith.index_cast %add3A_702 : i32 to index
        %swap3A_704 = arith.constant 48 : index
        %swap3A_705 = tpu.vector_load %arg14[%swap3A_703, %swap3A_704] {strides = array<i32>} : memref<128x128xf32, #tpu.memory_space<vmem>>, vector<16xf32>,
        tpu.vector_store %arg14[%swap3A_703, %swap3A_704], %mul3A_541 {strides = array<i32>} : memref<128x128xf32, #tpu.memory_space<vmem>>, vector<16xf32>,
        %add3A_706 = arith.constant 3 : i32
        %add3A_707 = arith.addi %add3A_359, %add3A_706 : i32
        %swap3A_708 = arith.index_cast %add3A_707 : i32 to index
        %swap3A_709 = arith.constant 64 : index
        %swap3A_710 = tpu.vector_load %arg14[%swap3A_708, %swap3A_709] {strides = array<i32>} : memref<128x128xf32, #tpu.memory_space<vmem>>, vector<16xf32>,
        tpu.vector_store %arg14[%swap3A_708, %swap3A_709], %mul3A_547 {strides = array<i32>} : memref<128x128xf32, #tpu.memory_space<vmem>>, vector<16xf32>,
        %add3A_711 = arith.constant 3 : i32
        %add3A_712 = arith.addi %add3A_359, %add3A_711 : i32
        %swap3A_713 = arith.index_cast %add3A_712 : i32 to index
        %swap3A_714 = arith.constant 80 : index
        %swap3A_715 = tpu.vector_load %arg14[%swap3A_713, %swap3A_714] {strides = array<i32>} : memref<128x128xf32, #tpu.memory_space<vmem>>, vector<16xf32>,
        tpu.vector_store %arg14[%swap3A_713, %swap3A_714], %mul3A_553 {strides = array<i32>} : memref<128x128xf32, #tpu.memory_space<vmem>>, vector<16xf32>,
        %add3A_716 = arith.constant 3 : i32
        %add3A_717 = arith.addi %add3A_359, %add3A_716 : i32
        %swap3A_718 = arith.index_cast %add3A_717 : i32 to index
        %swap3A_719 = arith.constant 96 : index
        %swap3A_720 = tpu.vector_load %arg14[%swap3A_718, %swap3A_719] {strides = array<i32>} : memref<128x128xf32, #tpu.memory_space<vmem>>, vector<16xf32>,
        tpu.vector_store %arg14[%swap3A_718, %swap3A_719], %mul3A_559 {strides = array<i32>} : memref<128x128xf32, #tpu.memory_space<vmem>>, vector<16xf32>,
        %add3A_721 = arith.constant 3 : i32
        %add3A_722 = arith.addi %add3A_359, %add3A_721 : i32
        %swap3A_723 = arith.index_cast %add3A_722 : i32 to index
        %swap3A_724 = arith.constant 112 : index
        %swap3A_725 = tpu.vector_load %arg14[%swap3A_723, %swap3A_724] {strides = array<i32>} : memref<128x128xf32, #tpu.memory_space<vmem>>, vector<16xf32>,
        tpu.vector_store %arg14[%swap3A_723, %swap3A_724], %mul3A_565 {strides = array<i32>} : memref<128x128xf32, #tpu.memory_space<vmem>>, vector<16xf32>,
      }
      %scan3A_345 = arith.constant 32 : i32
      %add3A_346 = arith.constant 1 : i32
      %add3A_347 = arith.addi %mul3A_182, %add3A_346 : i32
      %dma_start3A_348 = arith.constant 0 : i32
      %dma_start3A_349 = arith.constant 0 : i32
      %dma_start3A_350 = tpu.memref_slice %arg15[%dma_start3A_348, %dma_start3A_349] : memref<10000x128xf32, #tpu.memory_space<vmem_shared>> -> memref<10000x128xf32, #tpu.memory_space<vmem_shared>>
      tpu.enqueue_indirect_dma source(%arg14 : memref<128x128xf32, #tpu.memory_space<vmem>>) target(%dma_start3A_350 : memref<10000x128xf32, #tpu.memory_space<vmem_shared>>) offsets(%arg10 : memref<128xi32, #tpu.memory_space<vmem>>) semaphore(%arg19 : memref<!tpu.dma_semaphore, #tpu.memory_space<semaphore_mem>>) {add = true}
      %lt3A = arith.constant 39 : i32
      %lt3A_351 = arith.cmpi slt, %add3A_180, %lt3A : i32
      %convert_element_type3A_352 = arith.extui %lt3A_351 : i1 to i32
      %cond3A_353 = arith.constant 0 : i32
      %cond3A_354 = arith.cmpi ne, %convert_element_type3A_352, %cond3A_353 : i32
      scf.if %cond3A_354 {
        %dma_wait3A_355 = arith.constant 0 : i32
        %dma_wait3A_356 = arith.constant 0 : i32
        %dma_wait3A_357 = tpu.memref_slice %arg15[%dma_wait3A_355, %dma_wait3A_356] : memref<10000x128xf32, #tpu.memory_space<vmem_shared>> -> memref<10000x128xf32, #tpu.memory_space<vmem_shared>>
        tpu.wait_indirect_dma semaphore(%arg18 : memref<!tpu.dma_semaphore, #tpu.memory_space<semaphore_mem>>) src(%arg13 : memref<128x128xf32, #tpu.memory_space<vmem>>) dst(%dma_wait3A_357 : memref<10000x128xf32, #tpu.memory_space<vmem_shared>>)
        %add3A_358 = arith.constant 2 : i32
        %add3A_359 = arith.addi %mul3A_182, %add3A_358 : i32
        %get3A_360 = arith.index_cast %add3A_359 : i32 to index
        %get3A_361 = arith.constant 0 : index
        %get3A_362 = tpu.vector_load %arg6[%get3A_360, %get3A_361] {strides = array<i32>} : memref<80x128xi32, #tpu.memory_space<vmem>>, vector<16xi32>,
        %and3A_363 = arith.constant 65535 : i32
        %and3A_364 = vector.broadcast %and3A_363 : i32 to vector<16xi32>
        %and3A_365 = arith.andi %get3A_362, %and3A_364 : vector<16xi32>
        %swap3A_366 = arith.constant 0 : index
        %swap3A_367 = tpu.vector_load %arg7[%swap3A_366] {strides = array<i32>} : memref<128xi32, #tpu.memory_space<vmem>>, vector<16xi32>,
        tpu.vector_store %arg7[%swap3A_366], %and3A_365 {strides = array<i32>} : memref<128xi32, #tpu.memory_space<vmem>>, vector<16xi32>,
        %shift_right_logical3A_368 = arith.constant 16 : i32
        %shift_right_logical3A_369 = vector.broadcast %shift_right_logical3A_368 : i32 to vector<16xi32>
        %shift_right_logical3A_370 = arith.shrui %get3A_362, %shift_right_logical3A_369 : vector<16xi32>
        %swap3A_371 = arith.constant 0 : index
        %swap3A_372 = tpu.vector_load %arg9[%swap3A_371] {strides = array<i32>} : memref<128xi32, #tpu.memory_space<vmem>>, vector<16xi32>,
        tpu.vector_store %arg9[%swap3A_371], %shift_right_logical3A_370 {strides = array<i32>} : memref<128xi32, #tpu.memory_space<vmem>>, vector<16xi32>,
        %get3A_373 = arith.index_cast %add3A_359 : i32 to index
        %get3A_374 = arith.constant 16 : index
        %get3A_375 = tpu.vector_load %arg6[%get3A_373, %get3A_374] {strides = array<i32>} : memref<80x128xi32, #tpu.memory_space<vmem>>, vector<16xi32>,
        %and3A_376 = arith.constant 65535 : i32
        %and3A_377 = vector.broadcast %and3A_376 : i32 to vector<16xi32>
        %and3A_378 = arith.andi %get3A_375, %and3A_377 : vector<16xi32>
        %swap3A_379 = arith.constant 16 : index
        %swap3A_380 = tpu.vector_load %arg7[%swap3A_379] {strides = array<i32>} : memref<128xi32, #tpu.memory_space<vmem>>, vector<16xi32>,
        tpu.vector_store %arg7[%swap3A_379], %and3A_378 {strides = array<i32>} : memref<128xi32, #tpu.memory_space<vmem>>, vector<16xi32>,
        %shift_right_logical3A_381 = arith.constant 16 : i32
        %shift_right_logical3A_382 = vector.broadcast %shift_right_logical3A_381 : i32 to vector<16xi32>
        %shift_right_logical3A_383 = arith.shrui %get3A_375, %shift_right_logical3A_382 : vector<16xi32>
        %swap3A_384 = arith.constant 16 : index
        %swap3A_385 = tpu.vector_load %arg9[%swap3A_384] {strides = array<i32>} : memref<128xi32, #tpu.memory_space<vmem>>, vector<16xi32>,
        tpu.vector_store %arg9[%swap3A_384], %shift_right_logical3A_383 {strides = array<i32>} : memref<128xi32, #tpu.memory_space<vmem>>, vector<16xi32>,
        %get3A_386 = arith.index_cast %add3A_359 : i32 to index
        %get3A_387 = arith.constant 32 : index
        %get3A_388 = tpu.vector_load %arg6[%get3A_386, %get3A_387] {strides = array<i32>} : memref<80x128xi32, #tpu.memory_space<vmem>>, vector<16xi32>,
        %and3A_389 = arith.constant 65535 : i32
        %and3A_390 = vector.broadcast %and3A_389 : i32 to vector<16xi32>
        %and3A_391 = arith.andi %get3A_388, %and3A_390 : vector<16xi32>
        %swap3A_392 = arith.constant 32 : index
        %swap3A_393 = tpu.vector_load %arg7[%swap3A_392] {strides = array<i32>} : memref<128xi32, #tpu.memory_space<vmem>>, vector<16xi32>,
        tpu.vector_store %arg7[%swap3A_392], %and3A_391 {strides = array<i32>} : memref<128xi32, #tpu.memory_space<vmem>>, vector<16xi32>,
        %shift_right_logical3A_394 = arith.constant 16 : i32
        %shift_right_logical3A_395 = vector.broadcast %shift_right_logical3A_394 : i32 to vector<16xi32>
        %shift_right_logical3A_396 = arith.shrui %get3A_388, %shift_right_logical3A_395 : vector<16xi32>
        %swap3A_397 = arith.constant 32 : index
        %swap3A_398 = tpu.vector_load %arg9[%swap3A_397] {strides = array<i32>} : memref<128xi32, #tpu.memory_space<vmem>>, vector<16xi32>,
        tpu.vector_store %arg9[%swap3A_397], %shift_right_logical3A_396 {strides = array<i32>} : memref<128xi32, #tpu.memory_space<vmem>>, vector<16xi32>,
        %get3A_399 = arith.index_cast %add3A_359 : i32 to index
        %get3A_400 = arith.constant 48 : index
        %get3A_401 = tpu.vector_load %arg6[%get3A_399, %get3A_400] {strides = array<i32>} : memref<80x128xi32, #tpu.memory_space<vmem>>, vector<16xi32>,
        %and3A_402 = arith.constant 65535 : i32
        %and3A_403 = vector.broadcast %and3A_402 : i32 to vector<16xi32>
        %and3A_404 = arith.andi %get3A_401, %and3A_403 : vector<16xi32>
        %swap3A_405 = arith.constant 48 : index
        %swap3A_406 = tpu.vector_load %arg7[%swap3A_405] {strides = array<i32>} : memref<128xi32, #tpu.memory_space<vmem>>, vector<16xi32>,
        tpu.vector_store %arg7[%swap3A_405], %and3A_404 {strides = array<i32>} : memref<128xi32, #tpu.memory_space<vmem>>, vector<16xi32>,
        %shift_right_logical3A_407 = arith.constant 16 : i32
        %shift_right_logical3A_408 = vector.broadcast %shift_right_logical3A_407 : i32 to vector<16xi32>
        %shift_right_logical3A_409 = arith.shrui %get3A_401, %shift_right_logical3A_408 : vector<16xi32>
        %swap3A_410 = arith.constant 48 : index
        %swap3A_411 = tpu.vector_load %arg9[%swap3A_410] {strides = array<i32>} : memref<128xi32, #tpu.memory_space<vmem>>, vector<16xi32>,
        tpu.vector_store %arg9[%swap3A_410], %shift_right_logical3A_409 {strides = array<i32>} : memref<128xi32, #tpu.memory_space<vmem>>, vector<16xi32>,
        %get3A_412 = arith.index_cast %add3A_359 : i32 to index
        %get3A_413 = arith.constant 64 : index
        %get3A_414 = tpu.vector_load %arg6[%get3A_412, %get3A_413] {strides = array<i32>} : memref<80x128xi32, #tpu.memory_space<vmem>>, vector<16xi32>,
        %and3A_415 = arith.constant 65535 : i32
        %and3A_416 = vector.broadcast %and3A_415 : i32 to vector<16xi32>
        %and3A_417 = arith.andi %get3A_414, %and3A_416 : vector<16xi32>
        %swap3A_418 = arith.constant 64 : index
        %swap3A_419 = tpu.vector_load %arg7[%swap3A_418] {strides = array<i32>} : memref<128xi32, #tpu.memory_space<vmem>>, vector<16xi32>,
        tpu.vector_store %arg7[%swap3A_418], %and3A_417 {strides = array<i32>} : memref<128xi32, #tpu.memory_space<vmem>>, vector<16xi32>,
        %shift_right_logical3A_420 = arith.constant 16 : i32
        %shift_right_logical3A_421 = vector.broadcast %shift_right_logical3A_420 : i32 to vector<16xi32>
        %shift_right_logical3A_422 = arith.shrui %get3A_414, %shift_right_logical3A_421 : vector<16xi32>
        %swap3A_423 = arith.constant 64 : index
        %swap3A_424 = tpu.vector_load %arg9[%swap3A_423] {strides = array<i32>} : memref<128xi32, #tpu.memory_space<vmem>>, vector<16xi32>,
        tpu.vector_store %arg9[%swap3A_423], %shift_right_logical3A_422 {strides = array<i32>} : memref<128xi32, #tpu.memory_space<vmem>>, vector<16xi32>,
        %get3A_425 = arith.index_cast %add3A_359 : i32 to index
        %get3A_426 = arith.constant 80 : index
        %get3A_427 = tpu.vector_load %arg6[%get3A_425, %get3A_426] {strides = array<i32>} : memref<80x128xi32, #tpu.memory_space<vmem>>, vector<16xi32>,
        %and3A_428 = arith.constant 65535 : i32
        %and3A_429 = vector.broadcast %and3A_428 : i32 to vector<16xi32>
        %and3A_430 = arith.andi %get3A_427, %and3A_429 : vector<16xi32>
        %swap3A_431 = arith.constant 80 : index
        %swap3A_432 = tpu.vector_load %arg7[%swap3A_431] {strides = array<i32>} : memref<128xi32, #tpu.memory_space<vmem>>, vector<16xi32>,
        tpu.vector_store %arg7[%swap3A_431], %and3A_430 {strides = array<i32>} : memref<128xi32, #tpu.memory_space<vmem>>, vector<16xi32>,
        %shift_right_logical3A_433 = arith.constant 16 : i32
        %shift_right_logical3A_434 = vector.broadcast %shift_right_logical3A_433 : i32 to vector<16xi32>
        %shift_right_logical3A_435 = arith.shrui %get3A_427, %shift_right_logical3A_434 : vector<16xi32>
        %swap3A_436 = arith.constant 80 : index
        %swap3A_437 = tpu.vector_load %arg9[%swap3A_436] {strides = array<i32>} : memref<128xi32, #tpu.memory_space<vmem>>, vector<16xi32>,
        tpu.vector_store %arg9[%swap3A_436], %shift_right_logical3A_435 {strides = array<i32>} : memref<128xi32, #tpu.memory_space<vmem>>, vector<16xi32>,
        %get3A_438 = arith.index_cast %add3A_359 : i32 to index
        %get3A_439 = arith.constant 96 : index
        %get3A_440 = tpu.vector_load %arg6[%get3A_438, %get3A_439] {strides = array<i32>} : memref<80x128xi32, #tpu.memory_space<vmem>>, vector<16xi32>,
        %and3A_441 = arith.constant 65535 : i32
        %and3A_442 = vector.broadcast %and3A_441 : i32 to vector<16xi32>
        %and3A_443 = arith.andi %get3A_440, %and3A_442 : vector<16xi32>
        %swap3A_444 = arith.constant 96 : index
        %swap3A_445 = tpu.vector_load %arg7[%swap3A_444] {strides = array<i32>} : memref<128xi32, #tpu.memory_space<vmem>>, vector<16xi32>,
        tpu.vector_store %arg7[%swap3A_444], %and3A_443 {strides = array<i32>} : memref<128xi32, #tpu.memory_space<vmem>>, vector<16xi32>,
        %shift_right_logical3A_446 = arith.constant 16 : i32
        %shift_right_logical3A_447 = vector.broadcast %shift_right_logical3A_446 : i32 to vector<16xi32>
        %shift_right_logical3A_448 = arith.shrui %get3A_440, %shift_right_logical3A_447 : vector<16xi32>
        %swap3A_449 = arith.constant 96 : index
        %swap3A_450 = tpu.vector_load %arg9[%swap3A_449] {strides = array<i32>} : memref<128xi32, #tpu.memory_space<vmem>>, vector<16xi32>,
        tpu.vector_store %arg9[%swap3A_449], %shift_right_logical3A_448 {strides = array<i32>} : memref<128xi32, #tpu.memory_space<vmem>>, vector<16xi32>,
        %get3A_451 = arith.index_cast %add3A_359 : i32 to index
        %get3A_452 = arith.constant 112 : index
        %get3A_453 = tpu.vector_load %arg6[%get3A_451, %get3A_452] {strides = array<i32>} : memref<80x128xi32, #tpu.memory_space<vmem>>, vector<16xi32>,
        %and3A_454 = arith.constant 65535 : i32
        %and3A_455 = vector.broadcast %and3A_454 : i32 to vector<16xi32>
        %and3A_456 = arith.andi %get3A_453, %and3A_455 : vector<16xi32>
        %swap3A_457 = arith.constant 112 : index
        %swap3A_458 = tpu.vector_load %arg7[%swap3A_457] {strides = array<i32>} : memref<128xi32, #tpu.memory_space<vmem>>, vector<16xi32>,
        tpu.vector_store %arg7[%swap3A_457], %and3A_456 {strides = array<i32>} : memref<128xi32, #tpu.memory_space<vmem>>, vector<16xi32>,
        %shift_right_logical3A_459 = arith.constant 16 : i32
        %shift_right_logical3A_460 = vector.broadcast %shift_right_logical3A_459 : i32 to vector<16xi32>
        %shift_right_logical3A_461 = arith.shrui %get3A_453, %shift_right_logical3A_460 : vector<16xi32>
        %swap3A_462 = arith.constant 112 : index
        %swap3A_463 = tpu.vector_load %arg9[%swap3A_462] {strides = array<i32>} : memref<128xi32, #tpu.memory_space<vmem>>, vector<16xi32>,
        tpu.vector_store %arg9[%swap3A_462], %shift_right_logical3A_461 {strides = array<i32>} : memref<128xi32, #tpu.memory_space<vmem>>, vector<16xi32>,
        %mul3A_464 = arith.constant 80 : i32
        %mul3A_465 = arith.muli %add3A, %mul3A_464 : i32
        %add3A_466 = arith.addi %mul3A_465, %add3A_359 : i32
        %dma_start3A_467 = arith.constant 0 : i32
        %dma_start3A_468 = tpu.memref_slice %arg3[%add3A_466, %dma_start3A_467] : memref<2560x128xf32, #tpu.memory_space<hbm>> -> memref<1x128xf32, #tpu.memory_space<hbm>>
        %dma_start3A_469 = tpu.memref_squeeze %dma_start3A_468 : memref<1x128xf32, #tpu.memory_space<hbm>> -> memref<128xf32, #tpu.memory_space<hbm>>
        %dma_start3A_470 = arith.constant 0 : i32
        %dma_start3A_471 = tpu.memref_slice %arg3[%add3A_466, %dma_start3A_470] : memref<2560x128xf32, #tpu.memory_space<hbm>> -> memref<1x128xf32, #tpu.memory_space<hbm>>
        %dma_start3A_472 = tpu.memref_squeeze %dma_start3A_471 : memref<1x128xf32, #tpu.memory_space<hbm>> -> memref<128xf32, #tpu.memory_space<hbm>>
        tpu.enqueue_dma source(%dma_start3A_472 : memref<128xf32, #tpu.memory_space<hbm>>) target(%arg11 : memref<128xf32, #tpu.memory_space<vmem>>) target_semaphore(%arg20 : memref<!tpu.dma_semaphore, #tpu.memory_space<semaphore_mem>>)
        %dma_start3A_473 = arith.constant 0 : i32
        %dma_start3A_474 = arith.constant 0 : i32
        %dma_start3A_475 = tpu.memref_slice %arg4[%dma_start3A_473, %dma_start3A_474] : memref<10000x128xf32, #tpu.memory_space<hbm>> -> memref<10000x128xf32, #tpu.memory_space<hbm>>
        tpu.enqueue_indirect_dma source(%dma_start3A_475 : memref<10000x128xf32, #tpu.memory_space<hbm>>) target(%arg13 : memref<128x128xf32, #tpu.memory_space<vmem>>) offsets(%arg7 : memref<128xi32, #tpu.memory_space<vmem>>) semaphore(%arg16 : memref<!tpu.dma_semaphore, #tpu.memory_space<semaphore_mem>>)
      } else {
      }
    }
    %scan3A_146 = arith.constant 40 : i32
    %dma_wait3A = arith.constant 0 : i32
    %dma_wait3A_147 = arith.constant 0 : i32
    %dma_wait3A_148 = tpu.memref_slice %arg15[%dma_wait3A, %dma_wait3A_147] : memref<10000x128xf32, #tpu.memory_space<vmem_shared>> -> memref<10000x128xf32, #tpu.memory_space<vmem_shared>>
    tpu.wait_indirect_dma semaphore(%arg18 : memref<!tpu.dma_semaphore, #tpu.memory_space<semaphore_mem>>) src(%arg13 : memref<128x128xf32, #tpu.memory_space<vmem>>) dst(%dma_wait3A_148 : memref<10000x128xf32, #tpu.memory_space<vmem_shared>>)
    %dma_wait3A_149 = arith.constant 0 : i32
    %dma_wait3A_150 = arith.constant 0 : i32
    %dma_wait3A_151 = tpu.memref_slice %arg15[%dma_wait3A_149, %dma_wait3A_150] : memref<10000x128xf32, #tpu.memory_space<vmem_shared>> -> memref<10000x128xf32, #tpu.memory_space<vmem_shared>>
    tpu.wait_indirect_dma semaphore(%arg19 : memref<!tpu.dma_semaphore, #tpu.memory_space<semaphore_mem>>) src(%arg14 : memref<128x128xf32, #tpu.memory_space<vmem>>) dst(%dma_wait3A_151 : memref<10000x128xf32, #tpu.memory_space<vmem_shared>>)
    %barrier3A_152 = arith.constant 0 : index
    tpu.barrier barrier_id(%barrier3A_152)
    %sub3A_153 = arith.constant 78 : i32
    %sub3A_154 = arith.subi %sub3A_153, %arg1 : i32
    %sub3A_155 = arith.constant 16 : i32
    %sub3A_156 = arith.constant 1 : i32
    %sub3A_157 = arith.subi %sub3A_155, %sub3A_156 : i32
    %add3A_158 = arith.addi %sub3A_154, %sub3A_157 : i32
    %div3A_159 = arith.constant 16 : i32
    %div3A_160 = arith.divsi %add3A_158, %div3A_159 : i32
    %while3A_161 = arith.constant 16 : i32
    %while3A_162 = arith.constant 0 : i32
    %while3A_163 = arith.subi %div3A_160, %while3A_162 : i32
    %while3A_164 = arith.addi %while3A_162, %while3A_163 : i32
    %while3A_165 = arith.constant 1 : i32
    %while3A_166 = arith.divsi %while3A_163, %while3A_165 : i32
    %while3A_167 = arith.muli %while3A_166, %while3A_165 : i32
    %while3A_168 = arith.addi %while3A_162, %while3A_167 : i32
    %while3A_169 = arith.constant 1 : i32
    scf.for %while3A_176 = %while3A_162 to %while3A_168 step %while3A_169  : i32 {
      %mul3A_177 = arith.muli %while3A_176, %while3A_161 : i32
      %add3A_178 = arith.addi %arg1, %mul3A_177 : i32
      %mul3A_179 = arith.constant 128 : i32
      %mul3A_180 = arith.muli %add3A_178, %mul3A_179 : i32
      %mul3A_181 = arith.constant 128 : i32
      %mul3A_182 = arith.muli %add3A_178, %mul3A_181 : i32
      "tpu.region"() ({
        %run_scoped3A = tpu.sem_alloc : memref<!tpu.dma_semaphore, #tpu.memory_space<semaphore_mem>>
        %dma_start3A_183 = arith.constant 0 : i32
        %dma_start3A_184 = arith.constant 0 : i32
        %dma_start3A_185 = tpu.memref_slice %arg5[%arg0, %dma_start3A_183, %dma_start3A_184] : memref<2x10000x128xf32, #tpu.memory_space<hbm>> -> memref<1x10000x128xf32, #tpu.memory_space<hbm>>
        %dma_start3A_186 = tpu.memref_squeeze %dma_start3A_185 : memref<1x10000x128xf32, #tpu.memory_space<hbm>> -> memref<10000x128xf32, #tpu.memory_space<hbm>>
        %dma_start3A_187 = arith.constant 0 : i32
        %dma_start3A_188 = tpu.memref_slice %dma_start3A_186[%mul3A_182, %dma_start3A_187] : memref<10000x128xf32, #tpu.memory_space<hbm>> -> memref<128x128xf32, #tpu.memory_space<hbm>>
        %dma_start3A_189 = arith.constant 0 : i32
        %dma_start3A_190 = tpu.memref_slice %arg15[%mul3A_180, %dma_start3A_189] : memref<10000x128xf32, #tpu.memory_space<vmem_shared>> -> memref<128x128xf32, #tpu.memory_space<vmem_shared>>
        tpu.enqueue_dma source(%dma_start3A_190 : memref<128x128xf32, #tpu.memory_space<vmem_shared>>) target(%dma_start3A_188 : memref<128x128xf32, #tpu.memory_space<hbm>>) target_semaphore(%run_scoped3A : memref<!tpu.dma_semaphore, #tpu.memory_space<semaphore_mem>>)
        %dma_wait3A_191 = arith.constant 0 : i32
        %dma_wait3A_192 = arith.constant 0 : i32
        %dma_wait3A_193 = tpu.memref_slice %arg5[%arg0, %dma_wait3A_191, %dma_wait3A_192] : memref<2x10000x128xf32, #tpu.memory_space<hbm>> -> memref<1x10000x128xf32, #tpu.memory_space<hbm>>
        %dma_wait3A_194 = tpu.memref_squeeze %dma_wait3A_193 : memref<1x10000x128xf32, #tpu.memory_space<hbm>> -> memref<10000x128xf32, #tpu.memory_space<hbm>>
        %dma_wait3A_195 = arith.constant 0 : i32
        %dma_wait3A_196 = tpu.memref_slice %dma_wait3A_194[%mul3A_182, %dma_wait3A_195] : memref<10000x128xf32, #tpu.memory_space<hbm>> -> memref<128x128xf32, #tpu.memory_space<hbm>>
        %dma_wait3A_197 = arith.constant 0 : i32
        %dma_wait3A_198 = tpu.memref_slice %arg15[%mul3A_180, %dma_wait3A_197] : memref<10000x128xf32, #tpu.memory_space<vmem_shared>> -> memref<128x128xf32, #tpu.memory_space<vmem_shared>>
        tpu.wait_dma2 semaphore(%run_scoped3A : memref<!tpu.dma_semaphore, #tpu.memory_space<semaphore_mem>>) src(%dma_wait3A_198 : memref<128x128xf32, #tpu.memory_space<vmem_shared>>) dst(%dma_wait3A_196 : memref<128x128xf32, #tpu.memory_space<hbm>>)
        tpu.yield
      }) : () -> ()
    }
    %while3A_170 = arith.constant 1 : i32
    scf.for %while3A_176 = %while3A_168 to %while3A_164 step %while3A_170  : i32 {
      %mul3A_177 = arith.muli %while3A_176, %while3A_161 : i32
      %add3A_178 = arith.addi %arg1, %mul3A_177 : i32
      %mul3A_179 = arith.constant 128 : i32
      %mul3A_180 = arith.muli %add3A_178, %mul3A_179 : i32
      %mul3A_181 = arith.constant 128 : i32
      %mul3A_182 = arith.muli %add3A_178, %mul3A_181 : i32
      "tpu.region"() ({
        %run_scoped3A = tpu.sem_alloc : memref<!tpu.dma_semaphore, #tpu.memory_space<semaphore_mem>>
        %dma_start3A_183 = arith.constant 0 : i32
        %dma_start3A_184 = arith.constant 0 : i32
        %dma_start3A_185 = tpu.memref_slice %arg5[%arg0, %dma_start3A_183, %dma_start3A_184] : memref<2x10000x128xf32, #tpu.memory_space<hbm>> -> memref<1x10000x128xf32, #tpu.memory_space<hbm>>
        %dma_start3A_186 = tpu.memref_squeeze %dma_start3A_185 : memref<1x10000x128xf32, #tpu.memory_space<hbm>> -> memref<10000x128xf32, #tpu.memory_space<hbm>>
        %dma_start3A_187 = arith.constant 0 : i32
        %dma_start3A_188 = tpu.memref_slice %dma_start3A_186[%mul3A_182, %dma_start3A_187] : memref<10000x128xf32, #tpu.memory_space<hbm>> -> memref<128x128xf32, #tpu.memory_space<hbm>>
        %dma_start3A_189 = arith.constant 0 : i32
        %dma_start3A_190 = tpu.memref_slice %arg15[%mul3A_180, %dma_start3A_189] : memref<10000x128xf32, #tpu.memory_space<vmem_shared>> -> memref<128x128xf32, #tpu.memory_space<vmem_shared>>
        tpu.enqueue_dma source(%dma_start3A_190 : memref<128x128xf32, #tpu.memory_space<vmem_shared>>) target(%dma_start3A_188 : memref<128x128xf32, #tpu.memory_space<hbm>>) target_semaphore(%run_scoped3A : memref<!tpu.dma_semaphore, #tpu.memory_space<semaphore_mem>>)
        %dma_wait3A_191 = arith.constant 0 : i32
        %dma_wait3A_192 = arith.constant 0 : i32
        %dma_wait3A_193 = tpu.memref_slice %arg5[%arg0, %dma_wait3A_191, %dma_wait3A_192] : memref<2x10000x128xf32, #tpu.memory_space<hbm>> -> memref<1x10000x128xf32, #tpu.memory_space<hbm>>
        %dma_wait3A_194 = tpu.memref_squeeze %dma_wait3A_193 : memref<1x10000x128xf32, #tpu.memory_space<hbm>> -> memref<10000x128xf32, #tpu.memory_space<hbm>>
        %dma_wait3A_195 = arith.constant 0 : i32
        %dma_wait3A_196 = tpu.memref_slice %dma_wait3A_194[%mul3A_182, %dma_wait3A_195] : memref<10000x128xf32, #tpu.memory_space<hbm>> -> memref<128x128xf32, #tpu.memory_space<hbm>>
        %dma_wait3A_197 = arith.constant 0 : i32
        %dma_wait3A_198 = tpu.memref_slice %arg15[%mul3A_180, %dma_wait3A_197] : memref<10000x128xf32, #tpu.memory_space<vmem_shared>> -> memref<128x128xf32, #tpu.memory_space<vmem_shared>>
        tpu.wait_dma2 semaphore(%run_scoped3A : memref<!tpu.dma_semaphore, #tpu.memory_space<semaphore_mem>>) src(%dma_wait3A_198 : memref<128x128xf32, #tpu.memory_space<vmem_shared>>) dst(%dma_wait3A_196 : memref<128x128xf32, #tpu.memory_space<hbm>>)
        tpu.yield
      }) : () -> ()
    }
    %eq3A_171 = arith.constant 14 : i32
    %eq3A_172 = arith.cmpi eq, %arg1, %eq3A_171 : i32
    %convert_element_type3A_173 = arith.extui %eq3A_172 : i1 to i32
    %cond3A_174 = arith.constant 0 : i32
    %cond3A_175 = arith.cmpi ne, %convert_element_type3A_173, %cond3A_174 : i32
    scf.if %cond3A_175 {
      "tpu.region"() ({
        %run_scoped3A = tpu.sem_alloc : memref<!tpu.dma_semaphore, #tpu.memory_space<semaphore_mem>>
        %dma_start3A_176 = arith.constant 0 : i32
        %dma_start3A_177 = arith.constant 0 : i32
        %dma_start3A_178 = tpu.memref_slice %arg5[%arg0, %dma_start3A_176, %dma_start3A_177] : memref<2x10000x128xf32, #tpu.memory_space<hbm>> -> memref<1x10000x128xf32, #tpu.memory_space<hbm>>
        %dma_start3A_179 = tpu.memref_squeeze %dma_start3A_178 : memref<1x10000x128xf32, #tpu.memory_space<hbm>> -> memref<10000x128xf32, #tpu.memory_space<hbm>>
        %dma_start3A_180 = arith.constant 9984 : i32
        %dma_start3A_181 = arith.constant 0 : i32
        %dma_start3A_182 = tpu.memref_slice %dma_start3A_179[%dma_start3A_180, %dma_start3A_181] : memref<10000x128xf32, #tpu.memory_space<hbm>> -> memref<16x128xf32, #tpu.memory_space<hbm>>
        %dma_start3A_183 = arith.constant 9984 : i32
        %dma_start3A_184 = arith.constant 0 : i32
        %dma_start3A_185 = tpu.memref_slice %arg15[%dma_start3A_183, %dma_start3A_184] : memref<10000x128xf32, #tpu.memory_space<vmem_shared>> -> memref<16x128xf32, #tpu.memory_space<vmem_shared>>
        tpu.enqueue_dma source(%dma_start3A_185 : memref<16x128xf32, #tpu.memory_space<vmem_shared>>) target(%dma_start3A_182 : memref<16x128xf32, #tpu.memory_space<hbm>>) target_semaphore(%run_scoped3A : memref<!tpu.dma_semaphore, #tpu.memory_space<semaphore_mem>>)
        %dma_wait3A_186 = arith.constant 0 : i32
        %dma_wait3A_187 = arith.constant 0 : i32
        %dma_wait3A_188 = tpu.memref_slice %arg5[%arg0, %dma_wait3A_186, %dma_wait3A_187] : memref<2x10000x128xf32, #tpu.memory_space<hbm>> -> memref<1x10000x128xf32, #tpu.memory_space<hbm>>
        %dma_wait3A_189 = tpu.memref_squeeze %dma_wait3A_188 : memref<1x10000x128xf32, #tpu.memory_space<hbm>> -> memref<10000x128xf32, #tpu.memory_space<hbm>>
        %dma_wait3A_190 = arith.constant 9984 : i32
        %dma_wait3A_191 = arith.constant 0 : i32
        %dma_wait3A_192 = tpu.memref_slice %dma_wait3A_189[%dma_wait3A_190, %dma_wait3A_191] : memref<10000x128xf32, #tpu.memory_space<hbm>> -> memref<16x128xf32, #tpu.memory_space<hbm>>
        %dma_wait3A_193 = arith.constant 9984 : i32
        %dma_wait3A_194 = arith.constant 0 : i32
        %dma_wait3A_195 = tpu.memref_slice %arg15[%dma_wait3A_193, %dma_wait3A_194] : memref<10000x128xf32, #tpu.memory_space<vmem_shared>> -> memref<16x128xf32, #tpu.memory_space<vmem_shared>>
        tpu.wait_dma2 semaphore(%run_scoped3A : memref<!tpu.dma_semaphore, #tpu.memory_space<semaphore_mem>>) src(%dma_wait3A_195 : memref<16x128xf32, #tpu.memory_space<vmem_shared>>) dst(%dma_wait3A_192 : memref<16x128xf32, #tpu.memory_space<hbm>>)
        tpu.yield
      }) : () -> ()
    } else {
    }
    return
  }
}

module attributes {stable_mosaic.version = 14 : i64} {
  func.func @_combine_mm_body(%arg0: i32, %arg1: memref<2x1000x128xf32, #tpu.memory_space<vmem>>, %arg2: memref<128x128xf32, #tpu.memory_space<vmem>>, %arg3: memref<1000x128xf32, #tpu.memory_space<vmem>>) attributes {dimension_semantics = [#tpu.dimension_semantics<arbitrary>], iteration_bounds = array<i64: 10>, scalar_prefetch = 0 : i64, scratch_operands = 0 : i64, tpu.core_type = #tpu.core_type<tc>, window_params = [{transform_indices = @transform_0, window_bounds = array<i64: 2, 1000, 128>}, {pipeline_mode = #tpu.pipeline_mode<synchronous>, transform_indices = @transform_1, window_bounds = array<i64: 128, 128>}, {transform_indices = @transform_2, window_bounds = array<i64: 1000, 128>}]} {
    %get3A = arith.constant 0 : index
    %get3A_0 = arith.constant 0 : index
    %get3A_1 = arith.constant 0 : index
    %get3A_2 = vector.load %arg1[%get3A, %get3A_0, %get3A_1] : memref<2x1000x128xf32, #tpu.memory_space<vmem>>, vector<1x1000x128xf32>
    %get3A_3 = vector.shape_cast %get3A_2 : vector<1x1000x128xf32> to vector<1000x128xf32>
    %get3A_4 = arith.constant 1 : index
    %get3A_5 = arith.constant 0 : index
    %get3A_6 = arith.constant 0 : index
    %get3A_7 = vector.load %arg1[%get3A_4, %get3A_5, %get3A_6] : memref<2x1000x128xf32, #tpu.memory_space<vmem>>, vector<1x1000x128xf32>
    %get3A_8 = vector.shape_cast %get3A_7 : vector<1x1000x128xf32> to vector<1000x128xf32>
    %add3A = arith.addf %get3A_3, %get3A_8 : vector<1000x128xf32>
    %max3A = arith.constant 0.000000e+00 : f32
    %max3A_9 = vector.broadcast %max3A : f32 to vector<1000x128xf32>
    %max3A_10 = arith.maximumf %add3A, %max3A_9 : vector<1000x128xf32>
    %get3A_11 = arith.constant 0 : index
    %get3A_12 = arith.constant 0 : index
    %get3A_13 = vector.load %arg2[%get3A_11, %get3A_12] : memref<128x128xf32, #tpu.memory_space<vmem>>, vector<128x128xf32>
    %dot_general3A = arith.constant dense<0.000000e+00> : vector<1000x128xf32>
    %dot_general3A_14 = tpu.matmul %max3A_10, %get3A_13, %dot_general3A {dimension_numbers = #tpu.dot_dimension_numbers<[1], [0], [0], [1], [0, 0, 1, 1], [], []>, transpose_lhs_hint = false} : vector<1000x128xf32>, vector<128x128xf32>, vector<1000x128xf32> -> vector<1000x128xf32>
    %swap3A = arith.constant 0 : index
    %swap3A_15 = arith.constant 0 : index
    %swap3A_16 = vector.load %arg3[%swap3A, %swap3A_15] : memref<1000x128xf32, #tpu.memory_space<vmem>>, vector<1000x128xf32>
    tpu.vector_store %arg3[%swap3A, %swap3A_15], %dot_general3A_14 {strides = array<i32>} : memref<1000x128xf32, #tpu.memory_space<vmem>>, vector<1000x128xf32>,
    return
  }
  func.func @transform_0(%arg0: i32) -> (i32, i32, i32) {
    %c0_i32 = arith.constant 0 : i32
    %c0_i32_0 = arith.constant 0 : i32
    %c0_i32_1 = arith.constant 0 : i32
    return %c0_i32, %arg0, %c0_i32_0 : i32, i32, i32
  }
  func.func @transform_1(%arg0: i32) -> (i32, i32) {
    %c0_i32 = arith.constant 0 : i32
    %c0_i32_0 = arith.constant 0 : i32
    %c0_i32_1 = arith.constant 0 : i32
    return %c0_i32, %c0_i32_0 : i32, i32
  }
  func.func @transform_2(%arg0: i32) -> (i32, i32) {
    %c0_i32 = arith.constant 0 : i32
    %c0_i32_0 = arith.constant 0 : i32
    return %arg0, %c0_i32 : i32, i32
  }
}

module attributes {stable_mosaic.version = 14 : i64} {
  func.func @_mm_body(%arg0: i32, %arg1: memref<1000x128xf32, #tpu.memory_space<vmem>>, %arg2: memref<128x128xf32, #tpu.memory_space<vmem>>, %arg3: memref<1000x128xf32, #tpu.memory_space<vmem>>) attributes {dimension_semantics = [#tpu.dimension_semantics<arbitrary>], iteration_bounds = array<i64: 10>, scalar_prefetch = 0 : i64, scratch_operands = 0 : i64, tpu.core_type = #tpu.core_type<tc>, window_params = [{transform_indices = @transform_0, window_bounds = array<i64: 1000, 128>}, {pipeline_mode = #tpu.pipeline_mode<synchronous>, transform_indices = @transform_1, window_bounds = array<i64: 128, 128>}, {transform_indices = @transform_2, window_bounds = array<i64: 1000, 128>}]} {
    %get3A = arith.constant 0 : index
    %get3A_0 = arith.constant 0 : index
    %get3A_1 = vector.load %arg1[%get3A, %get3A_0] : memref<1000x128xf32, #tpu.memory_space<vmem>>, vector<1000x128xf32>
    %get3A_2 = arith.constant 0 : index
    %get3A_3 = arith.constant 0 : index
    %get3A_4 = vector.load %arg2[%get3A_2, %get3A_3] : memref<128x128xf32, #tpu.memory_space<vmem>>, vector<128x128xf32>
    %dot_general3A = arith.constant dense<0.000000e+00> : vector<1000x128xf32>
    %dot_general3A_5 = tpu.matmul %get3A_1, %get3A_4, %dot_general3A {dimension_numbers = #tpu.dot_dimension_numbers<[1], [0], [0], [1], [0, 0, 1, 1], [], []>, transpose_lhs_hint = false} : vector<1000x128xf32>, vector<128x128xf32>, vector<1000x128xf32> -> vector<1000x128xf32>
    %swap3A = arith.constant 0 : index
    %swap3A_6 = arith.constant 0 : index
    %swap3A_7 = vector.load %arg3[%swap3A, %swap3A_6] : memref<1000x128xf32, #tpu.memory_space<vmem>>, vector<1000x128xf32>
    tpu.vector_store %arg3[%swap3A, %swap3A_6], %dot_general3A_5 {strides = array<i32>} : memref<1000x128xf32, #tpu.memory_space<vmem>>, vector<1000x128xf32>,
    return
  }
  func.func @transform_0(%arg0: i32) -> (i32, i32) {
    %c0_i32 = arith.constant 0 : i32
    %c0_i32_0 = arith.constant 0 : i32
    return %arg0, %c0_i32 : i32, i32
  }
  func.func @transform_1(%arg0: i32) -> (i32, i32) {
    %c0_i32 = arith.constant 0 : i32
    %c0_i32_0 = arith.constant 0 : i32
    %c0_i32_1 = arith.constant 0 : i32
    return %c0_i32, %c0_i32_0 : i32, i32
  }
  func.func @transform_2(%arg0: i32) -> (i32, i32) {
    %c0_i32 = arith.constant 0 : i32
    %c0_i32_0 = arith.constant 0 : i32
    return %arg0, %c0_i32 : i32, i32
  }
}

module attributes {stable_mosaic.version = 14 : i64} {
  func.func @_combine_relu_body(%arg0: i32, %arg1: memref<2x1000x128xf32, #tpu.memory_space<vmem>>, %arg2: memref<1000x128xf32, #tpu.memory_space<vmem>>) attributes {dimension_semantics = [#tpu.dimension_semantics<arbitrary>], iteration_bounds = array<i64: 10>, scalar_prefetch = 0 : i64, scratch_operands = 0 : i64, tpu.core_type = #tpu.core_type<tc>, window_params = [{transform_indices = @transform_0, window_bounds = array<i64: 2, 1000, 128>}, {transform_indices = @transform_1, window_bounds = array<i64: 1000, 128>}]} {
    %get3A = arith.constant 0 : index
    %get3A_0 = arith.constant 0 : index
    %get3A_1 = arith.constant 0 : index
    %get3A_2 = vector.load %arg1[%get3A, %get3A_0, %get3A_1] : memref<2x1000x128xf32, #tpu.memory_space<vmem>>, vector<1x1000x128xf32>
    %get3A_3 = vector.shape_cast %get3A_2 : vector<1x1000x128xf32> to vector<1000x128xf32>
    %get3A_4 = arith.constant 1 : index
    %get3A_5 = arith.constant 0 : index
    %get3A_6 = arith.constant 0 : index
    %get3A_7 = vector.load %arg1[%get3A_4, %get3A_5, %get3A_6] : memref<2x1000x128xf32, #tpu.memory_space<vmem>>, vector<1x1000x128xf32>
    %get3A_8 = vector.shape_cast %get3A_7 : vector<1x1000x128xf32> to vector<1000x128xf32>
    %add3A = arith.addf %get3A_3, %get3A_8 : vector<1000x128xf32>
    %max3A = arith.constant 0.000000e+00 : f32
    %max3A_9 = vector.broadcast %max3A : f32 to vector<1000x128xf32>
    %max3A_10 = arith.maximumf %add3A, %max3A_9 : vector<1000x128xf32>
    %swap3A = arith.constant 0 : index
    %swap3A_11 = arith.constant 0 : index
    %swap3A_12 = vector.load %arg2[%swap3A, %swap3A_11] : memref<1000x128xf32, #tpu.memory_space<vmem>>, vector<1000x128xf32>
    tpu.vector_store %arg2[%swap3A, %swap3A_11], %max3A_10 {strides = array<i32>} : memref<1000x128xf32, #tpu.memory_space<vmem>>, vector<1000x128xf32>,
    return
  }
  func.func @transform_0(%arg0: i32) -> (i32, i32, i32) {
    %c0_i32 = arith.constant 0 : i32
    %c0_i32_0 = arith.constant 0 : i32
    %c0_i32_1 = arith.constant 0 : i32
    return %c0_i32, %arg0, %c0_i32_0 : i32, i32, i32
  }
  func.func @transform_1(%arg0: i32) -> (i32, i32) {
    %c0_i32 = arith.constant 0 : i32
    %c0_i32_0 = arith.constant 0 : i32
    return %arg0, %c0_i32 : i32, i32
  }
}

</mosaic_0001>

<sc_bundles>
// kernel: kernel.10.cloned.1.call-start
scs
__scs_entry_jumppad:
0x0: {  	(pc) =	sbr.rel $0x88, $3  }
0x1: {  	(tag) =	ssettag $0x0;
	lr =	simm.s32 $0x1  }
0x2: {  	[smem:$0x3F9C] =	sst lr;
	_ =	strace $0xD0000000  }
0x3: {  	_ = 	snop  }
0x4: {  	_ = 	snop  }
0x5: {  	_ = 	snop  }
0x6: {  	_ = 	snop  }
0x7: {  	_ = 	snop  }
__scs_overlays_trampoline_lowered:
0x8: {  	[smem:$0x3FAB] =	sst s0  }
0x9: {  	[smem:$0x3FAC] =	sst s1  }
0xa: {  	[smem:$0x3FAD] =	sst s2  }
0xb: {  	[smem:$0x3FAE] =	sst s3  }
0xc: {  	[smem:$0x3FAF] =	sst s4  }
0xd: {  	[smem:$0x3FB0] =	sst s5  }
0xe: {  	[smem:$0x3FB1] =	sst s6  }
0xf: {  	[smem:$0x3FB2] =	sst s7  }
0x10: {  	[smem:$0x3FB3] =	sst s8  }
0x11: {  	[smem:$0x3FB4] =	sst s9;
	s0 =	simm.s32 @!p0 $0x0  }
0x12: {  	s1 =	sld [smem:$0x3F9A];
	s0 =	simm.s32 @p0 $0x1  }
0x13: {  	[smem:$0x3FB5] =	sst s0;
	s0 =	simm.s32 @!p1 $0x0  }
0x14: {  	s2 =	sld [smem:$0x3F99];
	s0 =	simm.s32 @p1 $0x1  }
0x15: {  	[smem:$0x3FB6] =	sst s0;
	s0 =	simm.s32 @!p2 $0x0  }
0x16: {  	s3 =	sld [smem:$0x3FDB];
	s0 =	simm.s32 @p2 $0x1  }
0x17: {  	s4 =	simm.s32 $0x1BF5;
	[smem:$0x3FB8] =	sst s0  }
0x18: {  	s0 =	sld [smem:$0x3F9B];
	_ =	swait.ge [sflag:s4], $0x0  }
0x19: {  	s7 =	sld [smem:$0x3F9C]  }
0x1a: {  	s8 =	sadd.s32 $0xFFFFE003, lr  }
0x1b: {  	s9 =	sadd.s32 $0xFFFFFEF7, lr;
	s5 =	simm.s32 $0xFFFFFFFF;
	p2 =	slt.u32 s8, $0xFFFFF086  }
0x1c: {  	p1 =	slt.u32 s9, $0xF7A;
	s5 =	simm.s32 @!p2 $0x0  }
0x1d: {  	s5 =	simm.s32 @p1 $0x1;
	p0 =	seq.s32 s7, s2  }
0x1e: {  	s7 =	smul.u32 @!p0 $0xF7A, s2;
	p2 =	seq.s32 @!p0 s5, $0x0  }
0x1f: {  	s9 =	smul.u32 $0xF7A, s1;
	s8 =	simm.s32 @!p0 $0x1BF5;
	p2 =	por !p2, p0  }
0x20: {  	[sflag:s8] =	ssyncset.s32 @!p0 $0xFFFFF086;
	s6 =	sadd.s32 @!p0 s3, s7;
	s7 =	simm.s32 @!p0 $0x108  }
0x21: {  	s3 =	sadd.s32 s3, s9;
	s6 =	sadd.s32 @!p0 $0x88, s6;
	s7 =	simm.s32 @p2 $0x1082  }
0x22: {  	[simem:s7], [sflag:s8] =	dma.local @!p0 [hbm:s6], $0xF7A  }
0x23: {  	s9 =	sor.u32 $0xD0000000, s2;
	s6 =	simm.s32 $0x108;
	_ =	swait.ge @!p0 [sflag:s8], $0x0  }
0x24: {  	s3 =	sadd.s32 $0x88, s3;
	s6 =	simm.s32 @!p1 $0x1082;
	[sflag:s4] =	ssyncset.s32 $0xFFFFF086  }
0x25: {  	[simem:s6], [sflag:s4] =	dma.local [hbm:s3], $0xF7A  }
0x26: {  	[smem:$0x3F9C] =	sst s1;
	(tag) =	ssettag s2;
	_ =	strace s9  }
0x27: {  	s1 =	sld [smem:$0x3FAC]  }
0x28: {  	s2 =	sld [smem:$0x3FAD]  }
0x29: {  	s4 =	sld [smem:$0x3FAF]  }
0x2a: {  	p0 =	seq.s32 s5, $0x0;
	s5 =	sld [smem:$0x3FB0]  }
0x2b: {  	s6 =	sld [smem:$0x3FB1]  }
0x2c: {  	s7 =	sld [smem:$0x3FB2]  }
0x2d: {  	s3 =	simm.s32 $0x108;
	s8 =	sld [smem:$0x3FB3]  }
0x2e: {  	s3 =	simm.s32 @!p0 $0x1082;
	s9 =	sld [smem:$0x3FB4]  }
0x2f: {  	lr =	sadd.s32 s0, s3;
	s0 =	sld [smem:$0x3FAB]  }
0x30: {  	s3 =	sld [smem:$0x3FAE]  }
0x31: {  	[smem:$0x3FB7] =	sst s10  }
0x32: {  	s10 =	sld [smem:$0x3FB5];
	_ =	sdelay $0x3  }
0x33: {  	p0 =	seq.s32 s10, $0x1;
	s10 =	sld [smem:$0x3FB7];
	_ =	sdelay $0x3  }
0x34: {  	[smem:$0x3FB7] =	sst s10  }
0x35: {  	s10 =	sld [smem:$0x3FB6];
	_ =	sdelay $0x3  }
0x36: {  	p1 =	seq.s32 s10, $0x1;
	s10 =	sld [smem:$0x3FB7];
	_ =	sdelay $0x3  }
0x37: {  	[smem:$0x3FB7] =	sst s10  }
0x38: {  	s10 =	sld [smem:$0x3FB8]  }
0x39: {  	_ = 	snop;
	(pc) =	sbr.ind lr, $3  }
0x3a: {  	_ = 	snop  }
0x3b: {  	_ = 	snop  }
0x3c: {  	p2 =	seq.s32 s10, $0x1;
	s10 =	sld [smem:$0x3FB7]  }
0x3d: {  	_ =	shalt  }
0x3e: {  	_ =	shalt  }
0x3f: {  	_ =	shalt  }
0x40: {  	_ =	shalt  }
0x41: {  	_ =	shalt  }
0x42: {  	_ =	shalt  }
0x43: {  	_ =	shalt  }
0x44: {  	_ =	shalt  }
0x45: {  	_ =	shalt  }
0x46: {  	_ =	shalt  }
0x47: {  	_ =	shalt  }
0x48: {  	_ =	shalt  }
0x49: {  	_ =	shalt  }
0x4a: {  	_ =	shalt  }
0x4b: {  	_ =	shalt  }
0x4c: {  	_ =	shalt  }
0x4d: {  	_ =	shalt  }
0x4e: {  	_ =	shalt  }
0x4f: {  	_ =	shalt  }
0x50: {  	_ =	shalt  }
0x51: {  	_ =	shalt  }
0x52: {  	_ =	shalt  }
0x53: {  	_ =	shalt  }
0x54: {  	_ =	shalt  }
0x55: {  	_ =	shalt  }
0x56: {  	_ =	shalt  }
0x57: {  	_ =	shalt  }
0x58: {  	_ =	shalt  }
0x59: {  	_ =	shalt  }
0x5a: {  	_ =	shalt  }
0x5b: {  	_ =	shalt  }
0x5c: {  	_ =	shalt  }
0x5d: {  	_ =	shalt  }
0x5e: {  	_ =	shalt  }
0x5f: {  	_ =	shalt  }
0x60: {  	_ =	shalt  }
0x61: {  	_ =	shalt  }
0x62: {  	_ =	shalt  }
0x63: {  	_ =	shalt  }
0x64: {  	_ =	shalt  }
0x65: {  	_ =	shalt  }
0x66: {  	_ =	shalt  }
0x67: {  	_ =	shalt  }
0x68: {  	_ =	shalt  }
0x69: {  	_ =	shalt  }
0x6a: {  	_ =	shalt  }
0x6b: {  	_ =	shalt  }
0x6c: {  	_ =	shalt  }
0x6d: {  	_ =	shalt  }
0x6e: {  	_ =	shalt  }
0x6f: {  	_ =	shalt  }
0x70: {  	_ =	shalt  }
0x71: {  	_ =	shalt  }
0x72: {  	_ =	shalt  }
0x73: {  	_ =	shalt  }
0x74: {  	_ =	shalt  }
0x75: {  	_ =	shalt  }
0x76: {  	_ =	shalt  }
0x77: {  	_ =	shalt  }
0x78: {  	_ =	shalt  }
0x79: {  	_ =	shalt  }
0x7a: {  	_ =	shalt  }
0x7b: {  	_ =	shalt  }
0x7c: {  	_ =	shalt  }
0x7d: {  	_ =	shalt  }
0x7e: {  	_ =	shalt  }
0x7f: {  	_ =	shalt  }
0x80: {  	_ =	shalt  }
0x81: {  	_ =	shalt  }
0x82: {  	_ =	shalt  }
0x83: {  	_ =	shalt  }
0x84: {  	_ =	shalt  }
0x85: {  	_ =	shalt  }
0x86: {  	_ =	shalt  }
0x87: {  	_ =	shalt  }
.Lfunc_end0:
.L_simem_size_0:
called_computation.1_lowered:
.L_overlay_start_0:
0x88: {  	s2 =	sld [smem:$0x3FD9]  }
0x89: {  	s3 =	sld [smem:$0x3FFE];
	_ =	sdelay $0x1  }
0x8a: {  	s1 =	srdreg.scid  }
0x8b: {  	s0 =	sand.u32 $0x1, s1  }
0x8c: {  	s17 =	sshll.u32 s0, $0xA;
	s2 =	sadd.s32 s3, s2  }
0x8d: {  	s2 =	sadd.s32 s2, s17  }
0x8e: {  	[smem:$0x3FC3] =	sst s2  }
0x8f: {  	_ = 	snop  }
0x90: {  	s2 =	sld [smem:$0x3FD0];
	(tm) =	ssettm $0x1  }
0x91: {  	s18 =	sld [smem:$0x3FFB];
	_ =	sdelay $0x3  }
0x92: {  	_ =	strace s18  }
0x93: {  	s3 =	sld [smem:$0x3FFC];
	_ =	sdelay $0x3  }
0x94: {  	_ =	strace s3  }
0x95: {  	s3 =	sld [smem:$0x3FFD];
	_ =	sdelay $0x3  }
0x96: {  	_ =	strace s3  }
0x97: {  	_ =	strace $0x8FFFFFFF  }
0x98: {  	s19 =	sld [smem:$0x3FDB];
	_ =	sdelay $0x1  }
0x99: {  	s4 =	simm.s32 $_scs_section_size  }
0x9a: {  	s5 =	simm.s32 $_size__tile_overlayer_lowered;
	s6 =	simm.s32 $_tile_overlayer_lowered  }
0x9b: {  	s22 =	simm.s32 $0x1BFF;
	s21 =	sshll.u32 s6, $0x1;
	s3 =	sadd.s32 s4, s19  }
0x9c: {  	s7 =	simm.s32 $0x0;
	s20 =	sshll.u32 s5, $0x1;
	s5 =	sadd.s32 s21, s3  }
0x9d: {  	[timem:s7], [sflag:s22] =	dma.local [hbm:s5], s20  }
0x9e: {  	_ =	swait.ge [sflag:s22], s20  }
0x9f: {  	s4 =	ssub.s32 $0x0, s20;
	[sflag:s22] =	ssyncset.done $0x0  }
0xa0: {  	[sflag:s22] =	ssyncadd.s32 s4;
	_ =	sdelay $0x1  }
0xa1: {  	s23 =	simm.s32 $0x1B8B  }
0xa2: {  	_ =	swait.ge [sflag:s23], $0x1  }
0xa3: {  	[sflag:s23] =	ssyncset.done $0x0  }
0xa4: {  	s25 =	simm.s32 $0x1B8E;
	s24 =	sld [smem:$0x3FFE];
	[sflag:s23] =	ssyncadd.s32 $0xFFFFFFFF  }
0xa5: {  	s26 =	simm.s32 $execute0_lowered;
	[smem:$0x3FD2] =	sst s25  }
0xa6: {  	s5 =	sshll.u32 s26, $0x1;
	_ =	strace $0x80000049;
	[dreg:$0x1] =	wrdreg $0xFFFFFFFF  }
0xa7: {  	s28 =	simm.s32 $_size_execute0_lowered;
	s3 =	sadd.s32 s3, s5;
	[dreg:$0x0] =	wrdreg $0x0  }
0xa8: {  	s5 =	sshll.u32 s28, $0x1;
	[dreg:$0x2] =	wrdreg s3  }
0xa9: {  	[dreg:$0x3] =	wrdreg s5  }
0xaa: {  	[dreg:$0x4] =	wrdreg $0xC0  }
0xab: {  	_ =	task [dreg:s7], $0x5FFFF  }
0xac: {  	[dreg:$0x1] =	wrdreg $0xFFFFFFFF  }
0xad: {  	[dreg:$0x0] =	wrdreg $0x60  }
0xae: {  	[dreg:$0x2] =	wrdreg s24  }
0xaf: {  	[dreg:$0x3] =	wrdreg s2  }
0xb0: {  	[dreg:$0x4] =	wrdreg $0xAB000  }
0xb1: {  	[dreg:$0x5] =	wrdreg $0x9  }
0xb2: {  	_ =	task.clear_ibuf [dreg:s7], $0x6FFFF;
	_ =	strace $0x90000049  }
0xb3: {  	s29 =	simm.s32 $0x9;
	_ =	strace $0x8000004B  }
0xb4: {  	_ =	swait.ge [sflag:s29], $0x1  }
0xb5: {  	[sflag:s29] =	ssyncadd.s32 $0xFFFFFFFF  }
0xb6: {  	_ =	strace $0x9000004B  }
0xb7: {  	_ =	sfence  }
0xb8: {  	s30 =	sld [smem:$0x0];
	_ =	sdelay $0x2  }
0xb9: {  	s31 =	sshll.u32 s1, $0xD;
	s1 =	sshrl.u32 s1, $0x2  }
0xba: {  	s3 =	sand.u32 $0x4000, s31;
	s1 =	sadd.s32 s1, s30  }
0xbb: {  	s0 =	sor.u32 s3, s0;
	s1 =	sshll.u32 s1, $0x11  }
0xbc: {  	s0 =	sor.u32 s1, s0  }
0xbd: {  	s0 =	sadd.s32 $0x8F2B, s0  }
0xbe: {  	[sflag:s0] =	ssyncadd.remote.s32 $0x1  }
0xbf: {  	_ =	sfence.sel $0xFFFF  }
0xc0: {  	[dreg:$0x0] =	wrdreg $0xFFFFFFFF;
	(pc) =	sbr.abs _section_cstart, $3  }
0xc1: {  	[dreg:$0x1] =	wrdreg $0xFFFFFFFF  }
0xc2: {  	_ =	task.clear_ibuf [dreg:s7], $0x2FFFF;
	_ =	strace $0x9FFFFFFF  }
0xc3: {  	(tm) =	ssettm $0x7FFFFFFF  }
tec
execute0_lowered:
.L_overlay_start_1:
0x0: {  	(tag) =	ssettag $0x1  }
0x1: {  	s0 =	srdreg.scid;
	s1 =	rddreg [dreg:$0x0]  }
0x2: {  	s2 =	rddreg [dreg:$0x1];
	s12 =	stileid.u32  }
0x3: {  	s3 =	rddreg [dreg:$0x2];
	s14 =	simm.s32 $0x7;
	s15 =	simm.s32 $0x6B00  }
0x4: {  	s16 =	simm.s32 $0x2A00;
	s17 =	simm.s32 $0x80;
	s18 =	simm.s32 $0x2800  }
0x5: {  	s19 =	simm.s32 $0x2B00;
	s20 =	simm.s32 $0x2A80;
	s21 =	simm.s32 $0x2880  }
0x6: {  	s22 =	simm.s32 $0x5;
	s28 =	simm.s32 $0x2;
	s29 =	simm.s32 $0x2980  }
0x7: {  	s30 =	simm.s32 $0x3;
	s0 =	sand.u32 $0x1, s0;
	s5 =	sadd.s32 $0x1400, s1  }
0x8: {  	s24 =	ssub.s32 $0x5D, s12;
	s25 =	sshll.u32 s12, $0xE;
	s13 =	sadd.s32 $0x138000, s3  }
0x9: {  	s31 =	sshll.u32 s12, $0xB;
	p0 =	sne.s32 s12, $0xE;
	s4 =	sshll.u32 s0, $0x4  }
0xa: {  	s7 =	smul.u32 $0x27100, s0;
	s0 =	ssub.s32 $0x2, s0;
	s6 =	sor.u32 s12, s4  }
0xb: {  	s4 =	simm.s32 $0x0;
	s9 =	sshrl.u32 s0, $0x1;
	s11 =	smul.u32 $0x500, s6  }
0xc: {  	[smem:$0x7FF] =	sst s4;
	s0 =	ssub.s32 s0, s9;
	s9 =	sshrl.u32 s24, $0x4  }
0xd: {  	s10 =	smul.u32 $0x50, s6;
	_ =	strace $0x8000004A;
	[dreg:$0x5] =	wrdreg s9  }
0xe: {  	s24 =	simm.s32 $0x2900;
	s0 =	smax.u32 s0, $0x1;
	[dreg:$0x6] =	wrdreg s13  }
0xf: {  	s8 =	sadd.s32 s11, s1;
	s26 =	sadd.s32 s5, s11;
	[dreg:$0x9] =	wrdreg s0  }
0x10: {  	s1 =	sadd.s32 s7, s1;
	s23 =	sadd.s32 $0xB400, s8;
	[dreg:$0x7] =	wrdreg s26  }
0x11: {  	s8 =	sadd.s32 s25, s3;
	s1 =	sadd.s32 $0x15400, s1;
	[dreg:$0x4] =	wrdreg s23  }
0x12: {  	s26 =	simm.s32 $0x6;
	[dreg:$0x8] =	wrdreg s1;
	s0 =	sadd.s32 s1, s31  }
0x13: {  	v0 =	vimm.f32 $0.0e+00;
	s23 =	simm.s32 $0x1;
	s1 =	simm.s32 $0x0;
	[dreg:$0xa] =	wrdreg s0  }
.LBB2_1:
0x14: {  	s0 =	rddreg [dreg:$0x4]  }
0x15: {  	[tilespmem:s4], [sflag:$0x7] =	stream.linear.gather [hbm4b:s0+s4], $0x2800, $0x38;
	[tilespmem:$0x1E380] =	vst v63  }
0x16: {  	_ =	swait.ge [sflag:s14], $0x2800  }
0x17: {  	[sflag:s14] =	ssyncset.done $0x0  }
0x18: {  	s6 =	simm.s32 $0x200;
	s0 =	simm.s32 $0x0;
	[sflag:s14] =	ssyncadd.s32 $0xFFFFD800  }
.LBB2_2:
0x19: {  	p1 =	sne.s32 s6, $0xFE00;
	[tilespmem:s0+$0x6B70] =	vst v0  }
0x1a: {  	[tilespmem:s0+$0x6B00] =	vst v0  }
0x1b: {  	[tilespmem:s0+$0x6B10] =	vst v0  }
.Ltmp0:
0x1c: {  	[tilespmem:s0+$0x6B20] =	vst v0;
	(pc) =	sbr.rel @p1 .LBB2_2-.Ltmp0, $4  }
0x1d: {  	[tilespmem:s0+$0x6B30] =	vst v0  }
0x1e: {  	[tilespmem:s0+$0x6B40] =	vst v0  }
0x1f: {  	[tilespmem:s0+$0x6B50] =	vst v0  }
0x20: {  	[tilespmem:s0+$0x6B60] =	vst v0;
	s0 =	sshra.s32 s6, $0x2;
	s6 =	sadd.s32 $0x200, s6  }
0x21: {  	[tilespmem:s0+$0x6B70] =	vst v0  }
0x22: {  	[tilespmem:s0+$0x6B00] =	vst v0  }
0x23: {  	[tilespmem:s0+$0x6B10] =	vst v0  }
0x24: {  	[tilespmem:s0+$0x6B20] =	vst v0  }
0x25: {  	[tilespmem:s0+$0x6B30] =	vst v0  }
0x26: {  	[tilespmem:s0+$0x6B40] =	vst v0;
	p1 =	sne.s32 s9, $0x1  }
.Ltmp1:
0x27: {  	[tilespmem:s0+$0x6B50] =	vst v0;
	(pc) =	sbr.rel @!p1 .LBB2_5-.Ltmp1, $4  }
0x28: {  	[tilespmem:s0+$0x6B60] =	vst v0  }
0x29: {  	[spmem:s8] =	stream.linear.scatter [tilespmem:s15], [sflag:$0x7], $0x4000, $0x38;
	[tilespmem:$0x1E380] =	vst v63  }
0x2a: {  	_ =	swait.ge [sflag:s14], $0x4000  }
0x2b: {  	s0 =	sadd.s32 $0xFFFFFFFF, s9;
	s6 =	smov.u32 s8;
	[sflag:s14] =	ssyncset.done $0x0  }
.LBB2_4:
0x2c: {  	p2 =	sne.s32 s0, $0x1;
	[sflag:s14] =	ssyncadd.s32 $0xFFFFC000;
	s6 =	sadd.s32 $0x40000, s6  }
.Ltmp2:
0x2d: {  	s0 =	sadd.s32 $0xFFFFFFFF, s0;
	(pc) =	sbr.rel @p2 .LBB2_4-.Ltmp2, $4  }
0x2e: {  	_ = 	snop  }
0x2f: {  	[spmem:s6] =	stream.linear.scatter [tilespmem:s15], [sflag:$0x7], $0x4000, $0x38;
	[tilespmem:$0x1E380] =	vst v63  }
0x30: {  	_ =	swait.ge [sflag:s14], $0x4000  }
0x31: {  	[sflag:s14] =	ssyncset.done $0x0  }
.LBB2_5:
0x32: {  	[sflag:s14] =	ssyncadd.s32 $0xFFFFC000;
	s0 =	simm.s32 @!p0 $0x6B00  }
0x33: {  	[spmem:s13] =	stream.linear.scatter @!p0 [tilespmem:s0], [sflag:$0x7], $0x800, $0x38;
	[tilespmem:$0x1E380] =	vst v63  }
0x34: {  	s0 =	simm.s32 @!p0 $0x7  }
0x35: {  	_ =	swait.ge @!p0 [sflag:s0], $0x800  }
0x36: {  	[sflag:s0] =	ssyncset.done @!p0 $0x0  }
0x37: {  	[sflag:s0] =	ssyncadd.s32 @!p0 $0xFFFFF800  }
0x38: {  	[bflag:$0x0] =	sbarrier.arrive $0xFFFF  }
0x39: {  	v1 =	vld [tilespmem:$0x0];
	_ =	sdelay $0x1  }
0x3a: {  	v2 =	vld [tilespmem:$0x10];
	_ =	sdelay $0x1  }
0x3b: {  	v3 =	vld [tilespmem:$0x20]  }
0x3c: {  	v4 =	vand.u32 $0xFFFF, v1  }
0x3d: {  	v62 =	vld [tilespmem:$0x30];
	v1 =	vshrl.u32 v1, $0x10;
	[tilespmem:$0x2800] =	vst v4  }
0x3e: {  	[tilespmem:$0x2900] =	vst v1;
	v1 =	vand.u32 $0xFFFF, v2  }
0x3f: {  	[tilespmem:$0x2810] =	vst v1;
	v1 =	vshrl.u32 v2, $0x10;
	v2 =	vld [tilespmem:$0x40]  }
0x40: {  	[tilespmem:$0x2910] =	vst v1;
	v1 =	vand.u32 $0xFFFF, v3  }
0x41: {  	[tilespmem:$0x2820] =	vst v1;
	v1 =	vshrl.u32 v3, $0x10;
	v3 =	vld [tilespmem:$0x50]  }
0x42: {  	[tilespmem:$0x2920] =	vst v1;
	v1 =	vand.u32 $0xFFFF, v62  }
0x43: {  	v63 =	vld [tilespmem:$0x60];
	[tilespmem:$0x2830] =	vst v1;
	v1 =	vshrl.u32 v62, $0x10  }
0x44: {  	[tilespmem:$0x2930] =	vst v1;
	v1 =	vand.u32 $0xFFFF, v2  }
0x45: {  	[tilespmem:$0x2840] =	vst v1;
	v1 =	vshrl.u32 v2, $0x10;
	v2 =	vld [tilespmem:$0x70]  }
0x46: {  	[tilespmem:$0x2940] =	vst v1;
	v1 =	vand.u32 $0xFFFF, v3  }
0x47: {  	[tilespmem:$0x2850] =	vst v1;
	v1 =	vshrl.u32 v3, $0x10  }
0x48: {  	[tilespmem:$0x2950] =	vst v1;
	v1 =	vand.u32 $0xFFFF, v63  }
0x49: {  	[tilespmem:$0x2860] =	vst v1;
	v1 =	vshrl.u32 v63, $0x10  }
0x4a: {  	[tilespmem:$0x2960] =	vst v1;
	v1 =	vand.u32 $0xFFFF, v2  }
0x4b: {  	[tilespmem:$0x2870] =	vst v1;
	v1 =	vshrl.u32 v2, $0x10  }
0x4c: {  	s0 =	simm.s32 $0x0;
	s6 =	rddreg [dreg:$0x7];
	[tilespmem:$0x2970] =	vst v1  }
0x4d: {  	[tilespmem:s16], [sflag:$0x5] =	stream.linear.gather [hbm4b:s6+s0], $0x80, $0x38;
	[tilespmem:$0x1E380] =	vst v63  }
0x4e: {  	s6 =	simm.s32 $0x0  }
0x4f: {  	[tilespmem:s19], [sflag:$0x1] =	stream.indirect.gather [hbm4b:s2+s17], $0x80, s18, s17, $0xb8;
	[tilespmem:$0x1E380] =	vst v63  }
.LBB2_6:
0x50: {  	p2 =	seq.s32 s6, $0x0  }
0x51: {  	s11 =	sshll.u32 s6, $0x1;
	s12 =	simm.s32 @!p2 $0x4  }
0x52: {  	s13 =	sor.u32 $0x1, s11;
	_ =	swait.ge @!p2 [sflag:s12], $0x4000  }
0x53: {  	s31 =	sshll.u32 s13, $0x7;
	[sflag:s12] =	ssyncset.done @!p2 $0x0  }
0x54: {  	s7 =	sand.u32 $0x3FFFFF80, s31;
	[sflag:s12] =	ssyncadd.s32 @!p2 $0xFFFFC000  }
0x55: {  	v1 =	vld [tilespmem:s7+$0x0];
	_ =	sdelay $0x4  }
0x56: {  	v2 =	vand.u32 $0xFFFF, v1  }
0x57: {  	v1 =	vshrl.u32 v1, $0x10;
	[tilespmem:$0x2880] =	vst v2  }
0x58: {  	[tilespmem:$0x2980] =	vst v1  }
0x59: {  	v1 =	vld [tilespmem:s7+$0x10];
	_ =	sdelay $0x4  }
0x5a: {  	v2 =	vand.u32 $0xFFFF, v1  }
0x5b: {  	v1 =	vshrl.u32 v1, $0x10;
	[tilespmem:$0x2890] =	vst v2  }
0x5c: {  	[tilespmem:$0x2990] =	vst v1  }
0x5d: {  	v1 =	vld [tilespmem:s7+$0x20];
	_ =	sdelay $0x4  }
0x5e: {  	v2 =	vand.u32 $0xFFFF, v1  }
0x5f: {  	v1 =	vshrl.u32 v1, $0x10;
	[tilespmem:$0x28A0] =	vst v2  }
0x60: {  	[tilespmem:$0x29A0] =	vst v1  }
0x61: {  	v1 =	vld [tilespmem:s7+$0x30];
	_ =	sdelay $0x4  }
0x62: {  	v2 =	vand.u32 $0xFFFF, v1  }
0x63: {  	v1 =	vshrl.u32 v1, $0x10;
	[tilespmem:$0x28B0] =	vst v2  }
0x64: {  	[tilespmem:$0x29B0] =	vst v1  }
0x65: {  	v1 =	vld [tilespmem:s7+$0x40];
	_ =	sdelay $0x4  }
0x66: {  	v2 =	vand.u32 $0xFFFF, v1  }
0x67: {  	v1 =	vshrl.u32 v1, $0x10;
	[tilespmem:$0x28C0] =	vst v2  }
0x68: {  	[tilespmem:$0x29C0] =	vst v1  }
0x69: {  	v1 =	vld [tilespmem:s7+$0x50];
	_ =	sdelay $0x4  }
0x6a: {  	v2 =	vand.u32 $0xFFFF, v1  }
0x6b: {  	v1 =	vshrl.u32 v1, $0x10;
	[tilespmem:$0x28D0] =	vst v2  }
0x6c: {  	[tilespmem:$0x29D0] =	vst v1  }
0x6d: {  	v1 =	vld [tilespmem:s7+$0x60];
	_ =	sdelay $0x4  }
0x6e: {  	v2 =	vand.u32 $0xFFFF, v1  }
0x6f: {  	v1 =	vshrl.u32 v1, $0x10;
	[tilespmem:$0x28E0] =	vst v2  }
0x70: {  	[tilespmem:$0x29E0] =	vst v1  }
0x71: {  	v1 =	vld [tilespmem:s7+$0x70];
	_ =	sdelay $0x3  }
0x72: {  	s9 =	sadd.s32 s10, s11;
	s13 =	sshll.u32 s13, $0x4  }
0x73: {  	s13 =	sand.u32 $0x70, s13;
	s12 =	sshll.u32 s9, $0x4;
	v2 =	vand.u32 $0xFFFF, v1  }
0x74: {  	s13 =	sadd.s32 s5, s13;
	s12 =	sand.u32 $0xFFFFF80, s12;
	v1 =	vshrl.u32 v1, $0x10;
	[tilespmem:$0x28F0] =	vst v2  }
0x75: {  	s12 =	sadd.s32 s12, s13;
	[tilespmem:$0x29F0] =	vst v1  }
0x76: {  	[tilespmem:s20], [sflag:$0x6] =	stream.linear.gather [hbm4b:s12+s0], $0x80, $0x38;
	[tilespmem:$0x1E380] =	vst v63  }
0x77: {  	_ = 	snop  }
0x78: {  	[tilespmem:s15], [sflag:$0x2] =	stream.indirect.gather [hbm4b:s2+s17], $0x80, s21, s17, $0xb8;
	[tilespmem:$0x1E380] =	vst v63  }
0x79: {  	_ =	swait.ge [sflag:s22], $0x80  }
0x7a: {  	[sflag:s22] =	ssyncset.done $0x0  }
0x7b: {  	[sflag:s22] =	ssyncadd.s32 $0xFFFFFF80  }
0x7c: {  	_ =	swait.ge [sflag:s23], $0x4000  }
0x7d: {  	[sflag:s23] =	ssyncset.done $0x0  }
0x7e: {  	s13 =	simm.s32 $0x2C00;
	[sflag:s23] =	ssyncadd.s32 $0xFFFFC000  }
0x7f: {  	v3 =	vld [tilespmem:s13+$0xD0]  }
0x80: {  	v4 =	vld [tilespmem:s13+$0xFFFFFFE0]  }
0x81: {  	v5 =	vld [tilespmem:s13+$0xF0]  }
0x82: {  	v6 =	vld [tilespmem:s13+$0xFFFFFFF0]  }
0x83: {  	v7 =	vld [tilespmem:s13+$0x0]  }
0x84: {  	v8 =	vld [tilespmem:s13+$0x10]  }
0x85: {  	v9 =	vld [tilespmem:s13+$0x20]  }
0x86: {  	v10 =	vld [tilespmem:s13+$0x50]  }
0x87: {  	s25 =	simm.s32 $0x1;
	v11 =	vld [tilespmem:s13+$0x60]  }
0x88: {  	s31 =	simm.s32 $0x2;
	s9 =	simm.s32 $0x3;
	v1 =	vmov s25;
	v12 =	vld [tilespmem:s13+$0x70]  }
0x89: {  	v13 =	vmov s9;
	v2 =	vmov s31;
	v1 =	vand.u32 $0xFFFFFFFD, v1;
	v14 =	vld [tilespmem:s13+$0x90]  }
0x8a: {  	v15 =	vmov s0;
	v2 =	vand.u32 $0xFFFFFFFE, v2;
	v16 =	vbroadcast v1, $0x0;
	v17 =	vld [tilespmem:s13+$0xA0]  }
0x8b: {  	v1 =	vand.u32 $0xFFFFFFFC, v15;
	v2 =	vbroadcast v2, $0x0;
	v15 =	vld [tilespmem:s13+$0xB0]  }
0x8c: {  	v18 =	vbroadcast v1, $0x0;
	v19 =	vld [tilespmem:s13+$0xC0]  }
0x8d: {  	v20 =	vld [tilespmem:s13+$0x30]  }
0x8e: {  	v1 =	vld.idx.msk [tilespmem:v13+s16+$0x0], $0xffff  }
0x8f: {  	v13 =	vld [tilespmem:s13+$0xE0]  }
0x90: {  	v16 =	vld.idx.msk [tilespmem:v16+s16+$0x0], $0xffff  }
0x91: {  	v2 =	vld.idx.msk [tilespmem:v2+s16+$0x0], $0xffff  }
0x92: {  	v18 =	vld.idx.msk [tilespmem:v18+s16+$0x0], $0xffff  }
0x93: {  	v22 =	vld [tilespmem:s13+$0xFFFFFFC0];
	v3 =	vmul.f32 v3, v1  }
0x94: {  	v21 =	vld [tilespmem:s13+$0xFFFFFFD0];
	v13 =	vmul.f32 v13, v1  }
0x95: {  	v23 =	vld [tilespmem:s13+$0xFFFFFFB0];
	v14 =	vmul.f32 v14, v1;
	[tilespmem:s13+$0xD0] =	vst v3  }
0x96: {  	v24 =	vld [tilespmem:s13+$0xFFFFFFA0];
	v7 =	vmul.f32 v7, v2;
	[tilespmem:s13+$0xE0] =	vst v13  }
0x97: {  	v61 =	vld [tilespmem:s13+$0xFFFFFF50];
	v4 =	vmul.f32 v4, v16;
	[tilespmem:s13+$0x90] =	vst v14  }
0x98: {  	v63 =	vld [tilespmem:s13+$0xFFFFFF20];
	v22 =	vmul.f32 v22, v16;
	[tilespmem:s13+$0x0] =	vst v7  }
0x99: {  	v25 =	vld [tilespmem:s13+$0xFFFFFF40];
	v12 =	vmul.f32 v12, v2;
	[tilespmem:s13+$0xFFFFFFE0] =	vst v4  }
0x9a: {  	v62 =	vld [tilespmem:s13+$0xFFFFFF30];
	v23 =	vmul.f32 v23, v16;
	[tilespmem:s13+$0xFFFFFFC0] =	vst v22  }
0x9b: {  	v26 =	vld [tilespmem:s13+$0xFFFFFF10];
	v19 =	vmul.f32 v19, v1;
	v3 =	vmul.f32 v6, v16;
	[tilespmem:s13+$0x70] =	vst v12  }
0x9c: {  	v6 =	vmul.f32 v17, v1;
	v13 =	vld [tilespmem:s13+$0xFFFFFF90];
	v7 =	vmul.f32 v21, v16;
	[tilespmem:s13+$0xFFFFFFB0] =	vst v23  }
0x9d: {  	v14 =	vld [tilespmem:s13+$0xFFFFFF80];
	v12 =	vmul.f32 v63, v18;
	[tilespmem:s13+$0xFFFFFFF0] =	vst v3;
	v3 =	vmul.f32 v5, v1  }
0x9e: {  	v17 =	vld [tilespmem:s13+$0xFFFFFF70];
	[tilespmem:s13+$0xA0] =	vst v6;
	v5 =	vmul.f32 v8, v2;
	v8 =	vmul.f32 v9, v2  }
0x9f: {  	v27 =	vld [tilespmem:s13+$0xFFFFFF00];
	v9 =	vmul.f32 v10, v2;
	[tilespmem:s13+$0xFFFFFFD0] =	vst v7;
	v10 =	vmul.f32 v15, v1  }
0xa0: {  	v6 =	vld [tilespmem:s13+$0xFFFFFF60];
	v15 =	vmul.f32 v11, v2;
	v11 =	vmul.f32 v25, v18;
	[tilespmem:s13+$0xF0] =	vst v3  }
0xa1: {  	[tilespmem:s13+$0x10] =	vst v5;
	v3 =	vmul.f32 v20, v2;
	v5 =	vmul.f32 v24, v16  }
0xa2: {  	[tilespmem:s13+$0xB0] =	vst v10;
	v10 =	vmul.f32 v61, v18;
	v4 =	vmul.f32 v13, v16  }
0xa3: {  	[tilespmem:s13+$0x20] =	vst v8;
	v8 =	vmul.f32 v14, v16;
	v7 =	vmul.f32 v17, v18  }
0xa4: {  	[tilespmem:s13+$0xC0] =	vst v19;
	v16 =	vld [tilespmem:s13+$0x80];
	v13 =	vmul.f32 v62, v18;
	v14 =	vmul.f32 v26, v18  }
0xa5: {  	s31 =	simm.s32 $0x2E00;
	s12 =	simm.s32 $0x4;
	[tilespmem:s13+$0x50] =	vst v9;
	v17 =	vld [tilespmem:s13+$0x40];
	v9 =	vmul.f32 v6, v18;
	v6 =	vmul.f32 v27, v18  }
.LBB2_7:
0xa6: {  	s9 =	sadd.s32 $0x1, s12  }
0xa7: {  	v18 =	vmov s12;
	s25 =	sadd.s32 $0x2, s12;
	s7 =	sadd.s32 $0x3, s12;
	v19 =	vld [tilespmem:s31+$0xD0];
	[tilespmem:s13+$0x60] =	vst v15;
	v15 =	vmov s9  }
0xa8: {  	p2 =	sne.s32 s12, $0x7C;
	s12 =	sadd.s32 $0x4, s12;
	v20 =	vmov s25;
	v21 =	vmov s7;
	v22 =	vld [tilespmem:s31+$0xFFFFFFE0];
	[tilespmem:s13+$0xFFFFFFA0] =	vst v5  }
0xa9: {  	v5 =	vand.u32 $0xFFFFFFFC, v18;
	v15 =	vand.u32 $0xFFFFFFFD, v15;
	v18 =	vand.u32 $0xFFFFFFFE, v20;
	v20 =	vld [tilespmem:s31+$0xF0];
	[tilespmem:s13+$0xFFFFFF80] =	vst v8  }
0xaa: {  	v1 =	vmul.f32 v16, v1;
	v8 =	vbroadcast v15, $0x0;
	v15 =	vld [tilespmem:s31+$0xFFFFFFF0];
	[tilespmem:s13+$0xFFFFFF90] =	vst v4  }
0xab: {  	v4 =	vbroadcast v18, $0x0;
	v16 =	vld [tilespmem:s31+$0x0];
	v2 =	vmul.f32 v17, v2;
	[tilespmem:s13+$0xFFFFFF70] =	vst v7  }
0xac: {  	v7 =	vld [tilespmem:s31+$0x10];
	[tilespmem:s13+$0xFFFFFF60] =	vst v9  }
0xad: {  	v9 =	vld [tilespmem:s31+$0x20];
	[tilespmem:s13+$0xFFFFFF50] =	vst v10  }
0xae: {  	v10 =	vld [tilespmem:s31+$0x50];
	[tilespmem:s13+$0xFFFFFF40] =	vst v11  }
0xaf: {  	v11 =	vld [tilespmem:s31+$0x60];
	[tilespmem:s13+$0xFFFFFF30] =	vst v13  }
0xb0: {  	v13 =	vld [tilespmem:s31+$0x70];
	[tilespmem:s13+$0xFFFFFF20] =	vst v12  }
0xb1: {  	v12 =	vld [tilespmem:s31+$0x90];
	[tilespmem:s13+$0xFFFFFF10] =	vst v14  }
0xb2: {  	v14 =	vld [tilespmem:s31+$0xA0];
	[tilespmem:s13+$0x80] =	vst v1  }
0xb3: {  	v5 =	vbroadcast v5, $0x0;
	v17 =	vld [tilespmem:s31+$0xB0];
	[tilespmem:s13+$0x40] =	vst v2  }
0xb4: {  	v18 =	vld [tilespmem:s31+$0xC0];
	[tilespmem:s13+$0x30] =	vst v3  }
0xb5: {  	v3 =	vld [tilespmem:s31+$0x30];
	[tilespmem:s13+$0xFFFFFF00] =	vst v6;
	s13 =	smov.u32 s31  }
0xb6: {  	v1 =	vld.idx.msk [tilespmem:v21+s16+$0x0], $0xffff  }
0xb7: {  	v6 =	vld [tilespmem:s31+$0xE0]  }
0xb8: {  	v8 =	vld.idx.msk [tilespmem:v8+s16+$0x0], $0xffff  }
0xb9: {  	v2 =	vld.idx.msk [tilespmem:v4+s16+$0x0], $0xffff  }
0xba: {  	v21 =	vld.idx.msk [tilespmem:v5+s16+$0x0], $0xffff  }
0xbb: {  	v4 =	vld [tilespmem:s31+$0xFFFFFFD0]  }
0xbc: {  	v19 =	vmul.f32 v19, v1;
	v20 =	vmul.f32 v20, v1;
	v5 =	vld [tilespmem:s31+$0xFFFFFFC0]  }
0xbd: {  	v12 =	vmul.f32 v12, v1;
	v6 =	vmul.f32 v6, v1;
	v23 =	vld [tilespmem:s31+$0xFFFFFFB0]  }
0xbe: {  	v14 =	vmul.f32 v14, v1;
	v15 =	vmul.f32 v15, v8;
	v24 =	vld [tilespmem:s31+$0xFFFFFFA0];
	[tilespmem:s31+$0xD0] =	vst v19  }
0xbf: {  	v22 =	vmul.f32 v22, v8;
	v16 =	vmul.f32 v16, v2;
	v19 =	vld [tilespmem:s31+$0xFFFFFF90];
	[tilespmem:s31+$0xE0] =	vst v6  }
0xc0: {  	v7 =	vmul.f32 v7, v2;
	v6 =	vld [tilespmem:s31+$0xFFFFFF80];
	v25 =	vmul.f32 v4, v8;
	[tilespmem:s31+$0x90] =	vst v12  }
0xc1: {  	v27 =	vmul.f32 v9, v2;
	v12 =	vld [tilespmem:s31+$0xFFFFFF70];
	v26 =	vmul.f32 v5, v8;
	[tilespmem:s31+$0xFFFFFFF0] =	vst v15  }
0xc2: {  	v3 =	vmul.f32 v3, v2;
	v9 =	vld [tilespmem:s31+$0xFFFFFF60];
	v23 =	vmul.f32 v23, v8;
	[tilespmem:s31+$0xA0] =	vst v14  }
0xc3: {  	v14 =	vld [tilespmem:s31+$0xFFFFFF50];
	v5 =	vmul.f32 v24, v8;
	v24 =	vmul.f32 v10, v2;
	[tilespmem:s31+$0x0] =	vst v16  }
0xc4: {  	v15 =	vmul.f32 v11, v2;
	v16 =	vld [tilespmem:s31+$0xFFFFFF40];
	v4 =	vmul.f32 v19, v8;
	[tilespmem:s31+$0xF0] =	vst v20  }
0xc5: {  	v19 =	vld [tilespmem:s31+$0xFFFFFF30];
	v8 =	vmul.f32 v6, v8;
	v6 =	vmul.f32 v13, v2;
	[tilespmem:s31+$0x10] =	vst v7  }
0xc6: {  	v17 =	vmul.f32 v17, v1;
	v20 =	vld [tilespmem:s31+$0xFFFFFF20];
	v7 =	vmul.f32 v12, v21;
	[tilespmem:s31+$0xFFFFFFE0] =	vst v22  }
0xc7: {  	v18 =	vmul.f32 v18, v1;
	v22 =	vld [tilespmem:s31+$0xFFFFFF10];
	v9 =	vmul.f32 v9, v21;
	[tilespmem:s31+$0xFFFFFFD0] =	vst v25  }
0xc8: {  	v25 =	vld [tilespmem:s31+$0xFFFFFF00];
	v10 =	vmul.f32 v14, v21;
	[tilespmem:s31+$0x20] =	vst v27  }
0xc9: {  	v11 =	vmul.f32 v16, v21;
	[tilespmem:s31+$0xFFFFFFC0] =	vst v26  }
.Ltmp3:
0xca: {  	v13 =	vmul.f32 v19, v21;
	[tilespmem:s31+$0x50] =	vst v24;
	(pc) =	sbr.rel @p2 .LBB2_7-.Ltmp3, $4  }
0xcb: {  	v12 =	vmul.f32 v20, v21;
	[tilespmem:s31+$0xB0] =	vst v17  }
0xcc: {  	v14 =	vmul.f32 v22, v21;
	v16 =	vld [tilespmem:s31+$0x80];
	[tilespmem:s31+$0x70] =	vst v6  }
0xcd: {  	v6 =	vmul.f32 v25, v21;
	[tilespmem:s31+$0xFFFFFFB0] =	vst v23  }
0xce: {  	s31 =	sadd.s32 $0x200, s31;
	v17 =	vld [tilespmem:s13+$0x40];
	[tilespmem:s13+$0xC0] =	vst v18  }
0xcf: {  	[tilespmem:s13+$0x60] =	vst v15  }
0xd0: {  	[tilespmem:s13+$0xFFFFFFA0] =	vst v5  }
0xd1: {  	[tilespmem:s13+$0xFFFFFF80] =	vst v8  }
0xd2: {  	[tilespmem:s13+$0xFFFFFF90] =	vst v4  }
0xd3: {  	[tilespmem:s13+$0xFFFFFF70] =	vst v7  }
0xd4: {  	[tilespmem:s13+$0xFFFFFF60] =	vst v9  }
0xd5: {  	[tilespmem:s13+$0xFFFFFF50] =	vst v10  }
0xd6: {  	[tilespmem:s13+$0xFFFFFF40] =	vst v11  }
0xd7: {  	[tilespmem:s13+$0xFFFFFF30] =	vst v13  }
0xd8: {  	[tilespmem:s13+$0xFFFFFF20] =	vst v12  }
0xd9: {  	[tilespmem:s13+$0xFFFFFF10] =	vst v14  }
0xda: {  	[tilespmem:s13+$0x30] =	vst v3;
	v1 =	vmul.f32 v16, v1  }
0xdb: {  	[tilespmem:s13+$0xFFFFFF00] =	vst v6;
	v2 =	vmul.f32 v17, v2  }
0xdc: {  	[tilespmem:s13+$0x80] =	vst v1  }
0xdd: {  	[tilespmem:s13+$0x40] =	vst v2  }
0xde: {  	[spmem:s3] =	stream.indirect.scatter.add.f32 [tilespmem:s19], [sflag:$0x3], $0x80, s24, s17, $0xb8;
	[tilespmem:$0x1E380] =	vst v63  }
0xdf: {  	_ =	swait.ge [sflag:s26], $0x80  }
0xe0: {  	[sflag:s26] =	ssyncset.done $0x0  }
0xe1: {  	[sflag:s26] =	ssyncadd.s32 $0xFFFFFF80  }
0xe2: {  	_ =	swait.ge [sflag:s28], $0x4000  }
0xe3: {  	[sflag:s28] =	ssyncset.done $0x0  }
0xe4: {  	s13 =	simm.s32 $0x6C00;
	[sflag:s28] =	ssyncadd.s32 $0xFFFFC000  }
0xe5: {  	v3 =	vld [tilespmem:s13+$0xD0]  }
0xe6: {  	v4 =	vld [tilespmem:s13+$0xFFFFFFE0]  }
0xe7: {  	v5 =	vld [tilespmem:s13+$0xF0]  }
0xe8: {  	v6 =	vld [tilespmem:s13+$0xFFFFFFF0]  }
0xe9: {  	v7 =	vld [tilespmem:s13+$0x0]  }
0xea: {  	v8 =	vld [tilespmem:s13+$0x10]  }
0xeb: {  	v9 =	vld [tilespmem:s13+$0x20]  }
0xec: {  	v10 =	vld [tilespmem:s13+$0x50]  }
0xed: {  	s7 =	simm.s32 $0x1;
	v11 =	vld [tilespmem:s13+$0x60]  }
0xee: {  	s9 =	simm.s32 $0x2;
	s12 =	simm.s32 $0x3;
	v1 =	vmov s7;
	v12 =	vld [tilespmem:s13+$0x70]  }
0xef: {  	s25 =	simm.s32 $0x0;
	v13 =	vmov s12;
	v1 =	vand.u32 $0xFFFFFFFD, v1;
	v2 =	vmov s9;
	v14 =	vld [tilespmem:s13+$0x90]  }
0xf0: {  	v15 =	vmov s25;
	v16 =	vbroadcast v1, $0x0;
	v2 =	vand.u32 $0xFFFFFFFE, v2;
	v17 =	vld [tilespmem:s13+$0xA0]  }
0xf1: {  	v1 =	vand.u32 $0xFFFFFFFC, v15;
	v2 =	vbroadcast v2, $0x0;
	v15 =	vld [tilespmem:s13+$0xB0]  }
0xf2: {  	v18 =	vbroadcast v1, $0x0;
	v19 =	vld [tilespmem:s13+$0xC0]  }
0xf3: {  	v20 =	vld [tilespmem:s13+$0x30]  }
0xf4: {  	v1 =	vld.idx.msk [tilespmem:v13+s20+$0x0], $0xffff  }
0xf5: {  	v13 =	vld [tilespmem:s13+$0xE0]  }
0xf6: {  	v16 =	vld.idx.msk [tilespmem:v16+s20+$0x0], $0xffff  }
0xf7: {  	v2 =	vld.idx.msk [tilespmem:v2+s20+$0x0], $0xffff  }
0xf8: {  	v18 =	vld.idx.msk [tilespmem:v18+s20+$0x0], $0xffff  }
0xf9: {  	v22 =	vld [tilespmem:s13+$0xFFFFFFC0];
	v3 =	vmul.f32 v3, v1  }
0xfa: {  	v21 =	vld [tilespmem:s13+$0xFFFFFFD0];
	v13 =	vmul.f32 v13, v1  }
0xfb: {  	v23 =	vld [tilespmem:s13+$0xFFFFFFB0];
	v14 =	vmul.f32 v14, v1;
	[tilespmem:s13+$0xD0] =	vst v3  }
0xfc: {  	v24 =	vld [tilespmem:s13+$0xFFFFFFA0];
	v7 =	vmul.f32 v7, v2;
	[tilespmem:s13+$0xE0] =	vst v13  }
0xfd: {  	v61 =	vld [tilespmem:s13+$0xFFFFFF50];
	v4 =	vmul.f32 v4, v16;
	[tilespmem:s13+$0x90] =	vst v14  }
0xfe: {  	v63 =	vld [tilespmem:s13+$0xFFFFFF20];
	v22 =	vmul.f32 v22, v16;
	[tilespmem:s13+$0x0] =	vst v7  }
0xff: {  	v25 =	vld [tilespmem:s13+$0xFFFFFF40];
	v12 =	vmul.f32 v12, v2;
	[tilespmem:s13+$0xFFFFFFE0] =	vst v4  }
0x100: {  	v62 =	vld [tilespmem:s13+$0xFFFFFF30];
	v23 =	vmul.f32 v23, v16;
	[tilespmem:s13+$0xFFFFFFC0] =	vst v22  }
0x101: {  	v26 =	vld [tilespmem:s13+$0xFFFFFF10];
	v19 =	vmul.f32 v19, v1;
	v3 =	vmul.f32 v6, v16;
	[tilespmem:s13+$0x70] =	vst v12  }
0x102: {  	v6 =	vmul.f32 v17, v1;
	v13 =	vld [tilespmem:s13+$0xFFFFFF90];
	v7 =	vmul.f32 v21, v16;
	[tilespmem:s13+$0xFFFFFFB0] =	vst v23  }
0x103: {  	v14 =	vld [tilespmem:s13+$0xFFFFFF80];
	v12 =	vmul.f32 v63, v18;
	[tilespmem:s13+$0xFFFFFFF0] =	vst v3;
	v3 =	vmul.f32 v5, v1  }
0x104: {  	v17 =	vld [tilespmem:s13+$0xFFFFFF70];
	[tilespmem:s13+$0xA0] =	vst v6;
	v5 =	vmul.f32 v8, v2;
	v8 =	vmul.f32 v9, v2  }
0x105: {  	v27 =	vld [tilespmem:s13+$0xFFFFFF00];
	v9 =	vmul.f32 v10, v2;
	[tilespmem:s13+$0xFFFFFFD0] =	vst v7;
	v10 =	vmul.f32 v15, v1  }
0x106: {  	v6 =	vld [tilespmem:s13+$0xFFFFFF60];
	v15 =	vmul.f32 v11, v2;
	v11 =	vmul.f32 v25, v18;
	[tilespmem:s13+$0xF0] =	vst v3  }
0x107: {  	[tilespmem:s13+$0x10] =	vst v5;
	v3 =	vmul.f32 v20, v2;
	v5 =	vmul.f32 v24, v16  }
0x108: {  	[tilespmem:s13+$0xB0] =	vst v10;
	v10 =	vmul.f32 v61, v18;
	v4 =	vmul.f32 v13, v16  }
0x109: {  	[tilespmem:s13+$0x20] =	vst v8;
	v8 =	vmul.f32 v14, v16;
	v7 =	vmul.f32 v17, v18  }
0x10a: {  	[tilespmem:s13+$0xC0] =	vst v19;
	v16 =	vld [tilespmem:s13+$0x80];
	v13 =	vmul.f32 v62, v18;
	v14 =	vmul.f32 v26, v18  }
0x10b: {  	s31 =	simm.s32 $0x6E00;
	s12 =	simm.s32 $0x4;
	[tilespmem:s13+$0x50] =	vst v9;
	v17 =	vld [tilespmem:s13+$0x40];
	v9 =	vmul.f32 v6, v18;
	v6 =	vmul.f32 v27, v18  }
.LBB2_9:
0x10c: {  	s7 =	sadd.s32 $0x1, s12  }
0x10d: {  	v18 =	vmov s12;
	s9 =	sadd.s32 $0x2, s12;
	s25 =	sadd.s32 $0x3, s12;
	v19 =	vld [tilespmem:s31+$0xD0];
	[tilespmem:s13+$0x60] =	vst v15;
	v15 =	vmov s7  }
0x10e: {  	p2 =	sne.s32 s12, $0x7C;
	s12 =	sadd.s32 $0x4, s12;
	v20 =	vmov s9;
	v21 =	vmov s25;
	v22 =	vld [tilespmem:s31+$0xFFFFFFE0];
	[tilespmem:s13+$0xFFFFFFA0] =	vst v5  }
0x10f: {  	v5 =	vand.u32 $0xFFFFFFFC, v18;
	v15 =	vand.u32 $0xFFFFFFFD, v15;
	v18 =	vand.u32 $0xFFFFFFFE, v20;
	v20 =	vld [tilespmem:s31+$0xF0];
	[tilespmem:s13+$0xFFFFFF80] =	vst v8  }
0x110: {  	v1 =	vmul.f32 v16, v1;
	v8 =	vbroadcast v15, $0x0;
	v15 =	vld [tilespmem:s31+$0xFFFFFFF0];
	[tilespmem:s13+$0xFFFFFF90] =	vst v4  }
0x111: {  	v4 =	vbroadcast v18, $0x0;
	v16 =	vld [tilespmem:s31+$0x0];
	v2 =	vmul.f32 v17, v2;
	[tilespmem:s13+$0xFFFFFF70] =	vst v7  }
0x112: {  	v7 =	vld [tilespmem:s31+$0x10];
	[tilespmem:s13+$0xFFFFFF60] =	vst v9  }
0x113: {  	v9 =	vld [tilespmem:s31+$0x20];
	[tilespmem:s13+$0xFFFFFF50] =	vst v10  }
0x114: {  	v10 =	vld [tilespmem:s31+$0x50];
	[tilespmem:s13+$0xFFFFFF40] =	vst v11  }
0x115: {  	v11 =	vld [tilespmem:s31+$0x60];
	[tilespmem:s13+$0xFFFFFF30] =	vst v13  }
0x116: {  	v13 =	vld [tilespmem:s31+$0x70];
	[tilespmem:s13+$0xFFFFFF20] =	vst v12  }
0x117: {  	v12 =	vld [tilespmem:s31+$0x90];
	[tilespmem:s13+$0xFFFFFF10] =	vst v14  }
0x118: {  	v14 =	vld [tilespmem:s31+$0xA0];
	[tilespmem:s13+$0x80] =	vst v1  }
0x119: {  	v5 =	vbroadcast v5, $0x0;
	v17 =	vld [tilespmem:s31+$0xB0];
	[tilespmem:s13+$0x40] =	vst v2  }
0x11a: {  	v18 =	vld [tilespmem:s31+$0xC0];
	[tilespmem:s13+$0x30] =	vst v3  }
0x11b: {  	v3 =	vld [tilespmem:s31+$0x30];
	[tilespmem:s13+$0xFFFFFF00] =	vst v6;
	s13 =	smov.u32 s31  }
0x11c: {  	v1 =	vld.idx.msk [tilespmem:v21+s20+$0x0], $0xffff  }
0x11d: {  	v6 =	vld [tilespmem:s31+$0xE0]  }
0x11e: {  	v8 =	vld.idx.msk [tilespmem:v8+s20+$0x0], $0xffff  }
0x11f: {  	v2 =	vld.idx.msk [tilespmem:v4+s20+$0x0], $0xffff  }
0x120: {  	v21 =	vld.idx.msk [tilespmem:v5+s20+$0x0], $0xffff  }
0x121: {  	v4 =	vld [tilespmem:s31+$0xFFFFFFD0]  }
0x122: {  	v19 =	vmul.f32 v19, v1;
	v20 =	vmul.f32 v20, v1;
	v5 =	vld [tilespmem:s31+$0xFFFFFFC0]  }
0x123: {  	v12 =	vmul.f32 v12, v1;
	v6 =	vmul.f32 v6, v1;
	v23 =	vld [tilespmem:s31+$0xFFFFFFB0]  }
0x124: {  	v14 =	vmul.f32 v14, v1;
	v15 =	vmul.f32 v15, v8;
	v24 =	vld [tilespmem:s31+$0xFFFFFFA0];
	[tilespmem:s31+$0xD0] =	vst v19  }
0x125: {  	v22 =	vmul.f32 v22, v8;
	v16 =	vmul.f32 v16, v2;
	v19 =	vld [tilespmem:s31+$0xFFFFFF90];
	[tilespmem:s31+$0xE0] =	vst v6  }
0x126: {  	v7 =	vmul.f32 v7, v2;
	v6 =	vld [tilespmem:s31+$0xFFFFFF80];
	v25 =	vmul.f32 v4, v8;
	[tilespmem:s31+$0x90] =	vst v12  }
0x127: {  	v27 =	vmul.f32 v9, v2;
	v12 =	vld [tilespmem:s31+$0xFFFFFF70];
	v26 =	vmul.f32 v5, v8;
	[tilespmem:s31+$0xFFFFFFF0] =	vst v15  }
0x128: {  	v3 =	vmul.f32 v3, v2;
	v9 =	vld [tilespmem:s31+$0xFFFFFF60];
	v23 =	vmul.f32 v23, v8;
	[tilespmem:s31+$0xA0] =	vst v14  }
0x129: {  	v14 =	vld [tilespmem:s31+$0xFFFFFF50];
	v5 =	vmul.f32 v24, v8;
	v24 =	vmul.f32 v10, v2;
	[tilespmem:s31+$0x0] =	vst v16  }
0x12a: {  	v15 =	vmul.f32 v11, v2;
	v16 =	vld [tilespmem:s31+$0xFFFFFF40];
	v4 =	vmul.f32 v19, v8;
	[tilespmem:s31+$0xF0] =	vst v20  }
0x12b: {  	v19 =	vld [tilespmem:s31+$0xFFFFFF30];
	v8 =	vmul.f32 v6, v8;
	v6 =	vmul.f32 v13, v2;
	[tilespmem:s31+$0x10] =	vst v7  }
0x12c: {  	v17 =	vmul.f32 v17, v1;
	v20 =	vld [tilespmem:s31+$0xFFFFFF20];
	v7 =	vmul.f32 v12, v21;
	[tilespmem:s31+$0xFFFFFFE0] =	vst v22  }
0x12d: {  	v18 =	vmul.f32 v18, v1;
	v22 =	vld [tilespmem:s31+$0xFFFFFF10];
	v9 =	vmul.f32 v9, v21;
	[tilespmem:s31+$0xFFFFFFD0] =	vst v25  }
0x12e: {  	v25 =	vld [tilespmem:s31+$0xFFFFFF00];
	v10 =	vmul.f32 v14, v21;
	[tilespmem:s31+$0x20] =	vst v27  }
0x12f: {  	v11 =	vmul.f32 v16, v21;
	[tilespmem:s31+$0xFFFFFFC0] =	vst v26  }
.Ltmp4:
0x130: {  	v13 =	vmul.f32 v19, v21;
	[tilespmem:s31+$0x50] =	vst v24;
	(pc) =	sbr.rel @p2 .LBB2_9-.Ltmp4, $4  }
0x131: {  	v12 =	vmul.f32 v20, v21;
	[tilespmem:s31+$0xB0] =	vst v17  }
0x132: {  	v14 =	vmul.f32 v22, v21;
	v16 =	vld [tilespmem:s31+$0x80];
	[tilespmem:s31+$0x70] =	vst v6  }
0x133: {  	v6 =	vmul.f32 v25, v21;
	[tilespmem:s31+$0xFFFFFFB0] =	vst v23  }
0x134: {  	s31 =	sadd.s32 $0x200, s31;
	v17 =	vld [tilespmem:s13+$0x40];
	[tilespmem:s13+$0xC0] =	vst v18  }
0x135: {  	[tilespmem:s13+$0x60] =	vst v15  }
0x136: {  	[tilespmem:s13+$0xFFFFFFA0] =	vst v5  }
0x137: {  	[tilespmem:s13+$0xFFFFFF80] =	vst v8  }
0x138: {  	[tilespmem:s13+$0xFFFFFF90] =	vst v4  }
0x139: {  	[tilespmem:s13+$0xFFFFFF70] =	vst v7  }
0x13a: {  	[tilespmem:s13+$0xFFFFFF60] =	vst v9  }
0x13b: {  	[tilespmem:s13+$0xFFFFFF50] =	vst v10  }
0x13c: {  	[tilespmem:s13+$0xFFFFFF40] =	vst v11  }
0x13d: {  	[tilespmem:s13+$0xFFFFFF30] =	vst v13  }
0x13e: {  	[tilespmem:s13+$0xFFFFFF20] =	vst v12  }
0x13f: {  	[tilespmem:s13+$0xFFFFFF10] =	vst v14  }
0x140: {  	[tilespmem:s13+$0x30] =	vst v3;
	v1 =	vmul.f32 v16, v1  }
0x141: {  	[tilespmem:s13+$0xFFFFFF00] =	vst v6;
	v2 =	vmul.f32 v17, v2  }
0x142: {  	p2 =	seq.s32 s6, $0x27;
	[tilespmem:s13+$0x80] =	vst v1  }
.Ltmp5:
0x143: {  	[tilespmem:s13+$0x40] =	vst v2;
	(pc) =	sbr.rel @p2 .LBB2_12-.Ltmp5, $4  }
0x144: {  	[spmem:s3] =	stream.indirect.scatter.add.f32 [tilespmem:s15], [sflag:$0x4], $0x80, s29, s17, $0xb8;
	[tilespmem:$0x1E380] =	vst v63  }
0x145: {  	_ =	swait.ge [sflag:s30], $0x4000  }
0x146: {  	[sflag:s30] =	ssyncset.done $0x0  }
0x147: {  	[sflag:s30] =	ssyncadd.s32 $0xFFFFC000  }
0x148: {  	s7 =	sadd.s32 $0x2, s11  }
0x149: {  	s9 =	sshll.u32 s7, $0x7  }
0x14a: {  	s9 =	sand.u32 $0x3FFFFF80, s9  }
0x14b: {  	v1 =	vld [tilespmem:s9+$0x0];
	_ =	sdelay $0x4  }
0x14c: {  	v2 =	vand.u32 $0xFFFF, v1  }
0x14d: {  	v1 =	vshrl.u32 v1, $0x10;
	[tilespmem:$0x2800] =	vst v2  }
0x14e: {  	[tilespmem:$0x2900] =	vst v1  }
0x14f: {  	v1 =	vld [tilespmem:s9+$0x10];
	_ =	sdelay $0x4  }
0x150: {  	v2 =	vand.u32 $0xFFFF, v1  }
0x151: {  	v1 =	vshrl.u32 v1, $0x10;
	[tilespmem:$0x2810] =	vst v2  }
0x152: {  	[tilespmem:$0x2910] =	vst v1  }
0x153: {  	v1 =	vld [tilespmem:s9+$0x20];
	_ =	sdelay $0x4  }
0x154: {  	v2 =	vand.u32 $0xFFFF, v1  }
0x155: {  	v1 =	vshrl.u32 v1, $0x10;
	[tilespmem:$0x2820] =	vst v2  }
0x156: {  	[tilespmem:$0x2920] =	vst v1  }
0x157: {  	v1 =	vld [tilespmem:s9+$0x30];
	_ =	sdelay $0x4  }
0x158: {  	v2 =	vand.u32 $0xFFFF, v1  }
0x159: {  	v1 =	vshrl.u32 v1, $0x10;
	[tilespmem:$0x2830] =	vst v2  }
0x15a: {  	[tilespmem:$0x2930] =	vst v1  }
0x15b: {  	v1 =	vld [tilespmem:s9+$0x40];
	_ =	sdelay $0x4  }
0x15c: {  	v2 =	vand.u32 $0xFFFF, v1  }
0x15d: {  	v1 =	vshrl.u32 v1, $0x10;
	[tilespmem:$0x2840] =	vst v2  }
0x15e: {  	[tilespmem:$0x2940] =	vst v1  }
0x15f: {  	v1 =	vld [tilespmem:s9+$0x50];
	_ =	sdelay $0x4  }
0x160: {  	v2 =	vand.u32 $0xFFFF, v1  }
0x161: {  	v1 =	vshrl.u32 v1, $0x10;
	[tilespmem:$0x2850] =	vst v2  }
0x162: {  	[tilespmem:$0x2950] =	vst v1  }
0x163: {  	v1 =	vld [tilespmem:s9+$0x60];
	_ =	sdelay $0x4  }
0x164: {  	v2 =	vand.u32 $0xFFFF, v1  }
0x165: {  	v1 =	vshrl.u32 v1, $0x10;
	[tilespmem:$0x2860] =	vst v2  }
0x166: {  	[tilespmem:$0x2960] =	vst v1  }
0x167: {  	v1 =	vld [tilespmem:s9+$0x70];
	_ =	sdelay $0x3  }
0x168: {  	s31 =	sadd.s32 s10, s7;
	s7 =	sshll.u32 s7, $0x4  }
0x169: {  	s7 =	sand.u32 $0x60, s7;
	s9 =	sshll.u32 s31, $0x4;
	v2 =	vand.u32 $0xFFFF, v1  }
.Ltmp6:
0x16a: {  	s7 =	sadd.s32 s5, s7;
	s9 =	sand.u32 $0xFFFFF80, s9;
	v1 =	vshrl.u32 v1, $0x10;
	[tilespmem:$0x2870] =	vst v2;
	(pc) =	sbr.rel .LBB2_6-.Ltmp6, $4  }
0x16b: {  	s7 =	sadd.s32 s9, s7;
	[tilespmem:$0x2970] =	vst v1  }
0x16c: {  	[tilespmem:s16], [sflag:$0x5] =	stream.linear.gather [hbm4b:s7+s4], $0x80, $0x38;
	[tilespmem:$0x1E380] =	vst v63  }
0x16d: {  	s6 =	sadd.s32 $0x1, s6  }
0x16e: {  	[tilespmem:s19], [sflag:$0x1] =	stream.indirect.gather [hbm4b:s2+s17], $0x80, s18, s17, $0xb8;
	[tilespmem:$0x1E380] =	vst v63  }
.LBB2_12:
0x16f: {  	s0 =	simm.s32 $0x4  }
0x170: {  	_ =	swait.ge [sflag:s0], $0x4000  }
0x171: {  	[sflag:s0] =	ssyncset.done $0x0  }
0x172: {  	s31 =	stileid.u32;
	[sflag:s0] =	ssyncadd.s32 $0xFFFFC000  }
.Ltmp7:
0x173: {  	s0 =	sshll.u32 s31, $0x6;
	[bflag:$0x0] =	sbarrier.arrive $0xFFFF;
	(pc) =	sbr.rel @!p1 .LBB2_14-.Ltmp7, $4  }
0x174: {  	s6 =	sshrl.u32 s8, $0x3;
	s0 =	sor.u32 $0x1C07, s0;
	s7 =	rddreg [dreg:$0xa]  }
0x175: {  	[hbm:s7], [sflag:s0] =	dma.local [spmem:s6], $0x800  }
0x176: {  	s12 =	smov.u32 s8;
	s9 =	rddreg [dreg:$0x5]  }
0x177: {  	s11 =	sadd.s32 $0x8000, s7;
	_ =	swait.ge [sflag:s14], $0x800;
	s6 =	sadd.s32 $0xFFFFFFFF, s9  }
.LBB2_13:
0x178: {  	[sflag:s14] =	ssyncset.done $0x0;
	s12 =	sadd.s32 $0x40000, s12;
	p1 =	sne.s32 s6, $0x1  }
.Ltmp8:
0x179: {  	s7 =	sshrl.u32 s12, $0x3;
	[sflag:s14] =	ssyncadd.s32 $0xFFFFF800;
	(pc) =	sbr.rel @p1 .LBB2_13-.Ltmp8, $3  }
0x17a: {  	[hbm:s11], [sflag:s0] =	dma.local [spmem:s7], $0x800  }
0x17b: {  	s6 =	sadd.s32 $0xFFFFFFFF, s6;
	_ =	sdelay $0x1  }
0x17c: {  	s11 =	sadd.s32 $0x8000, s11;
	_ =	swait.ge [sflag:s14], $0x800  }
.LBB2_14:
0x17d: {  	s0 =	rddreg [dreg:$0x8]  }
0x17e: {  	[sflag:s14] =	ssyncset.done $0x0;
	s13 =	rddreg [dreg:$0x6];
	s7 =	simm.s32 @!p0 $0x1F87  }
0x17f: {  	[sflag:s14] =	ssyncadd.s32 $0xFFFFF800;
	s0 =	sadd.s32 @!p0 $0x27000, s0;
	s6 =	sshrl.u32 @!p0 s13, $0x3  }
0x180: {  	[hbm:s0], [sflag:s7] =	dma.local @!p0 [spmem:s6], $0x100  }
0x181: {  	s0 =	simm.s32 @!p0 $0x7  }
0x182: {  	_ =	swait.ge @!p0 [sflag:s0], $0x100  }
0x183: {  	s1 =	sadd.s32 $0x1, s1;
	s31 =	rddreg [dreg:$0x9]  }
0x184: {  	p1 =	sne.s32 s1, s31  }
.Ltmp9:
0x185: {  	_ = 	snop;
	(pc) =	sbr.rel @p1 .LBB2_1-.Ltmp9, $3  }
0x186: {  	_ =	sdelay $0x1  }
0x187: {  	[sflag:s0] =	ssyncset.done @!p0 $0x0  }
0x188: {  	[sflag:s0] =	ssyncadd.s32 @!p0 $0xFFFFFF00  }
0x189: {  	_ =	sfence.sel $0x180000  }
0x18a: {  	[bflag:$0x0] =	sbarrier.arrive $0xFFFF  }
0x18b: {  	_ =	strace $0x9000004A  }
0x18c: {  	s0 =	stileid.u32;
	[bflag:$0x2] =	sbarrier.arrive $0xFFFF  }
0x18d: {  	p0 =	sne.s32 s0, $0x0;
	s0 =	rddreg [dreg:$0x3]  }
0x18e: {  	s0 =	sadd.s32 @!p0 $0x100000, s0  }
0x18f: {  	[sflag:s0] =	ssyncadd.tile.s32 @!p0 $0x1;
	_ =	shalt  }
.Lfunc_end2:
_tile_overlayer_lowered:
.L_overlay_start_2:
0x190: {  	(tag) =	ssettag $0x2  }
0x191: {  	s0 =	rddreg [dreg:$0x0];
	s2 =	stileid.u32  }
0x192: {  	s1 =	rddreg [dreg:$0x1];
	p0 =	sne.s32 s2, $0x0  }
0x193: {  	s3 =	rddreg [dreg:$0x2];
	[bflag:$0x3] =	sbarrier.arrive $0xFFFF;
	s2 =	simm.s32 @!p0 $0x1C07  }
0x194: {  	[timem:s3], [sflag:s2] =	dma.local @!p0 [hbm:s0], s1  }
0x195: {  	s0 =	simm.s32 @!p0 $0x7  }
0x196: {  	_ =	swait.ge @!p0 [sflag:s0], s1  }
0x197: {  	s1 =	ssub.s32 @!p0 $0x0, s1;
	[sflag:s0] =	ssyncset.done @!p0 $0x0  }
0x198: {  	[sflag:s0] =	ssyncadd.s32 @!p0 s1  }
0x199: {  	[bflag:$0x3] =	sbarrier.arrive $0xFFFF  }
0x19a: {  	_ =	shalt  }

// kernel: kernel.7.cloned.1.call-start
scs
__scs_entry_jumppad:
0x0: {  	(pc) =	sbr.rel $0x88, $3  }
0x1: {  	(tag) =	ssettag $0x0;
	lr =	simm.s32 $0x1  }
0x2: {  	[smem:$0x3F9C] =	sst lr;
	_ =	strace $0xD0000000  }
0x3: {  	_ = 	snop  }
0x4: {  	_ = 	snop  }
0x5: {  	_ = 	snop  }
0x6: {  	_ = 	snop  }
0x7: {  	_ = 	snop  }
__scs_overlays_trampoline_lowered:
0x8: {  	[smem:$0x3FAB] =	sst s0  }
0x9: {  	[smem:$0x3FAC] =	sst s1  }
0xa: {  	[smem:$0x3FAD] =	sst s2  }
0xb: {  	[smem:$0x3FAE] =	sst s3  }
0xc: {  	[smem:$0x3FAF] =	sst s4  }
0xd: {  	[smem:$0x3FB0] =	sst s5  }
0xe: {  	[smem:$0x3FB1] =	sst s6  }
0xf: {  	[smem:$0x3FB2] =	sst s7  }
0x10: {  	[smem:$0x3FB3] =	sst s8  }
0x11: {  	[smem:$0x3FB4] =	sst s9;
	s0 =	simm.s32 @!p0 $0x0  }
0x12: {  	s1 =	sld [smem:$0x3F9A];
	s0 =	simm.s32 @p0 $0x1  }
0x13: {  	[smem:$0x3FB5] =	sst s0;
	s0 =	simm.s32 @!p1 $0x0  }
0x14: {  	s2 =	sld [smem:$0x3F99];
	s0 =	simm.s32 @p1 $0x1  }
0x15: {  	[smem:$0x3FB6] =	sst s0;
	s0 =	simm.s32 @!p2 $0x0  }
0x16: {  	s3 =	sld [smem:$0x3FDB];
	s0 =	simm.s32 @p2 $0x1  }
0x17: {  	s4 =	simm.s32 $0x1BF5;
	[smem:$0x3FB8] =	sst s0  }
0x18: {  	s0 =	sld [smem:$0x3F9B];
	_ =	swait.ge [sflag:s4], $0x0  }
0x19: {  	s7 =	sld [smem:$0x3F9C]  }
0x1a: {  	s8 =	sadd.s32 $0xFFFFE003, lr  }
0x1b: {  	s9 =	sadd.s32 $0xFFFFFEF7, lr;
	s5 =	simm.s32 $0xFFFFFFFF;
	p2 =	slt.u32 s8, $0xFFFFF086  }
0x1c: {  	p1 =	slt.u32 s9, $0xF7A;
	s5 =	simm.s32 @!p2 $0x0  }
0x1d: {  	s5 =	simm.s32 @p1 $0x1;
	p0 =	seq.s32 s7, s2  }
0x1e: {  	s7 =	smul.u32 @!p0 $0xF7A, s2;
	p2 =	seq.s32 @!p0 s5, $0x0  }
0x1f: {  	s9 =	smul.u32 $0xF7A, s1;
	s8 =	simm.s32 @!p0 $0x1BF5;
	p2 =	por !p2, p0  }
0x20: {  	[sflag:s8] =	ssyncset.s32 @!p0 $0xFFFFF086;
	s6 =	sadd.s32 @!p0 s3, s7;
	s7 =	simm.s32 @!p0 $0x108  }
0x21: {  	s3 =	sadd.s32 s3, s9;
	s6 =	sadd.s32 @!p0 $0x88, s6;
	s7 =	simm.s32 @p2 $0x1082  }
0x22: {  	[simem:s7], [sflag:s8] =	dma.local @!p0 [hbm:s6], $0xF7A  }
0x23: {  	s9 =	sor.u32 $0xD0000000, s2;
	s6 =	simm.s32 $0x108;
	_ =	swait.ge @!p0 [sflag:s8], $0x0  }
0x24: {  	s3 =	sadd.s32 $0x88, s3;
	s6 =	simm.s32 @!p1 $0x1082;
	[sflag:s4] =	ssyncset.s32 $0xFFFFF086  }
0x25: {  	[simem:s6], [sflag:s4] =	dma.local [hbm:s3], $0xF7A  }
0x26: {  	[smem:$0x3F9C] =	sst s1;
	(tag) =	ssettag s2;
	_ =	strace s9  }
0x27: {  	s1 =	sld [smem:$0x3FAC]  }
0x28: {  	s2 =	sld [smem:$0x3FAD]  }
0x29: {  	s4 =	sld [smem:$0x3FAF]  }
0x2a: {  	p0 =	seq.s32 s5, $0x0;
	s5 =	sld [smem:$0x3FB0]  }
0x2b: {  	s6 =	sld [smem:$0x3FB1]  }
0x2c: {  	s7 =	sld [smem:$0x3FB2]  }
0x2d: {  	s3 =	simm.s32 $0x108;
	s8 =	sld [smem:$0x3FB3]  }
0x2e: {  	s3 =	simm.s32 @!p0 $0x1082;
	s9 =	sld [smem:$0x3FB4]  }
0x2f: {  	lr =	sadd.s32 s0, s3;
	s0 =	sld [smem:$0x3FAB]  }
0x30: {  	s3 =	sld [smem:$0x3FAE]  }
0x31: {  	[smem:$0x3FB7] =	sst s10  }
0x32: {  	s10 =	sld [smem:$0x3FB5];
	_ =	sdelay $0x3  }
0x33: {  	p0 =	seq.s32 s10, $0x1;
	s10 =	sld [smem:$0x3FB7];
	_ =	sdelay $0x3  }
0x34: {  	[smem:$0x3FB7] =	sst s10  }
0x35: {  	s10 =	sld [smem:$0x3FB6];
	_ =	sdelay $0x3  }
0x36: {  	p1 =	seq.s32 s10, $0x1;
	s10 =	sld [smem:$0x3FB7];
	_ =	sdelay $0x3  }
0x37: {  	[smem:$0x3FB7] =	sst s10  }
0x38: {  	s10 =	sld [smem:$0x3FB8]  }
0x39: {  	_ = 	snop;
	(pc) =	sbr.ind lr, $3  }
0x3a: {  	_ = 	snop  }
0x3b: {  	_ = 	snop  }
0x3c: {  	p2 =	seq.s32 s10, $0x1;
	s10 =	sld [smem:$0x3FB7]  }
0x3d: {  	_ =	shalt  }
0x3e: {  	_ =	shalt  }
0x3f: {  	_ =	shalt  }
0x40: {  	_ =	shalt  }
0x41: {  	_ =	shalt  }
0x42: {  	_ =	shalt  }
0x43: {  	_ =	shalt  }
0x44: {  	_ =	shalt  }
0x45: {  	_ =	shalt  }
0x46: {  	_ =	shalt  }
0x47: {  	_ =	shalt  }
0x48: {  	_ =	shalt  }
0x49: {  	_ =	shalt  }
0x4a: {  	_ =	shalt  }
0x4b: {  	_ =	shalt  }
0x4c: {  	_ =	shalt  }
0x4d: {  	_ =	shalt  }
0x4e: {  	_ =	shalt  }
0x4f: {  	_ =	shalt  }
0x50: {  	_ =	shalt  }
0x51: {  	_ =	shalt  }
0x52: {  	_ =	shalt  }
0x53: {  	_ =	shalt  }
0x54: {  	_ =	shalt  }
0x55: {  	_ =	shalt  }
0x56: {  	_ =	shalt  }
0x57: {  	_ =	shalt  }
0x58: {  	_ =	shalt  }
0x59: {  	_ =	shalt  }
0x5a: {  	_ =	shalt  }
0x5b: {  	_ =	shalt  }
0x5c: {  	_ =	shalt  }
0x5d: {  	_ =	shalt  }
0x5e: {  	_ =	shalt  }
0x5f: {  	_ =	shalt  }
0x60: {  	_ =	shalt  }
0x61: {  	_ =	shalt  }
0x62: {  	_ =	shalt  }
0x63: {  	_ =	shalt  }
0x64: {  	_ =	shalt  }
0x65: {  	_ =	shalt  }
0x66: {  	_ =	shalt  }
0x67: {  	_ =	shalt  }
0x68: {  	_ =	shalt  }
0x69: {  	_ =	shalt  }
0x6a: {  	_ =	shalt  }
0x6b: {  	_ =	shalt  }
0x6c: {  	_ =	shalt  }
0x6d: {  	_ =	shalt  }
0x6e: {  	_ =	shalt  }
0x6f: {  	_ =	shalt  }
0x70: {  	_ =	shalt  }
0x71: {  	_ =	shalt  }
0x72: {  	_ =	shalt  }
0x73: {  	_ =	shalt  }
0x74: {  	_ =	shalt  }
0x75: {  	_ =	shalt  }
0x76: {  	_ =	shalt  }
0x77: {  	_ =	shalt  }
0x78: {  	_ =	shalt  }
0x79: {  	_ =	shalt  }
0x7a: {  	_ =	shalt  }
0x7b: {  	_ =	shalt  }
0x7c: {  	_ =	shalt  }
0x7d: {  	_ =	shalt  }
0x7e: {  	_ =	shalt  }
0x7f: {  	_ =	shalt  }
0x80: {  	_ =	shalt  }
0x81: {  	_ =	shalt  }
0x82: {  	_ =	shalt  }
0x83: {  	_ =	shalt  }
0x84: {  	_ =	shalt  }
0x85: {  	_ =	shalt  }
0x86: {  	_ =	shalt  }
0x87: {  	_ =	shalt  }
.Lfunc_end0:
.L_simem_size_0:
called_computation_lowered:
.L_overlay_start_0:
0x88: {  	s2 =	sld [smem:$0x3FD9]  }
0x89: {  	s3 =	sld [smem:$0x3FFE];
	_ =	sdelay $0x1  }
0x8a: {  	s1 =	srdreg.scid  }
0x8b: {  	s0 =	sand.u32 $0x1, s1  }
0x8c: {  	s17 =	sshll.u32 s0, $0xA;
	s2 =	sadd.s32 s3, s2  }
0x8d: {  	s2 =	sadd.s32 s2, s17  }
0x8e: {  	[smem:$0x3FC3] =	sst s2  }
0x8f: {  	_ = 	snop  }
0x90: {  	s2 =	sld [smem:$0x3FD0];
	(tm) =	ssettm $0x1  }
0x91: {  	s18 =	sld [smem:$0x3FFB];
	_ =	sdelay $0x3  }
0x92: {  	_ =	strace s18  }
0x93: {  	s3 =	sld [smem:$0x3FFC];
	_ =	sdelay $0x3  }
0x94: {  	_ =	strace s3  }
0x95: {  	s3 =	sld [smem:$0x3FFD];
	_ =	sdelay $0x3  }
0x96: {  	_ =	strace s3  }
0x97: {  	_ =	strace $0x8FFFFFFF  }
0x98: {  	s19 =	sld [smem:$0x3FDB];
	_ =	sdelay $0x1  }
0x99: {  	s4 =	simm.s32 $_scs_section_size  }
0x9a: {  	s5 =	simm.s32 $_size__tile_overlayer_lowered;
	s6 =	simm.s32 $_tile_overlayer_lowered  }
0x9b: {  	s22 =	simm.s32 $0x1BFF;
	s21 =	sshll.u32 s6, $0x1;
	s3 =	sadd.s32 s4, s19  }
0x9c: {  	s7 =	simm.s32 $0x0;
	s20 =	sshll.u32 s5, $0x1;
	s5 =	sadd.s32 s21, s3  }
0x9d: {  	[timem:s7], [sflag:s22] =	dma.local [hbm:s5], s20  }
0x9e: {  	_ =	swait.ge [sflag:s22], s20  }
0x9f: {  	s4 =	ssub.s32 $0x0, s20;
	[sflag:s22] =	ssyncset.done $0x0  }
0xa0: {  	[sflag:s22] =	ssyncadd.s32 s4;
	_ =	sdelay $0x1  }
0xa1: {  	s23 =	simm.s32 $0x1B8B  }
0xa2: {  	_ =	swait.ge [sflag:s23], $0x1  }
0xa3: {  	[sflag:s23] =	ssyncset.done $0x0  }
0xa4: {  	s25 =	simm.s32 $0x1B8E;
	s24 =	sld [smem:$0x3FFE];
	[sflag:s23] =	ssyncadd.s32 $0xFFFFFFFF  }
0xa5: {  	s26 =	simm.s32 $execute0_lowered;
	[smem:$0x3FD2] =	sst s25  }
0xa6: {  	s5 =	sshll.u32 s26, $0x1;
	_ =	strace $0x80000046;
	[dreg:$0x1] =	wrdreg $0xFFFFFFFF  }
0xa7: {  	s28 =	simm.s32 $_size_execute0_lowered;
	s3 =	sadd.s32 s3, s5;
	[dreg:$0x0] =	wrdreg $0x0  }
0xa8: {  	s5 =	sshll.u32 s28, $0x1;
	[dreg:$0x2] =	wrdreg s3  }
0xa9: {  	[dreg:$0x3] =	wrdreg s5  }
0xaa: {  	[dreg:$0x4] =	wrdreg $0xC0  }
0xab: {  	_ =	task [dreg:s7], $0x5FFFF  }
0xac: {  	[dreg:$0x1] =	wrdreg $0xFFFFFFFF  }
0xad: {  	[dreg:$0x0] =	wrdreg $0x60  }
0xae: {  	[dreg:$0x2] =	wrdreg s24  }
0xaf: {  	[dreg:$0x3] =	wrdreg s2  }
0xb0: {  	[dreg:$0x4] =	wrdreg $0xAB000  }
0xb1: {  	[dreg:$0x5] =	wrdreg $0x9  }
0xb2: {  	_ =	task.clear_ibuf [dreg:s7], $0x6FFFF;
	_ =	strace $0x90000046  }
0xb3: {  	s29 =	simm.s32 $0x9;
	_ =	strace $0x80000048  }
0xb4: {  	_ =	swait.ge [sflag:s29], $0x1  }
0xb5: {  	[sflag:s29] =	ssyncadd.s32 $0xFFFFFFFF  }
0xb6: {  	_ =	strace $0x90000048  }
0xb7: {  	_ =	sfence  }
0xb8: {  	s30 =	sld [smem:$0x0];
	_ =	sdelay $0x2  }
0xb9: {  	s31 =	sshll.u32 s1, $0xD;
	s1 =	sshrl.u32 s1, $0x2  }
0xba: {  	s3 =	sand.u32 $0x4000, s31;
	s1 =	sadd.s32 s1, s30  }
0xbb: {  	s0 =	sor.u32 s3, s0;
	s1 =	sshll.u32 s1, $0x11  }
0xbc: {  	s0 =	sor.u32 s1, s0  }
0xbd: {  	s0 =	sadd.s32 $0x8F2B, s0  }
0xbe: {  	[sflag:s0] =	ssyncadd.remote.s32 $0x1  }
0xbf: {  	_ =	sfence.sel $0xFFFF  }
0xc0: {  	[dreg:$0x0] =	wrdreg $0xFFFFFFFF;
	(pc) =	sbr.abs _section_cstart, $3  }
0xc1: {  	[dreg:$0x1] =	wrdreg $0xFFFFFFFF  }
0xc2: {  	_ =	task.clear_ibuf [dreg:s7], $0x2FFFF;
	_ =	strace $0x9FFFFFFF  }
0xc3: {  	(tm) =	ssettm $0x7FFFFFFF  }
tec
execute0_lowered:
.L_overlay_start_1:
0x0: {  	(tag) =	ssettag $0x1  }
0x1: {  	s0 =	srdreg.scid;
	s1 =	rddreg [dreg:$0x0]  }
0x2: {  	s2 =	rddreg [dreg:$0x1];
	s12 =	stileid.u32  }
0x3: {  	s3 =	rddreg [dreg:$0x2];
	s14 =	simm.s32 $0x7;
	s15 =	simm.s32 $0x6B00  }
0x4: {  	s16 =	simm.s32 $0x2A00;
	s17 =	simm.s32 $0x80;
	s18 =	simm.s32 $0x2800  }
0x5: {  	s19 =	simm.s32 $0x2B00;
	s20 =	simm.s32 $0x2A80;
	s21 =	simm.s32 $0x2880  }
0x6: {  	s22 =	simm.s32 $0x5;
	s28 =	simm.s32 $0x2;
	s29 =	simm.s32 $0x2980  }
0x7: {  	s30 =	simm.s32 $0x3;
	s0 =	sand.u32 $0x1, s0;
	s5 =	sadd.s32 $0x1400, s1  }
0x8: {  	s24 =	ssub.s32 $0x5D, s12;
	s25 =	sshll.u32 s12, $0xE;
	s13 =	sadd.s32 $0x138000, s3  }
0x9: {  	s31 =	sshll.u32 s12, $0xB;
	p0 =	sne.s32 s12, $0xE;
	s4 =	sshll.u32 s0, $0x4  }
0xa: {  	s7 =	smul.u32 $0x27100, s0;
	s0 =	ssub.s32 $0x2, s0;
	s6 =	sor.u32 s12, s4  }
0xb: {  	s4 =	simm.s32 $0x0;
	s9 =	sshrl.u32 s0, $0x1;
	s11 =	smul.u32 $0x500, s6  }
0xc: {  	[smem:$0x7FF] =	sst s4;
	s0 =	ssub.s32 s0, s9;
	s9 =	sshrl.u32 s24, $0x4  }
0xd: {  	s10 =	smul.u32 $0x50, s6;
	_ =	strace $0x80000047;
	[dreg:$0x5] =	wrdreg s9  }
0xe: {  	s24 =	simm.s32 $0x2900;
	s0 =	smax.u32 s0, $0x1;
	[dreg:$0x6] =	wrdreg s13  }
0xf: {  	s8 =	sadd.s32 s11, s1;
	s26 =	sadd.s32 s5, s11;
	[dreg:$0x9] =	wrdreg s0  }
0x10: {  	s1 =	sadd.s32 s7, s1;
	s23 =	sadd.s32 $0xB400, s8;
	[dreg:$0x7] =	wrdreg s26  }
0x11: {  	s8 =	sadd.s32 s25, s3;
	s1 =	sadd.s32 $0x15400, s1;
	[dreg:$0x4] =	wrdreg s23  }
0x12: {  	s26 =	simm.s32 $0x6;
	[dreg:$0x8] =	wrdreg s1;
	s0 =	sadd.s32 s1, s31  }
0x13: {  	v0 =	vimm.f32 $0.0e+00;
	s23 =	simm.s32 $0x1;
	s1 =	simm.s32 $0x0;
	[dreg:$0xa] =	wrdreg s0  }
.LBB2_1:
0x14: {  	s0 =	rddreg [dreg:$0x4]  }
0x15: {  	[tilespmem:s4], [sflag:$0x7] =	stream.linear.gather [hbm4b:s0+s4], $0x2800, $0x38;
	[tilespmem:$0x1E380] =	vst v63  }
0x16: {  	_ =	swait.ge [sflag:s14], $0x2800  }
0x17: {  	[sflag:s14] =	ssyncset.done $0x0  }
0x18: {  	s6 =	simm.s32 $0x200;
	s0 =	simm.s32 $0x0;
	[sflag:s14] =	ssyncadd.s32 $0xFFFFD800  }
.LBB2_2:
0x19: {  	p1 =	sne.s32 s6, $0xFE00;
	[tilespmem:s0+$0x6B70] =	vst v0  }
0x1a: {  	[tilespmem:s0+$0x6B00] =	vst v0  }
0x1b: {  	[tilespmem:s0+$0x6B10] =	vst v0  }
.Ltmp0:
0x1c: {  	[tilespmem:s0+$0x6B20] =	vst v0;
	(pc) =	sbr.rel @p1 .LBB2_2-.Ltmp0, $4  }
0x1d: {  	[tilespmem:s0+$0x6B30] =	vst v0  }
0x1e: {  	[tilespmem:s0+$0x6B40] =	vst v0  }
0x1f: {  	[tilespmem:s0+$0x6B50] =	vst v0  }
0x20: {  	[tilespmem:s0+$0x6B60] =	vst v0;
	s0 =	sshra.s32 s6, $0x2;
	s6 =	sadd.s32 $0x200, s6  }
0x21: {  	[tilespmem:s0+$0x6B70] =	vst v0  }
0x22: {  	[tilespmem:s0+$0x6B00] =	vst v0  }
0x23: {  	[tilespmem:s0+$0x6B10] =	vst v0  }
0x24: {  	[tilespmem:s0+$0x6B20] =	vst v0  }
0x25: {  	[tilespmem:s0+$0x6B30] =	vst v0  }
0x26: {  	[tilespmem:s0+$0x6B40] =	vst v0;
	p1 =	sne.s32 s9, $0x1  }
.Ltmp1:
0x27: {  	[tilespmem:s0+$0x6B50] =	vst v0;
	(pc) =	sbr.rel @!p1 .LBB2_5-.Ltmp1, $4  }
0x28: {  	[tilespmem:s0+$0x6B60] =	vst v0  }
0x29: {  	[spmem:s8] =	stream.linear.scatter [tilespmem:s15], [sflag:$0x7], $0x4000, $0x38;
	[tilespmem:$0x1E380] =	vst v63  }
0x2a: {  	_ =	swait.ge [sflag:s14], $0x4000  }
0x2b: {  	s0 =	sadd.s32 $0xFFFFFFFF, s9;
	s6 =	smov.u32 s8;
	[sflag:s14] =	ssyncset.done $0x0  }
.LBB2_4:
0x2c: {  	p2 =	sne.s32 s0, $0x1;
	[sflag:s14] =	ssyncadd.s32 $0xFFFFC000;
	s6 =	sadd.s32 $0x40000, s6  }
.Ltmp2:
0x2d: {  	s0 =	sadd.s32 $0xFFFFFFFF, s0;
	(pc) =	sbr.rel @p2 .LBB2_4-.Ltmp2, $4  }
0x2e: {  	_ = 	snop  }
0x2f: {  	[spmem:s6] =	stream.linear.scatter [tilespmem:s15], [sflag:$0x7], $0x4000, $0x38;
	[tilespmem:$0x1E380] =	vst v63  }
0x30: {  	_ =	swait.ge [sflag:s14], $0x4000  }
0x31: {  	[sflag:s14] =	ssyncset.done $0x0  }
.LBB2_5:
0x32: {  	[sflag:s14] =	ssyncadd.s32 $0xFFFFC000;
	s0 =	simm.s32 @!p0 $0x6B00  }
0x33: {  	[spmem:s13] =	stream.linear.scatter @!p0 [tilespmem:s0], [sflag:$0x7], $0x800, $0x38;
	[tilespmem:$0x1E380] =	vst v63  }
0x34: {  	s0 =	simm.s32 @!p0 $0x7  }
0x35: {  	_ =	swait.ge @!p0 [sflag:s0], $0x800  }
0x36: {  	[sflag:s0] =	ssyncset.done @!p0 $0x0  }
0x37: {  	[sflag:s0] =	ssyncadd.s32 @!p0 $0xFFFFF800  }
0x38: {  	[bflag:$0x0] =	sbarrier.arrive $0xFFFF  }
0x39: {  	v1 =	vld [tilespmem:$0x0];
	_ =	sdelay $0x1  }
0x3a: {  	v2 =	vld [tilespmem:$0x10];
	_ =	sdelay $0x1  }
0x3b: {  	v3 =	vld [tilespmem:$0x20]  }
0x3c: {  	v4 =	vand.u32 $0xFFFF, v1  }
0x3d: {  	v62 =	vld [tilespmem:$0x30];
	v1 =	vshrl.u32 v1, $0x10;
	[tilespmem:$0x2800] =	vst v4  }
0x3e: {  	[tilespmem:$0x2900] =	vst v1;
	v1 =	vand.u32 $0xFFFF, v2  }
0x3f: {  	[tilespmem:$0x2810] =	vst v1;
	v1 =	vshrl.u32 v2, $0x10;
	v2 =	vld [tilespmem:$0x40]  }
0x40: {  	[tilespmem:$0x2910] =	vst v1;
	v1 =	vand.u32 $0xFFFF, v3  }
0x41: {  	[tilespmem:$0x2820] =	vst v1;
	v1 =	vshrl.u32 v3, $0x10;
	v3 =	vld [tilespmem:$0x50]  }
0x42: {  	[tilespmem:$0x2920] =	vst v1;
	v1 =	vand.u32 $0xFFFF, v62  }
0x43: {  	v63 =	vld [tilespmem:$0x60];
	[tilespmem:$0x2830] =	vst v1;
	v1 =	vshrl.u32 v62, $0x10  }
0x44: {  	[tilespmem:$0x2930] =	vst v1;
	v1 =	vand.u32 $0xFFFF, v2  }
0x45: {  	[tilespmem:$0x2840] =	vst v1;
	v1 =	vshrl.u32 v2, $0x10;
	v2 =	vld [tilespmem:$0x70]  }
0x46: {  	[tilespmem:$0x2940] =	vst v1;
	v1 =	vand.u32 $0xFFFF, v3  }
0x47: {  	[tilespmem:$0x2850] =	vst v1;
	v1 =	vshrl.u32 v3, $0x10  }
0x48: {  	[tilespmem:$0x2950] =	vst v1;
	v1 =	vand.u32 $0xFFFF, v63  }
0x49: {  	[tilespmem:$0x2860] =	vst v1;
	v1 =	vshrl.u32 v63, $0x10  }
0x4a: {  	[tilespmem:$0x2960] =	vst v1;
	v1 =	vand.u32 $0xFFFF, v2  }
0x4b: {  	[tilespmem:$0x2870] =	vst v1;
	v1 =	vshrl.u32 v2, $0x10  }
0x4c: {  	s0 =	simm.s32 $0x0;
	s6 =	rddreg [dreg:$0x7];
	[tilespmem:$0x2970] =	vst v1  }
0x4d: {  	[tilespmem:s16], [sflag:$0x5] =	stream.linear.gather [hbm4b:s6+s0], $0x80, $0x38;
	[tilespmem:$0x1E380] =	vst v63  }
0x4e: {  	s6 =	simm.s32 $0x0  }
0x4f: {  	[tilespmem:s19], [sflag:$0x1] =	stream.indirect.gather [hbm4b:s2+s17], $0x80, s18, s17, $0xb8;
	[tilespmem:$0x1E380] =	vst v63  }
.LBB2_6:
0x50: {  	p2 =	seq.s32 s6, $0x0  }
0x51: {  	s11 =	sshll.u32 s6, $0x1;
	s12 =	simm.s32 @!p2 $0x4  }
0x52: {  	s13 =	sor.u32 $0x1, s11;
	_ =	swait.ge @!p2 [sflag:s12], $0x4000  }
0x53: {  	s31 =	sshll.u32 s13, $0x7;
	[sflag:s12] =	ssyncset.done @!p2 $0x0  }
0x54: {  	s7 =	sand.u32 $0x3FFFFF80, s31;
	[sflag:s12] =	ssyncadd.s32 @!p2 $0xFFFFC000  }
0x55: {  	v1 =	vld [tilespmem:s7+$0x0];
	_ =	sdelay $0x4  }
0x56: {  	v2 =	vand.u32 $0xFFFF, v1  }
0x57: {  	v1 =	vshrl.u32 v1, $0x10;
	[tilespmem:$0x2880] =	vst v2  }
0x58: {  	[tilespmem:$0x2980] =	vst v1  }
0x59: {  	v1 =	vld [tilespmem:s7+$0x10];
	_ =	sdelay $0x4  }
0x5a: {  	v2 =	vand.u32 $0xFFFF, v1  }
0x5b: {  	v1 =	vshrl.u32 v1, $0x10;
	[tilespmem:$0x2890] =	vst v2  }
0x5c: {  	[tilespmem:$0x2990] =	vst v1  }
0x5d: {  	v1 =	vld [tilespmem:s7+$0x20];
	_ =	sdelay $0x4  }
0x5e: {  	v2 =	vand.u32 $0xFFFF, v1  }
0x5f: {  	v1 =	vshrl.u32 v1, $0x10;
	[tilespmem:$0x28A0] =	vst v2  }
0x60: {  	[tilespmem:$0x29A0] =	vst v1  }
0x61: {  	v1 =	vld [tilespmem:s7+$0x30];
	_ =	sdelay $0x4  }
0x62: {  	v2 =	vand.u32 $0xFFFF, v1  }
0x63: {  	v1 =	vshrl.u32 v1, $0x10;
	[tilespmem:$0x28B0] =	vst v2  }
0x64: {  	[tilespmem:$0x29B0] =	vst v1  }
0x65: {  	v1 =	vld [tilespmem:s7+$0x40];
	_ =	sdelay $0x4  }
0x66: {  	v2 =	vand.u32 $0xFFFF, v1  }
0x67: {  	v1 =	vshrl.u32 v1, $0x10;
	[tilespmem:$0x28C0] =	vst v2  }
0x68: {  	[tilespmem:$0x29C0] =	vst v1  }
0x69: {  	v1 =	vld [tilespmem:s7+$0x50];
	_ =	sdelay $0x4  }
0x6a: {  	v2 =	vand.u32 $0xFFFF, v1  }
0x6b: {  	v1 =	vshrl.u32 v1, $0x10;
	[tilespmem:$0x28D0] =	vst v2  }
0x6c: {  	[tilespmem:$0x29D0] =	vst v1  }
0x6d: {  	v1 =	vld [tilespmem:s7+$0x60];
	_ =	sdelay $0x4  }
0x6e: {  	v2 =	vand.u32 $0xFFFF, v1  }
0x6f: {  	v1 =	vshrl.u32 v1, $0x10;
	[tilespmem:$0x28E0] =	vst v2  }
0x70: {  	[tilespmem:$0x29E0] =	vst v1  }
0x71: {  	v1 =	vld [tilespmem:s7+$0x70];
	_ =	sdelay $0x3  }
0x72: {  	s9 =	sadd.s32 s10, s11;
	s13 =	sshll.u32 s13, $0x4  }
0x73: {  	s13 =	sand.u32 $0x70, s13;
	s12 =	sshll.u32 s9, $0x4;
	v2 =	vand.u32 $0xFFFF, v1  }
0x74: {  	s13 =	sadd.s32 s5, s13;
	s12 =	sand.u32 $0xFFFFF80, s12;
	v1 =	vshrl.u32 v1, $0x10;
	[tilespmem:$0x28F0] =	vst v2  }
0x75: {  	s12 =	sadd.s32 s12, s13;
	[tilespmem:$0x29F0] =	vst v1  }
0x76: {  	[tilespmem:s20], [sflag:$0x6] =	stream.linear.gather [hbm4b:s12+s0], $0x80, $0x38;
	[tilespmem:$0x1E380] =	vst v63  }
0x77: {  	_ = 	snop  }
0x78: {  	[tilespmem:s15], [sflag:$0x2] =	stream.indirect.gather [hbm4b:s2+s17], $0x80, s21, s17, $0xb8;
	[tilespmem:$0x1E380] =	vst v63  }
0x79: {  	_ =	swait.ge [sflag:s22], $0x80  }
0x7a: {  	[sflag:s22] =	ssyncset.done $0x0  }
0x7b: {  	[sflag:s22] =	ssyncadd.s32 $0xFFFFFF80  }
0x7c: {  	_ =	swait.ge [sflag:s23], $0x4000  }
0x7d: {  	[sflag:s23] =	ssyncset.done $0x0  }
0x7e: {  	s13 =	simm.s32 $0x2C00;
	[sflag:s23] =	ssyncadd.s32 $0xFFFFC000  }
0x7f: {  	v3 =	vld [tilespmem:s13+$0xD0]  }
0x80: {  	v4 =	vld [tilespmem:s13+$0xFFFFFFE0]  }
0x81: {  	v5 =	vld [tilespmem:s13+$0xF0]  }
0x82: {  	v6 =	vld [tilespmem:s13+$0xFFFFFFF0]  }
0x83: {  	v7 =	vld [tilespmem:s13+$0x0]  }
0x84: {  	v8 =	vld [tilespmem:s13+$0x10]  }
0x85: {  	v9 =	vld [tilespmem:s13+$0x20]  }
0x86: {  	v10 =	vld [tilespmem:s13+$0x50]  }
0x87: {  	s25 =	simm.s32 $0x1;
	v11 =	vld [tilespmem:s13+$0x60]  }
0x88: {  	s31 =	simm.s32 $0x2;
	s9 =	simm.s32 $0x3;
	v1 =	vmov s25;
	v12 =	vld [tilespmem:s13+$0x70]  }
0x89: {  	v13 =	vmov s9;
	v2 =	vmov s31;
	v1 =	vand.u32 $0xFFFFFFFD, v1;
	v14 =	vld [tilespmem:s13+$0x90]  }
0x8a: {  	v15 =	vmov s0;
	v2 =	vand.u32 $0xFFFFFFFE, v2;
	v16 =	vbroadcast v1, $0x0;
	v17 =	vld [tilespmem:s13+$0xA0]  }
0x8b: {  	v1 =	vand.u32 $0xFFFFFFFC, v15;
	v2 =	vbroadcast v2, $0x0;
	v15 =	vld [tilespmem:s13+$0xB0]  }
0x8c: {  	v18 =	vbroadcast v1, $0x0;
	v19 =	vld [tilespmem:s13+$0xC0]  }
0x8d: {  	v20 =	vld [tilespmem:s13+$0x30]  }
0x8e: {  	v1 =	vld.idx.msk [tilespmem:v13+s16+$0x0], $0xffff  }
0x8f: {  	v13 =	vld [tilespmem:s13+$0xE0]  }
0x90: {  	v16 =	vld.idx.msk [tilespmem:v16+s16+$0x0], $0xffff  }
0x91: {  	v2 =	vld.idx.msk [tilespmem:v2+s16+$0x0], $0xffff  }
0x92: {  	v18 =	vld.idx.msk [tilespmem:v18+s16+$0x0], $0xffff  }
0x93: {  	v22 =	vld [tilespmem:s13+$0xFFFFFFC0];
	v3 =	vmul.f32 v3, v1  }
0x94: {  	v21 =	vld [tilespmem:s13+$0xFFFFFFD0];
	v13 =	vmul.f32 v13, v1  }
0x95: {  	v23 =	vld [tilespmem:s13+$0xFFFFFFB0];
	v14 =	vmul.f32 v14, v1;
	[tilespmem:s13+$0xD0] =	vst v3  }
0x96: {  	v24 =	vld [tilespmem:s13+$0xFFFFFFA0];
	v7 =	vmul.f32 v7, v2;
	[tilespmem:s13+$0xE0] =	vst v13  }
0x97: {  	v61 =	vld [tilespmem:s13+$0xFFFFFF50];
	v4 =	vmul.f32 v4, v16;
	[tilespmem:s13+$0x90] =	vst v14  }
0x98: {  	v63 =	vld [tilespmem:s13+$0xFFFFFF20];
	v22 =	vmul.f32 v22, v16;
	[tilespmem:s13+$0x0] =	vst v7  }
0x99: {  	v25 =	vld [tilespmem:s13+$0xFFFFFF40];
	v12 =	vmul.f32 v12, v2;
	[tilespmem:s13+$0xFFFFFFE0] =	vst v4  }
0x9a: {  	v62 =	vld [tilespmem:s13+$0xFFFFFF30];
	v23 =	vmul.f32 v23, v16;
	[tilespmem:s13+$0xFFFFFFC0] =	vst v22  }
0x9b: {  	v26 =	vld [tilespmem:s13+$0xFFFFFF10];
	v19 =	vmul.f32 v19, v1;
	v3 =	vmul.f32 v6, v16;
	[tilespmem:s13+$0x70] =	vst v12  }
0x9c: {  	v6 =	vmul.f32 v17, v1;
	v13 =	vld [tilespmem:s13+$0xFFFFFF90];
	v7 =	vmul.f32 v21, v16;
	[tilespmem:s13+$0xFFFFFFB0] =	vst v23  }
0x9d: {  	v14 =	vld [tilespmem:s13+$0xFFFFFF80];
	v12 =	vmul.f32 v63, v18;
	[tilespmem:s13+$0xFFFFFFF0] =	vst v3;
	v3 =	vmul.f32 v5, v1  }
0x9e: {  	v17 =	vld [tilespmem:s13+$0xFFFFFF70];
	[tilespmem:s13+$0xA0] =	vst v6;
	v5 =	vmul.f32 v8, v2;
	v8 =	vmul.f32 v9, v2  }
0x9f: {  	v27 =	vld [tilespmem:s13+$0xFFFFFF00];
	v9 =	vmul.f32 v10, v2;
	[tilespmem:s13+$0xFFFFFFD0] =	vst v7;
	v10 =	vmul.f32 v15, v1  }
0xa0: {  	v6 =	vld [tilespmem:s13+$0xFFFFFF60];
	v15 =	vmul.f32 v11, v2;
	v11 =	vmul.f32 v25, v18;
	[tilespmem:s13+$0xF0] =	vst v3  }
0xa1: {  	[tilespmem:s13+$0x10] =	vst v5;
	v3 =	vmul.f32 v20, v2;
	v5 =	vmul.f32 v24, v16  }
0xa2: {  	[tilespmem:s13+$0xB0] =	vst v10;
	v10 =	vmul.f32 v61, v18;
	v4 =	vmul.f32 v13, v16  }
0xa3: {  	[tilespmem:s13+$0x20] =	vst v8;
	v8 =	vmul.f32 v14, v16;
	v7 =	vmul.f32 v17, v18  }
0xa4: {  	[tilespmem:s13+$0xC0] =	vst v19;
	v16 =	vld [tilespmem:s13+$0x80];
	v13 =	vmul.f32 v62, v18;
	v14 =	vmul.f32 v26, v18  }
0xa5: {  	s31 =	simm.s32 $0x2E00;
	s12 =	simm.s32 $0x4;
	[tilespmem:s13+$0x50] =	vst v9;
	v17 =	vld [tilespmem:s13+$0x40];
	v9 =	vmul.f32 v6, v18;
	v6 =	vmul.f32 v27, v18  }
.LBB2_7:
0xa6: {  	s9 =	sadd.s32 $0x1, s12  }
0xa7: {  	v18 =	vmov s12;
	s25 =	sadd.s32 $0x2, s12;
	s7 =	sadd.s32 $0x3, s12;
	v19 =	vld [tilespmem:s31+$0xD0];
	[tilespmem:s13+$0x60] =	vst v15;
	v15 =	vmov s9  }
0xa8: {  	p2 =	sne.s32 s12, $0x7C;
	s12 =	sadd.s32 $0x4, s12;
	v20 =	vmov s25;
	v21 =	vmov s7;
	v22 =	vld [tilespmem:s31+$0xFFFFFFE0];
	[tilespmem:s13+$0xFFFFFFA0] =	vst v5  }
0xa9: {  	v5 =	vand.u32 $0xFFFFFFFC, v18;
	v15 =	vand.u32 $0xFFFFFFFD, v15;
	v18 =	vand.u32 $0xFFFFFFFE, v20;
	v20 =	vld [tilespmem:s31+$0xF0];
	[tilespmem:s13+$0xFFFFFF80] =	vst v8  }
0xaa: {  	v1 =	vmul.f32 v16, v1;
	v8 =	vbroadcast v15, $0x0;
	v15 =	vld [tilespmem:s31+$0xFFFFFFF0];
	[tilespmem:s13+$0xFFFFFF90] =	vst v4  }
0xab: {  	v4 =	vbroadcast v18, $0x0;
	v16 =	vld [tilespmem:s31+$0x0];
	v2 =	vmul.f32 v17, v2;
	[tilespmem:s13+$0xFFFFFF70] =	vst v7  }
0xac: {  	v7 =	vld [tilespmem:s31+$0x10];
	[tilespmem:s13+$0xFFFFFF60] =	vst v9  }
0xad: {  	v9 =	vld [tilespmem:s31+$0x20];
	[tilespmem:s13+$0xFFFFFF50] =	vst v10  }
0xae: {  	v10 =	vld [tilespmem:s31+$0x50];
	[tilespmem:s13+$0xFFFFFF40] =	vst v11  }
0xaf: {  	v11 =	vld [tilespmem:s31+$0x60];
	[tilespmem:s13+$0xFFFFFF30] =	vst v13  }
0xb0: {  	v13 =	vld [tilespmem:s31+$0x70];
	[tilespmem:s13+$0xFFFFFF20] =	vst v12  }
0xb1: {  	v12 =	vld [tilespmem:s31+$0x90];
	[tilespmem:s13+$0xFFFFFF10] =	vst v14  }
0xb2: {  	v14 =	vld [tilespmem:s31+$0xA0];
	[tilespmem:s13+$0x80] =	vst v1  }
0xb3: {  	v5 =	vbroadcast v5, $0x0;
	v17 =	vld [tilespmem:s31+$0xB0];
	[tilespmem:s13+$0x40] =	vst v2  }
0xb4: {  	v18 =	vld [tilespmem:s31+$0xC0];
	[tilespmem:s13+$0x30] =	vst v3  }
0xb5: {  	v3 =	vld [tilespmem:s31+$0x30];
	[tilespmem:s13+$0xFFFFFF00] =	vst v6;
	s13 =	smov.u32 s31  }
0xb6: {  	v1 =	vld.idx.msk [tilespmem:v21+s16+$0x0], $0xffff  }
0xb7: {  	v6 =	vld [tilespmem:s31+$0xE0]  }
0xb8: {  	v8 =	vld.idx.msk [tilespmem:v8+s16+$0x0], $0xffff  }
0xb9: {  	v2 =	vld.idx.msk [tilespmem:v4+s16+$0x0], $0xffff  }
0xba: {  	v21 =	vld.idx.msk [tilespmem:v5+s16+$0x0], $0xffff  }
0xbb: {  	v4 =	vld [tilespmem:s31+$0xFFFFFFD0]  }
0xbc: {  	v19 =	vmul.f32 v19, v1;
	v20 =	vmul.f32 v20, v1;
	v5 =	vld [tilespmem:s31+$0xFFFFFFC0]  }
0xbd: {  	v12 =	vmul.f32 v12, v1;
	v6 =	vmul.f32 v6, v1;
	v23 =	vld [tilespmem:s31+$0xFFFFFFB0]  }
0xbe: {  	v14 =	vmul.f32 v14, v1;
	v15 =	vmul.f32 v15, v8;
	v24 =	vld [tilespmem:s31+$0xFFFFFFA0];
	[tilespmem:s31+$0xD0] =	vst v19  }
0xbf: {  	v22 =	vmul.f32 v22, v8;
	v16 =	vmul.f32 v16, v2;
	v19 =	vld [tilespmem:s31+$0xFFFFFF90];
	[tilespmem:s31+$0xE0] =	vst v6  }
0xc0: {  	v7 =	vmul.f32 v7, v2;
	v6 =	vld [tilespmem:s31+$0xFFFFFF80];
	v25 =	vmul.f32 v4, v8;
	[tilespmem:s31+$0x90] =	vst v12  }
0xc1: {  	v27 =	vmul.f32 v9, v2;
	v12 =	vld [tilespmem:s31+$0xFFFFFF70];
	v26 =	vmul.f32 v5, v8;
	[tilespmem:s31+$0xFFFFFFF0] =	vst v15  }
0xc2: {  	v3 =	vmul.f32 v3, v2;
	v9 =	vld [tilespmem:s31+$0xFFFFFF60];
	v23 =	vmul.f32 v23, v8;
	[tilespmem:s31+$0xA0] =	vst v14  }
0xc3: {  	v14 =	vld [tilespmem:s31+$0xFFFFFF50];
	v5 =	vmul.f32 v24, v8;
	v24 =	vmul.f32 v10, v2;
	[tilespmem:s31+$0x0] =	vst v16  }
0xc4: {  	v15 =	vmul.f32 v11, v2;
	v16 =	vld [tilespmem:s31+$0xFFFFFF40];
	v4 =	vmul.f32 v19, v8;
	[tilespmem:s31+$0xF0] =	vst v20  }
0xc5: {  	v19 =	vld [tilespmem:s31+$0xFFFFFF30];
	v8 =	vmul.f32 v6, v8;
	v6 =	vmul.f32 v13, v2;
	[tilespmem:s31+$0x10] =	vst v7  }
0xc6: {  	v17 =	vmul.f32 v17, v1;
	v20 =	vld [tilespmem:s31+$0xFFFFFF20];
	v7 =	vmul.f32 v12, v21;
	[tilespmem:s31+$0xFFFFFFE0] =	vst v22  }
0xc7: {  	v18 =	vmul.f32 v18, v1;
	v22 =	vld [tilespmem:s31+$0xFFFFFF10];
	v9 =	vmul.f32 v9, v21;
	[tilespmem:s31+$0xFFFFFFD0] =	vst v25  }
0xc8: {  	v25 =	vld [tilespmem:s31+$0xFFFFFF00];
	v10 =	vmul.f32 v14, v21;
	[tilespmem:s31+$0x20] =	vst v27  }
0xc9: {  	v11 =	vmul.f32 v16, v21;
	[tilespmem:s31+$0xFFFFFFC0] =	vst v26  }
.Ltmp3:
0xca: {  	v13 =	vmul.f32 v19, v21;
	[tilespmem:s31+$0x50] =	vst v24;
	(pc) =	sbr.rel @p2 .LBB2_7-.Ltmp3, $4  }
0xcb: {  	v12 =	vmul.f32 v20, v21;
	[tilespmem:s31+$0xB0] =	vst v17  }
0xcc: {  	v14 =	vmul.f32 v22, v21;
	v16 =	vld [tilespmem:s31+$0x80];
	[tilespmem:s31+$0x70] =	vst v6  }
0xcd: {  	v6 =	vmul.f32 v25, v21;
	[tilespmem:s31+$0xFFFFFFB0] =	vst v23  }
0xce: {  	s31 =	sadd.s32 $0x200, s31;
	v17 =	vld [tilespmem:s13+$0x40];
	[tilespmem:s13+$0xC0] =	vst v18  }
0xcf: {  	[tilespmem:s13+$0x60] =	vst v15  }
0xd0: {  	[tilespmem:s13+$0xFFFFFFA0] =	vst v5  }
0xd1: {  	[tilespmem:s13+$0xFFFFFF80] =	vst v8  }
0xd2: {  	[tilespmem:s13+$0xFFFFFF90] =	vst v4  }
0xd3: {  	[tilespmem:s13+$0xFFFFFF70] =	vst v7  }
0xd4: {  	[tilespmem:s13+$0xFFFFFF60] =	vst v9  }
0xd5: {  	[tilespmem:s13+$0xFFFFFF50] =	vst v10  }
0xd6: {  	[tilespmem:s13+$0xFFFFFF40] =	vst v11  }
0xd7: {  	[tilespmem:s13+$0xFFFFFF30] =	vst v13  }
0xd8: {  	[tilespmem:s13+$0xFFFFFF20] =	vst v12  }
0xd9: {  	[tilespmem:s13+$0xFFFFFF10] =	vst v14  }
0xda: {  	[tilespmem:s13+$0x30] =	vst v3;
	v1 =	vmul.f32 v16, v1  }
0xdb: {  	[tilespmem:s13+$0xFFFFFF00] =	vst v6;
	v2 =	vmul.f32 v17, v2  }
0xdc: {  	[tilespmem:s13+$0x80] =	vst v1  }
0xdd: {  	[tilespmem:s13+$0x40] =	vst v2  }
0xde: {  	[spmem:s3] =	stream.indirect.scatter.add.f32 [tilespmem:s19], [sflag:$0x3], $0x80, s24, s17, $0xb8;
	[tilespmem:$0x1E380] =	vst v63  }
0xdf: {  	_ =	swait.ge [sflag:s26], $0x80  }
0xe0: {  	[sflag:s26] =	ssyncset.done $0x0  }
0xe1: {  	[sflag:s26] =	ssyncadd.s32 $0xFFFFFF80  }
0xe2: {  	_ =	swait.ge [sflag:s28], $0x4000  }
0xe3: {  	[sflag:s28] =	ssyncset.done $0x0  }
0xe4: {  	s13 =	simm.s32 $0x6C00;
	[sflag:s28] =	ssyncadd.s32 $0xFFFFC000  }
0xe5: {  	v3 =	vld [tilespmem:s13+$0xD0]  }
0xe6: {  	v4 =	vld [tilespmem:s13+$0xFFFFFFE0]  }
0xe7: {  	v5 =	vld [tilespmem:s13+$0xF0]  }
0xe8: {  	v6 =	vld [tilespmem:s13+$0xFFFFFFF0]  }
0xe9: {  	v7 =	vld [tilespmem:s13+$0x0]  }
0xea: {  	v8 =	vld [tilespmem:s13+$0x10]  }
0xeb: {  	v9 =	vld [tilespmem:s13+$0x20]  }
0xec: {  	v10 =	vld [tilespmem:s13+$0x50]  }
0xed: {  	s7 =	simm.s32 $0x1;
	v11 =	vld [tilespmem:s13+$0x60]  }
0xee: {  	s9 =	simm.s32 $0x2;
	s12 =	simm.s32 $0x3;
	v1 =	vmov s7;
	v12 =	vld [tilespmem:s13+$0x70]  }
0xef: {  	s25 =	simm.s32 $0x0;
	v13 =	vmov s12;
	v1 =	vand.u32 $0xFFFFFFFD, v1;
	v2 =	vmov s9;
	v14 =	vld [tilespmem:s13+$0x90]  }
0xf0: {  	v15 =	vmov s25;
	v16 =	vbroadcast v1, $0x0;
	v2 =	vand.u32 $0xFFFFFFFE, v2;
	v17 =	vld [tilespmem:s13+$0xA0]  }
0xf1: {  	v1 =	vand.u32 $0xFFFFFFFC, v15;
	v2 =	vbroadcast v2, $0x0;
	v15 =	vld [tilespmem:s13+$0xB0]  }
0xf2: {  	v18 =	vbroadcast v1, $0x0;
	v19 =	vld [tilespmem:s13+$0xC0]  }
0xf3: {  	v20 =	vld [tilespmem:s13+$0x30]  }
0xf4: {  	v1 =	vld.idx.msk [tilespmem:v13+s20+$0x0], $0xffff  }
0xf5: {  	v13 =	vld [tilespmem:s13+$0xE0]  }
0xf6: {  	v16 =	vld.idx.msk [tilespmem:v16+s20+$0x0], $0xffff  }
0xf7: {  	v2 =	vld.idx.msk [tilespmem:v2+s20+$0x0], $0xffff  }
0xf8: {  	v18 =	vld.idx.msk [tilespmem:v18+s20+$0x0], $0xffff  }
0xf9: {  	v22 =	vld [tilespmem:s13+$0xFFFFFFC0];
	v3 =	vmul.f32 v3, v1  }
0xfa: {  	v21 =	vld [tilespmem:s13+$0xFFFFFFD0];
	v13 =	vmul.f32 v13, v1  }
0xfb: {  	v23 =	vld [tilespmem:s13+$0xFFFFFFB0];
	v14 =	vmul.f32 v14, v1;
	[tilespmem:s13+$0xD0] =	vst v3  }
0xfc: {  	v24 =	vld [tilespmem:s13+$0xFFFFFFA0];
	v7 =	vmul.f32 v7, v2;
	[tilespmem:s13+$0xE0] =	vst v13  }
0xfd: {  	v61 =	vld [tilespmem:s13+$0xFFFFFF50];
	v4 =	vmul.f32 v4, v16;
	[tilespmem:s13+$0x90] =	vst v14  }
0xfe: {  	v63 =	vld [tilespmem:s13+$0xFFFFFF20];
	v22 =	vmul.f32 v22, v16;
	[tilespmem:s13+$0x0] =	vst v7  }
0xff: {  	v25 =	vld [tilespmem:s13+$0xFFFFFF40];
	v12 =	vmul.f32 v12, v2;
	[tilespmem:s13+$0xFFFFFFE0] =	vst v4  }
0x100: {  	v62 =	vld [tilespmem:s13+$0xFFFFFF30];
	v23 =	vmul.f32 v23, v16;
	[tilespmem:s13+$0xFFFFFFC0] =	vst v22  }
0x101: {  	v26 =	vld [tilespmem:s13+$0xFFFFFF10];
	v19 =	vmul.f32 v19, v1;
	v3 =	vmul.f32 v6, v16;
	[tilespmem:s13+$0x70] =	vst v12  }
0x102: {  	v6 =	vmul.f32 v17, v1;
	v13 =	vld [tilespmem:s13+$0xFFFFFF90];
	v7 =	vmul.f32 v21, v16;
	[tilespmem:s13+$0xFFFFFFB0] =	vst v23  }
0x103: {  	v14 =	vld [tilespmem:s13+$0xFFFFFF80];
	v12 =	vmul.f32 v63, v18;
	[tilespmem:s13+$0xFFFFFFF0] =	vst v3;
	v3 =	vmul.f32 v5, v1  }
0x104: {  	v17 =	vld [tilespmem:s13+$0xFFFFFF70];
	[tilespmem:s13+$0xA0] =	vst v6;
	v5 =	vmul.f32 v8, v2;
	v8 =	vmul.f32 v9, v2  }
0x105: {  	v27 =	vld [tilespmem:s13+$0xFFFFFF00];
	v9 =	vmul.f32 v10, v2;
	[tilespmem:s13+$0xFFFFFFD0] =	vst v7;
	v10 =	vmul.f32 v15, v1  }
0x106: {  	v6 =	vld [tilespmem:s13+$0xFFFFFF60];
	v15 =	vmul.f32 v11, v2;
	v11 =	vmul.f32 v25, v18;
	[tilespmem:s13+$0xF0] =	vst v3  }
0x107: {  	[tilespmem:s13+$0x10] =	vst v5;
	v3 =	vmul.f32 v20, v2;
	v5 =	vmul.f32 v24, v16  }
0x108: {  	[tilespmem:s13+$0xB0] =	vst v10;
	v10 =	vmul.f32 v61, v18;
	v4 =	vmul.f32 v13, v16  }
0x109: {  	[tilespmem:s13+$0x20] =	vst v8;
	v8 =	vmul.f32 v14, v16;
	v7 =	vmul.f32 v17, v18  }
0x10a: {  	[tilespmem:s13+$0xC0] =	vst v19;
	v16 =	vld [tilespmem:s13+$0x80];
	v13 =	vmul.f32 v62, v18;
	v14 =	vmul.f32 v26, v18  }
0x10b: {  	s31 =	simm.s32 $0x6E00;
	s12 =	simm.s32 $0x4;
	[tilespmem:s13+$0x50] =	vst v9;
	v17 =	vld [tilespmem:s13+$0x40];
	v9 =	vmul.f32 v6, v18;
	v6 =	vmul.f32 v27, v18  }
.LBB2_9:
0x10c: {  	s7 =	sadd.s32 $0x1, s12  }
0x10d: {  	v18 =	vmov s12;
	s9 =	sadd.s32 $0x2, s12;
	s25 =	sadd.s32 $0x3, s12;
	v19 =	vld [tilespmem:s31+$0xD0];
	[tilespmem:s13+$0x60] =	vst v15;
	v15 =	vmov s7  }
0x10e: {  	p2 =	sne.s32 s12, $0x7C;
	s12 =	sadd.s32 $0x4, s12;
	v20 =	vmov s9;
	v21 =	vmov s25;
	v22 =	vld [tilespmem:s31+$0xFFFFFFE0];
	[tilespmem:s13+$0xFFFFFFA0] =	vst v5  }
0x10f: {  	v5 =	vand.u32 $0xFFFFFFFC, v18;
	v15 =	vand.u32 $0xFFFFFFFD, v15;
	v18 =	vand.u32 $0xFFFFFFFE, v20;
	v20 =	vld [tilespmem:s31+$0xF0];
	[tilespmem:s13+$0xFFFFFF80] =	vst v8  }
0x110: {  	v1 =	vmul.f32 v16, v1;
	v8 =	vbroadcast v15, $0x0;
	v15 =	vld [tilespmem:s31+$0xFFFFFFF0];
	[tilespmem:s13+$0xFFFFFF90] =	vst v4  }
0x111: {  	v4 =	vbroadcast v18, $0x0;
	v16 =	vld [tilespmem:s31+$0x0];
	v2 =	vmul.f32 v17, v2;
	[tilespmem:s13+$0xFFFFFF70] =	vst v7  }
0x112: {  	v7 =	vld [tilespmem:s31+$0x10];
	[tilespmem:s13+$0xFFFFFF60] =	vst v9  }
0x113: {  	v9 =	vld [tilespmem:s31+$0x20];
	[tilespmem:s13+$0xFFFFFF50] =	vst v10  }
0x114: {  	v10 =	vld [tilespmem:s31+$0x50];
	[tilespmem:s13+$0xFFFFFF40] =	vst v11  }
0x115: {  	v11 =	vld [tilespmem:s31+$0x60];
	[tilespmem:s13+$0xFFFFFF30] =	vst v13  }
0x116: {  	v13 =	vld [tilespmem:s31+$0x70];
	[tilespmem:s13+$0xFFFFFF20] =	vst v12  }
0x117: {  	v12 =	vld [tilespmem:s31+$0x90];
	[tilespmem:s13+$0xFFFFFF10] =	vst v14  }
0x118: {  	v14 =	vld [tilespmem:s31+$0xA0];
	[tilespmem:s13+$0x80] =	vst v1  }
0x119: {  	v5 =	vbroadcast v5, $0x0;
	v17 =	vld [tilespmem:s31+$0xB0];
	[tilespmem:s13+$0x40] =	vst v2  }
0x11a: {  	v18 =	vld [tilespmem:s31+$0xC0];
	[tilespmem:s13+$0x30] =	vst v3  }
0x11b: {  	v3 =	vld [tilespmem:s31+$0x30];
	[tilespmem:s13+$0xFFFFFF00] =	vst v6;
	s13 =	smov.u32 s31  }
0x11c: {  	v1 =	vld.idx.msk [tilespmem:v21+s20+$0x0], $0xffff  }
0x11d: {  	v6 =	vld [tilespmem:s31+$0xE0]  }
0x11e: {  	v8 =	vld.idx.msk [tilespmem:v8+s20+$0x0], $0xffff  }
0x11f: {  	v2 =	vld.idx.msk [tilespmem:v4+s20+$0x0], $0xffff  }
0x120: {  	v21 =	vld.idx.msk [tilespmem:v5+s20+$0x0], $0xffff  }
0x121: {  	v4 =	vld [tilespmem:s31+$0xFFFFFFD0]  }
0x122: {  	v19 =	vmul.f32 v19, v1;
	v20 =	vmul.f32 v20, v1;
	v5 =	vld [tilespmem:s31+$0xFFFFFFC0]  }
0x123: {  	v12 =	vmul.f32 v12, v1;
	v6 =	vmul.f32 v6, v1;
	v23 =	vld [tilespmem:s31+$0xFFFFFFB0]  }
0x124: {  	v14 =	vmul.f32 v14, v1;
	v15 =	vmul.f32 v15, v8;
	v24 =	vld [tilespmem:s31+$0xFFFFFFA0];
	[tilespmem:s31+$0xD0] =	vst v19  }
0x125: {  	v22 =	vmul.f32 v22, v8;
	v16 =	vmul.f32 v16, v2;
	v19 =	vld [tilespmem:s31+$0xFFFFFF90];
	[tilespmem:s31+$0xE0] =	vst v6  }
0x126: {  	v7 =	vmul.f32 v7, v2;
	v6 =	vld [tilespmem:s31+$0xFFFFFF80];
	v25 =	vmul.f32 v4, v8;
	[tilespmem:s31+$0x90] =	vst v12  }
0x127: {  	v27 =	vmul.f32 v9, v2;
	v12 =	vld [tilespmem:s31+$0xFFFFFF70];
	v26 =	vmul.f32 v5, v8;
	[tilespmem:s31+$0xFFFFFFF0] =	vst v15  }
0x128: {  	v3 =	vmul.f32 v3, v2;
	v9 =	vld [tilespmem:s31+$0xFFFFFF60];
	v23 =	vmul.f32 v23, v8;
	[tilespmem:s31+$0xA0] =	vst v14  }
0x129: {  	v14 =	vld [tilespmem:s31+$0xFFFFFF50];
	v5 =	vmul.f32 v24, v8;
	v24 =	vmul.f32 v10, v2;
	[tilespmem:s31+$0x0] =	vst v16  }
0x12a: {  	v15 =	vmul.f32 v11, v2;
	v16 =	vld [tilespmem:s31+$0xFFFFFF40];
	v4 =	vmul.f32 v19, v8;
	[tilespmem:s31+$0xF0] =	vst v20  }
0x12b: {  	v19 =	vld [tilespmem:s31+$0xFFFFFF30];
	v8 =	vmul.f32 v6, v8;
	v6 =	vmul.f32 v13, v2;
	[tilespmem:s31+$0x10] =	vst v7  }
0x12c: {  	v17 =	vmul.f32 v17, v1;
	v20 =	vld [tilespmem:s31+$0xFFFFFF20];
	v7 =	vmul.f32 v12, v21;
	[tilespmem:s31+$0xFFFFFFE0] =	vst v22  }
0x12d: {  	v18 =	vmul.f32 v18, v1;
	v22 =	vld [tilespmem:s31+$0xFFFFFF10];
	v9 =	vmul.f32 v9, v21;
	[tilespmem:s31+$0xFFFFFFD0] =	vst v25  }
0x12e: {  	v25 =	vld [tilespmem:s31+$0xFFFFFF00];
	v10 =	vmul.f32 v14, v21;
	[tilespmem:s31+$0x20] =	vst v27  }
0x12f: {  	v11 =	vmul.f32 v16, v21;
	[tilespmem:s31+$0xFFFFFFC0] =	vst v26  }
.Ltmp4:
0x130: {  	v13 =	vmul.f32 v19, v21;
	[tilespmem:s31+$0x50] =	vst v24;
	(pc) =	sbr.rel @p2 .LBB2_9-.Ltmp4, $4  }
0x131: {  	v12 =	vmul.f32 v20, v21;
	[tilespmem:s31+$0xB0] =	vst v17  }
0x132: {  	v14 =	vmul.f32 v22, v21;
	v16 =	vld [tilespmem:s31+$0x80];
	[tilespmem:s31+$0x70] =	vst v6  }
0x133: {  	v6 =	vmul.f32 v25, v21;
	[tilespmem:s31+$0xFFFFFFB0] =	vst v23  }
0x134: {  	s31 =	sadd.s32 $0x200, s31;
	v17 =	vld [tilespmem:s13+$0x40];
	[tilespmem:s13+$0xC0] =	vst v18  }
0x135: {  	[tilespmem:s13+$0x60] =	vst v15  }
0x136: {  	[tilespmem:s13+$0xFFFFFFA0] =	vst v5  }
0x137: {  	[tilespmem:s13+$0xFFFFFF80] =	vst v8  }
0x138: {  	[tilespmem:s13+$0xFFFFFF90] =	vst v4  }
0x139: {  	[tilespmem:s13+$0xFFFFFF70] =	vst v7  }
0x13a: {  	[tilespmem:s13+$0xFFFFFF60] =	vst v9  }
0x13b: {  	[tilespmem:s13+$0xFFFFFF50] =	vst v10  }
0x13c: {  	[tilespmem:s13+$0xFFFFFF40] =	vst v11  }
0x13d: {  	[tilespmem:s13+$0xFFFFFF30] =	vst v13  }
0x13e: {  	[tilespmem:s13+$0xFFFFFF20] =	vst v12  }
0x13f: {  	[tilespmem:s13+$0xFFFFFF10] =	vst v14  }
0x140: {  	[tilespmem:s13+$0x30] =	vst v3;
	v1 =	vmul.f32 v16, v1  }
0x141: {  	[tilespmem:s13+$0xFFFFFF00] =	vst v6;
	v2 =	vmul.f32 v17, v2  }
0x142: {  	p2 =	seq.s32 s6, $0x27;
	[tilespmem:s13+$0x80] =	vst v1  }
.Ltmp5:
0x143: {  	[tilespmem:s13+$0x40] =	vst v2;
	(pc) =	sbr.rel @p2 .LBB2_12-.Ltmp5, $4  }
0x144: {  	[spmem:s3] =	stream.indirect.scatter.add.f32 [tilespmem:s15], [sflag:$0x4], $0x80, s29, s17, $0xb8;
	[tilespmem:$0x1E380] =	vst v63  }
0x145: {  	_ =	swait.ge [sflag:s30], $0x4000  }
0x146: {  	[sflag:s30] =	ssyncset.done $0x0  }
0x147: {  	[sflag:s30] =	ssyncadd.s32 $0xFFFFC000  }
0x148: {  	s7 =	sadd.s32 $0x2, s11  }
0x149: {  	s9 =	sshll.u32 s7, $0x7  }
0x14a: {  	s9 =	sand.u32 $0x3FFFFF80, s9  }
0x14b: {  	v1 =	vld [tilespmem:s9+$0x0];
	_ =	sdelay $0x4  }
0x14c: {  	v2 =	vand.u32 $0xFFFF, v1  }
0x14d: {  	v1 =	vshrl.u32 v1, $0x10;
	[tilespmem:$0x2800] =	vst v2  }
0x14e: {  	[tilespmem:$0x2900] =	vst v1  }
0x14f: {  	v1 =	vld [tilespmem:s9+$0x10];
	_ =	sdelay $0x4  }
0x150: {  	v2 =	vand.u32 $0xFFFF, v1  }
0x151: {  	v1 =	vshrl.u32 v1, $0x10;
	[tilespmem:$0x2810] =	vst v2  }
0x152: {  	[tilespmem:$0x2910] =	vst v1  }
0x153: {  	v1 =	vld [tilespmem:s9+$0x20];
	_ =	sdelay $0x4  }
0x154: {  	v2 =	vand.u32 $0xFFFF, v1  }
0x155: {  	v1 =	vshrl.u32 v1, $0x10;
	[tilespmem:$0x2820] =	vst v2  }
0x156: {  	[tilespmem:$0x2920] =	vst v1  }
0x157: {  	v1 =	vld [tilespmem:s9+$0x30];
	_ =	sdelay $0x4  }
0x158: {  	v2 =	vand.u32 $0xFFFF, v1  }
0x159: {  	v1 =	vshrl.u32 v1, $0x10;
	[tilespmem:$0x2830] =	vst v2  }
0x15a: {  	[tilespmem:$0x2930] =	vst v1  }
0x15b: {  	v1 =	vld [tilespmem:s9+$0x40];
	_ =	sdelay $0x4  }
0x15c: {  	v2 =	vand.u32 $0xFFFF, v1  }
0x15d: {  	v1 =	vshrl.u32 v1, $0x10;
	[tilespmem:$0x2840] =	vst v2  }
0x15e: {  	[tilespmem:$0x2940] =	vst v1  }
0x15f: {  	v1 =	vld [tilespmem:s9+$0x50];
	_ =	sdelay $0x4  }
0x160: {  	v2 =	vand.u32 $0xFFFF, v1  }
0x161: {  	v1 =	vshrl.u32 v1, $0x10;
	[tilespmem:$0x2850] =	vst v2  }
0x162: {  	[tilespmem:$0x2950] =	vst v1  }
0x163: {  	v1 =	vld [tilespmem:s9+$0x60];
	_ =	sdelay $0x4  }
0x164: {  	v2 =	vand.u32 $0xFFFF, v1  }
0x165: {  	v1 =	vshrl.u32 v1, $0x10;
	[tilespmem:$0x2860] =	vst v2  }
0x166: {  	[tilespmem:$0x2960] =	vst v1  }
0x167: {  	v1 =	vld [tilespmem:s9+$0x70];
	_ =	sdelay $0x3  }
0x168: {  	s31 =	sadd.s32 s10, s7;
	s7 =	sshll.u32 s7, $0x4  }
0x169: {  	s7 =	sand.u32 $0x60, s7;
	s9 =	sshll.u32 s31, $0x4;
	v2 =	vand.u32 $0xFFFF, v1  }
.Ltmp6:
0x16a: {  	s7 =	sadd.s32 s5, s7;
	s9 =	sand.u32 $0xFFFFF80, s9;
	v1 =	vshrl.u32 v1, $0x10;
	[tilespmem:$0x2870] =	vst v2;
	(pc) =	sbr.rel .LBB2_6-.Ltmp6, $4  }
0x16b: {  	s7 =	sadd.s32 s9, s7;
	[tilespmem:$0x2970] =	vst v1  }
0x16c: {  	[tilespmem:s16], [sflag:$0x5] =	stream.linear.gather [hbm4b:s7+s4], $0x80, $0x38;
	[tilespmem:$0x1E380] =	vst v63  }
0x16d: {  	s6 =	sadd.s32 $0x1, s6  }
0x16e: {  	[tilespmem:s19], [sflag:$0x1] =	stream.indirect.gather [hbm4b:s2+s17], $0x80, s18, s17, $0xb8;
	[tilespmem:$0x1E380] =	vst v63  }
.LBB2_12:
0x16f: {  	s0 =	simm.s32 $0x4  }
0x170: {  	_ =	swait.ge [sflag:s0], $0x4000  }
0x171: {  	[sflag:s0] =	ssyncset.done $0x0  }
0x172: {  	s31 =	stileid.u32;
	[sflag:s0] =	ssyncadd.s32 $0xFFFFC000  }
.Ltmp7:
0x173: {  	s0 =	sshll.u32 s31, $0x6;
	[bflag:$0x0] =	sbarrier.arrive $0xFFFF;
	(pc) =	sbr.rel @!p1 .LBB2_14-.Ltmp7, $4  }
0x174: {  	s6 =	sshrl.u32 s8, $0x3;
	s0 =	sor.u32 $0x1C07, s0;
	s7 =	rddreg [dreg:$0xa]  }
0x175: {  	[hbm:s7], [sflag:s0] =	dma.local [spmem:s6], $0x800  }
0x176: {  	s12 =	smov.u32 s8;
	s9 =	rddreg [dreg:$0x5]  }
0x177: {  	s11 =	sadd.s32 $0x8000, s7;
	_ =	swait.ge [sflag:s14], $0x800;
	s6 =	sadd.s32 $0xFFFFFFFF, s9  }
.LBB2_13:
0x178: {  	[sflag:s14] =	ssyncset.done $0x0;
	s12 =	sadd.s32 $0x40000, s12;
	p1 =	sne.s32 s6, $0x1  }
.Ltmp8:
0x179: {  	s7 =	sshrl.u32 s12, $0x3;
	[sflag:s14] =	ssyncadd.s32 $0xFFFFF800;
	(pc) =	sbr.rel @p1 .LBB2_13-.Ltmp8, $3  }
0x17a: {  	[hbm:s11], [sflag:s0] =	dma.local [spmem:s7], $0x800  }
0x17b: {  	s6 =	sadd.s32 $0xFFFFFFFF, s6;
	_ =	sdelay $0x1  }
0x17c: {  	s11 =	sadd.s32 $0x8000, s11;
	_ =	swait.ge [sflag:s14], $0x800  }
.LBB2_14:
0x17d: {  	s0 =	rddreg [dreg:$0x8]  }
0x17e: {  	[sflag:s14] =	ssyncset.done $0x0;
	s13 =	rddreg [dreg:$0x6];
	s7 =	simm.s32 @!p0 $0x1F87  }
0x17f: {  	[sflag:s14] =	ssyncadd.s32 $0xFFFFF800;
	s0 =	sadd.s32 @!p0 $0x27000, s0;
	s6 =	sshrl.u32 @!p0 s13, $0x3  }
0x180: {  	[hbm:s0], [sflag:s7] =	dma.local @!p0 [spmem:s6], $0x100  }
0x181: {  	s0 =	simm.s32 @!p0 $0x7  }
0x182: {  	_ =	swait.ge @!p0 [sflag:s0], $0x100  }
0x183: {  	s1 =	sadd.s32 $0x1, s1;
	s31 =	rddreg [dreg:$0x9]  }
0x184: {  	p1 =	sne.s32 s1, s31  }
.Ltmp9:
0x185: {  	_ = 	snop;
	(pc) =	sbr.rel @p1 .LBB2_1-.Ltmp9, $3  }
0x186: {  	_ =	sdelay $0x1  }
0x187: {  	[sflag:s0] =	ssyncset.done @!p0 $0x0  }
0x188: {  	[sflag:s0] =	ssyncadd.s32 @!p0 $0xFFFFFF00  }
0x189: {  	_ =	sfence.sel $0x180000  }
0x18a: {  	[bflag:$0x0] =	sbarrier.arrive $0xFFFF  }
0x18b: {  	_ =	strace $0x90000047  }
0x18c: {  	s0 =	stileid.u32;
	[bflag:$0x2] =	sbarrier.arrive $0xFFFF  }
0x18d: {  	p0 =	sne.s32 s0, $0x0;
	s0 =	rddreg [dreg:$0x3]  }
0x18e: {  	s0 =	sadd.s32 @!p0 $0x100000, s0  }
0x18f: {  	[sflag:s0] =	ssyncadd.tile.s32 @!p0 $0x1;
	_ =	shalt  }
.Lfunc_end2:
_tile_overlayer_lowered:
.L_overlay_start_2:
0x190: {  	(tag) =	ssettag $0x2  }
0x191: {  	s0 =	rddreg [dreg:$0x0];
	s2 =	stileid.u32  }
0x192: {  	s1 =	rddreg [dreg:$0x1];
	p0 =	sne.s32 s2, $0x0  }
0x193: {  	s3 =	rddreg [dreg:$0x2];
	[bflag:$0x3] =	sbarrier.arrive $0xFFFF;
	s2 =	simm.s32 @!p0 $0x1C07  }
0x194: {  	[timem:s3], [sflag:s2] =	dma.local @!p0 [hbm:s0], s1  }
0x195: {  	s0 =	simm.s32 @!p0 $0x7  }
0x196: {  	_ =	swait.ge @!p0 [sflag:s0], s1  }
0x197: {  	s1 =	ssub.s32 @!p0 $0x0, s1;
	[sflag:s0] =	ssyncset.done @!p0 $0x0  }
0x198: {  	[sflag:s0] =	ssyncadd.s32 @!p0 s1  }
0x199: {  	[bflag:$0x3] =	sbarrier.arrive $0xFFFF  }
0x19a: {  	_ =	shalt  }

</sc_bundles>
